<compile_context>
chip_gen: v7x
topology: tpu7x:2x2x1
jax: 0.10.2.dev20260603
libtpu: 0.0.44.dev20260713+nightly
codegen_flags: <defaults>
</compile_context>

<pallas_src>
import functools

import jax
import jax.numpy as jnp
from jax import lax
from jax.experimental import pallas as pl
from jax.experimental.pallas import tpu as pltpu
from jax.experimental.pallas import tpu_sc as plsc

N = 10000
E = 320000
HEADS = 8
CH = 16
HC = HEADS * CH
BATCHES = 16

NW = 32
BK = 128
NB = 82
EPAD = NW * NB * BK
NP = 10112
RPT = NP // 16



def _prolog_body(x_ref, w_ref, a_ref, xw_ref, asd_ref):
    xw = jnp.dot(x_ref[...], w_ref[...], preferred_element_type=jnp.float32)
    xw_ref[...] = xw
    asd_ref[...] = jnp.dot(xw, a_ref[...], preferred_element_type=jnp.float32)


def _prolog2_body(o0_ref, o1_ref, b_ref, w_ref, a_ref, xw_ref, asd_ref):
    t = o0_ref[...] + o1_ref[...] + b_ref[...]
    h = jnp.where(t > 0, t, jnp.exp(t) - 1.0)
    xw = jnp.dot(h, w_ref[...], preferred_element_type=jnp.float32)
    xw_ref[...] = xw
    asd_ref[...] = jnp.dot(xw, a_ref[...], preferred_element_type=jnp.float32)


def _rcomb_body(d_ref, o_ref):
    d = d_ref[...]
    o_ref[...] = 1.0 / (d[0] + d[1] + 1e-16)


def _tail_body(o0_ref, o1_ref, b_ref, bt_ref, w1_ref, b1_ref, w2_ref, b2_ref,
               out_ref):
    t = o0_ref[...] + o1_ref[...] + b_ref[...]
    h = jnp.where(t > 0, t, jnp.exp(t) - 1.0)
    bt = bt_ref[...]
    neg = jnp.float32(-jnp.inf)
    means = []
    maxes = []
    for g in range(BATCHES):
        m = bt == g
        s = jnp.sum(jnp.where(m, h, 0.0), axis=0)
        cnt = jnp.sum(jnp.where(m, 1.0, 0.0), axis=0)
        mx = jnp.max(jnp.where(m, h, neg), axis=0)
        means.append(s / (cnt + 1e-16))
        maxes.append(mx)
    gmean = jnp.stack(means)
    gmax = jnp.stack(maxes)
    gcat = jnp.concatenate([gmean, gmax], axis=1)
    g1 = jnp.dot(gcat, w1_ref[...], preferred_element_type=jnp.float32)
    g1 = jnp.maximum(g1 + b1_ref[...], 0.0)
    lg = jnp.dot(g1, w2_ref[...], preferred_element_type=jnp.float32)
    lg = lg + b2_ref[...]
    col = lax.broadcasted_iota(jnp.int32, lg.shape, 1)
    lgm = jnp.where(col < 2, lg, neg)
    mx = jnp.max(lgm, axis=1, keepdims=True)
    lse = jnp.log(jnp.sum(jnp.exp(lgm - mx), axis=1, keepdims=True))
    out_ref[...] = lgm - mx - lse



_MESH = plsc.VectorSubcoreMesh(core_axis_name="c", subcore_axis_name="s")

_GDN = lax.GatherDimensionNumbers(
    offset_dims=(), collapsed_slice_dims=(0,), start_index_map=(0,))


def _bcast_lane(v, h):
    idx = jnp.full((16, 1), h, jnp.int32)
    return lax.gather(v, idx, _GDN, (1,),
                      mode=lax.GatherScatterMode.PROMISE_IN_BOUNDS)


def _sc_pass1(src3, dst3, ats, atd, z16, ex_out, dpart,
              sidx, didx, as_v0, ad_v0, as_v1, ad_v1, ex_v, den_sh,
              sem10, sem20, sem11, sem21):
    c = lax.axis_index("c")
    s = lax.axis_index("s")
    wid = c * 16 + s
    r0 = s * RPT
    pltpu.sync_copy(z16.at[pl.ds(r0, RPT)], den_sh.at[pl.ds(r0, RPT)])
    plsc.subcore_barrier()
    pltpu.sync_copy(src3.at[wid], sidx)
    pltpu.sync_copy(dst3.at[wid], didx)

    def issue(b, as_v, ad_v, s1, s2):
        pltpu.async_copy(ats.at[sidx.at[b]], as_v, s1)
        pltpu.async_copy(atd.at[didx.at[b]], ad_v, s2)

    def run(b, as_v, ad_v, s1, s2):
        pltpu.make_async_copy(ats.at[sidx.at[b]], as_v, s1).wait()
        pltpu.make_async_copy(atd.at[didx.at[b]], ad_v, s2).wait()

        @plsc.parallel_loop(0, BK, unroll=4)
        def _(i):
            e = as_v[i] + ad_v[i]
            e = jnp.maximum(e, 0.2 * e)
            ex_v[i] = jnp.exp(e)

        pltpu.sync_copy(ex_v, ex_out.at[wid, b])
        pltpu.sync_copy(ex_v, den_sh.at[didx.at[b]], add=True)

    issue(0, as_v0, ad_v0, sem10, sem20)

    def blk2(j, carry):
        b0 = 2 * j
        issue(b0 + 1, as_v1, ad_v1, sem11, sem21)
        run(b0, as_v0, ad_v0, sem10, sem20)

        @pl.when(b0 + 2 < NB)
        def _():
            issue(b0 + 2, as_v0, ad_v0, sem10, sem20)

        run(b0 + 1, as_v1, ad_v1, sem11, sem21)
        return carry

    lax.fori_loop(0, NB // 2, blk2, 0)
    plsc.subcore_barrier()
    pltpu.sync_copy(den_sh.at[pl.ds(r0, RPT)], dpart.at[c, pl.ds(r0, RPT)])


def _sc_pass2(pidx3, xw_tab, ex_in, rden, z128, opart,
              pidx_v, sb0, db0, sb1, db1, ex_v, rd_v0, xw_v0, rd_v1, xw_v1,
              acc_sh, sx0, sr0, sx1, sr1, sc0, sc1):
    c = lax.axis_index("c")
    s = lax.axis_index("s")
    wid = c * 16 + s
    r0 = s * RPT
    pltpu.sync_copy(z128.at[pl.ds(r0, RPT)], acc_sh.at[pl.ds(r0, RPT)])
    plsc.subcore_barrier()
    pltpu.sync_copy(pidx3.at[wid], pidx_v)

    def issue(b, sb, db, rd_v, xw_v, sx, sr):
        for k in range(HEADS):
            v = pidx_v[b, pl.ds(k * 16, 16)]
            sb[0, pl.ds(k * 16, 16)] = lax.bitwise_and(v, 16383)
            db[0, pl.ds(k * 16, 16)] = lax.shift_right_logical(v, 14)
        pltpu.async_copy(xw_tab.at[sb.at[0]], xw_v, sx)
        pltpu.async_copy(rden.at[db.at[0]], rd_v, sr)

    def run(b, sb, db, rd_v, xw_v, sx, sr):
        pltpu.sync_copy(ex_in.at[wid, b], ex_v)
        pltpu.make_async_copy(rden.at[db.at[0]], rd_v, sr).wait()
        pltpu.make_async_copy(xw_tab.at[sb.at[0]], xw_v, sx).wait()

        @plsc.parallel_loop(0, BK, unroll=4)
        def _(i):
            aw = ex_v[i] * rd_v[i]
            for hh in range(HEADS):
                bc = _bcast_lane(aw, hh)
                seg = xw_v[i, pl.ds(hh * 16, 16)]
                xw_v[i, pl.ds(hh * 16, 16)] = seg * bc

        pltpu.sync_copy(xw_v, acc_sh.at[db.at[0]], add=True)

    issue(0, sb0, db0, rd_v0, xw_v0, sx0, sr0)

    def blk2(j, carry):
        b0 = 2 * j
        issue(b0 + 1, sb1, db1, rd_v1, xw_v1, sx1, sr1)
        run(b0, sb0, db0, rd_v0, xw_v0, sx0, sr0)

        @pl.when(b0 + 2 < NB)
        def _():
            issue(b0 + 2, sb0, db0, rd_v0, xw_v0, sx0, sr0)

        run(b0 + 1, sb1, db1, rd_v1, xw_v1, sx1, sr1)
        return carry

    lax.fori_loop(0, NB // 2, blk2, 0)
    plsc.subcore_barrier()
    pltpu.sync_copy(acc_sh.at[pl.ds(r0, RPT)], opart.at[c, pl.ds(r0, RPT)])


_SC_PARAMS = pltpu.CompilerParams(use_tc_tiling_on_sc=False)

_pass1_call = pl.kernel(
    _sc_pass1,
    out_type=(
        jax.ShapeDtypeStruct((NW, NB, BK, 16), jnp.float32),
        jax.ShapeDtypeStruct((2, NP, 16), jnp.float32),
    ),
    mesh=_MESH,
    compiler_params=_SC_PARAMS,
    scratch_types=[
        pltpu.VMEM((NB, BK), jnp.int32),
        pltpu.VMEM((NB, BK), jnp.int32),
        pltpu.VMEM((BK, 16), jnp.float32),
        pltpu.VMEM((BK, 16), jnp.float32),
        pltpu.VMEM((BK, 16), jnp.float32),
        pltpu.VMEM((BK, 16), jnp.float32),
        pltpu.VMEM((BK, 16), jnp.float32),
        pltpu.VMEM_SHARED((NP, 16), jnp.float32),
        pltpu.SemaphoreType.DMA,
        pltpu.SemaphoreType.DMA,
        pltpu.SemaphoreType.DMA,
        pltpu.SemaphoreType.DMA,
    ],
)

_pass2_call = pl.kernel(
    _sc_pass2,
    out_type=jax.ShapeDtypeStruct((2, NP, HC), jnp.float32),
    mesh=_MESH,
    compiler_params=_SC_PARAMS,
    scratch_types=[
        pltpu.VMEM((NB, BK), jnp.int32),
        pltpu.VMEM((1, BK), jnp.int32),
        pltpu.VMEM((1, BK), jnp.int32),
        pltpu.VMEM((1, BK), jnp.int32),
        pltpu.VMEM((1, BK), jnp.int32),
        pltpu.VMEM((BK, 16), jnp.float32),
        pltpu.VMEM((BK, 16), jnp.float32),
        pltpu.VMEM((BK, HC), jnp.float32),
        pltpu.VMEM((BK, 16), jnp.float32),
        pltpu.VMEM((BK, HC), jnp.float32),
        pltpu.VMEM_SHARED((NP, HC), jnp.float32),
        pltpu.SemaphoreType.DMA,
        pltpu.SemaphoreType.DMA,
        pltpu.SemaphoreType.DMA,
        pltpu.SemaphoreType.DMA,
        pltpu.SemaphoreType.DMA,
        pltpu.SemaphoreType.DMA,
    ],
)

_BLK = 512
_GRID = (NP + _BLK - 1) // _BLK

_prolog_call = pl.pallas_call(
    _prolog_body,
    grid=(_GRID,),
    in_specs=[
        pl.BlockSpec((_BLK, HC), lambda i: (i, 0)),
        pl.BlockSpec((HC, HC), lambda i: (0, 0)),
        pl.BlockSpec((HC, 2 * HEADS), lambda i: (0, 0)),
    ],
    out_specs=[
        pl.BlockSpec((_BLK, HC), lambda i: (i, 0)),
        pl.BlockSpec((_BLK, 2 * HEADS), lambda i: (i, 0)),
    ],
    out_shape=[
        jax.ShapeDtypeStruct((NP, HC), jnp.float32),
        jax.ShapeDtypeStruct((NP, 2 * HEADS), jnp.float32),
    ],
)

_prolog2_call = pl.pallas_call(
    _prolog2_body,
    grid=(_GRID,),
    in_specs=[
        pl.BlockSpec((_BLK, HC), lambda i: (i, 0)),
        pl.BlockSpec((_BLK, HC), lambda i: (i, 0)),
        pl.BlockSpec((1, HC), lambda i: (0, 0)),
        pl.BlockSpec((HC, HC), lambda i: (0, 0)),
        pl.BlockSpec((HC, 2 * HEADS), lambda i: (0, 0)),
    ],
    out_specs=[
        pl.BlockSpec((_BLK, HC), lambda i: (i, 0)),
        pl.BlockSpec((_BLK, 2 * HEADS), lambda i: (i, 0)),
    ],
    out_shape=[
        jax.ShapeDtypeStruct((NP, HC), jnp.float32),
        jax.ShapeDtypeStruct((NP, 2 * HEADS), jnp.float32),
    ],
)

_rcomb_call = pl.pallas_call(
    _rcomb_body,
    grid=(_GRID,),
    in_specs=[pl.BlockSpec((2, _BLK, 16), lambda i: (0, i, 0))],
    out_specs=pl.BlockSpec((_BLK, 16), lambda i: (i, 0)),
    out_shape=jax.ShapeDtypeStruct((NP, 16), jnp.float32),
)

_tail_call = pl.pallas_call(
    _tail_body,
    out_shape=jax.ShapeDtypeStruct((BATCHES, HC), jnp.float32),
)


def _gat_layer_sc(xw, asd, src3, dst3, pidx3, z16, z128):
    zc = jnp.zeros((NP, HEADS), jnp.float32)
    ats = jnp.concatenate([asd[:, :HEADS], zc], axis=1)
    atd = jnp.concatenate([asd[:, HEADS:], zc], axis=1)
    ex_buf, dpart = _pass1_call(src3, dst3, ats, atd, z16)
    rden = _rcomb_call(dpart)
    opart = _pass2_call(pidx3, xw, ex_buf, rden, z128)
    return opart


def _att_mat(a_src, a_dst):
    rows = jnp.arange(HC)
    acat = jnp.zeros((HC, 2 * HEADS), jnp.float32)
    acat = acat.at[rows, rows // CH].set(a_src.reshape(HC))
    acat = acat.at[rows, HEADS + rows // CH].set(a_dst.reshape(HC))
    return acat


def kernel(x, edge_index, batch, W1, att_src1, att_dst1, b1, W2, att_src2,
           att_dst2, b2, fc1_w, fc1_b, fc2_w, fc2_b):
    loops = jnp.arange(N, dtype=jnp.int32)
    src = jnp.concatenate([edge_index[0], loops])
    dst = jnp.concatenate([edge_index[1], loops])
    padn = jnp.full((EPAD - (E + N),), N, jnp.int32)
    src3 = jnp.concatenate([src, padn]).reshape(NW, NB, BK)
    dst3 = jnp.concatenate([dst, padn]).reshape(NW, NB, BK)
    pidx3 = src3 + dst3 * 16384
    xpad = jnp.zeros((NP, HC), jnp.float32).at[:N].set(x)
    z16 = jnp.zeros((NP, 16), jnp.float32)
    z128 = jnp.zeros((NP, HC), jnp.float32)
    acat1 = _att_mat(att_src1, att_dst1)
    acat2 = _att_mat(att_src2, att_dst2)
    btpad = jnp.full((NP, 1), BATCHES, jnp.int32).at[:N, 0].set(batch)
    fc1_wp = jnp.zeros((2 * HC, HC), jnp.float32).at[:, :100].set(fc1_w)
    fc1_bp = jnp.zeros((1, HC), jnp.float32).at[0, :100].set(fc1_b)
    fc2_wp = jnp.zeros((HC, HC), jnp.float32).at[:100, :2].set(fc2_w)
    fc2_bp = jnp.zeros((1, HC), jnp.float32).at[0, :2].set(fc2_b)

    xw1, asd1 = _prolog_call(xpad, W1, acat1)
    op1 = _gat_layer_sc(xw1, asd1, src3, dst3, pidx3, z16, z128)

    xw2, asd2 = _prolog2_call(op1[0], op1[1], b1.reshape(1, HC), W2, acat2)
    op2 = _gat_layer_sc(xw2, asd2, src3, dst3, pidx3, z16, z128)

    out = _tail_call(op2[0], op2[1], b2.reshape(1, HC), btpad,
                     fc1_wp, fc1_bp, fc2_wp, fc2_bp)
    return out[:, :2]

# --- scband reference (transcript-rebuilt; emitter-appended) ---
"""Pipeline reference for scband-gat-net-64991445123416 (READ-ONLY COPY).

The authoritative reference and input builder live on the scoring server;
editing this copy changes nothing except your own understanding.
"""

import jax, jax.numpy as jnp
import numpy as np

N = 10000
E = 320000
F_IN = 128
H = 8
C = 16
B = 16


def setup_inputs(seed: int = 0) -> dict:
    key = jax.random.key(seed)
    ks = jax.random.split(key, 16)
    x = jax.random.normal(ks[0], (N, F_IN), dtype=jnp.float32)
    edge_index = jax.random.randint(ks[1], (2, E), 0, N, dtype=jnp.int32)
    batch = jnp.sort(jax.random.randint(ks[2], (N,), 0, B, dtype=jnp.int32))
    W1 = jax.random.normal(ks[3], (F_IN, H * C), dtype=jnp.float32) * 0.05
    att_src1 = jax.random.normal(ks[4], (H, C), dtype=jnp.float32) * 0.05
    att_dst1 = jax.random.normal(ks[5], (H, C), dtype=jnp.float32) * 0.05
    b1 = jnp.zeros((H * C,), dtype=jnp.float32)
    W2 = jax.random.normal(ks[6], (H * C, H * C), dtype=jnp.float32) * 0.05
    att_src2 = jax.random.normal(ks[7], (H, C), dtype=jnp.float32) * 0.05
    att_dst2 = jax.random.normal(ks[8], (H, C), dtype=jnp.float32) * 0.05
    b2 = jnp.zeros((H * C,), dtype=jnp.float32)
    fc1_w = jax.random.normal(ks[9], (2 * H * C, 100), dtype=jnp.float32) * 0.05
    fc1_b = jnp.zeros((100,), dtype=jnp.float32)
    fc2_w = jax.random.normal(ks[10], (100, 2), dtype=jnp.float32) * 0.05
    fc2_b = jnp.zeros((2,), dtype=jnp.float32)
    return {"x": x, "edge_index": edge_index, "batch": batch,
            "W1": W1, "att_src1": att_src1, "att_dst1": att_dst1, "b1": b1,
            "W2": W2, "att_src2": att_src2, "att_dst2": att_dst2, "b2": b2,
            "fc1_w": fc1_w, "fc1_b": fc1_b, "fc2_w": fc2_w, "fc2_b": fc2_b}


def gat_layer(x, edge_index, W, a_src, a_dst, b):
    # PyG GATConv semantics: add self loops, per-head linear, edge softmax over dst
    src = edge_index[0]
    dst = edge_index[1]
    loops = jnp.arange(N, dtype=src.dtype)
    src = jnp.concatenate([src, loops])
    dst = jnp.concatenate([dst, loops])
    xw = (x @ W).reshape(N, H, C)
    alpha_s = jnp.sum(xw * a_src[None, :, :], axis=-1)  # [N, H]
    alpha_d = jnp.sum(xw * a_dst[None, :, :], axis=-1)  # [N, H]
    e = alpha_s[src] + alpha_d[dst]                     # [E+N, H]
    e = jax.nn.leaky_relu(e, negative_slope=0.2)
    emax = jax.ops.segment_max(e, dst, num_segments=N)
    emax = jnp.where(jnp.isfinite(emax), emax, 0.0)
    ex = jnp.exp(e - emax[dst])
    denom = jax.ops.segment_sum(ex, dst, num_segments=N)
    alpha = ex / (denom[dst] + 1e-16)                   # [E+N, H]
    msg = xw[src] * alpha[..., None]                    # [E+N, H, C]
    out = jax.ops.segment_sum(msg, dst, num_segments=N)
    return out.reshape(N, H * C) + b


def reference(x, edge_index, batch,
              W1, att_src1, att_dst1, b1,
              W2, att_src2, att_dst2, b2,
              fc1_w, fc1_b, fc2_w, fc2_b):
    # eval mode: dropout is identity; bn1/bn2 unused in original forward
    h = jax.nn.elu(gat_layer(x, edge_index, W1, att_src1, att_dst1, b1))
    h = jax.nn.elu(gat_layer(h, edge_index, W2, att_src2, att_dst2, b2))
    counts = jax.ops.segment_sum(jnp.ones((N, 1), dtype=h.dtype), batch, num_segments=B)
    gmean = jax.ops.segment_sum(h, batch, num_segments=B) / (counts + 1e-16)
    gmax = jax.ops.segment_max(h, batch, num_segments=B)
    g = jnp.concatenate([gmean, gmax], axis=1)
    g = jax.nn.relu(g @ fc1_w + fc1_b)
    logits = g @ fc2_w + fc2_b
    return jax.nn.log_softmax(logits, axis=1)

if __name__ == "__main__":
    import jax
    _d = setup_inputs()
    print(jax.jit(kernel)(*tuple(_d.values())))

</pallas_src>

<mosaic_0001>
#map = affine_map<(d0, d1) -> (0, 0, 0)>
#map1 = affine_map<(d0, d1) -> (0, 0)>
#map2 = affine_map<(d0, d1) -> (0, 0, 0, 0)>
module attributes {stable_mosaic.version = 14 : i64} {
  func.func @_sc_pass1(%arg0: i32, %arg1: i32, %arg2: memref<32x82x128xi32, #tpu.memory_space<hbm>>, %arg3: memref<32x82x128xi32, #tpu.memory_space<hbm>>, %arg4: memref<10112x16xf32, #tpu.memory_space<hbm>>, %arg5: memref<10112x16xf32, #tpu.memory_space<hbm>>, %arg6: memref<10112x16xf32, #tpu.memory_space<hbm>>, %arg7: memref<32x82x128x16xf32, #tpu.memory_space<hbm>>, %arg8: memref<2x10112x16xf32, #tpu.memory_space<hbm>>, %arg9: memref<82x128xi32, #tpu.memory_space<vmem>>, %arg10: memref<82x128xi32, #tpu.memory_space<vmem>>, %arg11: memref<128x16xf32, #tpu.memory_space<vmem>>, %arg12: memref<128x16xf32, #tpu.memory_space<vmem>>, %arg13: memref<128x16xf32, #tpu.memory_space<vmem>>, %arg14: memref<128x16xf32, #tpu.memory_space<vmem>>, %arg15: memref<128x16xf32, #tpu.memory_space<vmem>>, %arg16: memref<10112x16xf32, #tpu.memory_space<vmem_shared>>, %arg17: memref<!tpu.dma_semaphore, #tpu.memory_space<semaphore_mem>>, %arg18: memref<!tpu.dma_semaphore, #tpu.memory_space<semaphore_mem>>, %arg19: memref<!tpu.dma_semaphore, #tpu.memory_space<semaphore_mem>>, %arg20: memref<!tpu.dma_semaphore, #tpu.memory_space<semaphore_mem>>) attributes {dimension_semantics = [#tpu.dimension_semantics<core_parallel>, #tpu.dimension_semantics<subcore_parallel>], iteration_bounds = array<i64: 2, 16>, scalar_prefetch = 0 : i64, scratch_operands = 12 : i64, tpu.core_type = #tpu.core_type<sc_vector_subcore>, window_params = [{transform_indices = #map}, {transform_indices = #map}, {transform_indices = #map1}, {transform_indices = #map1}, {transform_indices = #map1}, {transform_indices = #map2}, {transform_indices = #map}]} {
    %mul3A = arith.constant 16 : i32
    %mul3A_0 = arith.muli %arg0, %mul3A : i32
    %add3A = arith.addi %mul3A_0, %arg1 : i32
    %mul3A_1 = arith.constant 632 : i32
    %mul3A_2 = arith.muli %arg1, %mul3A_1 : i32
    "tpu.region"() ({
      %run_scoped3A = tpu.sem_alloc : memref<!tpu.dma_semaphore, #tpu.memory_space<semaphore_mem>>
      %dma_start3A_22 = arith.constant 0 : i32
      %dma_start3A_23 = tpu.memref_slice %arg16[%mul3A_2, %dma_start3A_22] : memref<10112x16xf32, #tpu.memory_space<vmem_shared>> -> memref<632x16xf32, #tpu.memory_space<vmem_shared>>
      %dma_start3A_24 = arith.constant 0 : i32
      %dma_start3A_25 = tpu.memref_slice %arg6[%mul3A_2, %dma_start3A_24] : memref<10112x16xf32, #tpu.memory_space<hbm>> -> memref<632x16xf32, #tpu.memory_space<hbm>>
      tpu.enqueue_dma source(%dma_start3A_25 : memref<632x16xf32, #tpu.memory_space<hbm>>) target(%dma_start3A_23 : memref<632x16xf32, #tpu.memory_space<vmem_shared>>) target_semaphore(%run_scoped3A : memref<!tpu.dma_semaphore, #tpu.memory_space<semaphore_mem>>)
      %dma_wait3A = arith.constant 0 : i32
      %dma_wait3A_26 = tpu.memref_slice %arg16[%mul3A_2, %dma_wait3A] : memref<10112x16xf32, #tpu.memory_space<vmem_shared>> -> memref<632x16xf32, #tpu.memory_space<vmem_shared>>
      %dma_wait3A_27 = arith.constant 0 : i32
      %dma_wait3A_28 = tpu.memref_slice %arg6[%mul3A_2, %dma_wait3A_27] : memref<10112x16xf32, #tpu.memory_space<hbm>> -> memref<632x16xf32, #tpu.memory_space<hbm>>
      tpu.wait_dma2 semaphore(%run_scoped3A : memref<!tpu.dma_semaphore, #tpu.memory_space<semaphore_mem>>) src(%dma_wait3A_28 : memref<632x16xf32, #tpu.memory_space<hbm>>) dst(%dma_wait3A_26 : memref<632x16xf32, #tpu.memory_space<vmem_shared>>)
      tpu.yield
    }) : () -> ()
    %barrier3A = arith.constant 0 : index
    tpu.barrier barrier_id(%barrier3A)
    "tpu.region"() ({
      %run_scoped3A = tpu.sem_alloc : memref<!tpu.dma_semaphore, #tpu.memory_space<semaphore_mem>>
      %dma_start3A_22 = arith.constant 0 : i32
      %dma_start3A_23 = arith.constant 0 : i32
      %dma_start3A_24 = tpu.memref_slice %arg2[%add3A, %dma_start3A_22, %dma_start3A_23] : memref<32x82x128xi32, #tpu.memory_space<hbm>> -> memref<1x82x128xi32, #tpu.memory_space<hbm>>
      %dma_start3A_25 = tpu.memref_squeeze %dma_start3A_24 : memref<1x82x128xi32, #tpu.memory_space<hbm>> -> memref<82x128xi32, #tpu.memory_space<hbm>>
      %dma_start3A_26 = arith.constant 0 : i32
      %dma_start3A_27 = arith.constant 0 : i32
      %dma_start3A_28 = tpu.memref_slice %arg2[%add3A, %dma_start3A_26, %dma_start3A_27] : memref<32x82x128xi32, #tpu.memory_space<hbm>> -> memref<1x82x128xi32, #tpu.memory_space<hbm>>
      %dma_start3A_29 = tpu.memref_squeeze %dma_start3A_28 : memref<1x82x128xi32, #tpu.memory_space<hbm>> -> memref<82x128xi32, #tpu.memory_space<hbm>>
      tpu.enqueue_dma source(%dma_start3A_29 : memref<82x128xi32, #tpu.memory_space<hbm>>) target(%arg9 : memref<82x128xi32, #tpu.memory_space<vmem>>) target_semaphore(%run_scoped3A : memref<!tpu.dma_semaphore, #tpu.memory_space<semaphore_mem>>)
      %dma_wait3A = arith.constant 0 : i32
      %dma_wait3A_30 = arith.constant 0 : i32
      %dma_wait3A_31 = tpu.memref_slice %arg2[%add3A, %dma_wait3A, %dma_wait3A_30] : memref<32x82x128xi32, #tpu.memory_space<hbm>> -> memref<1x82x128xi32, #tpu.memory_space<hbm>>
      %dma_wait3A_32 = tpu.memref_squeeze %dma_wait3A_31 : memref<1x82x128xi32, #tpu.memory_space<hbm>> -> memref<82x128xi32, #tpu.memory_space<hbm>>
      %dma_wait3A_33 = arith.constant 0 : i32
      %dma_wait3A_34 = arith.constant 0 : i32
      %dma_wait3A_35 = tpu.memref_slice %arg2[%add3A, %dma_wait3A_33, %dma_wait3A_34] : memref<32x82x128xi32, #tpu.memory_space<hbm>> -> memref<1x82x128xi32, #tpu.memory_space<hbm>>
      %dma_wait3A_36 = tpu.memref_squeeze %dma_wait3A_35 : memref<1x82x128xi32, #tpu.memory_space<hbm>> -> memref<82x128xi32, #tpu.memory_space<hbm>>
      tpu.wait_dma2 semaphore(%run_scoped3A : memref<!tpu.dma_semaphore, #tpu.memory_space<semaphore_mem>>) src(%dma_wait3A_36 : memref<82x128xi32, #tpu.memory_space<hbm>>) dst(%arg9 : memref<82x128xi32, #tpu.memory_space<vmem>>)
      tpu.yield
    }) : () -> ()
    "tpu.region"() ({
      %run_scoped3A = tpu.sem_alloc : memref<!tpu.dma_semaphore, #tpu.memory_space<semaphore_mem>>
      %dma_start3A_22 = arith.constant 0 : i32
      %dma_start3A_23 = arith.constant 0 : i32
      %dma_start3A_24 = tpu.memref_slice %arg3[%add3A, %dma_start3A_22, %dma_start3A_23] : memref<32x82x128xi32, #tpu.memory_space<hbm>> -> memref<1x82x128xi32, #tpu.memory_space<hbm>>
      %dma_start3A_25 = tpu.memref_squeeze %dma_start3A_24 : memref<1x82x128xi32, #tpu.memory_space<hbm>> -> memref<82x128xi32, #tpu.memory_space<hbm>>
      %dma_start3A_26 = arith.constant 0 : i32
      %dma_start3A_27 = arith.constant 0 : i32
      %dma_start3A_28 = tpu.memref_slice %arg3[%add3A, %dma_start3A_26, %dma_start3A_27] : memref<32x82x128xi32, #tpu.memory_space<hbm>> -> memref<1x82x128xi32, #tpu.memory_space<hbm>>
      %dma_start3A_29 = tpu.memref_squeeze %dma_start3A_28 : memref<1x82x128xi32, #tpu.memory_space<hbm>> -> memref<82x128xi32, #tpu.memory_space<hbm>>
      tpu.enqueue_dma source(%dma_start3A_29 : memref<82x128xi32, #tpu.memory_space<hbm>>) target(%arg10 : memref<82x128xi32, #tpu.memory_space<vmem>>) target_semaphore(%run_scoped3A : memref<!tpu.dma_semaphore, #tpu.memory_space<semaphore_mem>>)
      %dma_wait3A = arith.constant 0 : i32
      %dma_wait3A_30 = arith.constant 0 : i32
      %dma_wait3A_31 = tpu.memref_slice %arg3[%add3A, %dma_wait3A, %dma_wait3A_30] : memref<32x82x128xi32, #tpu.memory_space<hbm>> -> memref<1x82x128xi32, #tpu.memory_space<hbm>>
      %dma_wait3A_32 = tpu.memref_squeeze %dma_wait3A_31 : memref<1x82x128xi32, #tpu.memory_space<hbm>> -> memref<82x128xi32, #tpu.memory_space<hbm>>
      %dma_wait3A_33 = arith.constant 0 : i32
      %dma_wait3A_34 = arith.constant 0 : i32
      %dma_wait3A_35 = tpu.memref_slice %arg3[%add3A, %dma_wait3A_33, %dma_wait3A_34] : memref<32x82x128xi32, #tpu.memory_space<hbm>> -> memref<1x82x128xi32, #tpu.memory_space<hbm>>
      %dma_wait3A_36 = tpu.memref_squeeze %dma_wait3A_35 : memref<1x82x128xi32, #tpu.memory_space<hbm>> -> memref<82x128xi32, #tpu.memory_space<hbm>>
      tpu.wait_dma2 semaphore(%run_scoped3A : memref<!tpu.dma_semaphore, #tpu.memory_space<semaphore_mem>>) src(%dma_wait3A_36 : memref<82x128xi32, #tpu.memory_space<hbm>>) dst(%arg10 : memref<82x128xi32, #tpu.memory_space<vmem>>)
      tpu.yield
    }) : () -> ()
    %dma_start3A = arith.constant 0 : i32
    %dma_start3A_3 = arith.constant 0 : i32
    %dma_start3A_4 = tpu.memref_slice %arg9[%dma_start3A, %dma_start3A_3] : memref<82x128xi32, #tpu.memory_space<vmem>> -> memref<1x128xi32, #tpu.memory_space<vmem>>
    %dma_start3A_5 = tpu.memref_squeeze %dma_start3A_4 : memref<1x128xi32, #tpu.memory_space<vmem>> -> memref<128xi32, #tpu.memory_space<vmem>>
    %dma_start3A_6 = arith.constant 0 : i32
    %dma_start3A_7 = arith.constant 0 : i32
    %dma_start3A_8 = tpu.memref_slice %arg4[%dma_start3A_6, %dma_start3A_7] : memref<10112x16xf32, #tpu.memory_space<hbm>> -> memref<10112x16xf32, #tpu.memory_space<hbm>>
    tpu.enqueue_indirect_dma source(%dma_start3A_8 : memref<10112x16xf32, #tpu.memory_space<hbm>>) target(%arg11 : memref<128x16xf32, #tpu.memory_space<vmem>>) offsets(%dma_start3A_5 : memref<128xi32, #tpu.memory_space<vmem>>) semaphore(%arg17 : memref<!tpu.dma_semaphore, #tpu.memory_space<semaphore_mem>>)
    %dma_start3A_9 = arith.constant 0 : i32
    %dma_start3A_10 = arith.constant 0 : i32
    %dma_start3A_11 = tpu.memref_slice %arg10[%dma_start3A_9, %dma_start3A_10] : memref<82x128xi32, #tpu.memory_space<vmem>> -> memref<1x128xi32, #tpu.memory_space<vmem>>
    %dma_start3A_12 = tpu.memref_squeeze %dma_start3A_11 : memref<1x128xi32, #tpu.memory_space<vmem>> -> memref<128xi32, #tpu.memory_space<vmem>>
    %dma_start3A_13 = arith.constant 0 : i32
    %dma_start3A_14 = arith.constant 0 : i32
    %dma_start3A_15 = tpu.memref_slice %arg5[%dma_start3A_13, %dma_start3A_14] : memref<10112x16xf32, #tpu.memory_space<hbm>> -> memref<10112x16xf32, #tpu.memory_space<hbm>>
    tpu.enqueue_indirect_dma source(%dma_start3A_15 : memref<10112x16xf32, #tpu.memory_space<hbm>>) target(%arg12 : memref<128x16xf32, #tpu.memory_space<vmem>>) offsets(%dma_start3A_12 : memref<128xi32, #tpu.memory_space<vmem>>) semaphore(%arg18 : memref<!tpu.dma_semaphore, #tpu.memory_space<semaphore_mem>>)
    %scan3A = arith.constant 0 : i32
    %scan3A_16 = arith.constant 0 : i32
    %scan3A_17 = arith.constant 41 : i32
    %scan3A_18 = arith.addi %scan3A_16, %scan3A_17 : i32
    %scan3A_19 = arith.constant 1 : i32
    scf.for %scan3A_22 = %scan3A_16 to %scan3A_18 step %scan3A_19  : i32 {
      %mul3A_23 = arith.constant 2 : i32
      %mul3A_24 = arith.muli %mul3A_23, %scan3A_22 : i32
      %add3A_25 = arith.constant 1 : i32
      %add3A_26 = arith.addi %mul3A_24, %add3A_25 : i32
      %dma_start3A_27 = arith.constant 0 : i32
      %dma_start3A_28 = tpu.memref_slice %arg9[%add3A_26, %dma_start3A_27] : memref<82x128xi32, #tpu.memory_space<vmem>> -> memref<1x128xi32, #tpu.memory_space<vmem>>
      %dma_start3A_29 = tpu.memref_squeeze %dma_start3A_28 : memref<1x128xi32, #tpu.memory_space<vmem>> -> memref<128xi32, #tpu.memory_space<vmem>>
      %dma_start3A_30 = arith.constant 0 : i32
      %dma_start3A_31 = arith.constant 0 : i32
      %dma_start3A_32 = tpu.memref_slice %arg4[%dma_start3A_30, %dma_start3A_31] : memref<10112x16xf32, #tpu.memory_space<hbm>> -> memref<10112x16xf32, #tpu.memory_space<hbm>>
      tpu.enqueue_indirect_dma source(%dma_start3A_32 : memref<10112x16xf32, #tpu.memory_space<hbm>>) target(%arg13 : memref<128x16xf32, #tpu.memory_space<vmem>>) offsets(%dma_start3A_29 : memref<128xi32, #tpu.memory_space<vmem>>) semaphore(%arg19 : memref<!tpu.dma_semaphore, #tpu.memory_space<semaphore_mem>>)
      %dma_start3A_33 = arith.constant 0 : i32
      %dma_start3A_34 = tpu.memref_slice %arg10[%add3A_26, %dma_start3A_33] : memref<82x128xi32, #tpu.memory_space<vmem>> -> memref<1x128xi32, #tpu.memory_space<vmem>>
      %dma_start3A_35 = tpu.memref_squeeze %dma_start3A_34 : memref<1x128xi32, #tpu.memory_space<vmem>> -> memref<128xi32, #tpu.memory_space<vmem>>
      %dma_start3A_36 = arith.constant 0 : i32
      %dma_start3A_37 = arith.constant 0 : i32
      %dma_start3A_38 = tpu.memref_slice %arg5[%dma_start3A_36, %dma_start3A_37] : memref<10112x16xf32, #tpu.memory_space<hbm>> -> memref<10112x16xf32, #tpu.memory_space<hbm>>
      tpu.enqueue_indirect_dma source(%dma_start3A_38 : memref<10112x16xf32, #tpu.memory_space<hbm>>) target(%arg14 : memref<128x16xf32, #tpu.memory_space<vmem>>) offsets(%dma_start3A_35 : memref<128xi32, #tpu.memory_space<vmem>>) semaphore(%arg20 : memref<!tpu.dma_semaphore, #tpu.memory_space<semaphore_mem>>)
      %dma_wait3A = arith.constant 0 : i32
      %dma_wait3A_39 = tpu.memref_slice %arg9[%mul3A_24, %dma_wait3A] : memref<82x128xi32, #tpu.memory_space<vmem>> -> memref<1x128xi32, #tpu.memory_space<vmem>>
      %dma_wait3A_40 = tpu.memref_squeeze %dma_wait3A_39 : memref<1x128xi32, #tpu.memory_space<vmem>> -> memref<128xi32, #tpu.memory_space<vmem>>
      %dma_wait3A_41 = arith.constant 0 : i32
      %dma_wait3A_42 = arith.constant 0 : i32
      %dma_wait3A_43 = tpu.memref_slice %arg4[%dma_wait3A_41, %dma_wait3A_42] : memref<10112x16xf32, #tpu.memory_space<hbm>> -> memref<10112x16xf32, #tpu.memory_space<hbm>>
      tpu.wait_indirect_dma semaphore(%arg17 : memref<!tpu.dma_semaphore, #tpu.memory_space<semaphore_mem>>) src(%dma_wait3A_43 : memref<10112x16xf32, #tpu.memory_space<hbm>>) dst(%arg11 : memref<128x16xf32, #tpu.memory_space<vmem>>)
      %dma_wait3A_44 = arith.constant 0 : i32
      %dma_wait3A_45 = tpu.memref_slice %arg10[%mul3A_24, %dma_wait3A_44] : memref<82x128xi32, #tpu.memory_space<vmem>> -> memref<1x128xi32, #tpu.memory_space<vmem>>
      %dma_wait3A_46 = tpu.memref_squeeze %dma_wait3A_45 : memref<1x128xi32, #tpu.memory_space<vmem>> -> memref<128xi32, #tpu.memory_space<vmem>>
      %dma_wait3A_47 = arith.constant 0 : i32
      %dma_wait3A_48 = arith.constant 0 : i32
      %dma_wait3A_49 = tpu.memref_slice %arg5[%dma_wait3A_47, %dma_wait3A_48] : memref<10112x16xf32, #tpu.memory_space<hbm>> -> memref<10112x16xf32, #tpu.memory_space<hbm>>
      tpu.wait_indirect_dma semaphore(%arg18 : memref<!tpu.dma_semaphore, #tpu.memory_space<semaphore_mem>>) src(%dma_wait3A_49 : memref<10112x16xf32, #tpu.memory_space<hbm>>) dst(%arg12 : memref<128x16xf32, #tpu.memory_space<vmem>>)
      %parallel_loop3A = arith.constant 0 : i32
      %parallel_loop3A_50 = arith.constant 128 : i32
      %parallel_loop3A_51 = arith.constant 1 : i32
      scf.for %parallel_loop3A_73 = %parallel_loop3A to %parallel_loop3A_50 step %parallel_loop3A_51  : i32 {
        %parallel_loop3A_74 = arith.index_cast %parallel_loop3A_73 : i32 to index
        %parallel_loop3A_75 = arith.constant 0 : index
        %parallel_loop3A_76 = tpu.vector_load %arg11[%parallel_loop3A_74, %parallel_loop3A_75] {strides = array<i32>} : memref<128x16xf32, #tpu.memory_space<vmem>>, vector<1x16xf32>,
        %parallel_loop3A_77 = vector.shape_cast %parallel_loop3A_76 : vector<1x16xf32> to vector<16xf32>
        %parallel_loop3A_78 = arith.index_cast %parallel_loop3A_73 : i32 to index
        %parallel_loop3A_79 = arith.constant 0 : index
        %parallel_loop3A_80 = tpu.vector_load %arg12[%parallel_loop3A_78, %parallel_loop3A_79] {strides = array<i32>} : memref<128x16xf32, #tpu.memory_space<vmem>>, vector<1x16xf32>,
        %parallel_loop3A_81 = vector.shape_cast %parallel_loop3A_80 : vector<1x16xf32> to vector<16xf32>
        %parallel_loop3A_82 = arith.addf %parallel_loop3A_77, %parallel_loop3A_81 : vector<16xf32>
        %parallel_loop3A_83 = arith.constant 2.000000e-01 : f32
        %parallel_loop3A_84 = vector.broadcast %parallel_loop3A_83 : f32 to vector<16xf32>
        %parallel_loop3A_85 = arith.mulf %parallel_loop3A_84, %parallel_loop3A_82 : vector<16xf32>
        %parallel_loop3A_86 = arith.maximumf %parallel_loop3A_82, %parallel_loop3A_85 : vector<16xf32>
        %parallel_loop3A_87 = math.exp %parallel_loop3A_86 : vector<16xf32>
        %parallel_loop3A_88 = arith.index_cast %parallel_loop3A_73 : i32 to index
        %parallel_loop3A_89 = arith.constant 0 : index
        %parallel_loop3A_90 = tpu.vector_load %arg15[%parallel_loop3A_88, %parallel_loop3A_89] {strides = array<i32>} : memref<128x16xf32, #tpu.memory_space<vmem>>, vector<1x16xf32>,
        %parallel_loop3A_91 = vector.shape_cast %parallel_loop3A_90 : vector<1x16xf32> to vector<16xf32>
        %parallel_loop3A_92 = vector.shape_cast %parallel_loop3A_87 : vector<16xf32> to vector<1x16xf32>
        tpu.vector_store %arg15[%parallel_loop3A_88, %parallel_loop3A_89], %parallel_loop3A_92 {strides = array<i32>} : memref<128x16xf32, #tpu.memory_space<vmem>>, vector<1x16xf32>,
      } {sc.loop_unroll_factor = 4 : i64, sc.parallel_access}
      "tpu.region"() ({
        %run_scoped3A = tpu.sem_alloc : memref<!tpu.dma_semaphore, #tpu.memory_space<semaphore_mem>>
        %dma_start3A_73 = arith.constant 0 : i32
        %dma_start3A_74 = arith.constant 0 : i32
        %dma_start3A_75 = tpu.memref_slice %arg7[%add3A, %mul3A_24, %dma_start3A_73, %dma_start3A_74] : memref<32x82x128x16xf32, #tpu.memory_space<hbm>> -> memref<1x1x128x16xf32, #tpu.memory_space<hbm>>
        %dma_start3A_76 = tpu.memref_squeeze %dma_start3A_75 : memref<1x1x128x16xf32, #tpu.memory_space<hbm>> -> memref<128x16xf32, #tpu.memory_space<hbm>>
        %dma_start3A_77 = arith.constant 0 : i32
        %dma_start3A_78 = arith.constant 0 : i32
        %dma_start3A_79 = tpu.memref_slice %arg7[%add3A, %mul3A_24, %dma_start3A_77, %dma_start3A_78] : memref<32x82x128x16xf32, #tpu.memory_space<hbm>> -> memref<1x1x128x16xf32, #tpu.memory_space<hbm>>
        %dma_start3A_80 = tpu.memref_squeeze %dma_start3A_79 : memref<1x1x128x16xf32, #tpu.memory_space<hbm>> -> memref<128x16xf32, #tpu.memory_space<hbm>>
        tpu.enqueue_dma source(%arg15 : memref<128x16xf32, #tpu.memory_space<vmem>>) target(%dma_start3A_80 : memref<128x16xf32, #tpu.memory_space<hbm>>) target_semaphore(%run_scoped3A : memref<!tpu.dma_semaphore, #tpu.memory_space<semaphore_mem>>)
        %dma_wait3A_81 = arith.constant 0 : i32
        %dma_wait3A_82 = arith.constant 0 : i32
        %dma_wait3A_83 = tpu.memref_slice %arg7[%add3A, %mul3A_24, %dma_wait3A_81, %dma_wait3A_82] : memref<32x82x128x16xf32, #tpu.memory_space<hbm>> -> memref<1x1x128x16xf32, #tpu.memory_space<hbm>>
        %dma_wait3A_84 = tpu.memref_squeeze %dma_wait3A_83 : memref<1x1x128x16xf32, #tpu.memory_space<hbm>> -> memref<128x16xf32, #tpu.memory_space<hbm>>
        %dma_wait3A_85 = arith.constant 0 : i32
        %dma_wait3A_86 = arith.constant 0 : i32
        %dma_wait3A_87 = tpu.memref_slice %arg7[%add3A, %mul3A_24, %dma_wait3A_85, %dma_wait3A_86] : memref<32x82x128x16xf32, #tpu.memory_space<hbm>> -> memref<1x1x128x16xf32, #tpu.memory_space<hbm>>
        %dma_wait3A_88 = tpu.memref_squeeze %dma_wait3A_87 : memref<1x1x128x16xf32, #tpu.memory_space<hbm>> -> memref<128x16xf32, #tpu.memory_space<hbm>>
        tpu.wait_dma2 semaphore(%run_scoped3A : memref<!tpu.dma_semaphore, #tpu.memory_space<semaphore_mem>>) src(%arg15 : memref<128x16xf32, #tpu.memory_space<vmem>>) dst(%dma_wait3A_88 : memref<128x16xf32, #tpu.memory_space<hbm>>)
        tpu.yield
      }) : () -> ()
      "tpu.region"() ({
        %run_scoped3A = tpu.sem_alloc : memref<!tpu.dma_semaphore, #tpu.memory_space<semaphore_mem>>
        %dma_start3A_73 = arith.constant 0 : i32
        %dma_start3A_74 = tpu.memref_slice %arg10[%mul3A_24, %dma_start3A_73] : memref<82x128xi32, #tpu.memory_space<vmem>> -> memref<1x128xi32, #tpu.memory_space<vmem>>
        %dma_start3A_75 = tpu.memref_squeeze %dma_start3A_74 : memref<1x128xi32, #tpu.memory_space<vmem>> -> memref<128xi32, #tpu.memory_space<vmem>>
        %dma_start3A_76 = arith.constant 0 : i32
        %dma_start3A_77 = arith.constant 0 : i32
        %dma_start3A_78 = tpu.memref_slice %arg16[%dma_start3A_76, %dma_start3A_77] : memref<10112x16xf32, #tpu.memory_space<vmem_shared>> -> memref<10112x16xf32, #tpu.memory_space<vmem_shared>>
        tpu.enqueue_indirect_dma source(%arg15 : memref<128x16xf32, #tpu.memory_space<vmem>>) target(%dma_start3A_78 : memref<10112x16xf32, #tpu.memory_space<vmem_shared>>) offsets(%dma_start3A_75 : memref<128xi32, #tpu.memory_space<vmem>>) semaphore(%run_scoped3A : memref<!tpu.dma_semaphore, #tpu.memory_space<semaphore_mem>>) {add = true}
        %dma_wait3A_79 = arith.constant 0 : i32
        %dma_wait3A_80 = tpu.memref_slice %arg10[%mul3A_24, %dma_wait3A_79] : memref<82x128xi32, #tpu.memory_space<vmem>> -> memref<1x128xi32, #tpu.memory_space<vmem>>
        %dma_wait3A_81 = tpu.memref_squeeze %dma_wait3A_80 : memref<1x128xi32, #tpu.memory_space<vmem>> -> memref<128xi32, #tpu.memory_space<vmem>>
        %dma_wait3A_82 = arith.constant 0 : i32
        %dma_wait3A_83 = arith.constant 0 : i32
        %dma_wait3A_84 = tpu.memref_slice %arg16[%dma_wait3A_82, %dma_wait3A_83] : memref<10112x16xf32, #tpu.memory_space<vmem_shared>> -> memref<10112x16xf32, #tpu.memory_space<vmem_shared>>
        tpu.wait_indirect_dma semaphore(%run_scoped3A : memref<!tpu.dma_semaphore, #tpu.memory_space<semaphore_mem>>) src(%arg15 : memref<128x16xf32, #tpu.memory_space<vmem>>) dst(%dma_wait3A_84 : memref<10112x16xf32, #tpu.memory_space<vmem_shared>>)
        tpu.yield
      }) : () -> ()
      %add3A_52 = arith.constant 2 : i32
      %add3A_53 = arith.addi %mul3A_24, %add3A_52 : i32
      %lt3A = arith.constant 82 : i32
      %lt3A_54 = arith.cmpi slt, %add3A_53, %lt3A : i32
      %convert_element_type3A = arith.extui %lt3A_54 : i1 to i32
      %cond3A = arith.constant 0 : i32
      %cond3A_55 = arith.cmpi ne, %convert_element_type3A, %cond3A : i32
      scf.if %cond3A_55 {
        %add3A_73 = arith.constant 2 : i32
        %add3A_74 = arith.addi %mul3A_24, %add3A_73 : i32
        %dma_start3A_75 = arith.constant 0 : i32
        %dma_start3A_76 = tpu.memref_slice %arg9[%add3A_74, %dma_start3A_75] : memref<82x128xi32, #tpu.memory_space<vmem>> -> memref<1x128xi32, #tpu.memory_space<vmem>>
        %dma_start3A_77 = tpu.memref_squeeze %dma_start3A_76 : memref<1x128xi32, #tpu.memory_space<vmem>> -> memref<128xi32, #tpu.memory_space<vmem>>
        %dma_start3A_78 = arith.constant 0 : i32
        %dma_start3A_79 = arith.constant 0 : i32
        %dma_start3A_80 = tpu.memref_slice %arg4[%dma_start3A_78, %dma_start3A_79] : memref<10112x16xf32, #tpu.memory_space<hbm>> -> memref<10112x16xf32, #tpu.memory_space<hbm>>
        tpu.enqueue_indirect_dma source(%dma_start3A_80 : memref<10112x16xf32, #tpu.memory_space<hbm>>) target(%arg11 : memref<128x16xf32, #tpu.memory_space<vmem>>) offsets(%dma_start3A_77 : memref<128xi32, #tpu.memory_space<vmem>>) semaphore(%arg17 : memref<!tpu.dma_semaphore, #tpu.memory_space<semaphore_mem>>)
        %dma_start3A_81 = arith.constant 0 : i32
        %dma_start3A_82 = tpu.memref_slice %arg10[%add3A_74, %dma_start3A_81] : memref<82x128xi32, #tpu.memory_space<vmem>> -> memref<1x128xi32, #tpu.memory_space<vmem>>
        %dma_start3A_83 = tpu.memref_squeeze %dma_start3A_82 : memref<1x128xi32, #tpu.memory_space<vmem>> -> memref<128xi32, #tpu.memory_space<vmem>>
        %dma_start3A_84 = arith.constant 0 : i32
        %dma_start3A_85 = arith.constant 0 : i32
        %dma_start3A_86 = tpu.memref_slice %arg5[%dma_start3A_84, %dma_start3A_85] : memref<10112x16xf32, #tpu.memory_space<hbm>> -> memref<10112x16xf32, #tpu.memory_space<hbm>>
        tpu.enqueue_indirect_dma source(%dma_start3A_86 : memref<10112x16xf32, #tpu.memory_space<hbm>>) target(%arg12 : memref<128x16xf32, #tpu.memory_space<vmem>>) offsets(%dma_start3A_83 : memref<128xi32, #tpu.memory_space<vmem>>) semaphore(%arg18 : memref<!tpu.dma_semaphore, #tpu.memory_space<semaphore_mem>>)
      } else {
      }
      %add3A_56 = arith.constant 1 : i32
      %add3A_57 = arith.addi %mul3A_24, %add3A_56 : i32
      %dma_wait3A_58 = arith.constant 0 : i32
      %dma_wait3A_59 = tpu.memref_slice %arg9[%add3A_57, %dma_wait3A_58] : memref<82x128xi32, #tpu.memory_space<vmem>> -> memref<1x128xi32, #tpu.memory_space<vmem>>
      %dma_wait3A_60 = tpu.memref_squeeze %dma_wait3A_59 : memref<1x128xi32, #tpu.memory_space<vmem>> -> memref<128xi32, #tpu.memory_space<vmem>>
      %dma_wait3A_61 = arith.constant 0 : i32
      %dma_wait3A_62 = arith.constant 0 : i32
      %dma_wait3A_63 = tpu.memref_slice %arg4[%dma_wait3A_61, %dma_wait3A_62] : memref<10112x16xf32, #tpu.memory_space<hbm>> -> memref<10112x16xf32, #tpu.memory_space<hbm>>
      tpu.wait_indirect_dma semaphore(%arg19 : memref<!tpu.dma_semaphore, #tpu.memory_space<semaphore_mem>>) src(%dma_wait3A_63 : memref<10112x16xf32, #tpu.memory_space<hbm>>) dst(%arg13 : memref<128x16xf32, #tpu.memory_space<vmem>>)
      %dma_wait3A_64 = arith.constant 0 : i32
      %dma_wait3A_65 = tpu.memref_slice %arg10[%add3A_57, %dma_wait3A_64] : memref<82x128xi32, #tpu.memory_space<vmem>> -> memref<1x128xi32, #tpu.memory_space<vmem>>
      %dma_wait3A_66 = tpu.memref_squeeze %dma_wait3A_65 : memref<1x128xi32, #tpu.memory_space<vmem>> -> memref<128xi32, #tpu.memory_space<vmem>>
      %dma_wait3A_67 = arith.constant 0 : i32
      %dma_wait3A_68 = arith.constant 0 : i32
      %dma_wait3A_69 = tpu.memref_slice %arg5[%dma_wait3A_67, %dma_wait3A_68] : memref<10112x16xf32, #tpu.memory_space<hbm>> -> memref<10112x16xf32, #tpu.memory_space<hbm>>
      tpu.wait_indirect_dma semaphore(%arg20 : memref<!tpu.dma_semaphore, #tpu.memory_space<semaphore_mem>>) src(%dma_wait3A_69 : memref<10112x16xf32, #tpu.memory_space<hbm>>) dst(%arg14 : memref<128x16xf32, #tpu.memory_space<vmem>>)
      %parallel_loop3A_70 = arith.constant 0 : i32
      %parallel_loop3A_71 = arith.constant 128 : i32
      %parallel_loop3A_72 = arith.constant 1 : i32
      scf.for %parallel_loop3A_73 = %parallel_loop3A_70 to %parallel_loop3A_71 step %parallel_loop3A_72  : i32 {
        %parallel_loop3A_74 = arith.index_cast %parallel_loop3A_73 : i32 to index
        %parallel_loop3A_75 = arith.constant 0 : index
        %parallel_loop3A_76 = tpu.vector_load %arg13[%parallel_loop3A_74, %parallel_loop3A_75] {strides = array<i32>} : memref<128x16xf32, #tpu.memory_space<vmem>>, vector<1x16xf32>,
        %parallel_loop3A_77 = vector.shape_cast %parallel_loop3A_76 : vector<1x16xf32> to vector<16xf32>
        %parallel_loop3A_78 = arith.index_cast %parallel_loop3A_73 : i32 to index
        %parallel_loop3A_79 = arith.constant 0 : index
        %parallel_loop3A_80 = tpu.vector_load %arg14[%parallel_loop3A_78, %parallel_loop3A_79] {strides = array<i32>} : memref<128x16xf32, #tpu.memory_space<vmem>>, vector<1x16xf32>,
        %parallel_loop3A_81 = vector.shape_cast %parallel_loop3A_80 : vector<1x16xf32> to vector<16xf32>
        %parallel_loop3A_82 = arith.addf %parallel_loop3A_77, %parallel_loop3A_81 : vector<16xf32>
        %parallel_loop3A_83 = arith.constant 2.000000e-01 : f32
        %parallel_loop3A_84 = vector.broadcast %parallel_loop3A_83 : f32 to vector<16xf32>
        %parallel_loop3A_85 = arith.mulf %parallel_loop3A_84, %parallel_loop3A_82 : vector<16xf32>
        %parallel_loop3A_86 = arith.maximumf %parallel_loop3A_82, %parallel_loop3A_85 : vector<16xf32>
        %parallel_loop3A_87 = math.exp %parallel_loop3A_86 : vector<16xf32>
        %parallel_loop3A_88 = arith.index_cast %parallel_loop3A_73 : i32 to index
        %parallel_loop3A_89 = arith.constant 0 : index
        %parallel_loop3A_90 = tpu.vector_load %arg15[%parallel_loop3A_88, %parallel_loop3A_89] {strides = array<i32>} : memref<128x16xf32, #tpu.memory_space<vmem>>, vector<1x16xf32>,
        %parallel_loop3A_91 = vector.shape_cast %parallel_loop3A_90 : vector<1x16xf32> to vector<16xf32>
        %parallel_loop3A_92 = vector.shape_cast %parallel_loop3A_87 : vector<16xf32> to vector<1x16xf32>
        tpu.vector_store %arg15[%parallel_loop3A_88, %parallel_loop3A_89], %parallel_loop3A_92 {strides = array<i32>} : memref<128x16xf32, #tpu.memory_space<vmem>>, vector<1x16xf32>,
      } {sc.loop_unroll_factor = 4 : i64, sc.parallel_access}
      "tpu.region"() ({
        %run_scoped3A = tpu.sem_alloc : memref<!tpu.dma_semaphore, #tpu.memory_space<semaphore_mem>>
        %dma_start3A_73 = arith.constant 0 : i32
        %dma_start3A_74 = arith.constant 0 : i32
        %dma_start3A_75 = tpu.memref_slice %arg7[%add3A, %add3A_57, %dma_start3A_73, %dma_start3A_74] : memref<32x82x128x16xf32, #tpu.memory_space<hbm>> -> memref<1x1x128x16xf32, #tpu.memory_space<hbm>>
        %dma_start3A_76 = tpu.memref_squeeze %dma_start3A_75 : memref<1x1x128x16xf32, #tpu.memory_space<hbm>> -> memref<128x16xf32, #tpu.memory_space<hbm>>
        %dma_start3A_77 = arith.constant 0 : i32
        %dma_start3A_78 = arith.constant 0 : i32
        %dma_start3A_79 = tpu.memref_slice %arg7[%add3A, %add3A_57, %dma_start3A_77, %dma_start3A_78] : memref<32x82x128x16xf32, #tpu.memory_space<hbm>> -> memref<1x1x128x16xf32, #tpu.memory_space<hbm>>
        %dma_start3A_80 = tpu.memref_squeeze %dma_start3A_79 : memref<1x1x128x16xf32, #tpu.memory_space<hbm>> -> memref<128x16xf32, #tpu.memory_space<hbm>>
        tpu.enqueue_dma source(%arg15 : memref<128x16xf32, #tpu.memory_space<vmem>>) target(%dma_start3A_80 : memref<128x16xf32, #tpu.memory_space<hbm>>) target_semaphore(%run_scoped3A : memref<!tpu.dma_semaphore, #tpu.memory_space<semaphore_mem>>)
        %dma_wait3A_81 = arith.constant 0 : i32
        %dma_wait3A_82 = arith.constant 0 : i32
        %dma_wait3A_83 = tpu.memref_slice %arg7[%add3A, %add3A_57, %dma_wait3A_81, %dma_wait3A_82] : memref<32x82x128x16xf32, #tpu.memory_space<hbm>> -> memref<1x1x128x16xf32, #tpu.memory_space<hbm>>
        %dma_wait3A_84 = tpu.memref_squeeze %dma_wait3A_83 : memref<1x1x128x16xf32, #tpu.memory_space<hbm>> -> memref<128x16xf32, #tpu.memory_space<hbm>>
        %dma_wait3A_85 = arith.constant 0 : i32
        %dma_wait3A_86 = arith.constant 0 : i32
        %dma_wait3A_87 = tpu.memref_slice %arg7[%add3A, %add3A_57, %dma_wait3A_85, %dma_wait3A_86] : memref<32x82x128x16xf32, #tpu.memory_space<hbm>> -> memref<1x1x128x16xf32, #tpu.memory_space<hbm>>
        %dma_wait3A_88 = tpu.memref_squeeze %dma_wait3A_87 : memref<1x1x128x16xf32, #tpu.memory_space<hbm>> -> memref<128x16xf32, #tpu.memory_space<hbm>>
        tpu.wait_dma2 semaphore(%run_scoped3A : memref<!tpu.dma_semaphore, #tpu.memory_space<semaphore_mem>>) src(%arg15 : memref<128x16xf32, #tpu.memory_space<vmem>>) dst(%dma_wait3A_88 : memref<128x16xf32, #tpu.memory_space<hbm>>)
        tpu.yield
      }) : () -> ()
      "tpu.region"() ({
        %run_scoped3A = tpu.sem_alloc : memref<!tpu.dma_semaphore, #tpu.memory_space<semaphore_mem>>
        %dma_start3A_73 = arith.constant 0 : i32
        %dma_start3A_74 = tpu.memref_slice %arg10[%add3A_57, %dma_start3A_73] : memref<82x128xi32, #tpu.memory_space<vmem>> -> memref<1x128xi32, #tpu.memory_space<vmem>>
        %dma_start3A_75 = tpu.memref_squeeze %dma_start3A_74 : memref<1x128xi32, #tpu.memory_space<vmem>> -> memref<128xi32, #tpu.memory_space<vmem>>
        %dma_start3A_76 = arith.constant 0 : i32
        %dma_start3A_77 = arith.constant 0 : i32
        %dma_start3A_78 = tpu.memref_slice %arg16[%dma_start3A_76, %dma_start3A_77] : memref<10112x16xf32, #tpu.memory_space<vmem_shared>> -> memref<10112x16xf32, #tpu.memory_space<vmem_shared>>
        tpu.enqueue_indirect_dma source(%arg15 : memref<128x16xf32, #tpu.memory_space<vmem>>) target(%dma_start3A_78 : memref<10112x16xf32, #tpu.memory_space<vmem_shared>>) offsets(%dma_start3A_75 : memref<128xi32, #tpu.memory_space<vmem>>) semaphore(%run_scoped3A : memref<!tpu.dma_semaphore, #tpu.memory_space<semaphore_mem>>) {add = true}
        %dma_wait3A_79 = arith.constant 0 : i32
        %dma_wait3A_80 = tpu.memref_slice %arg10[%add3A_57, %dma_wait3A_79] : memref<82x128xi32, #tpu.memory_space<vmem>> -> memref<1x128xi32, #tpu.memory_space<vmem>>
        %dma_wait3A_81 = tpu.memref_squeeze %dma_wait3A_80 : memref<1x128xi32, #tpu.memory_space<vmem>> -> memref<128xi32, #tpu.memory_space<vmem>>
        %dma_wait3A_82 = arith.constant 0 : i32
        %dma_wait3A_83 = arith.constant 0 : i32
        %dma_wait3A_84 = tpu.memref_slice %arg16[%dma_wait3A_82, %dma_wait3A_83] : memref<10112x16xf32, #tpu.memory_space<vmem_shared>> -> memref<10112x16xf32, #tpu.memory_space<vmem_shared>>
        tpu.wait_indirect_dma semaphore(%run_scoped3A : memref<!tpu.dma_semaphore, #tpu.memory_space<semaphore_mem>>) src(%arg15 : memref<128x16xf32, #tpu.memory_space<vmem>>) dst(%dma_wait3A_84 : memref<10112x16xf32, #tpu.memory_space<vmem_shared>>)
        tpu.yield
      }) : () -> ()
    }
    %scan3A_20 = arith.constant 41 : i32
    %barrier3A_21 = arith.constant 0 : index
    tpu.barrier barrier_id(%barrier3A_21)
    "tpu.region"() ({
      %run_scoped3A = tpu.sem_alloc : memref<!tpu.dma_semaphore, #tpu.memory_space<semaphore_mem>>
      %dma_start3A_22 = arith.constant 0 : i32
      %dma_start3A_23 = tpu.memref_slice %arg8[%arg0, %mul3A_2, %dma_start3A_22] : memref<2x10112x16xf32, #tpu.memory_space<hbm>> -> memref<1x632x16xf32, #tpu.memory_space<hbm>>
      %dma_start3A_24 = tpu.memref_squeeze %dma_start3A_23 : memref<1x632x16xf32, #tpu.memory_space<hbm>> -> memref<632x16xf32, #tpu.memory_space<hbm>>
      %dma_start3A_25 = arith.constant 0 : i32
      %dma_start3A_26 = tpu.memref_slice %arg16[%mul3A_2, %dma_start3A_25] : memref<10112x16xf32, #tpu.memory_space<vmem_shared>> -> memref<632x16xf32, #tpu.memory_space<vmem_shared>>
      tpu.enqueue_dma source(%dma_start3A_26 : memref<632x16xf32, #tpu.memory_space<vmem_shared>>) target(%dma_start3A_24 : memref<632x16xf32, #tpu.memory_space<hbm>>) target_semaphore(%run_scoped3A : memref<!tpu.dma_semaphore, #tpu.memory_space<semaphore_mem>>)
      %dma_wait3A = arith.constant 0 : i32
      %dma_wait3A_27 = tpu.memref_slice %arg8[%arg0, %mul3A_2, %dma_wait3A] : memref<2x10112x16xf32, #tpu.memory_space<hbm>> -> memref<1x632x16xf32, #tpu.memory_space<hbm>>
      %dma_wait3A_28 = tpu.memref_squeeze %dma_wait3A_27 : memref<1x632x16xf32, #tpu.memory_space<hbm>> -> memref<632x16xf32, #tpu.memory_space<hbm>>
      %dma_wait3A_29 = arith.constant 0 : i32
      %dma_wait3A_30 = tpu.memref_slice %arg16[%mul3A_2, %dma_wait3A_29] : memref<10112x16xf32, #tpu.memory_space<vmem_shared>> -> memref<632x16xf32, #tpu.memory_space<vmem_shared>>
      tpu.wait_dma2 semaphore(%run_scoped3A : memref<!tpu.dma_semaphore, #tpu.memory_space<semaphore_mem>>) src(%dma_wait3A_30 : memref<632x16xf32, #tpu.memory_space<vmem_shared>>) dst(%dma_wait3A_28 : memref<632x16xf32, #tpu.memory_space<hbm>>)
      tpu.yield
    }) : () -> ()
    return
  }
}

#map = affine_map<(d0, d1) -> (0, 0, 0)>
#map1 = affine_map<(d0, d1) -> (0, 0)>
#map2 = affine_map<(d0, d1) -> (0, 0, 0, 0)>
module attributes {stable_mosaic.version = 14 : i64} {
  func.func @_sc_pass2(%arg0: i32, %arg1: i32, %arg2: memref<32x82x128xi32, #tpu.memory_space<hbm>>, %arg3: memref<10112x128xf32, #tpu.memory_space<hbm>>, %arg4: memref<32x82x128x16xf32, #tpu.memory_space<hbm>>, %arg5: memref<10112x16xf32, #tpu.memory_space<hbm>>, %arg6: memref<10112x128xf32, #tpu.memory_space<hbm>>, %arg7: memref<2x10112x128xf32, #tpu.memory_space<hbm>>, %arg8: memref<82x128xi32, #tpu.memory_space<vmem>>, %arg9: memref<1x128xi32, #tpu.memory_space<vmem>>, %arg10: memref<1x128xi32, #tpu.memory_space<vmem>>, %arg11: memref<1x128xi32, #tpu.memory_space<vmem>>, %arg12: memref<1x128xi32, #tpu.memory_space<vmem>>, %arg13: memref<128x16xf32, #tpu.memory_space<vmem>>, %arg14: memref<128x16xf32, #tpu.memory_space<vmem>>, %arg15: memref<128x128xf32, #tpu.memory_space<vmem>>, %arg16: memref<128x16xf32, #tpu.memory_space<vmem>>, %arg17: memref<128x128xf32, #tpu.memory_space<vmem>>, %arg18: memref<10112x128xf32, #tpu.memory_space<vmem_shared>>, %arg19: memref<!tpu.dma_semaphore, #tpu.memory_space<semaphore_mem>>, %arg20: memref<!tpu.dma_semaphore, #tpu.memory_space<semaphore_mem>>, %arg21: memref<!tpu.dma_semaphore, #tpu.memory_space<semaphore_mem>>, %arg22: memref<!tpu.dma_semaphore, #tpu.memory_space<semaphore_mem>>, %arg23: memref<!tpu.dma_semaphore, #tpu.memory_space<semaphore_mem>>, %arg24: memref<!tpu.dma_semaphore, #tpu.memory_space<semaphore_mem>>) attributes {dimension_semantics = [#tpu.dimension_semantics<core_parallel>, #tpu.dimension_semantics<subcore_parallel>], iteration_bounds = array<i64: 2, 16>, scalar_prefetch = 0 : i64, scratch_operands = 17 : i64, tpu.core_type = #tpu.core_type<sc_vector_subcore>, window_params = [{transform_indices = #map}, {transform_indices = #map1}, {transform_indices = #map2}, {transform_indices = #map1}, {transform_indices = #map1}, {transform_indices = #map}]} {
    %mul3A = arith.constant 16 : i32
    %mul3A_0 = arith.muli %arg0, %mul3A : i32
    %add3A = arith.addi %mul3A_0, %arg1 : i32
    %mul3A_1 = arith.constant 632 : i32
    %mul3A_2 = arith.muli %arg1, %mul3A_1 : i32
    "tpu.region"() ({
      %run_scoped3A = tpu.sem_alloc : memref<!tpu.dma_semaphore, #tpu.memory_space<semaphore_mem>>
      %dma_start3A_202 = arith.constant 0 : i32
      %dma_start3A_203 = tpu.memref_slice %arg18[%mul3A_2, %dma_start3A_202] : memref<10112x128xf32, #tpu.memory_space<vmem_shared>> -> memref<632x128xf32, #tpu.memory_space<vmem_shared>>
      %dma_start3A_204 = arith.constant 0 : i32
      %dma_start3A_205 = tpu.memref_slice %arg6[%mul3A_2, %dma_start3A_204] : memref<10112x128xf32, #tpu.memory_space<hbm>> -> memref<632x128xf32, #tpu.memory_space<hbm>>
      tpu.enqueue_dma source(%dma_start3A_205 : memref<632x128xf32, #tpu.memory_space<hbm>>) target(%dma_start3A_203 : memref<632x128xf32, #tpu.memory_space<vmem_shared>>) target_semaphore(%run_scoped3A : memref<!tpu.dma_semaphore, #tpu.memory_space<semaphore_mem>>)
      %dma_wait3A = arith.constant 0 : i32
      %dma_wait3A_206 = tpu.memref_slice %arg18[%mul3A_2, %dma_wait3A] : memref<10112x128xf32, #tpu.memory_space<vmem_shared>> -> memref<632x128xf32, #tpu.memory_space<vmem_shared>>
      %dma_wait3A_207 = arith.constant 0 : i32
      %dma_wait3A_208 = tpu.memref_slice %arg6[%mul3A_2, %dma_wait3A_207] : memref<10112x128xf32, #tpu.memory_space<hbm>> -> memref<632x128xf32, #tpu.memory_space<hbm>>
      tpu.wait_dma2 semaphore(%run_scoped3A : memref<!tpu.dma_semaphore, #tpu.memory_space<semaphore_mem>>) src(%dma_wait3A_208 : memref<632x128xf32, #tpu.memory_space<hbm>>) dst(%dma_wait3A_206 : memref<632x128xf32, #tpu.memory_space<vmem_shared>>)
      tpu.yield
    }) : () -> ()
    %barrier3A = arith.constant 0 : index
    tpu.barrier barrier_id(%barrier3A)
    "tpu.region"() ({
      %run_scoped3A = tpu.sem_alloc : memref<!tpu.dma_semaphore, #tpu.memory_space<semaphore_mem>>
      %dma_start3A_202 = arith.constant 0 : i32
      %dma_start3A_203 = arith.constant 0 : i32
      %dma_start3A_204 = tpu.memref_slice %arg2[%add3A, %dma_start3A_202, %dma_start3A_203] : memref<32x82x128xi32, #tpu.memory_space<hbm>> -> memref<1x82x128xi32, #tpu.memory_space<hbm>>
      %dma_start3A_205 = tpu.memref_squeeze %dma_start3A_204 : memref<1x82x128xi32, #tpu.memory_space<hbm>> -> memref<82x128xi32, #tpu.memory_space<hbm>>
      %dma_start3A_206 = arith.constant 0 : i32
      %dma_start3A_207 = arith.constant 0 : i32
      %dma_start3A_208 = tpu.memref_slice %arg2[%add3A, %dma_start3A_206, %dma_start3A_207] : memref<32x82x128xi32, #tpu.memory_space<hbm>> -> memref<1x82x128xi32, #tpu.memory_space<hbm>>
      %dma_start3A_209 = tpu.memref_squeeze %dma_start3A_208 : memref<1x82x128xi32, #tpu.memory_space<hbm>> -> memref<82x128xi32, #tpu.memory_space<hbm>>
      tpu.enqueue_dma source(%dma_start3A_209 : memref<82x128xi32, #tpu.memory_space<hbm>>) target(%arg8 : memref<82x128xi32, #tpu.memory_space<vmem>>) target_semaphore(%run_scoped3A : memref<!tpu.dma_semaphore, #tpu.memory_space<semaphore_mem>>)
      %dma_wait3A = arith.constant 0 : i32
      %dma_wait3A_210 = arith.constant 0 : i32
      %dma_wait3A_211 = tpu.memref_slice %arg2[%add3A, %dma_wait3A, %dma_wait3A_210] : memref<32x82x128xi32, #tpu.memory_space<hbm>> -> memref<1x82x128xi32, #tpu.memory_space<hbm>>
      %dma_wait3A_212 = tpu.memref_squeeze %dma_wait3A_211 : memref<1x82x128xi32, #tpu.memory_space<hbm>> -> memref<82x128xi32, #tpu.memory_space<hbm>>
      %dma_wait3A_213 = arith.constant 0 : i32
      %dma_wait3A_214 = arith.constant 0 : i32
      %dma_wait3A_215 = tpu.memref_slice %arg2[%add3A, %dma_wait3A_213, %dma_wait3A_214] : memref<32x82x128xi32, #tpu.memory_space<hbm>> -> memref<1x82x128xi32, #tpu.memory_space<hbm>>
      %dma_wait3A_216 = tpu.memref_squeeze %dma_wait3A_215 : memref<1x82x128xi32, #tpu.memory_space<hbm>> -> memref<82x128xi32, #tpu.memory_space<hbm>>
      tpu.wait_dma2 semaphore(%run_scoped3A : memref<!tpu.dma_semaphore, #tpu.memory_space<semaphore_mem>>) src(%dma_wait3A_216 : memref<82x128xi32, #tpu.memory_space<hbm>>) dst(%arg8 : memref<82x128xi32, #tpu.memory_space<vmem>>)
      tpu.yield
    }) : () -> ()
    %get3A = arith.constant 0 : i32
    %get3A_3 = arith.index_cast %get3A : i32 to index
    %get3A_4 = arith.constant 0 : index
    %get3A_5 = tpu.vector_load %arg8[%get3A_3, %get3A_4] {strides = array<i32>} : memref<82x128xi32, #tpu.memory_space<vmem>>, vector<1x16xi32>,
    %get3A_6 = vector.shape_cast %get3A_5 : vector<1x16xi32> to vector<16xi32>
    %and3A = arith.constant 16383 : i32
    %and3A_7 = vector.broadcast %and3A : i32 to vector<16xi32>
    %and3A_8 = arith.andi %get3A_6, %and3A_7 : vector<16xi32>
    %swap3A = arith.constant 0 : i32
    %swap3A_9 = arith.index_cast %swap3A : i32 to index
    %swap3A_10 = arith.constant 0 : index
    %swap3A_11 = tpu.vector_load %arg9[%swap3A_9, %swap3A_10] {strides = array<i32>} : memref<1x128xi32, #tpu.memory_space<vmem>>, vector<1x16xi32>,
    %swap3A_12 = vector.shape_cast %swap3A_11 : vector<1x16xi32> to vector<16xi32>
    %swap3A_13 = vector.shape_cast %and3A_8 : vector<16xi32> to vector<1x16xi32>
    tpu.vector_store %arg9[%swap3A_9, %swap3A_10], %swap3A_13 {strides = array<i32>} : memref<1x128xi32, #tpu.memory_space<vmem>>, vector<1x16xi32>,
    %shift_right_logical3A = arith.constant 14 : i32
    %shift_right_logical3A_14 = vector.broadcast %shift_right_logical3A : i32 to vector<16xi32>
    %shift_right_logical3A_15 = arith.shrui %get3A_6, %shift_right_logical3A_14 : vector<16xi32>
    %swap3A_16 = arith.constant 0 : i32
    %swap3A_17 = arith.index_cast %swap3A_16 : i32 to index
    %swap3A_18 = arith.constant 0 : index
    %swap3A_19 = tpu.vector_load %arg10[%swap3A_17, %swap3A_18] {strides = array<i32>} : memref<1x128xi32, #tpu.memory_space<vmem>>, vector<1x16xi32>,
    %swap3A_20 = vector.shape_cast %swap3A_19 : vector<1x16xi32> to vector<16xi32>
    %swap3A_21 = vector.shape_cast %shift_right_logical3A_15 : vector<16xi32> to vector<1x16xi32>
    tpu.vector_store %arg10[%swap3A_17, %swap3A_18], %swap3A_21 {strides = array<i32>} : memref<1x128xi32, #tpu.memory_space<vmem>>, vector<1x16xi32>,
    %get3A_22 = arith.constant 0 : i32
    %get3A_23 = arith.index_cast %get3A_22 : i32 to index
    %get3A_24 = arith.constant 16 : index
    %get3A_25 = tpu.vector_load %arg8[%get3A_23, %get3A_24] {strides = array<i32>} : memref<82x128xi32, #tpu.memory_space<vmem>>, vector<1x16xi32>,
    %get3A_26 = vector.shape_cast %get3A_25 : vector<1x16xi32> to vector<16xi32>
    %and3A_27 = arith.constant 16383 : i32
    %and3A_28 = vector.broadcast %and3A_27 : i32 to vector<16xi32>
    %and3A_29 = arith.andi %get3A_26, %and3A_28 : vector<16xi32>
    %swap3A_30 = arith.constant 0 : i32
    %swap3A_31 = arith.index_cast %swap3A_30 : i32 to index
    %swap3A_32 = arith.constant 16 : index
    %swap3A_33 = tpu.vector_load %arg9[%swap3A_31, %swap3A_32] {strides = array<i32>} : memref<1x128xi32, #tpu.memory_space<vmem>>, vector<1x16xi32>,
    %swap3A_34 = vector.shape_cast %swap3A_33 : vector<1x16xi32> to vector<16xi32>
    %swap3A_35 = vector.shape_cast %and3A_29 : vector<16xi32> to vector<1x16xi32>
    tpu.vector_store %arg9[%swap3A_31, %swap3A_32], %swap3A_35 {strides = array<i32>} : memref<1x128xi32, #tpu.memory_space<vmem>>, vector<1x16xi32>,
    %shift_right_logical3A_36 = arith.constant 14 : i32
    %shift_right_logical3A_37 = vector.broadcast %shift_right_logical3A_36 : i32 to vector<16xi32>
    %shift_right_logical3A_38 = arith.shrui %get3A_26, %shift_right_logical3A_37 : vector<16xi32>
    %swap3A_39 = arith.constant 0 : i32
    %swap3A_40 = arith.index_cast %swap3A_39 : i32 to index
    %swap3A_41 = arith.constant 16 : index
    %swap3A_42 = tpu.vector_load %arg10[%swap3A_40, %swap3A_41] {strides = array<i32>} : memref<1x128xi32, #tpu.memory_space<vmem>>, vector<1x16xi32>,
    %swap3A_43 = vector.shape_cast %swap3A_42 : vector<1x16xi32> to vector<16xi32>
    %swap3A_44 = vector.shape_cast %shift_right_logical3A_38 : vector<16xi32> to vector<1x16xi32>
    tpu.vector_store %arg10[%swap3A_40, %swap3A_41], %swap3A_44 {strides = array<i32>} : memref<1x128xi32, #tpu.memory_space<vmem>>, vector<1x16xi32>,
    %get3A_45 = arith.constant 0 : i32
    %get3A_46 = arith.index_cast %get3A_45 : i32 to index
    %get3A_47 = arith.constant 32 : index
    %get3A_48 = tpu.vector_load %arg8[%get3A_46, %get3A_47] {strides = array<i32>} : memref<82x128xi32, #tpu.memory_space<vmem>>, vector<1x16xi32>,
    %get3A_49 = vector.shape_cast %get3A_48 : vector<1x16xi32> to vector<16xi32>
    %and3A_50 = arith.constant 16383 : i32
    %and3A_51 = vector.broadcast %and3A_50 : i32 to vector<16xi32>
    %and3A_52 = arith.andi %get3A_49, %and3A_51 : vector<16xi32>
    %swap3A_53 = arith.constant 0 : i32
    %swap3A_54 = arith.index_cast %swap3A_53 : i32 to index
    %swap3A_55 = arith.constant 32 : index
    %swap3A_56 = tpu.vector_load %arg9[%swap3A_54, %swap3A_55] {strides = array<i32>} : memref<1x128xi32, #tpu.memory_space<vmem>>, vector<1x16xi32>,
    %swap3A_57 = vector.shape_cast %swap3A_56 : vector<1x16xi32> to vector<16xi32>
    %swap3A_58 = vector.shape_cast %and3A_52 : vector<16xi32> to vector<1x16xi32>
    tpu.vector_store %arg9[%swap3A_54, %swap3A_55], %swap3A_58 {strides = array<i32>} : memref<1x128xi32, #tpu.memory_space<vmem>>, vector<1x16xi32>,
    %shift_right_logical3A_59 = arith.constant 14 : i32
    %shift_right_logical3A_60 = vector.broadcast %shift_right_logical3A_59 : i32 to vector<16xi32>
    %shift_right_logical3A_61 = arith.shrui %get3A_49, %shift_right_logical3A_60 : vector<16xi32>
    %swap3A_62 = arith.constant 0 : i32
    %swap3A_63 = arith.index_cast %swap3A_62 : i32 to index
    %swap3A_64 = arith.constant 32 : index
    %swap3A_65 = tpu.vector_load %arg10[%swap3A_63, %swap3A_64] {strides = array<i32>} : memref<1x128xi32, #tpu.memory_space<vmem>>, vector<1x16xi32>,
    %swap3A_66 = vector.shape_cast %swap3A_65 : vector<1x16xi32> to vector<16xi32>
    %swap3A_67 = vector.shape_cast %shift_right_logical3A_61 : vector<16xi32> to vector<1x16xi32>
    tpu.vector_store %arg10[%swap3A_63, %swap3A_64], %swap3A_67 {strides = array<i32>} : memref<1x128xi32, #tpu.memory_space<vmem>>, vector<1x16xi32>,
    %get3A_68 = arith.constant 0 : i32
    %get3A_69 = arith.index_cast %get3A_68 : i32 to index
    %get3A_70 = arith.constant 48 : index
    %get3A_71 = tpu.vector_load %arg8[%get3A_69, %get3A_70] {strides = array<i32>} : memref<82x128xi32, #tpu.memory_space<vmem>>, vector<1x16xi32>,
    %get3A_72 = vector.shape_cast %get3A_71 : vector<1x16xi32> to vector<16xi32>
    %and3A_73 = arith.constant 16383 : i32
    %and3A_74 = vector.broadcast %and3A_73 : i32 to vector<16xi32>
    %and3A_75 = arith.andi %get3A_72, %and3A_74 : vector<16xi32>
    %swap3A_76 = arith.constant 0 : i32
    %swap3A_77 = arith.index_cast %swap3A_76 : i32 to index
    %swap3A_78 = arith.constant 48 : index
    %swap3A_79 = tpu.vector_load %arg9[%swap3A_77, %swap3A_78] {strides = array<i32>} : memref<1x128xi32, #tpu.memory_space<vmem>>, vector<1x16xi32>,
    %swap3A_80 = vector.shape_cast %swap3A_79 : vector<1x16xi32> to vector<16xi32>
    %swap3A_81 = vector.shape_cast %and3A_75 : vector<16xi32> to vector<1x16xi32>
    tpu.vector_store %arg9[%swap3A_77, %swap3A_78], %swap3A_81 {strides = array<i32>} : memref<1x128xi32, #tpu.memory_space<vmem>>, vector<1x16xi32>,
    %shift_right_logical3A_82 = arith.constant 14 : i32
    %shift_right_logical3A_83 = vector.broadcast %shift_right_logical3A_82 : i32 to vector<16xi32>
    %shift_right_logical3A_84 = arith.shrui %get3A_72, %shift_right_logical3A_83 : vector<16xi32>
    %swap3A_85 = arith.constant 0 : i32
    %swap3A_86 = arith.index_cast %swap3A_85 : i32 to index
    %swap3A_87 = arith.constant 48 : index
    %swap3A_88 = tpu.vector_load %arg10[%swap3A_86, %swap3A_87] {strides = array<i32>} : memref<1x128xi32, #tpu.memory_space<vmem>>, vector<1x16xi32>,
    %swap3A_89 = vector.shape_cast %swap3A_88 : vector<1x16xi32> to vector<16xi32>
    %swap3A_90 = vector.shape_cast %shift_right_logical3A_84 : vector<16xi32> to vector<1x16xi32>
    tpu.vector_store %arg10[%swap3A_86, %swap3A_87], %swap3A_90 {strides = array<i32>} : memref<1x128xi32, #tpu.memory_space<vmem>>, vector<1x16xi32>,
    %get3A_91 = arith.constant 0 : i32
    %get3A_92 = arith.index_cast %get3A_91 : i32 to index
    %get3A_93 = arith.constant 64 : index
    %get3A_94 = tpu.vector_load %arg8[%get3A_92, %get3A_93] {strides = array<i32>} : memref<82x128xi32, #tpu.memory_space<vmem>>, vector<1x16xi32>,
    %get3A_95 = vector.shape_cast %get3A_94 : vector<1x16xi32> to vector<16xi32>
    %and3A_96 = arith.constant 16383 : i32
    %and3A_97 = vector.broadcast %and3A_96 : i32 to vector<16xi32>
    %and3A_98 = arith.andi %get3A_95, %and3A_97 : vector<16xi32>
    %swap3A_99 = arith.constant 0 : i32
    %swap3A_100 = arith.index_cast %swap3A_99 : i32 to index
    %swap3A_101 = arith.constant 64 : index
    %swap3A_102 = tpu.vector_load %arg9[%swap3A_100, %swap3A_101] {strides = array<i32>} : memref<1x128xi32, #tpu.memory_space<vmem>>, vector<1x16xi32>,
    %swap3A_103 = vector.shape_cast %swap3A_102 : vector<1x16xi32> to vector<16xi32>
    %swap3A_104 = vector.shape_cast %and3A_98 : vector<16xi32> to vector<1x16xi32>
    tpu.vector_store %arg9[%swap3A_100, %swap3A_101], %swap3A_104 {strides = array<i32>} : memref<1x128xi32, #tpu.memory_space<vmem>>, vector<1x16xi32>,
    %shift_right_logical3A_105 = arith.constant 14 : i32
    %shift_right_logical3A_106 = vector.broadcast %shift_right_logical3A_105 : i32 to vector<16xi32>
    %shift_right_logical3A_107 = arith.shrui %get3A_95, %shift_right_logical3A_106 : vector<16xi32>
    %swap3A_108 = arith.constant 0 : i32
    %swap3A_109 = arith.index_cast %swap3A_108 : i32 to index
    %swap3A_110 = arith.constant 64 : index
    %swap3A_111 = tpu.vector_load %arg10[%swap3A_109, %swap3A_110] {strides = array<i32>} : memref<1x128xi32, #tpu.memory_space<vmem>>, vector<1x16xi32>,
    %swap3A_112 = vector.shape_cast %swap3A_111 : vector<1x16xi32> to vector<16xi32>
    %swap3A_113 = vector.shape_cast %shift_right_logical3A_107 : vector<16xi32> to vector<1x16xi32>
    tpu.vector_store %arg10[%swap3A_109, %swap3A_110], %swap3A_113 {strides = array<i32>} : memref<1x128xi32, #tpu.memory_space<vmem>>, vector<1x16xi32>,
    %get3A_114 = arith.constant 0 : i32
    %get3A_115 = arith.index_cast %get3A_114 : i32 to index
    %get3A_116 = arith.constant 80 : index
    %get3A_117 = tpu.vector_load %arg8[%get3A_115, %get3A_116] {strides = array<i32>} : memref<82x128xi32, #tpu.memory_space<vmem>>, vector<1x16xi32>,
    %get3A_118 = vector.shape_cast %get3A_117 : vector<1x16xi32> to vector<16xi32>
    %and3A_119 = arith.constant 16383 : i32
    %and3A_120 = vector.broadcast %and3A_119 : i32 to vector<16xi32>
    %and3A_121 = arith.andi %get3A_118, %and3A_120 : vector<16xi32>
    %swap3A_122 = arith.constant 0 : i32
    %swap3A_123 = arith.index_cast %swap3A_122 : i32 to index
    %swap3A_124 = arith.constant 80 : index
    %swap3A_125 = tpu.vector_load %arg9[%swap3A_123, %swap3A_124] {strides = array<i32>} : memref<1x128xi32, #tpu.memory_space<vmem>>, vector<1x16xi32>,
    %swap3A_126 = vector.shape_cast %swap3A_125 : vector<1x16xi32> to vector<16xi32>
    %swap3A_127 = vector.shape_cast %and3A_121 : vector<16xi32> to vector<1x16xi32>
    tpu.vector_store %arg9[%swap3A_123, %swap3A_124], %swap3A_127 {strides = array<i32>} : memref<1x128xi32, #tpu.memory_space<vmem>>, vector<1x16xi32>,
    %shift_right_logical3A_128 = arith.constant 14 : i32
    %shift_right_logical3A_129 = vector.broadcast %shift_right_logical3A_128 : i32 to vector<16xi32>
    %shift_right_logical3A_130 = arith.shrui %get3A_118, %shift_right_logical3A_129 : vector<16xi32>
    %swap3A_131 = arith.constant 0 : i32
    %swap3A_132 = arith.index_cast %swap3A_131 : i32 to index
    %swap3A_133 = arith.constant 80 : index
    %swap3A_134 = tpu.vector_load %arg10[%swap3A_132, %swap3A_133] {strides = array<i32>} : memref<1x128xi32, #tpu.memory_space<vmem>>, vector<1x16xi32>,
    %swap3A_135 = vector.shape_cast %swap3A_134 : vector<1x16xi32> to vector<16xi32>
    %swap3A_136 = vector.shape_cast %shift_right_logical3A_130 : vector<16xi32> to vector<1x16xi32>
    tpu.vector_store %arg10[%swap3A_132, %swap3A_133], %swap3A_136 {strides = array<i32>} : memref<1x128xi32, #tpu.memory_space<vmem>>, vector<1x16xi32>,
    %get3A_137 = arith.constant 0 : i32
    %get3A_138 = arith.index_cast %get3A_137 : i32 to index
    %get3A_139 = arith.constant 96 : index
    %get3A_140 = tpu.vector_load %arg8[%get3A_138, %get3A_139] {strides = array<i32>} : memref<82x128xi32, #tpu.memory_space<vmem>>, vector<1x16xi32>,
    %get3A_141 = vector.shape_cast %get3A_140 : vector<1x16xi32> to vector<16xi32>
    %and3A_142 = arith.constant 16383 : i32
    %and3A_143 = vector.broadcast %and3A_142 : i32 to vector<16xi32>
    %and3A_144 = arith.andi %get3A_141, %and3A_143 : vector<16xi32>
    %swap3A_145 = arith.constant 0 : i32
    %swap3A_146 = arith.index_cast %swap3A_145 : i32 to index
    %swap3A_147 = arith.constant 96 : index
    %swap3A_148 = tpu.vector_load %arg9[%swap3A_146, %swap3A_147] {strides = array<i32>} : memref<1x128xi32, #tpu.memory_space<vmem>>, vector<1x16xi32>,
    %swap3A_149 = vector.shape_cast %swap3A_148 : vector<1x16xi32> to vector<16xi32>
    %swap3A_150 = vector.shape_cast %and3A_144 : vector<16xi32> to vector<1x16xi32>
    tpu.vector_store %arg9[%swap3A_146, %swap3A_147], %swap3A_150 {strides = array<i32>} : memref<1x128xi32, #tpu.memory_space<vmem>>, vector<1x16xi32>,
    %shift_right_logical3A_151 = arith.constant 14 : i32
    %shift_right_logical3A_152 = vector.broadcast %shift_right_logical3A_151 : i32 to vector<16xi32>
    %shift_right_logical3A_153 = arith.shrui %get3A_141, %shift_right_logical3A_152 : vector<16xi32>
    %swap3A_154 = arith.constant 0 : i32
    %swap3A_155 = arith.index_cast %swap3A_154 : i32 to index
    %swap3A_156 = arith.constant 96 : index
    %swap3A_157 = tpu.vector_load %arg10[%swap3A_155, %swap3A_156] {strides = array<i32>} : memref<1x128xi32, #tpu.memory_space<vmem>>, vector<1x16xi32>,
    %swap3A_158 = vector.shape_cast %swap3A_157 : vector<1x16xi32> to vector<16xi32>
    %swap3A_159 = vector.shape_cast %shift_right_logical3A_153 : vector<16xi32> to vector<1x16xi32>
    tpu.vector_store %arg10[%swap3A_155, %swap3A_156], %swap3A_159 {strides = array<i32>} : memref<1x128xi32, #tpu.memory_space<vmem>>, vector<1x16xi32>,
    %get3A_160 = arith.constant 0 : i32
    %get3A_161 = arith.index_cast %get3A_160 : i32 to index
    %get3A_162 = arith.constant 112 : index
    %get3A_163 = tpu.vector_load %arg8[%get3A_161, %get3A_162] {strides = array<i32>} : memref<82x128xi32, #tpu.memory_space<vmem>>, vector<1x16xi32>,
    %get3A_164 = vector.shape_cast %get3A_163 : vector<1x16xi32> to vector<16xi32>
    %and3A_165 = arith.constant 16383 : i32
    %and3A_166 = vector.broadcast %and3A_165 : i32 to vector<16xi32>
    %and3A_167 = arith.andi %get3A_164, %and3A_166 : vector<16xi32>
    %swap3A_168 = arith.constant 0 : i32
    %swap3A_169 = arith.index_cast %swap3A_168 : i32 to index
    %swap3A_170 = arith.constant 112 : index
    %swap3A_171 = tpu.vector_load %arg9[%swap3A_169, %swap3A_170] {strides = array<i32>} : memref<1x128xi32, #tpu.memory_space<vmem>>, vector<1x16xi32>,
    %swap3A_172 = vector.shape_cast %swap3A_171 : vector<1x16xi32> to vector<16xi32>
    %swap3A_173 = vector.shape_cast %and3A_167 : vector<16xi32> to vector<1x16xi32>
    tpu.vector_store %arg9[%swap3A_169, %swap3A_170], %swap3A_173 {strides = array<i32>} : memref<1x128xi32, #tpu.memory_space<vmem>>, vector<1x16xi32>,
    %shift_right_logical3A_174 = arith.constant 14 : i32
    %shift_right_logical3A_175 = vector.broadcast %shift_right_logical3A_174 : i32 to vector<16xi32>
    %shift_right_logical3A_176 = arith.shrui %get3A_164, %shift_right_logical3A_175 : vector<16xi32>
    %swap3A_177 = arith.constant 0 : i32
    %swap3A_178 = arith.index_cast %swap3A_177 : i32 to index
    %swap3A_179 = arith.constant 112 : index
    %swap3A_180 = tpu.vector_load %arg10[%swap3A_178, %swap3A_179] {strides = array<i32>} : memref<1x128xi32, #tpu.memory_space<vmem>>, vector<1x16xi32>,
    %swap3A_181 = vector.shape_cast %swap3A_180 : vector<1x16xi32> to vector<16xi32>
    %swap3A_182 = vector.shape_cast %shift_right_logical3A_176 : vector<16xi32> to vector<1x16xi32>
    tpu.vector_store %arg10[%swap3A_178, %swap3A_179], %swap3A_182 {strides = array<i32>} : memref<1x128xi32, #tpu.memory_space<vmem>>, vector<1x16xi32>,
    %dma_start3A = arith.constant 0 : i32
    %dma_start3A_183 = arith.constant 0 : i32
    %dma_start3A_184 = tpu.memref_slice %arg9[%dma_start3A, %dma_start3A_183] : memref<1x128xi32, #tpu.memory_space<vmem>> -> memref<1x128xi32, #tpu.memory_space<vmem>>
    %dma_start3A_185 = tpu.memref_squeeze %dma_start3A_184 : memref<1x128xi32, #tpu.memory_space<vmem>> -> memref<128xi32, #tpu.memory_space<vmem>>
    %dma_start3A_186 = arith.constant 0 : i32
    %dma_start3A_187 = arith.constant 0 : i32
    %dma_start3A_188 = tpu.memref_slice %arg3[%dma_start3A_186, %dma_start3A_187] : memref<10112x128xf32, #tpu.memory_space<hbm>> -> memref<10112x128xf32, #tpu.memory_space<hbm>>
    tpu.enqueue_indirect_dma source(%dma_start3A_188 : memref<10112x128xf32, #tpu.memory_space<hbm>>) target(%arg15 : memref<128x128xf32, #tpu.memory_space<vmem>>) offsets(%dma_start3A_185 : memref<128xi32, #tpu.memory_space<vmem>>) semaphore(%arg19 : memref<!tpu.dma_semaphore, #tpu.memory_space<semaphore_mem>>)
    %dma_start3A_189 = arith.constant 0 : i32
    %dma_start3A_190 = arith.constant 0 : i32
    %dma_start3A_191 = tpu.memref_slice %arg10[%dma_start3A_189, %dma_start3A_190] : memref<1x128xi32, #tpu.memory_space<vmem>> -> memref<1x128xi32, #tpu.memory_space<vmem>>
    %dma_start3A_192 = tpu.memref_squeeze %dma_start3A_191 : memref<1x128xi32, #tpu.memory_space<vmem>> -> memref<128xi32, #tpu.memory_space<vmem>>
    %dma_start3A_193 = arith.constant 0 : i32
    %dma_start3A_194 = arith.constant 0 : i32
    %dma_start3A_195 = tpu.memref_slice %arg5[%dma_start3A_193, %dma_start3A_194] : memref<10112x16xf32, #tpu.memory_space<hbm>> -> memref<10112x16xf32, #tpu.memory_space<hbm>>
    tpu.enqueue_indirect_dma source(%dma_start3A_195 : memref<10112x16xf32, #tpu.memory_space<hbm>>) target(%arg14 : memref<128x16xf32, #tpu.memory_space<vmem>>) offsets(%dma_start3A_192 : memref<128xi32, #tpu.memory_space<vmem>>) semaphore(%arg20 : memref<!tpu.dma_semaphore, #tpu.memory_space<semaphore_mem>>)
    %scan3A = arith.constant 0 : i32
    %scan3A_196 = arith.constant 0 : i32
    %scan3A_197 = arith.constant 41 : i32
    %scan3A_198 = arith.addi %scan3A_196, %scan3A_197 : i32
    %scan3A_199 = arith.constant 1 : i32
    scf.for %scan3A_202 = %scan3A_196 to %scan3A_198 step %scan3A_199  : i32 {
      %mul3A_203 = arith.constant 2 : i32
      %mul3A_204 = arith.muli %mul3A_203, %scan3A_202 : i32
      %add3A_205 = arith.constant 1 : i32
      %add3A_206 = arith.addi %mul3A_204, %add3A_205 : i32
      %get3A_207 = arith.index_cast %add3A_206 : i32 to index
      %get3A_208 = arith.constant 0 : index
      %get3A_209 = tpu.vector_load %arg8[%get3A_207, %get3A_208] {strides = array<i32>} : memref<82x128xi32, #tpu.memory_space<vmem>>, vector<1x16xi32>,
      %get3A_210 = vector.shape_cast %get3A_209 : vector<1x16xi32> to vector<16xi32>
      %and3A_211 = arith.constant 16383 : i32
      %and3A_212 = vector.broadcast %and3A_211 : i32 to vector<16xi32>
      %and3A_213 = arith.andi %get3A_210, %and3A_212 : vector<16xi32>
      %swap3A_214 = arith.constant 0 : i32
      %swap3A_215 = arith.index_cast %swap3A_214 : i32 to index
      %swap3A_216 = arith.constant 0 : index
      %swap3A_217 = tpu.vector_load %arg11[%swap3A_215, %swap3A_216] {strides = array<i32>} : memref<1x128xi32, #tpu.memory_space<vmem>>, vector<1x16xi32>,
      %swap3A_218 = vector.shape_cast %swap3A_217 : vector<1x16xi32> to vector<16xi32>
      %swap3A_219 = vector.shape_cast %and3A_213 : vector<16xi32> to vector<1x16xi32>
      tpu.vector_store %arg11[%swap3A_215, %swap3A_216], %swap3A_219 {strides = array<i32>} : memref<1x128xi32, #tpu.memory_space<vmem>>, vector<1x16xi32>,
      %shift_right_logical3A_220 = arith.constant 14 : i32
      %shift_right_logical3A_221 = vector.broadcast %shift_right_logical3A_220 : i32 to vector<16xi32>
      %shift_right_logical3A_222 = arith.shrui %get3A_210, %shift_right_logical3A_221 : vector<16xi32>
      %swap3A_223 = arith.constant 0 : i32
      %swap3A_224 = arith.index_cast %swap3A_223 : i32 to index
      %swap3A_225 = arith.constant 0 : index
      %swap3A_226 = tpu.vector_load %arg12[%swap3A_224, %swap3A_225] {strides = array<i32>} : memref<1x128xi32, #tpu.memory_space<vmem>>, vector<1x16xi32>,
      %swap3A_227 = vector.shape_cast %swap3A_226 : vector<1x16xi32> to vector<16xi32>
      %swap3A_228 = vector.shape_cast %shift_right_logical3A_222 : vector<16xi32> to vector<1x16xi32>
      tpu.vector_store %arg12[%swap3A_224, %swap3A_225], %swap3A_228 {strides = array<i32>} : memref<1x128xi32, #tpu.memory_space<vmem>>, vector<1x16xi32>,
      %get3A_229 = arith.index_cast %add3A_206 : i32 to index
      %get3A_230 = arith.constant 16 : index
      %get3A_231 = tpu.vector_load %arg8[%get3A_229, %get3A_230] {strides = array<i32>} : memref<82x128xi32, #tpu.memory_space<vmem>>, vector<1x16xi32>,
      %get3A_232 = vector.shape_cast %get3A_231 : vector<1x16xi32> to vector<16xi32>
      %and3A_233 = arith.constant 16383 : i32
      %and3A_234 = vector.broadcast %and3A_233 : i32 to vector<16xi32>
      %and3A_235 = arith.andi %get3A_232, %and3A_234 : vector<16xi32>
      %swap3A_236 = arith.constant 0 : i32
      %swap3A_237 = arith.index_cast %swap3A_236 : i32 to index
      %swap3A_238 = arith.constant 16 : index
      %swap3A_239 = tpu.vector_load %arg11[%swap3A_237, %swap3A_238] {strides = array<i32>} : memref<1x128xi32, #tpu.memory_space<vmem>>, vector<1x16xi32>,
      %swap3A_240 = vector.shape_cast %swap3A_239 : vector<1x16xi32> to vector<16xi32>
      %swap3A_241 = vector.shape_cast %and3A_235 : vector<16xi32> to vector<1x16xi32>
      tpu.vector_store %arg11[%swap3A_237, %swap3A_238], %swap3A_241 {strides = array<i32>} : memref<1x128xi32, #tpu.memory_space<vmem>>, vector<1x16xi32>,
      %shift_right_logical3A_242 = arith.constant 14 : i32
      %shift_right_logical3A_243 = vector.broadcast %shift_right_logical3A_242 : i32 to vector<16xi32>
      %shift_right_logical3A_244 = arith.shrui %get3A_232, %shift_right_logical3A_243 : vector<16xi32>
      %swap3A_245 = arith.constant 0 : i32
      %swap3A_246 = arith.index_cast %swap3A_245 : i32 to index
      %swap3A_247 = arith.constant 16 : index
      %swap3A_248 = tpu.vector_load %arg12[%swap3A_246, %swap3A_247] {strides = array<i32>} : memref<1x128xi32, #tpu.memory_space<vmem>>, vector<1x16xi32>,
      %swap3A_249 = vector.shape_cast %swap3A_248 : vector<1x16xi32> to vector<16xi32>
      %swap3A_250 = vector.shape_cast %shift_right_logical3A_244 : vector<16xi32> to vector<1x16xi32>
      tpu.vector_store %arg12[%swap3A_246, %swap3A_247], %swap3A_250 {strides = array<i32>} : memref<1x128xi32, #tpu.memory_space<vmem>>, vector<1x16xi32>,
      %get3A_251 = arith.index_cast %add3A_206 : i32 to index
      %get3A_252 = arith.constant 32 : index
      %get3A_253 = tpu.vector_load %arg8[%get3A_251, %get3A_252] {strides = array<i32>} : memref<82x128xi32, #tpu.memory_space<vmem>>, vector<1x16xi32>,
      %get3A_254 = vector.shape_cast %get3A_253 : vector<1x16xi32> to vector<16xi32>
      %and3A_255 = arith.constant 16383 : i32
      %and3A_256 = vector.broadcast %and3A_255 : i32 to vector<16xi32>
      %and3A_257 = arith.andi %get3A_254, %and3A_256 : vector<16xi32>
      %swap3A_258 = arith.constant 0 : i32
      %swap3A_259 = arith.index_cast %swap3A_258 : i32 to index
      %swap3A_260 = arith.constant 32 : index
      %swap3A_261 = tpu.vector_load %arg11[%swap3A_259, %swap3A_260] {strides = array<i32>} : memref<1x128xi32, #tpu.memory_space<vmem>>, vector<1x16xi32>,
      %swap3A_262 = vector.shape_cast %swap3A_261 : vector<1x16xi32> to vector<16xi32>
      %swap3A_263 = vector.shape_cast %and3A_257 : vector<16xi32> to vector<1x16xi32>
      tpu.vector_store %arg11[%swap3A_259, %swap3A_260], %swap3A_263 {strides = array<i32>} : memref<1x128xi32, #tpu.memory_space<vmem>>, vector<1x16xi32>,
      %shift_right_logical3A_264 = arith.constant 14 : i32
      %shift_right_logical3A_265 = vector.broadcast %shift_right_logical3A_264 : i32 to vector<16xi32>
      %shift_right_logical3A_266 = arith.shrui %get3A_254, %shift_right_logical3A_265 : vector<16xi32>
      %swap3A_267 = arith.constant 0 : i32
      %swap3A_268 = arith.index_cast %swap3A_267 : i32 to index
      %swap3A_269 = arith.constant 32 : index
      %swap3A_270 = tpu.vector_load %arg12[%swap3A_268, %swap3A_269] {strides = array<i32>} : memref<1x128xi32, #tpu.memory_space<vmem>>, vector<1x16xi32>,
      %swap3A_271 = vector.shape_cast %swap3A_270 : vector<1x16xi32> to vector<16xi32>
      %swap3A_272 = vector.shape_cast %shift_right_logical3A_266 : vector<16xi32> to vector<1x16xi32>
      tpu.vector_store %arg12[%swap3A_268, %swap3A_269], %swap3A_272 {strides = array<i32>} : memref<1x128xi32, #tpu.memory_space<vmem>>, vector<1x16xi32>,
      %get3A_273 = arith.index_cast %add3A_206 : i32 to index
      %get3A_274 = arith.constant 48 : index
      %get3A_275 = tpu.vector_load %arg8[%get3A_273, %get3A_274] {strides = array<i32>} : memref<82x128xi32, #tpu.memory_space<vmem>>, vector<1x16xi32>,
      %get3A_276 = vector.shape_cast %get3A_275 : vector<1x16xi32> to vector<16xi32>
      %and3A_277 = arith.constant 16383 : i32
      %and3A_278 = vector.broadcast %and3A_277 : i32 to vector<16xi32>
      %and3A_279 = arith.andi %get3A_276, %and3A_278 : vector<16xi32>
      %swap3A_280 = arith.constant 0 : i32
      %swap3A_281 = arith.index_cast %swap3A_280 : i32 to index
      %swap3A_282 = arith.constant 48 : index
      %swap3A_283 = tpu.vector_load %arg11[%swap3A_281, %swap3A_282] {strides = array<i32>} : memref<1x128xi32, #tpu.memory_space<vmem>>, vector<1x16xi32>,
      %swap3A_284 = vector.shape_cast %swap3A_283 : vector<1x16xi32> to vector<16xi32>
      %swap3A_285 = vector.shape_cast %and3A_279 : vector<16xi32> to vector<1x16xi32>
      tpu.vector_store %arg11[%swap3A_281, %swap3A_282], %swap3A_285 {strides = array<i32>} : memref<1x128xi32, #tpu.memory_space<vmem>>, vector<1x16xi32>,
      %shift_right_logical3A_286 = arith.constant 14 : i32
      %shift_right_logical3A_287 = vector.broadcast %shift_right_logical3A_286 : i32 to vector<16xi32>
      %shift_right_logical3A_288 = arith.shrui %get3A_276, %shift_right_logical3A_287 : vector<16xi32>
      %swap3A_289 = arith.constant 0 : i32
      %swap3A_290 = arith.index_cast %swap3A_289 : i32 to index
      %swap3A_291 = arith.constant 48 : index
      %swap3A_292 = tpu.vector_load %arg12[%swap3A_290, %swap3A_291] {strides = array<i32>} : memref<1x128xi32, #tpu.memory_space<vmem>>, vector<1x16xi32>,
      %swap3A_293 = vector.shape_cast %swap3A_292 : vector<1x16xi32> to vector<16xi32>
      %swap3A_294 = vector.shape_cast %shift_right_logical3A_288 : vector<16xi32> to vector<1x16xi32>
      tpu.vector_store %arg12[%swap3A_290, %swap3A_291], %swap3A_294 {strides = array<i32>} : memref<1x128xi32, #tpu.memory_space<vmem>>, vector<1x16xi32>,
      %get3A_295 = arith.index_cast %add3A_206 : i32 to index
      %get3A_296 = arith.constant 64 : index
      %get3A_297 = tpu.vector_load %arg8[%get3A_295, %get3A_296] {strides = array<i32>} : memref<82x128xi32, #tpu.memory_space<vmem>>, vector<1x16xi32>,
      %get3A_298 = vector.shape_cast %get3A_297 : vector<1x16xi32> to vector<16xi32>
      %and3A_299 = arith.constant 16383 : i32
      %and3A_300 = vector.broadcast %and3A_299 : i32 to vector<16xi32>
      %and3A_301 = arith.andi %get3A_298, %and3A_300 : vector<16xi32>
      %swap3A_302 = arith.constant 0 : i32
      %swap3A_303 = arith.index_cast %swap3A_302 : i32 to index
      %swap3A_304 = arith.constant 64 : index
      %swap3A_305 = tpu.vector_load %arg11[%swap3A_303, %swap3A_304] {strides = array<i32>} : memref<1x128xi32, #tpu.memory_space<vmem>>, vector<1x16xi32>,
      %swap3A_306 = vector.shape_cast %swap3A_305 : vector<1x16xi32> to vector<16xi32>
      %swap3A_307 = vector.shape_cast %and3A_301 : vector<16xi32> to vector<1x16xi32>
      tpu.vector_store %arg11[%swap3A_303, %swap3A_304], %swap3A_307 {strides = array<i32>} : memref<1x128xi32, #tpu.memory_space<vmem>>, vector<1x16xi32>,
      %shift_right_logical3A_308 = arith.constant 14 : i32
      %shift_right_logical3A_309 = vector.broadcast %shift_right_logical3A_308 : i32 to vector<16xi32>
      %shift_right_logical3A_310 = arith.shrui %get3A_298, %shift_right_logical3A_309 : vector<16xi32>
      %swap3A_311 = arith.constant 0 : i32
      %swap3A_312 = arith.index_cast %swap3A_311 : i32 to index
      %swap3A_313 = arith.constant 64 : index
      %swap3A_314 = tpu.vector_load %arg12[%swap3A_312, %swap3A_313] {strides = array<i32>} : memref<1x128xi32, #tpu.memory_space<vmem>>, vector<1x16xi32>,
      %swap3A_315 = vector.shape_cast %swap3A_314 : vector<1x16xi32> to vector<16xi32>
      %swap3A_316 = vector.shape_cast %shift_right_logical3A_310 : vector<16xi32> to vector<1x16xi32>
      tpu.vector_store %arg12[%swap3A_312, %swap3A_313], %swap3A_316 {strides = array<i32>} : memref<1x128xi32, #tpu.memory_space<vmem>>, vector<1x16xi32>,
      %get3A_317 = arith.index_cast %add3A_206 : i32 to index
      %get3A_318 = arith.constant 80 : index
      %get3A_319 = tpu.vector_load %arg8[%get3A_317, %get3A_318] {strides = array<i32>} : memref<82x128xi32, #tpu.memory_space<vmem>>, vector<1x16xi32>,
      %get3A_320 = vector.shape_cast %get3A_319 : vector<1x16xi32> to vector<16xi32>
      %and3A_321 = arith.constant 16383 : i32
      %and3A_322 = vector.broadcast %and3A_321 : i32 to vector<16xi32>
      %and3A_323 = arith.andi %get3A_320, %and3A_322 : vector<16xi32>
      %swap3A_324 = arith.constant 0 : i32
      %swap3A_325 = arith.index_cast %swap3A_324 : i32 to index
      %swap3A_326 = arith.constant 80 : index
      %swap3A_327 = tpu.vector_load %arg11[%swap3A_325, %swap3A_326] {strides = array<i32>} : memref<1x128xi32, #tpu.memory_space<vmem>>, vector<1x16xi32>,
      %swap3A_328 = vector.shape_cast %swap3A_327 : vector<1x16xi32> to vector<16xi32>
      %swap3A_329 = vector.shape_cast %and3A_323 : vector<16xi32> to vector<1x16xi32>
      tpu.vector_store %arg11[%swap3A_325, %swap3A_326], %swap3A_329 {strides = array<i32>} : memref<1x128xi32, #tpu.memory_space<vmem>>, vector<1x16xi32>,
      %shift_right_logical3A_330 = arith.constant 14 : i32
      %shift_right_logical3A_331 = vector.broadcast %shift_right_logical3A_330 : i32 to vector<16xi32>
      %shift_right_logical3A_332 = arith.shrui %get3A_320, %shift_right_logical3A_331 : vector<16xi32>
      %swap3A_333 = arith.constant 0 : i32
      %swap3A_334 = arith.index_cast %swap3A_333 : i32 to index
      %swap3A_335 = arith.constant 80 : index
      %swap3A_336 = tpu.vector_load %arg12[%swap3A_334, %swap3A_335] {strides = array<i32>} : memref<1x128xi32, #tpu.memory_space<vmem>>, vector<1x16xi32>,
      %swap3A_337 = vector.shape_cast %swap3A_336 : vector<1x16xi32> to vector<16xi32>
      %swap3A_338 = vector.shape_cast %shift_right_logical3A_332 : vector<16xi32> to vector<1x16xi32>
      tpu.vector_store %arg12[%swap3A_334, %swap3A_335], %swap3A_338 {strides = array<i32>} : memref<1x128xi32, #tpu.memory_space<vmem>>, vector<1x16xi32>,
      %get3A_339 = arith.index_cast %add3A_206 : i32 to index
      %get3A_340 = arith.constant 96 : index
      %get3A_341 = tpu.vector_load %arg8[%get3A_339, %get3A_340] {strides = array<i32>} : memref<82x128xi32, #tpu.memory_space<vmem>>, vector<1x16xi32>,
      %get3A_342 = vector.shape_cast %get3A_341 : vector<1x16xi32> to vector<16xi32>
      %and3A_343 = arith.constant 16383 : i32
      %and3A_344 = vector.broadcast %and3A_343 : i32 to vector<16xi32>
      %and3A_345 = arith.andi %get3A_342, %and3A_344 : vector<16xi32>
      %swap3A_346 = arith.constant 0 : i32
      %swap3A_347 = arith.index_cast %swap3A_346 : i32 to index
      %swap3A_348 = arith.constant 96 : index
      %swap3A_349 = tpu.vector_load %arg11[%swap3A_347, %swap3A_348] {strides = array<i32>} : memref<1x128xi32, #tpu.memory_space<vmem>>, vector<1x16xi32>,
      %swap3A_350 = vector.shape_cast %swap3A_349 : vector<1x16xi32> to vector<16xi32>
      %swap3A_351 = vector.shape_cast %and3A_345 : vector<16xi32> to vector<1x16xi32>
      tpu.vector_store %arg11[%swap3A_347, %swap3A_348], %swap3A_351 {strides = array<i32>} : memref<1x128xi32, #tpu.memory_space<vmem>>, vector<1x16xi32>,
      %shift_right_logical3A_352 = arith.constant 14 : i32
      %shift_right_logical3A_353 = vector.broadcast %shift_right_logical3A_352 : i32 to vector<16xi32>
      %shift_right_logical3A_354 = arith.shrui %get3A_342, %shift_right_logical3A_353 : vector<16xi32>
      %swap3A_355 = arith.constant 0 : i32
      %swap3A_356 = arith.index_cast %swap3A_355 : i32 to index
      %swap3A_357 = arith.constant 96 : index
      %swap3A_358 = tpu.vector_load %arg12[%swap3A_356, %swap3A_357] {strides = array<i32>} : memref<1x128xi32, #tpu.memory_space<vmem>>, vector<1x16xi32>,
      %swap3A_359 = vector.shape_cast %swap3A_358 : vector<1x16xi32> to vector<16xi32>
      %swap3A_360 = vector.shape_cast %shift_right_logical3A_354 : vector<16xi32> to vector<1x16xi32>
      tpu.vector_store %arg12[%swap3A_356, %swap3A_357], %swap3A_360 {strides = array<i32>} : memref<1x128xi32, #tpu.memory_space<vmem>>, vector<1x16xi32>,
      %get3A_361 = arith.index_cast %add3A_206 : i32 to index
      %get3A_362 = arith.constant 112 : index
      %get3A_363 = tpu.vector_load %arg8[%get3A_361, %get3A_362] {strides = array<i32>} : memref<82x128xi32, #tpu.memory_space<vmem>>, vector<1x16xi32>,
      %get3A_364 = vector.shape_cast %get3A_363 : vector<1x16xi32> to vector<16xi32>
      %and3A_365 = arith.constant 16383 : i32
      %and3A_366 = vector.broadcast %and3A_365 : i32 to vector<16xi32>
      %and3A_367 = arith.andi %get3A_364, %and3A_366 : vector<16xi32>
      %swap3A_368 = arith.constant 0 : i32
      %swap3A_369 = arith.index_cast %swap3A_368 : i32 to index
      %swap3A_370 = arith.constant 112 : index
      %swap3A_371 = tpu.vector_load %arg11[%swap3A_369, %swap3A_370] {strides = array<i32>} : memref<1x128xi32, #tpu.memory_space<vmem>>, vector<1x16xi32>,
      %swap3A_372 = vector.shape_cast %swap3A_371 : vector<1x16xi32> to vector<16xi32>
      %swap3A_373 = vector.shape_cast %and3A_367 : vector<16xi32> to vector<1x16xi32>
      tpu.vector_store %arg11[%swap3A_369, %swap3A_370], %swap3A_373 {strides = array<i32>} : memref<1x128xi32, #tpu.memory_space<vmem>>, vector<1x16xi32>,
      %shift_right_logical3A_374 = arith.constant 14 : i32
      %shift_right_logical3A_375 = vector.broadcast %shift_right_logical3A_374 : i32 to vector<16xi32>
      %shift_right_logical3A_376 = arith.shrui %get3A_364, %shift_right_logical3A_375 : vector<16xi32>
      %swap3A_377 = arith.constant 0 : i32
      %swap3A_378 = arith.index_cast %swap3A_377 : i32 to index
      %swap3A_379 = arith.constant 112 : index
      %swap3A_380 = tpu.vector_load %arg12[%swap3A_378, %swap3A_379] {strides = array<i32>} : memref<1x128xi32, #tpu.memory_space<vmem>>, vector<1x16xi32>,
      %swap3A_381 = vector.shape_cast %swap3A_380 : vector<1x16xi32> to vector<16xi32>
      %swap3A_382 = vector.shape_cast %shift_right_logical3A_376 : vector<16xi32> to vector<1x16xi32>
      tpu.vector_store %arg12[%swap3A_378, %swap3A_379], %swap3A_382 {strides = array<i32>} : memref<1x128xi32, #tpu.memory_space<vmem>>, vector<1x16xi32>,
      %dma_start3A_383 = arith.constant 0 : i32
      %dma_start3A_384 = arith.constant 0 : i32
      %dma_start3A_385 = tpu.memref_slice %arg11[%dma_start3A_383, %dma_start3A_384] : memref<1x128xi32, #tpu.memory_space<vmem>> -> memref<1x128xi32, #tpu.memory_space<vmem>>
      %dma_start3A_386 = tpu.memref_squeeze %dma_start3A_385 : memref<1x128xi32, #tpu.memory_space<vmem>> -> memref<128xi32, #tpu.memory_space<vmem>>
      %dma_start3A_387 = arith.constant 0 : i32
      %dma_start3A_388 = arith.constant 0 : i32
      %dma_start3A_389 = tpu.memref_slice %arg3[%dma_start3A_387, %dma_start3A_388] : memref<10112x128xf32, #tpu.memory_space<hbm>> -> memref<10112x128xf32, #tpu.memory_space<hbm>>
      tpu.enqueue_indirect_dma source(%dma_start3A_389 : memref<10112x128xf32, #tpu.memory_space<hbm>>) target(%arg17 : memref<128x128xf32, #tpu.memory_space<vmem>>) offsets(%dma_start3A_386 : memref<128xi32, #tpu.memory_space<vmem>>) semaphore(%arg21 : memref<!tpu.dma_semaphore, #tpu.memory_space<semaphore_mem>>)
      %dma_start3A_390 = arith.constant 0 : i32
      %dma_start3A_391 = arith.constant 0 : i32
      %dma_start3A_392 = tpu.memref_slice %arg12[%dma_start3A_390, %dma_start3A_391] : memref<1x128xi32, #tpu.memory_space<vmem>> -> memref<1x128xi32, #tpu.memory_space<vmem>>
      %dma_start3A_393 = tpu.memref_squeeze %dma_start3A_392 : memref<1x128xi32, #tpu.memory_space<vmem>> -> memref<128xi32, #tpu.memory_space<vmem>>
      %dma_start3A_394 = arith.constant 0 : i32
      %dma_start3A_395 = arith.constant 0 : i32
      %dma_start3A_396 = tpu.memref_slice %arg5[%dma_start3A_394, %dma_start3A_395] : memref<10112x16xf32, #tpu.memory_space<hbm>> -> memref<10112x16xf32, #tpu.memory_space<hbm>>
      tpu.enqueue_indirect_dma source(%dma_start3A_396 : memref<10112x16xf32, #tpu.memory_space<hbm>>) target(%arg16 : memref<128x16xf32, #tpu.memory_space<vmem>>) offsets(%dma_start3A_393 : memref<128xi32, #tpu.memory_space<vmem>>) semaphore(%arg22 : memref<!tpu.dma_semaphore, #tpu.memory_space<semaphore_mem>>)
      "tpu.region"() ({
        %run_scoped3A_436 = tpu.sem_alloc : memref<!tpu.dma_semaphore, #tpu.memory_space<semaphore_mem>>
        %dma_start3A_437 = arith.constant 0 : i32
        %dma_start3A_438 = arith.constant 0 : i32
        %dma_start3A_439 = tpu.memref_slice %arg4[%add3A, %mul3A_204, %dma_start3A_437, %dma_start3A_438] : memref<32x82x128x16xf32, #tpu.memory_space<hbm>> -> memref<1x1x128x16xf32, #tpu.memory_space<hbm>>
        %dma_start3A_440 = tpu.memref_squeeze %dma_start3A_439 : memref<1x1x128x16xf32, #tpu.memory_space<hbm>> -> memref<128x16xf32, #tpu.memory_space<hbm>>
        %dma_start3A_441 = arith.constant 0 : i32
        %dma_start3A_442 = arith.constant 0 : i32
        %dma_start3A_443 = tpu.memref_slice %arg4[%add3A, %mul3A_204, %dma_start3A_441, %dma_start3A_442] : memref<32x82x128x16xf32, #tpu.memory_space<hbm>> -> memref<1x1x128x16xf32, #tpu.memory_space<hbm>>
        %dma_start3A_444 = tpu.memref_squeeze %dma_start3A_443 : memref<1x1x128x16xf32, #tpu.memory_space<hbm>> -> memref<128x16xf32, #tpu.memory_space<hbm>>
        tpu.enqueue_dma source(%dma_start3A_444 : memref<128x16xf32, #tpu.memory_space<hbm>>) target(%arg13 : memref<128x16xf32, #tpu.memory_space<vmem>>) target_semaphore(%run_scoped3A_436 : memref<!tpu.dma_semaphore, #tpu.memory_space<semaphore_mem>>)
        %dma_wait3A_445 = arith.constant 0 : i32
        %dma_wait3A_446 = arith.constant 0 : i32
        %dma_wait3A_447 = tpu.memref_slice %arg4[%add3A, %mul3A_204, %dma_wait3A_445, %dma_wait3A_446] : memref<32x82x128x16xf32, #tpu.memory_space<hbm>> -> memref<1x1x128x16xf32, #tpu.memory_space<hbm>>
        %dma_wait3A_448 = tpu.memref_squeeze %dma_wait3A_447 : memref<1x1x128x16xf32, #tpu.memory_space<hbm>> -> memref<128x16xf32, #tpu.memory_space<hbm>>
        %dma_wait3A_449 = arith.constant 0 : i32
        %dma_wait3A_450 = arith.constant 0 : i32
        %dma_wait3A_451 = tpu.memref_slice %arg4[%add3A, %mul3A_204, %dma_wait3A_449, %dma_wait3A_450] : memref<32x82x128x16xf32, #tpu.memory_space<hbm>> -> memref<1x1x128x16xf32, #tpu.memory_space<hbm>>
        %dma_wait3A_452 = tpu.memref_squeeze %dma_wait3A_451 : memref<1x1x128x16xf32, #tpu.memory_space<hbm>> -> memref<128x16xf32, #tpu.memory_space<hbm>>
        tpu.wait_dma2 semaphore(%run_scoped3A_436 : memref<!tpu.dma_semaphore, #tpu.memory_space<semaphore_mem>>) src(%dma_wait3A_452 : memref<128x16xf32, #tpu.memory_space<hbm>>) dst(%arg13 : memref<128x16xf32, #tpu.memory_space<vmem>>)
        tpu.yield
      }) : () -> ()
      %dma_wait3A = arith.constant 0 : i32
      %dma_wait3A_397 = arith.constant 0 : i32
      %dma_wait3A_398 = tpu.memref_slice %arg10[%dma_wait3A, %dma_wait3A_397] : memref<1x128xi32, #tpu.memory_space<vmem>> -> memref<1x128xi32, #tpu.memory_space<vmem>>
      %dma_wait3A_399 = tpu.memref_squeeze %dma_wait3A_398 : memref<1x128xi32, #tpu.memory_space<vmem>> -> memref<128xi32, #tpu.memory_space<vmem>>
      %dma_wait3A_400 = arith.constant 0 : i32
      %dma_wait3A_401 = arith.constant 0 : i32
      %dma_wait3A_402 = tpu.memref_slice %arg5[%dma_wait3A_400, %dma_wait3A_401] : memref<10112x16xf32, #tpu.memory_space<hbm>> -> memref<10112x16xf32, #tpu.memory_space<hbm>>
      tpu.wait_indirect_dma semaphore(%arg20 : memref<!tpu.dma_semaphore, #tpu.memory_space<semaphore_mem>>) src(%dma_wait3A_402 : memref<10112x16xf32, #tpu.memory_space<hbm>>) dst(%arg14 : memref<128x16xf32, #tpu.memory_space<vmem>>)
      %dma_wait3A_403 = arith.constant 0 : i32
      %dma_wait3A_404 = arith.constant 0 : i32
      %dma_wait3A_405 = tpu.memref_slice %arg9[%dma_wait3A_403, %dma_wait3A_404] : memref<1x128xi32, #tpu.memory_space<vmem>> -> memref<1x128xi32, #tpu.memory_space<vmem>>
      %dma_wait3A_406 = tpu.memref_squeeze %dma_wait3A_405 : memref<1x128xi32, #tpu.memory_space<vmem>> -> memref<128xi32, #tpu.memory_space<vmem>>
      %dma_wait3A_407 = arith.constant 0 : i32
      %dma_wait3A_408 = arith.constant 0 : i32
      %dma_wait3A_409 = tpu.memref_slice %arg3[%dma_wait3A_407, %dma_wait3A_408] : memref<10112x128xf32, #tpu.memory_space<hbm>> -> memref<10112x128xf32, #tpu.memory_space<hbm>>
      tpu.wait_indirect_dma semaphore(%arg19 : memref<!tpu.dma_semaphore, #tpu.memory_space<semaphore_mem>>) src(%dma_wait3A_409 : memref<10112x128xf32, #tpu.memory_space<hbm>>) dst(%arg15 : memref<128x128xf32, #tpu.memory_space<vmem>>)
      %parallel_loop3A = arith.constant 0 : i32
      %parallel_loop3A_410 = arith.constant 128 : i32
      %parallel_loop3A_411 = arith.constant 1 : i32
      scf.for %parallel_loop3A_436 = %parallel_loop3A to %parallel_loop3A_410 step %parallel_loop3A_411  : i32 {
        %parallel_loop3A_437 = arith.index_cast %parallel_loop3A_436 : i32 to index
        %parallel_loop3A_438 = arith.constant 0 : index
        %parallel_loop3A_439 = tpu.vector_load %arg13[%parallel_loop3A_437, %parallel_loop3A_438] {strides = array<i32>} : memref<128x16xf32, #tpu.memory_space<vmem>>, vector<1x16xf32>,
        %parallel_loop3A_440 = vector.shape_cast %parallel_loop3A_439 : vector<1x16xf32> to vector<16xf32>
        %parallel_loop3A_441 = arith.index_cast %parallel_loop3A_436 : i32 to index
        %parallel_loop3A_442 = arith.constant 0 : index
        %parallel_loop3A_443 = tpu.vector_load %arg14[%parallel_loop3A_441, %parallel_loop3A_442] {strides = array<i32>} : memref<128x16xf32, #tpu.memory_space<vmem>>, vector<1x16xf32>,
        %parallel_loop3A_444 = vector.shape_cast %parallel_loop3A_443 : vector<1x16xf32> to vector<16xf32>
        %parallel_loop3A_445 = arith.mulf %parallel_loop3A_440, %parallel_loop3A_444 : vector<16xf32>
        %parallel_loop3A_446 = arith.constant 0 : i32
        %parallel_loop3A_447 = vector.broadcast %parallel_loop3A_446 : i32 to vector<16x1xi32>
        %parallel_loop3A_448 = vector.shape_cast %parallel_loop3A_447 : vector<16x1xi32> to vector<16xi32>
        %parallel_loop3A_449 = tpu.dynamic_gather %parallel_loop3A_445[%parallel_loop3A_448] in [0] : vector<16xf32>, vector<16xi32> -> vector<16xf32>
        %parallel_loop3A_450 = arith.index_cast %parallel_loop3A_436 : i32 to index
        %parallel_loop3A_451 = arith.constant 0 : index
        %parallel_loop3A_452 = tpu.vector_load %arg15[%parallel_loop3A_450, %parallel_loop3A_451] {strides = array<i32>} : memref<128x128xf32, #tpu.memory_space<vmem>>, vector<1x16xf32>,
        %parallel_loop3A_453 = vector.shape_cast %parallel_loop3A_452 : vector<1x16xf32> to vector<16xf32>
        %parallel_loop3A_454 = arith.mulf %parallel_loop3A_453, %parallel_loop3A_449 : vector<16xf32>
        %parallel_loop3A_455 = arith.index_cast %parallel_loop3A_436 : i32 to index
        %parallel_loop3A_456 = arith.constant 0 : index
        %parallel_loop3A_457 = tpu.vector_load %arg15[%parallel_loop3A_455, %parallel_loop3A_456] {strides = array<i32>} : memref<128x128xf32, #tpu.memory_space<vmem>>, vector<1x16xf32>,
        %parallel_loop3A_458 = vector.shape_cast %parallel_loop3A_457 : vector<1x16xf32> to vector<16xf32>
        %parallel_loop3A_459 = vector.shape_cast %parallel_loop3A_454 : vector<16xf32> to vector<1x16xf32>
        tpu.vector_store %arg15[%parallel_loop3A_455, %parallel_loop3A_456], %parallel_loop3A_459 {strides = array<i32>} : memref<128x128xf32, #tpu.memory_space<vmem>>, vector<1x16xf32>,
        %parallel_loop3A_460 = arith.constant 1 : i32
        %parallel_loop3A_461 = vector.broadcast %parallel_loop3A_460 : i32 to vector<16x1xi32>
        %parallel_loop3A_462 = vector.shape_cast %parallel_loop3A_461 : vector<16x1xi32> to vector<16xi32>
        %parallel_loop3A_463 = tpu.dynamic_gather %parallel_loop3A_445[%parallel_loop3A_462] in [0] : vector<16xf32>, vector<16xi32> -> vector<16xf32>
        %parallel_loop3A_464 = arith.index_cast %parallel_loop3A_436 : i32 to index
        %parallel_loop3A_465 = arith.constant 16 : index
        %parallel_loop3A_466 = tpu.vector_load %arg15[%parallel_loop3A_464, %parallel_loop3A_465] {strides = array<i32>} : memref<128x128xf32, #tpu.memory_space<vmem>>, vector<1x16xf32>,
        %parallel_loop3A_467 = vector.shape_cast %parallel_loop3A_466 : vector<1x16xf32> to vector<16xf32>
        %parallel_loop3A_468 = arith.mulf %parallel_loop3A_467, %parallel_loop3A_463 : vector<16xf32>
        %parallel_loop3A_469 = arith.index_cast %parallel_loop3A_436 : i32 to index
        %parallel_loop3A_470 = arith.constant 16 : index
        %parallel_loop3A_471 = tpu.vector_load %arg15[%parallel_loop3A_469, %parallel_loop3A_470] {strides = array<i32>} : memref<128x128xf32, #tpu.memory_space<vmem>>, vector<1x16xf32>,
        %parallel_loop3A_472 = vector.shape_cast %parallel_loop3A_471 : vector<1x16xf32> to vector<16xf32>
        %parallel_loop3A_473 = vector.shape_cast %parallel_loop3A_468 : vector<16xf32> to vector<1x16xf32>
        tpu.vector_store %arg15[%parallel_loop3A_469, %parallel_loop3A_470], %parallel_loop3A_473 {strides = array<i32>} : memref<128x128xf32, #tpu.memory_space<vmem>>, vector<1x16xf32>,
        %parallel_loop3A_474 = arith.constant 2 : i32
        %parallel_loop3A_475 = vector.broadcast %parallel_loop3A_474 : i32 to vector<16x1xi32>
        %parallel_loop3A_476 = vector.shape_cast %parallel_loop3A_475 : vector<16x1xi32> to vector<16xi32>
        %parallel_loop3A_477 = tpu.dynamic_gather %parallel_loop3A_445[%parallel_loop3A_476] in [0] : vector<16xf32>, vector<16xi32> -> vector<16xf32>
        %parallel_loop3A_478 = arith.index_cast %parallel_loop3A_436 : i32 to index
        %parallel_loop3A_479 = arith.constant 32 : index
        %parallel_loop3A_480 = tpu.vector_load %arg15[%parallel_loop3A_478, %parallel_loop3A_479] {strides = array<i32>} : memref<128x128xf32, #tpu.memory_space<vmem>>, vector<1x16xf32>,
        %parallel_loop3A_481 = vector.shape_cast %parallel_loop3A_480 : vector<1x16xf32> to vector<16xf32>
        %parallel_loop3A_482 = arith.mulf %parallel_loop3A_481, %parallel_loop3A_477 : vector<16xf32>
        %parallel_loop3A_483 = arith.index_cast %parallel_loop3A_436 : i32 to index
        %parallel_loop3A_484 = arith.constant 32 : index
        %parallel_loop3A_485 = tpu.vector_load %arg15[%parallel_loop3A_483, %parallel_loop3A_484] {strides = array<i32>} : memref<128x128xf32, #tpu.memory_space<vmem>>, vector<1x16xf32>,
        %parallel_loop3A_486 = vector.shape_cast %parallel_loop3A_485 : vector<1x16xf32> to vector<16xf32>
        %parallel_loop3A_487 = vector.shape_cast %parallel_loop3A_482 : vector<16xf32> to vector<1x16xf32>
        tpu.vector_store %arg15[%parallel_loop3A_483, %parallel_loop3A_484], %parallel_loop3A_487 {strides = array<i32>} : memref<128x128xf32, #tpu.memory_space<vmem>>, vector<1x16xf32>,
        %parallel_loop3A_488 = arith.constant 3 : i32
        %parallel_loop3A_489 = vector.broadcast %parallel_loop3A_488 : i32 to vector<16x1xi32>
        %parallel_loop3A_490 = vector.shape_cast %parallel_loop3A_489 : vector<16x1xi32> to vector<16xi32>
        %parallel_loop3A_491 = tpu.dynamic_gather %parallel_loop3A_445[%parallel_loop3A_490] in [0] : vector<16xf32>, vector<16xi32> -> vector<16xf32>
        %parallel_loop3A_492 = arith.index_cast %parallel_loop3A_436 : i32 to index
        %parallel_loop3A_493 = arith.constant 48 : index
        %parallel_loop3A_494 = tpu.vector_load %arg15[%parallel_loop3A_492, %parallel_loop3A_493] {strides = array<i32>} : memref<128x128xf32, #tpu.memory_space<vmem>>, vector<1x16xf32>,
        %parallel_loop3A_495 = vector.shape_cast %parallel_loop3A_494 : vector<1x16xf32> to vector<16xf32>
        %parallel_loop3A_496 = arith.mulf %parallel_loop3A_495, %parallel_loop3A_491 : vector<16xf32>
        %parallel_loop3A_497 = arith.index_cast %parallel_loop3A_436 : i32 to index
        %parallel_loop3A_498 = arith.constant 48 : index
        %parallel_loop3A_499 = tpu.vector_load %arg15[%parallel_loop3A_497, %parallel_loop3A_498] {strides = array<i32>} : memref<128x128xf32, #tpu.memory_space<vmem>>, vector<1x16xf32>,
        %parallel_loop3A_500 = vector.shape_cast %parallel_loop3A_499 : vector<1x16xf32> to vector<16xf32>
        %parallel_loop3A_501 = vector.shape_cast %parallel_loop3A_496 : vector<16xf32> to vector<1x16xf32>
        tpu.vector_store %arg15[%parallel_loop3A_497, %parallel_loop3A_498], %parallel_loop3A_501 {strides = array<i32>} : memref<128x128xf32, #tpu.memory_space<vmem>>, vector<1x16xf32>,
        %parallel_loop3A_502 = arith.constant 4 : i32
        %parallel_loop3A_503 = vector.broadcast %parallel_loop3A_502 : i32 to vector<16x1xi32>
        %parallel_loop3A_504 = vector.shape_cast %parallel_loop3A_503 : vector<16x1xi32> to vector<16xi32>
        %parallel_loop3A_505 = tpu.dynamic_gather %parallel_loop3A_445[%parallel_loop3A_504] in [0] : vector<16xf32>, vector<16xi32> -> vector<16xf32>
        %parallel_loop3A_506 = arith.index_cast %parallel_loop3A_436 : i32 to index
        %parallel_loop3A_507 = arith.constant 64 : index
        %parallel_loop3A_508 = tpu.vector_load %arg15[%parallel_loop3A_506, %parallel_loop3A_507] {strides = array<i32>} : memref<128x128xf32, #tpu.memory_space<vmem>>, vector<1x16xf32>,
        %parallel_loop3A_509 = vector.shape_cast %parallel_loop3A_508 : vector<1x16xf32> to vector<16xf32>
        %parallel_loop3A_510 = arith.mulf %parallel_loop3A_509, %parallel_loop3A_505 : vector<16xf32>
        %parallel_loop3A_511 = arith.index_cast %parallel_loop3A_436 : i32 to index
        %parallel_loop3A_512 = arith.constant 64 : index
        %parallel_loop3A_513 = tpu.vector_load %arg15[%parallel_loop3A_511, %parallel_loop3A_512] {strides = array<i32>} : memref<128x128xf32, #tpu.memory_space<vmem>>, vector<1x16xf32>,
        %parallel_loop3A_514 = vector.shape_cast %parallel_loop3A_513 : vector<1x16xf32> to vector<16xf32>
        %parallel_loop3A_515 = vector.shape_cast %parallel_loop3A_510 : vector<16xf32> to vector<1x16xf32>
        tpu.vector_store %arg15[%parallel_loop3A_511, %parallel_loop3A_512], %parallel_loop3A_515 {strides = array<i32>} : memref<128x128xf32, #tpu.memory_space<vmem>>, vector<1x16xf32>,
        %parallel_loop3A_516 = arith.constant 5 : i32
        %parallel_loop3A_517 = vector.broadcast %parallel_loop3A_516 : i32 to vector<16x1xi32>
        %parallel_loop3A_518 = vector.shape_cast %parallel_loop3A_517 : vector<16x1xi32> to vector<16xi32>
        %parallel_loop3A_519 = tpu.dynamic_gather %parallel_loop3A_445[%parallel_loop3A_518] in [0] : vector<16xf32>, vector<16xi32> -> vector<16xf32>
        %parallel_loop3A_520 = arith.index_cast %parallel_loop3A_436 : i32 to index
        %parallel_loop3A_521 = arith.constant 80 : index
        %parallel_loop3A_522 = tpu.vector_load %arg15[%parallel_loop3A_520, %parallel_loop3A_521] {strides = array<i32>} : memref<128x128xf32, #tpu.memory_space<vmem>>, vector<1x16xf32>,
        %parallel_loop3A_523 = vector.shape_cast %parallel_loop3A_522 : vector<1x16xf32> to vector<16xf32>
        %parallel_loop3A_524 = arith.mulf %parallel_loop3A_523, %parallel_loop3A_519 : vector<16xf32>
        %parallel_loop3A_525 = arith.index_cast %parallel_loop3A_436 : i32 to index
        %parallel_loop3A_526 = arith.constant 80 : index
        %parallel_loop3A_527 = tpu.vector_load %arg15[%parallel_loop3A_525, %parallel_loop3A_526] {strides = array<i32>} : memref<128x128xf32, #tpu.memory_space<vmem>>, vector<1x16xf32>,
        %parallel_loop3A_528 = vector.shape_cast %parallel_loop3A_527 : vector<1x16xf32> to vector<16xf32>
        %parallel_loop3A_529 = vector.shape_cast %parallel_loop3A_524 : vector<16xf32> to vector<1x16xf32>
        tpu.vector_store %arg15[%parallel_loop3A_525, %parallel_loop3A_526], %parallel_loop3A_529 {strides = array<i32>} : memref<128x128xf32, #tpu.memory_space<vmem>>, vector<1x16xf32>,
        %parallel_loop3A_530 = arith.constant 6 : i32
        %parallel_loop3A_531 = vector.broadcast %parallel_loop3A_530 : i32 to vector<16x1xi32>
        %parallel_loop3A_532 = vector.shape_cast %parallel_loop3A_531 : vector<16x1xi32> to vector<16xi32>
        %parallel_loop3A_533 = tpu.dynamic_gather %parallel_loop3A_445[%parallel_loop3A_532] in [0] : vector<16xf32>, vector<16xi32> -> vector<16xf32>
        %parallel_loop3A_534 = arith.index_cast %parallel_loop3A_436 : i32 to index
        %parallel_loop3A_535 = arith.constant 96 : index
        %parallel_loop3A_536 = tpu.vector_load %arg15[%parallel_loop3A_534, %parallel_loop3A_535] {strides = array<i32>} : memref<128x128xf32, #tpu.memory_space<vmem>>, vector<1x16xf32>,
        %parallel_loop3A_537 = vector.shape_cast %parallel_loop3A_536 : vector<1x16xf32> to vector<16xf32>
        %parallel_loop3A_538 = arith.mulf %parallel_loop3A_537, %parallel_loop3A_533 : vector<16xf32>
        %parallel_loop3A_539 = arith.index_cast %parallel_loop3A_436 : i32 to index
        %parallel_loop3A_540 = arith.constant 96 : index
        %parallel_loop3A_541 = tpu.vector_load %arg15[%parallel_loop3A_539, %parallel_loop3A_540] {strides = array<i32>} : memref<128x128xf32, #tpu.memory_space<vmem>>, vector<1x16xf32>,
        %parallel_loop3A_542 = vector.shape_cast %parallel_loop3A_541 : vector<1x16xf32> to vector<16xf32>
        %parallel_loop3A_543 = vector.shape_cast %parallel_loop3A_538 : vector<16xf32> to vector<1x16xf32>
        tpu.vector_store %arg15[%parallel_loop3A_539, %parallel_loop3A_540], %parallel_loop3A_543 {strides = array<i32>} : memref<128x128xf32, #tpu.memory_space<vmem>>, vector<1x16xf32>,
        %parallel_loop3A_544 = arith.constant 7 : i32
        %parallel_loop3A_545 = vector.broadcast %parallel_loop3A_544 : i32 to vector<16x1xi32>
        %parallel_loop3A_546 = vector.shape_cast %parallel_loop3A_545 : vector<16x1xi32> to vector<16xi32>
        %parallel_loop3A_547 = tpu.dynamic_gather %parallel_loop3A_445[%parallel_loop3A_546] in [0] : vector<16xf32>, vector<16xi32> -> vector<16xf32>
        %parallel_loop3A_548 = arith.index_cast %parallel_loop3A_436 : i32 to index
        %parallel_loop3A_549 = arith.constant 112 : index
        %parallel_loop3A_550 = tpu.vector_load %arg15[%parallel_loop3A_548, %parallel_loop3A_549] {strides = array<i32>} : memref<128x128xf32, #tpu.memory_space<vmem>>, vector<1x16xf32>,
        %parallel_loop3A_551 = vector.shape_cast %parallel_loop3A_550 : vector<1x16xf32> to vector<16xf32>
        %parallel_loop3A_552 = arith.mulf %parallel_loop3A_551, %parallel_loop3A_547 : vector<16xf32>
        %parallel_loop3A_553 = arith.index_cast %parallel_loop3A_436 : i32 to index
        %parallel_loop3A_554 = arith.constant 112 : index
        %parallel_loop3A_555 = tpu.vector_load %arg15[%parallel_loop3A_553, %parallel_loop3A_554] {strides = array<i32>} : memref<128x128xf32, #tpu.memory_space<vmem>>, vector<1x16xf32>,
        %parallel_loop3A_556 = vector.shape_cast %parallel_loop3A_555 : vector<1x16xf32> to vector<16xf32>
        %parallel_loop3A_557 = vector.shape_cast %parallel_loop3A_552 : vector<16xf32> to vector<1x16xf32>
        tpu.vector_store %arg15[%parallel_loop3A_553, %parallel_loop3A_554], %parallel_loop3A_557 {strides = array<i32>} : memref<128x128xf32, #tpu.memory_space<vmem>>, vector<1x16xf32>,
      } {sc.loop_unroll_factor = 4 : i64, sc.parallel_access}
      %run_scoped3A = arith.constant 0 : i32
      "tpu.region"() ({
        %run_scoped3A_436 = tpu.sem_alloc : memref<!tpu.dma_semaphore, #tpu.memory_space<semaphore_mem>>
        %dma_start3A_437 = arith.constant 0 : i32
        %dma_start3A_438 = tpu.memref_slice %arg10[%run_scoped3A, %dma_start3A_437] : memref<1x128xi32, #tpu.memory_space<vmem>> -> memref<1x128xi32, #tpu.memory_space<vmem>>
        %dma_start3A_439 = tpu.memref_squeeze %dma_start3A_438 : memref<1x128xi32, #tpu.memory_space<vmem>> -> memref<128xi32, #tpu.memory_space<vmem>>
        %dma_start3A_440 = arith.constant 0 : i32
        %dma_start3A_441 = arith.constant 0 : i32
        %dma_start3A_442 = tpu.memref_slice %arg18[%dma_start3A_440, %dma_start3A_441] : memref<10112x128xf32, #tpu.memory_space<vmem_shared>> -> memref<10112x128xf32, #tpu.memory_space<vmem_shared>>
        tpu.enqueue_indirect_dma source(%arg15 : memref<128x128xf32, #tpu.memory_space<vmem>>) target(%dma_start3A_442 : memref<10112x128xf32, #tpu.memory_space<vmem_shared>>) offsets(%dma_start3A_439 : memref<128xi32, #tpu.memory_space<vmem>>) semaphore(%run_scoped3A_436 : memref<!tpu.dma_semaphore, #tpu.memory_space<semaphore_mem>>) {add = true}
        %dma_wait3A_443 = arith.constant 0 : i32
        %dma_wait3A_444 = tpu.memref_slice %arg10[%run_scoped3A, %dma_wait3A_443] : memref<1x128xi32, #tpu.memory_space<vmem>> -> memref<1x128xi32, #tpu.memory_space<vmem>>
        %dma_wait3A_445 = tpu.memref_squeeze %dma_wait3A_444 : memref<1x128xi32, #tpu.memory_space<vmem>> -> memref<128xi32, #tpu.memory_space<vmem>>
        %dma_wait3A_446 = arith.constant 0 : i32
        %dma_wait3A_447 = arith.constant 0 : i32
        %dma_wait3A_448 = tpu.memref_slice %arg18[%dma_wait3A_446, %dma_wait3A_447] : memref<10112x128xf32, #tpu.memory_space<vmem_shared>> -> memref<10112x128xf32, #tpu.memory_space<vmem_shared>>
        tpu.wait_indirect_dma semaphore(%run_scoped3A_436 : memref<!tpu.dma_semaphore, #tpu.memory_space<semaphore_mem>>) src(%arg15 : memref<128x128xf32, #tpu.memory_space<vmem>>) dst(%dma_wait3A_448 : memref<10112x128xf32, #tpu.memory_space<vmem_shared>>)
        tpu.yield
      }) : () -> ()
      %add3A_412 = arith.constant 2 : i32
      %add3A_413 = arith.addi %mul3A_204, %add3A_412 : i32
      %lt3A = arith.constant 82 : i32
      %lt3A_414 = arith.cmpi slt, %add3A_413, %lt3A : i32
      %convert_element_type3A = arith.extui %lt3A_414 : i1 to i32
      %cond3A = arith.constant 0 : i32
      %cond3A_415 = arith.cmpi ne, %convert_element_type3A, %cond3A : i32
      scf.if %cond3A_415 {
        %add3A_436 = arith.constant 2 : i32
        %add3A_437 = arith.addi %mul3A_204, %add3A_436 : i32
        %get3A_438 = arith.index_cast %add3A_437 : i32 to index
        %get3A_439 = arith.constant 0 : index
        %get3A_440 = tpu.vector_load %arg8[%get3A_438, %get3A_439] {strides = array<i32>} : memref<82x128xi32, #tpu.memory_space<vmem>>, vector<1x16xi32>,
        %get3A_441 = vector.shape_cast %get3A_440 : vector<1x16xi32> to vector<16xi32>
        %and3A_442 = arith.constant 16383 : i32
        %and3A_443 = vector.broadcast %and3A_442 : i32 to vector<16xi32>
        %and3A_444 = arith.andi %get3A_441, %and3A_443 : vector<16xi32>
        %swap3A_445 = arith.constant 0 : i32
        %swap3A_446 = arith.index_cast %swap3A_445 : i32 to index
        %swap3A_447 = arith.constant 0 : index
        %swap3A_448 = tpu.vector_load %arg9[%swap3A_446, %swap3A_447] {strides = array<i32>} : memref<1x128xi32, #tpu.memory_space<vmem>>, vector<1x16xi32>,
        %swap3A_449 = vector.shape_cast %swap3A_448 : vector<1x16xi32> to vector<16xi32>
        %swap3A_450 = vector.shape_cast %and3A_444 : vector<16xi32> to vector<1x16xi32>
        tpu.vector_store %arg9[%swap3A_446, %swap3A_447], %swap3A_450 {strides = array<i32>} : memref<1x128xi32, #tpu.memory_space<vmem>>, vector<1x16xi32>,
        %shift_right_logical3A_451 = arith.constant 14 : i32
        %shift_right_logical3A_452 = vector.broadcast %shift_right_logical3A_451 : i32 to vector<16xi32>
        %shift_right_logical3A_453 = arith.shrui %get3A_441, %shift_right_logical3A_452 : vector<16xi32>
        %swap3A_454 = arith.constant 0 : i32
        %swap3A_455 = arith.index_cast %swap3A_454 : i32 to index
        %swap3A_456 = arith.constant 0 : index
        %swap3A_457 = tpu.vector_load %arg10[%swap3A_455, %swap3A_456] {strides = array<i32>} : memref<1x128xi32, #tpu.memory_space<vmem>>, vector<1x16xi32>,
        %swap3A_458 = vector.shape_cast %swap3A_457 : vector<1x16xi32> to vector<16xi32>
        %swap3A_459 = vector.shape_cast %shift_right_logical3A_453 : vector<16xi32> to vector<1x16xi32>
        tpu.vector_store %arg10[%swap3A_455, %swap3A_456], %swap3A_459 {strides = array<i32>} : memref<1x128xi32, #tpu.memory_space<vmem>>, vector<1x16xi32>,
        %get3A_460 = arith.index_cast %add3A_437 : i32 to index
        %get3A_461 = arith.constant 16 : index
        %get3A_462 = tpu.vector_load %arg8[%get3A_460, %get3A_461] {strides = array<i32>} : memref<82x128xi32, #tpu.memory_space<vmem>>, vector<1x16xi32>,
        %get3A_463 = vector.shape_cast %get3A_462 : vector<1x16xi32> to vector<16xi32>
        %and3A_464 = arith.constant 16383 : i32
        %and3A_465 = vector.broadcast %and3A_464 : i32 to vector<16xi32>
        %and3A_466 = arith.andi %get3A_463, %and3A_465 : vector<16xi32>
        %swap3A_467 = arith.constant 0 : i32
        %swap3A_468 = arith.index_cast %swap3A_467 : i32 to index
        %swap3A_469 = arith.constant 16 : index
        %swap3A_470 = tpu.vector_load %arg9[%swap3A_468, %swap3A_469] {strides = array<i32>} : memref<1x128xi32, #tpu.memory_space<vmem>>, vector<1x16xi32>,
        %swap3A_471 = vector.shape_cast %swap3A_470 : vector<1x16xi32> to vector<16xi32>
        %swap3A_472 = vector.shape_cast %and3A_466 : vector<16xi32> to vector<1x16xi32>
        tpu.vector_store %arg9[%swap3A_468, %swap3A_469], %swap3A_472 {strides = array<i32>} : memref<1x128xi32, #tpu.memory_space<vmem>>, vector<1x16xi32>,
        %shift_right_logical3A_473 = arith.constant 14 : i32
        %shift_right_logical3A_474 = vector.broadcast %shift_right_logical3A_473 : i32 to vector<16xi32>
        %shift_right_logical3A_475 = arith.shrui %get3A_463, %shift_right_logical3A_474 : vector<16xi32>
        %swap3A_476 = arith.constant 0 : i32
        %swap3A_477 = arith.index_cast %swap3A_476 : i32 to index
        %swap3A_478 = arith.constant 16 : index
        %swap3A_479 = tpu.vector_load %arg10[%swap3A_477, %swap3A_478] {strides = array<i32>} : memref<1x128xi32, #tpu.memory_space<vmem>>, vector<1x16xi32>,
        %swap3A_480 = vector.shape_cast %swap3A_479 : vector<1x16xi32> to vector<16xi32>
        %swap3A_481 = vector.shape_cast %shift_right_logical3A_475 : vector<16xi32> to vector<1x16xi32>
        tpu.vector_store %arg10[%swap3A_477, %swap3A_478], %swap3A_481 {strides = array<i32>} : memref<1x128xi32, #tpu.memory_space<vmem>>, vector<1x16xi32>,
        %get3A_482 = arith.index_cast %add3A_437 : i32 to index
        %get3A_483 = arith.constant 32 : index
        %get3A_484 = tpu.vector_load %arg8[%get3A_482, %get3A_483] {strides = array<i32>} : memref<82x128xi32, #tpu.memory_space<vmem>>, vector<1x16xi32>,
        %get3A_485 = vector.shape_cast %get3A_484 : vector<1x16xi32> to vector<16xi32>
        %and3A_486 = arith.constant 16383 : i32
        %and3A_487 = vector.broadcast %and3A_486 : i32 to vector<16xi32>
        %and3A_488 = arith.andi %get3A_485, %and3A_487 : vector<16xi32>
        %swap3A_489 = arith.constant 0 : i32
        %swap3A_490 = arith.index_cast %swap3A_489 : i32 to index
        %swap3A_491 = arith.constant 32 : index
        %swap3A_492 = tpu.vector_load %arg9[%swap3A_490, %swap3A_491] {strides = array<i32>} : memref<1x128xi32, #tpu.memory_space<vmem>>, vector<1x16xi32>,
        %swap3A_493 = vector.shape_cast %swap3A_492 : vector<1x16xi32> to vector<16xi32>
        %swap3A_494 = vector.shape_cast %and3A_488 : vector<16xi32> to vector<1x16xi32>
        tpu.vector_store %arg9[%swap3A_490, %swap3A_491], %swap3A_494 {strides = array<i32>} : memref<1x128xi32, #tpu.memory_space<vmem>>, vector<1x16xi32>,
        %shift_right_logical3A_495 = arith.constant 14 : i32
        %shift_right_logical3A_496 = vector.broadcast %shift_right_logical3A_495 : i32 to vector<16xi32>
        %shift_right_logical3A_497 = arith.shrui %get3A_485, %shift_right_logical3A_496 : vector<16xi32>
        %swap3A_498 = arith.constant 0 : i32
        %swap3A_499 = arith.index_cast %swap3A_498 : i32 to index
        %swap3A_500 = arith.constant 32 : index
        %swap3A_501 = tpu.vector_load %arg10[%swap3A_499, %swap3A_500] {strides = array<i32>} : memref<1x128xi32, #tpu.memory_space<vmem>>, vector<1x16xi32>,
        %swap3A_502 = vector.shape_cast %swap3A_501 : vector<1x16xi32> to vector<16xi32>
        %swap3A_503 = vector.shape_cast %shift_right_logical3A_497 : vector<16xi32> to vector<1x16xi32>
        tpu.vector_store %arg10[%swap3A_499, %swap3A_500], %swap3A_503 {strides = array<i32>} : memref<1x128xi32, #tpu.memory_space<vmem>>, vector<1x16xi32>,
        %get3A_504 = arith.index_cast %add3A_437 : i32 to index
        %get3A_505 = arith.constant 48 : index
        %get3A_506 = tpu.vector_load %arg8[%get3A_504, %get3A_505] {strides = array<i32>} : memref<82x128xi32, #tpu.memory_space<vmem>>, vector<1x16xi32>,
        %get3A_507 = vector.shape_cast %get3A_506 : vector<1x16xi32> to vector<16xi32>
        %and3A_508 = arith.constant 16383 : i32
        %and3A_509 = vector.broadcast %and3A_508 : i32 to vector<16xi32>
        %and3A_510 = arith.andi %get3A_507, %and3A_509 : vector<16xi32>
        %swap3A_511 = arith.constant 0 : i32
        %swap3A_512 = arith.index_cast %swap3A_511 : i32 to index
        %swap3A_513 = arith.constant 48 : index
        %swap3A_514 = tpu.vector_load %arg9[%swap3A_512, %swap3A_513] {strides = array<i32>} : memref<1x128xi32, #tpu.memory_space<vmem>>, vector<1x16xi32>,
        %swap3A_515 = vector.shape_cast %swap3A_514 : vector<1x16xi32> to vector<16xi32>
        %swap3A_516 = vector.shape_cast %and3A_510 : vector<16xi32> to vector<1x16xi32>
        tpu.vector_store %arg9[%swap3A_512, %swap3A_513], %swap3A_516 {strides = array<i32>} : memref<1x128xi32, #tpu.memory_space<vmem>>, vector<1x16xi32>,
        %shift_right_logical3A_517 = arith.constant 14 : i32
        %shift_right_logical3A_518 = vector.broadcast %shift_right_logical3A_517 : i32 to vector<16xi32>
        %shift_right_logical3A_519 = arith.shrui %get3A_507, %shift_right_logical3A_518 : vector<16xi32>
        %swap3A_520 = arith.constant 0 : i32
        %swap3A_521 = arith.index_cast %swap3A_520 : i32 to index
        %swap3A_522 = arith.constant 48 : index
        %swap3A_523 = tpu.vector_load %arg10[%swap3A_521, %swap3A_522] {strides = array<i32>} : memref<1x128xi32, #tpu.memory_space<vmem>>, vector<1x16xi32>,
        %swap3A_524 = vector.shape_cast %swap3A_523 : vector<1x16xi32> to vector<16xi32>
        %swap3A_525 = vector.shape_cast %shift_right_logical3A_519 : vector<16xi32> to vector<1x16xi32>
        tpu.vector_store %arg10[%swap3A_521, %swap3A_522], %swap3A_525 {strides = array<i32>} : memref<1x128xi32, #tpu.memory_space<vmem>>, vector<1x16xi32>,
        %get3A_526 = arith.index_cast %add3A_437 : i32 to index
        %get3A_527 = arith.constant 64 : index
        %get3A_528 = tpu.vector_load %arg8[%get3A_526, %get3A_527] {strides = array<i32>} : memref<82x128xi32, #tpu.memory_space<vmem>>, vector<1x16xi32>,
        %get3A_529 = vector.shape_cast %get3A_528 : vector<1x16xi32> to vector<16xi32>
        %and3A_530 = arith.constant 16383 : i32
        %and3A_531 = vector.broadcast %and3A_530 : i32 to vector<16xi32>
        %and3A_532 = arith.andi %get3A_529, %and3A_531 : vector<16xi32>
        %swap3A_533 = arith.constant 0 : i32
        %swap3A_534 = arith.index_cast %swap3A_533 : i32 to index
        %swap3A_535 = arith.constant 64 : index
        %swap3A_536 = tpu.vector_load %arg9[%swap3A_534, %swap3A_535] {strides = array<i32>} : memref<1x128xi32, #tpu.memory_space<vmem>>, vector<1x16xi32>,
        %swap3A_537 = vector.shape_cast %swap3A_536 : vector<1x16xi32> to vector<16xi32>
        %swap3A_538 = vector.shape_cast %and3A_532 : vector<16xi32> to vector<1x16xi32>
        tpu.vector_store %arg9[%swap3A_534, %swap3A_535], %swap3A_538 {strides = array<i32>} : memref<1x128xi32, #tpu.memory_space<vmem>>, vector<1x16xi32>,
        %shift_right_logical3A_539 = arith.constant 14 : i32
        %shift_right_logical3A_540 = vector.broadcast %shift_right_logical3A_539 : i32 to vector<16xi32>
        %shift_right_logical3A_541 = arith.shrui %get3A_529, %shift_right_logical3A_540 : vector<16xi32>
        %swap3A_542 = arith.constant 0 : i32
        %swap3A_543 = arith.index_cast %swap3A_542 : i32 to index
        %swap3A_544 = arith.constant 64 : index
        %swap3A_545 = tpu.vector_load %arg10[%swap3A_543, %swap3A_544] {strides = array<i32>} : memref<1x128xi32, #tpu.memory_space<vmem>>, vector<1x16xi32>,
        %swap3A_546 = vector.shape_cast %swap3A_545 : vector<1x16xi32> to vector<16xi32>
        %swap3A_547 = vector.shape_cast %shift_right_logical3A_541 : vector<16xi32> to vector<1x16xi32>
        tpu.vector_store %arg10[%swap3A_543, %swap3A_544], %swap3A_547 {strides = array<i32>} : memref<1x128xi32, #tpu.memory_space<vmem>>, vector<1x16xi32>,
        %get3A_548 = arith.index_cast %add3A_437 : i32 to index
        %get3A_549 = arith.constant 80 : index
        %get3A_550 = tpu.vector_load %arg8[%get3A_548, %get3A_549] {strides = array<i32>} : memref<82x128xi32, #tpu.memory_space<vmem>>, vector<1x16xi32>,
        %get3A_551 = vector.shape_cast %get3A_550 : vector<1x16xi32> to vector<16xi32>
        %and3A_552 = arith.constant 16383 : i32
        %and3A_553 = vector.broadcast %and3A_552 : i32 to vector<16xi32>
        %and3A_554 = arith.andi %get3A_551, %and3A_553 : vector<16xi32>
        %swap3A_555 = arith.constant 0 : i32
        %swap3A_556 = arith.index_cast %swap3A_555 : i32 to index
        %swap3A_557 = arith.constant 80 : index
        %swap3A_558 = tpu.vector_load %arg9[%swap3A_556, %swap3A_557] {strides = array<i32>} : memref<1x128xi32, #tpu.memory_space<vmem>>, vector<1x16xi32>,
        %swap3A_559 = vector.shape_cast %swap3A_558 : vector<1x16xi32> to vector<16xi32>
        %swap3A_560 = vector.shape_cast %and3A_554 : vector<16xi32> to vector<1x16xi32>
        tpu.vector_store %arg9[%swap3A_556, %swap3A_557], %swap3A_560 {strides = array<i32>} : memref<1x128xi32, #tpu.memory_space<vmem>>, vector<1x16xi32>,
        %shift_right_logical3A_561 = arith.constant 14 : i32
        %shift_right_logical3A_562 = vector.broadcast %shift_right_logical3A_561 : i32 to vector<16xi32>
        %shift_right_logical3A_563 = arith.shrui %get3A_551, %shift_right_logical3A_562 : vector<16xi32>
        %swap3A_564 = arith.constant 0 : i32
        %swap3A_565 = arith.index_cast %swap3A_564 : i32 to index
        %swap3A_566 = arith.constant 80 : index
        %swap3A_567 = tpu.vector_load %arg10[%swap3A_565, %swap3A_566] {strides = array<i32>} : memref<1x128xi32, #tpu.memory_space<vmem>>, vector<1x16xi32>,
        %swap3A_568 = vector.shape_cast %swap3A_567 : vector<1x16xi32> to vector<16xi32>
        %swap3A_569 = vector.shape_cast %shift_right_logical3A_563 : vector<16xi32> to vector<1x16xi32>
        tpu.vector_store %arg10[%swap3A_565, %swap3A_566], %swap3A_569 {strides = array<i32>} : memref<1x128xi32, #tpu.memory_space<vmem>>, vector<1x16xi32>,
        %get3A_570 = arith.index_cast %add3A_437 : i32 to index
        %get3A_571 = arith.constant 96 : index
        %get3A_572 = tpu.vector_load %arg8[%get3A_570, %get3A_571] {strides = array<i32>} : memref<82x128xi32, #tpu.memory_space<vmem>>, vector<1x16xi32>,
        %get3A_573 = vector.shape_cast %get3A_572 : vector<1x16xi32> to vector<16xi32>
        %and3A_574 = arith.constant 16383 : i32
        %and3A_575 = vector.broadcast %and3A_574 : i32 to vector<16xi32>
        %and3A_576 = arith.andi %get3A_573, %and3A_575 : vector<16xi32>
        %swap3A_577 = arith.constant 0 : i32
        %swap3A_578 = arith.index_cast %swap3A_577 : i32 to index
        %swap3A_579 = arith.constant 96 : index
        %swap3A_580 = tpu.vector_load %arg9[%swap3A_578, %swap3A_579] {strides = array<i32>} : memref<1x128xi32, #tpu.memory_space<vmem>>, vector<1x16xi32>,
        %swap3A_581 = vector.shape_cast %swap3A_580 : vector<1x16xi32> to vector<16xi32>
        %swap3A_582 = vector.shape_cast %and3A_576 : vector<16xi32> to vector<1x16xi32>
        tpu.vector_store %arg9[%swap3A_578, %swap3A_579], %swap3A_582 {strides = array<i32>} : memref<1x128xi32, #tpu.memory_space<vmem>>, vector<1x16xi32>,
        %shift_right_logical3A_583 = arith.constant 14 : i32
        %shift_right_logical3A_584 = vector.broadcast %shift_right_logical3A_583 : i32 to vector<16xi32>
        %shift_right_logical3A_585 = arith.shrui %get3A_573, %shift_right_logical3A_584 : vector<16xi32>
        %swap3A_586 = arith.constant 0 : i32
        %swap3A_587 = arith.index_cast %swap3A_586 : i32 to index
        %swap3A_588 = arith.constant 96 : index
        %swap3A_589 = tpu.vector_load %arg10[%swap3A_587, %swap3A_588] {strides = array<i32>} : memref<1x128xi32, #tpu.memory_space<vmem>>, vector<1x16xi32>,
        %swap3A_590 = vector.shape_cast %swap3A_589 : vector<1x16xi32> to vector<16xi32>
        %swap3A_591 = vector.shape_cast %shift_right_logical3A_585 : vector<16xi32> to vector<1x16xi32>
        tpu.vector_store %arg10[%swap3A_587, %swap3A_588], %swap3A_591 {strides = array<i32>} : memref<1x128xi32, #tpu.memory_space<vmem>>, vector<1x16xi32>,
        %get3A_592 = arith.index_cast %add3A_437 : i32 to index
        %get3A_593 = arith.constant 112 : index
        %get3A_594 = tpu.vector_load %arg8[%get3A_592, %get3A_593] {strides = array<i32>} : memref<82x128xi32, #tpu.memory_space<vmem>>, vector<1x16xi32>,
        %get3A_595 = vector.shape_cast %get3A_594 : vector<1x16xi32> to vector<16xi32>
        %and3A_596 = arith.constant 16383 : i32
        %and3A_597 = vector.broadcast %and3A_596 : i32 to vector<16xi32>
        %and3A_598 = arith.andi %get3A_595, %and3A_597 : vector<16xi32>
        %swap3A_599 = arith.constant 0 : i32
        %swap3A_600 = arith.index_cast %swap3A_599 : i32 to index
        %swap3A_601 = arith.constant 112 : index
        %swap3A_602 = tpu.vector_load %arg9[%swap3A_600, %swap3A_601] {strides = array<i32>} : memref<1x128xi32, #tpu.memory_space<vmem>>, vector<1x16xi32>,
        %swap3A_603 = vector.shape_cast %swap3A_602 : vector<1x16xi32> to vector<16xi32>
        %swap3A_604 = vector.shape_cast %and3A_598 : vector<16xi32> to vector<1x16xi32>
        tpu.vector_store %arg9[%swap3A_600, %swap3A_601], %swap3A_604 {strides = array<i32>} : memref<1x128xi32, #tpu.memory_space<vmem>>, vector<1x16xi32>,
        %shift_right_logical3A_605 = arith.constant 14 : i32
        %shift_right_logical3A_606 = vector.broadcast %shift_right_logical3A_605 : i32 to vector<16xi32>
        %shift_right_logical3A_607 = arith.shrui %get3A_595, %shift_right_logical3A_606 : vector<16xi32>
        %swap3A_608 = arith.constant 0 : i32
        %swap3A_609 = arith.index_cast %swap3A_608 : i32 to index
        %swap3A_610 = arith.constant 112 : index
        %swap3A_611 = tpu.vector_load %arg10[%swap3A_609, %swap3A_610] {strides = array<i32>} : memref<1x128xi32, #tpu.memory_space<vmem>>, vector<1x16xi32>,
        %swap3A_612 = vector.shape_cast %swap3A_611 : vector<1x16xi32> to vector<16xi32>
        %swap3A_613 = vector.shape_cast %shift_right_logical3A_607 : vector<16xi32> to vector<1x16xi32>
        tpu.vector_store %arg10[%swap3A_609, %swap3A_610], %swap3A_613 {strides = array<i32>} : memref<1x128xi32, #tpu.memory_space<vmem>>, vector<1x16xi32>,
        %dma_start3A_614 = arith.constant 0 : i32
        %dma_start3A_615 = arith.constant 0 : i32
        %dma_start3A_616 = tpu.memref_slice %arg9[%dma_start3A_614, %dma_start3A_615] : memref<1x128xi32, #tpu.memory_space<vmem>> -> memref<1x128xi32, #tpu.memory_space<vmem>>
        %dma_start3A_617 = tpu.memref_squeeze %dma_start3A_616 : memref<1x128xi32, #tpu.memory_space<vmem>> -> memref<128xi32, #tpu.memory_space<vmem>>
        %dma_start3A_618 = arith.constant 0 : i32
        %dma_start3A_619 = arith.constant 0 : i32
        %dma_start3A_620 = tpu.memref_slice %arg3[%dma_start3A_618, %dma_start3A_619] : memref<10112x128xf32, #tpu.memory_space<hbm>> -> memref<10112x128xf32, #tpu.memory_space<hbm>>
        tpu.enqueue_indirect_dma source(%dma_start3A_620 : memref<10112x128xf32, #tpu.memory_space<hbm>>) target(%arg15 : memref<128x128xf32, #tpu.memory_space<vmem>>) offsets(%dma_start3A_617 : memref<128xi32, #tpu.memory_space<vmem>>) semaphore(%arg19 : memref<!tpu.dma_semaphore, #tpu.memory_space<semaphore_mem>>)
        %dma_start3A_621 = arith.constant 0 : i32
        %dma_start3A_622 = arith.constant 0 : i32
        %dma_start3A_623 = tpu.memref_slice %arg10[%dma_start3A_621, %dma_start3A_622] : memref<1x128xi32, #tpu.memory_space<vmem>> -> memref<1x128xi32, #tpu.memory_space<vmem>>
        %dma_start3A_624 = tpu.memref_squeeze %dma_start3A_623 : memref<1x128xi32, #tpu.memory_space<vmem>> -> memref<128xi32, #tpu.memory_space<vmem>>
        %dma_start3A_625 = arith.constant 0 : i32
        %dma_start3A_626 = arith.constant 0 : i32
        %dma_start3A_627 = tpu.memref_slice %arg5[%dma_start3A_625, %dma_start3A_626] : memref<10112x16xf32, #tpu.memory_space<hbm>> -> memref<10112x16xf32, #tpu.memory_space<hbm>>
        tpu.enqueue_indirect_dma source(%dma_start3A_627 : memref<10112x16xf32, #tpu.memory_space<hbm>>) target(%arg14 : memref<128x16xf32, #tpu.memory_space<vmem>>) offsets(%dma_start3A_624 : memref<128xi32, #tpu.memory_space<vmem>>) semaphore(%arg20 : memref<!tpu.dma_semaphore, #tpu.memory_space<semaphore_mem>>)
      } else {
      }
      %add3A_416 = arith.constant 1 : i32
      %add3A_417 = arith.addi %mul3A_204, %add3A_416 : i32
      "tpu.region"() ({
        %run_scoped3A_436 = tpu.sem_alloc : memref<!tpu.dma_semaphore, #tpu.memory_space<semaphore_mem>>
        %dma_start3A_437 = arith.constant 0 : i32
        %dma_start3A_438 = arith.constant 0 : i32
        %dma_start3A_439 = tpu.memref_slice %arg4[%add3A, %add3A_417, %dma_start3A_437, %dma_start3A_438] : memref<32x82x128x16xf32, #tpu.memory_space<hbm>> -> memref<1x1x128x16xf32, #tpu.memory_space<hbm>>
        %dma_start3A_440 = tpu.memref_squeeze %dma_start3A_439 : memref<1x1x128x16xf32, #tpu.memory_space<hbm>> -> memref<128x16xf32, #tpu.memory_space<hbm>>
        %dma_start3A_441 = arith.constant 0 : i32
        %dma_start3A_442 = arith.constant 0 : i32
        %dma_start3A_443 = tpu.memref_slice %arg4[%add3A, %add3A_417, %dma_start3A_441, %dma_start3A_442] : memref<32x82x128x16xf32, #tpu.memory_space<hbm>> -> memref<1x1x128x16xf32, #tpu.memory_space<hbm>>
        %dma_start3A_444 = tpu.memref_squeeze %dma_start3A_443 : memref<1x1x128x16xf32, #tpu.memory_space<hbm>> -> memref<128x16xf32, #tpu.memory_space<hbm>>
        tpu.enqueue_dma source(%dma_start3A_444 : memref<128x16xf32, #tpu.memory_space<hbm>>) target(%arg13 : memref<128x16xf32, #tpu.memory_space<vmem>>) target_semaphore(%run_scoped3A_436 : memref<!tpu.dma_semaphore, #tpu.memory_space<semaphore_mem>>)
        %dma_wait3A_445 = arith.constant 0 : i32
        %dma_wait3A_446 = arith.constant 0 : i32
        %dma_wait3A_447 = tpu.memref_slice %arg4[%add3A, %add3A_417, %dma_wait3A_445, %dma_wait3A_446] : memref<32x82x128x16xf32, #tpu.memory_space<hbm>> -> memref<1x1x128x16xf32, #tpu.memory_space<hbm>>
        %dma_wait3A_448 = tpu.memref_squeeze %dma_wait3A_447 : memref<1x1x128x16xf32, #tpu.memory_space<hbm>> -> memref<128x16xf32, #tpu.memory_space<hbm>>
        %dma_wait3A_449 = arith.constant 0 : i32
        %dma_wait3A_450 = arith.constant 0 : i32
        %dma_wait3A_451 = tpu.memref_slice %arg4[%add3A, %add3A_417, %dma_wait3A_449, %dma_wait3A_450] : memref<32x82x128x16xf32, #tpu.memory_space<hbm>> -> memref<1x1x128x16xf32, #tpu.memory_space<hbm>>
        %dma_wait3A_452 = tpu.memref_squeeze %dma_wait3A_451 : memref<1x1x128x16xf32, #tpu.memory_space<hbm>> -> memref<128x16xf32, #tpu.memory_space<hbm>>
        tpu.wait_dma2 semaphore(%run_scoped3A_436 : memref<!tpu.dma_semaphore, #tpu.memory_space<semaphore_mem>>) src(%dma_wait3A_452 : memref<128x16xf32, #tpu.memory_space<hbm>>) dst(%arg13 : memref<128x16xf32, #tpu.memory_space<vmem>>)
        tpu.yield
      }) : () -> ()
      %dma_wait3A_418 = arith.constant 0 : i32
      %dma_wait3A_419 = arith.constant 0 : i32
      %dma_wait3A_420 = tpu.memref_slice %arg12[%dma_wait3A_418, %dma_wait3A_419] : memref<1x128xi32, #tpu.memory_space<vmem>> -> memref<1x128xi32, #tpu.memory_space<vmem>>
      %dma_wait3A_421 = tpu.memref_squeeze %dma_wait3A_420 : memref<1x128xi32, #tpu.memory_space<vmem>> -> memref<128xi32, #tpu.memory_space<vmem>>
      %dma_wait3A_422 = arith.constant 0 : i32
      %dma_wait3A_423 = arith.constant 0 : i32
      %dma_wait3A_424 = tpu.memref_slice %arg5[%dma_wait3A_422, %dma_wait3A_423] : memref<10112x16xf32, #tpu.memory_space<hbm>> -> memref<10112x16xf32, #tpu.memory_space<hbm>>
      tpu.wait_indirect_dma semaphore(%arg22 : memref<!tpu.dma_semaphore, #tpu.memory_space<semaphore_mem>>) src(%dma_wait3A_424 : memref<10112x16xf32, #tpu.memory_space<hbm>>) dst(%arg16 : memref<128x16xf32, #tpu.memory_space<vmem>>)
      %dma_wait3A_425 = arith.constant 0 : i32
      %dma_wait3A_426 = arith.constant 0 : i32
      %dma_wait3A_427 = tpu.memref_slice %arg11[%dma_wait3A_425, %dma_wait3A_426] : memref<1x128xi32, #tpu.memory_space<vmem>> -> memref<1x128xi32, #tpu.memory_space<vmem>>
      %dma_wait3A_428 = tpu.memref_squeeze %dma_wait3A_427 : memref<1x128xi32, #tpu.memory_space<vmem>> -> memref<128xi32, #tpu.memory_space<vmem>>
      %dma_wait3A_429 = arith.constant 0 : i32
      %dma_wait3A_430 = arith.constant 0 : i32
      %dma_wait3A_431 = tpu.memref_slice %arg3[%dma_wait3A_429, %dma_wait3A_430] : memref<10112x128xf32, #tpu.memory_space<hbm>> -> memref<10112x128xf32, #tpu.memory_space<hbm>>
      tpu.wait_indirect_dma semaphore(%arg21 : memref<!tpu.dma_semaphore, #tpu.memory_space<semaphore_mem>>) src(%dma_wait3A_431 : memref<10112x128xf32, #tpu.memory_space<hbm>>) dst(%arg17 : memref<128x128xf32, #tpu.memory_space<vmem>>)
      %parallel_loop3A_432 = arith.constant 0 : i32
      %parallel_loop3A_433 = arith.constant 128 : i32
      %parallel_loop3A_434 = arith.constant 1 : i32
      scf.for %parallel_loop3A_436 = %parallel_loop3A_432 to %parallel_loop3A_433 step %parallel_loop3A_434  : i32 {
        %parallel_loop3A_437 = arith.index_cast %parallel_loop3A_436 : i32 to index
        %parallel_loop3A_438 = arith.constant 0 : index
        %parallel_loop3A_439 = tpu.vector_load %arg13[%parallel_loop3A_437, %parallel_loop3A_438] {strides = array<i32>} : memref<128x16xf32, #tpu.memory_space<vmem>>, vector<1x16xf32>,
        %parallel_loop3A_440 = vector.shape_cast %parallel_loop3A_439 : vector<1x16xf32> to vector<16xf32>
        %parallel_loop3A_441 = arith.index_cast %parallel_loop3A_436 : i32 to index
        %parallel_loop3A_442 = arith.constant 0 : index
        %parallel_loop3A_443 = tpu.vector_load %arg16[%parallel_loop3A_441, %parallel_loop3A_442] {strides = array<i32>} : memref<128x16xf32, #tpu.memory_space<vmem>>, vector<1x16xf32>,
        %parallel_loop3A_444 = vector.shape_cast %parallel_loop3A_443 : vector<1x16xf32> to vector<16xf32>
        %parallel_loop3A_445 = arith.mulf %parallel_loop3A_440, %parallel_loop3A_444 : vector<16xf32>
        %parallel_loop3A_446 = arith.constant 0 : i32
        %parallel_loop3A_447 = vector.broadcast %parallel_loop3A_446 : i32 to vector<16x1xi32>
        %parallel_loop3A_448 = vector.shape_cast %parallel_loop3A_447 : vector<16x1xi32> to vector<16xi32>
        %parallel_loop3A_449 = tpu.dynamic_gather %parallel_loop3A_445[%parallel_loop3A_448] in [0] : vector<16xf32>, vector<16xi32> -> vector<16xf32>
        %parallel_loop3A_450 = arith.index_cast %parallel_loop3A_436 : i32 to index
        %parallel_loop3A_451 = arith.constant 0 : index
        %parallel_loop3A_452 = tpu.vector_load %arg17[%parallel_loop3A_450, %parallel_loop3A_451] {strides = array<i32>} : memref<128x128xf32, #tpu.memory_space<vmem>>, vector<1x16xf32>,
        %parallel_loop3A_453 = vector.shape_cast %parallel_loop3A_452 : vector<1x16xf32> to vector<16xf32>
        %parallel_loop3A_454 = arith.mulf %parallel_loop3A_453, %parallel_loop3A_449 : vector<16xf32>
        %parallel_loop3A_455 = arith.index_cast %parallel_loop3A_436 : i32 to index
        %parallel_loop3A_456 = arith.constant 0 : index
        %parallel_loop3A_457 = tpu.vector_load %arg17[%parallel_loop3A_455, %parallel_loop3A_456] {strides = array<i32>} : memref<128x128xf32, #tpu.memory_space<vmem>>, vector<1x16xf32>,
        %parallel_loop3A_458 = vector.shape_cast %parallel_loop3A_457 : vector<1x16xf32> to vector<16xf32>
        %parallel_loop3A_459 = vector.shape_cast %parallel_loop3A_454 : vector<16xf32> to vector<1x16xf32>
        tpu.vector_store %arg17[%parallel_loop3A_455, %parallel_loop3A_456], %parallel_loop3A_459 {strides = array<i32>} : memref<128x128xf32, #tpu.memory_space<vmem>>, vector<1x16xf32>,
        %parallel_loop3A_460 = arith.constant 1 : i32
        %parallel_loop3A_461 = vector.broadcast %parallel_loop3A_460 : i32 to vector<16x1xi32>
        %parallel_loop3A_462 = vector.shape_cast %parallel_loop3A_461 : vector<16x1xi32> to vector<16xi32>
        %parallel_loop3A_463 = tpu.dynamic_gather %parallel_loop3A_445[%parallel_loop3A_462] in [0] : vector<16xf32>, vector<16xi32> -> vector<16xf32>
        %parallel_loop3A_464 = arith.index_cast %parallel_loop3A_436 : i32 to index
        %parallel_loop3A_465 = arith.constant 16 : index
        %parallel_loop3A_466 = tpu.vector_load %arg17[%parallel_loop3A_464, %parallel_loop3A_465] {strides = array<i32>} : memref<128x128xf32, #tpu.memory_space<vmem>>, vector<1x16xf32>,
        %parallel_loop3A_467 = vector.shape_cast %parallel_loop3A_466 : vector<1x16xf32> to vector<16xf32>
        %parallel_loop3A_468 = arith.mulf %parallel_loop3A_467, %parallel_loop3A_463 : vector<16xf32>
        %parallel_loop3A_469 = arith.index_cast %parallel_loop3A_436 : i32 to index
        %parallel_loop3A_470 = arith.constant 16 : index
        %parallel_loop3A_471 = tpu.vector_load %arg17[%parallel_loop3A_469, %parallel_loop3A_470] {strides = array<i32>} : memref<128x128xf32, #tpu.memory_space<vmem>>, vector<1x16xf32>,
        %parallel_loop3A_472 = vector.shape_cast %parallel_loop3A_471 : vector<1x16xf32> to vector<16xf32>
        %parallel_loop3A_473 = vector.shape_cast %parallel_loop3A_468 : vector<16xf32> to vector<1x16xf32>
        tpu.vector_store %arg17[%parallel_loop3A_469, %parallel_loop3A_470], %parallel_loop3A_473 {strides = array<i32>} : memref<128x128xf32, #tpu.memory_space<vmem>>, vector<1x16xf32>,
        %parallel_loop3A_474 = arith.constant 2 : i32
        %parallel_loop3A_475 = vector.broadcast %parallel_loop3A_474 : i32 to vector<16x1xi32>
        %parallel_loop3A_476 = vector.shape_cast %parallel_loop3A_475 : vector<16x1xi32> to vector<16xi32>
        %parallel_loop3A_477 = tpu.dynamic_gather %parallel_loop3A_445[%parallel_loop3A_476] in [0] : vector<16xf32>, vector<16xi32> -> vector<16xf32>
        %parallel_loop3A_478 = arith.index_cast %parallel_loop3A_436 : i32 to index
        %parallel_loop3A_479 = arith.constant 32 : index
        %parallel_loop3A_480 = tpu.vector_load %arg17[%parallel_loop3A_478, %parallel_loop3A_479] {strides = array<i32>} : memref<128x128xf32, #tpu.memory_space<vmem>>, vector<1x16xf32>,
        %parallel_loop3A_481 = vector.shape_cast %parallel_loop3A_480 : vector<1x16xf32> to vector<16xf32>
        %parallel_loop3A_482 = arith.mulf %parallel_loop3A_481, %parallel_loop3A_477 : vector<16xf32>
        %parallel_loop3A_483 = arith.index_cast %parallel_loop3A_436 : i32 to index
        %parallel_loop3A_484 = arith.constant 32 : index
        %parallel_loop3A_485 = tpu.vector_load %arg17[%parallel_loop3A_483, %parallel_loop3A_484] {strides = array<i32>} : memref<128x128xf32, #tpu.memory_space<vmem>>, vector<1x16xf32>,
        %parallel_loop3A_486 = vector.shape_cast %parallel_loop3A_485 : vector<1x16xf32> to vector<16xf32>
        %parallel_loop3A_487 = vector.shape_cast %parallel_loop3A_482 : vector<16xf32> to vector<1x16xf32>
        tpu.vector_store %arg17[%parallel_loop3A_483, %parallel_loop3A_484], %parallel_loop3A_487 {strides = array<i32>} : memref<128x128xf32, #tpu.memory_space<vmem>>, vector<1x16xf32>,
        %parallel_loop3A_488 = arith.constant 3 : i32
        %parallel_loop3A_489 = vector.broadcast %parallel_loop3A_488 : i32 to vector<16x1xi32>
        %parallel_loop3A_490 = vector.shape_cast %parallel_loop3A_489 : vector<16x1xi32> to vector<16xi32>
        %parallel_loop3A_491 = tpu.dynamic_gather %parallel_loop3A_445[%parallel_loop3A_490] in [0] : vector<16xf32>, vector<16xi32> -> vector<16xf32>
        %parallel_loop3A_492 = arith.index_cast %parallel_loop3A_436 : i32 to index
        %parallel_loop3A_493 = arith.constant 48 : index
        %parallel_loop3A_494 = tpu.vector_load %arg17[%parallel_loop3A_492, %parallel_loop3A_493] {strides = array<i32>} : memref<128x128xf32, #tpu.memory_space<vmem>>, vector<1x16xf32>,
        %parallel_loop3A_495 = vector.shape_cast %parallel_loop3A_494 : vector<1x16xf32> to vector<16xf32>
        %parallel_loop3A_496 = arith.mulf %parallel_loop3A_495, %parallel_loop3A_491 : vector<16xf32>
        %parallel_loop3A_497 = arith.index_cast %parallel_loop3A_436 : i32 to index
        %parallel_loop3A_498 = arith.constant 48 : index
        %parallel_loop3A_499 = tpu.vector_load %arg17[%parallel_loop3A_497, %parallel_loop3A_498] {strides = array<i32>} : memref<128x128xf32, #tpu.memory_space<vmem>>, vector<1x16xf32>,
        %parallel_loop3A_500 = vector.shape_cast %parallel_loop3A_499 : vector<1x16xf32> to vector<16xf32>
        %parallel_loop3A_501 = vector.shape_cast %parallel_loop3A_496 : vector<16xf32> to vector<1x16xf32>
        tpu.vector_store %arg17[%parallel_loop3A_497, %parallel_loop3A_498], %parallel_loop3A_501 {strides = array<i32>} : memref<128x128xf32, #tpu.memory_space<vmem>>, vector<1x16xf32>,
        %parallel_loop3A_502 = arith.constant 4 : i32
        %parallel_loop3A_503 = vector.broadcast %parallel_loop3A_502 : i32 to vector<16x1xi32>
        %parallel_loop3A_504 = vector.shape_cast %parallel_loop3A_503 : vector<16x1xi32> to vector<16xi32>
        %parallel_loop3A_505 = tpu.dynamic_gather %parallel_loop3A_445[%parallel_loop3A_504] in [0] : vector<16xf32>, vector<16xi32> -> vector<16xf32>
        %parallel_loop3A_506 = arith.index_cast %parallel_loop3A_436 : i32 to index
        %parallel_loop3A_507 = arith.constant 64 : index
        %parallel_loop3A_508 = tpu.vector_load %arg17[%parallel_loop3A_506, %parallel_loop3A_507] {strides = array<i32>} : memref<128x128xf32, #tpu.memory_space<vmem>>, vector<1x16xf32>,
        %parallel_loop3A_509 = vector.shape_cast %parallel_loop3A_508 : vector<1x16xf32> to vector<16xf32>
        %parallel_loop3A_510 = arith.mulf %parallel_loop3A_509, %parallel_loop3A_505 : vector<16xf32>
        %parallel_loop3A_511 = arith.index_cast %parallel_loop3A_436 : i32 to index
        %parallel_loop3A_512 = arith.constant 64 : index
        %parallel_loop3A_513 = tpu.vector_load %arg17[%parallel_loop3A_511, %parallel_loop3A_512] {strides = array<i32>} : memref<128x128xf32, #tpu.memory_space<vmem>>, vector<1x16xf32>,
        %parallel_loop3A_514 = vector.shape_cast %parallel_loop3A_513 : vector<1x16xf32> to vector<16xf32>
        %parallel_loop3A_515 = vector.shape_cast %parallel_loop3A_510 : vector<16xf32> to vector<1x16xf32>
        tpu.vector_store %arg17[%parallel_loop3A_511, %parallel_loop3A_512], %parallel_loop3A_515 {strides = array<i32>} : memref<128x128xf32, #tpu.memory_space<vmem>>, vector<1x16xf32>,
        %parallel_loop3A_516 = arith.constant 5 : i32
        %parallel_loop3A_517 = vector.broadcast %parallel_loop3A_516 : i32 to vector<16x1xi32>
        %parallel_loop3A_518 = vector.shape_cast %parallel_loop3A_517 : vector<16x1xi32> to vector<16xi32>
        %parallel_loop3A_519 = tpu.dynamic_gather %parallel_loop3A_445[%parallel_loop3A_518] in [0] : vector<16xf32>, vector<16xi32> -> vector<16xf32>
        %parallel_loop3A_520 = arith.index_cast %parallel_loop3A_436 : i32 to index
        %parallel_loop3A_521 = arith.constant 80 : index
        %parallel_loop3A_522 = tpu.vector_load %arg17[%parallel_loop3A_520, %parallel_loop3A_521] {strides = array<i32>} : memref<128x128xf32, #tpu.memory_space<vmem>>, vector<1x16xf32>,
        %parallel_loop3A_523 = vector.shape_cast %parallel_loop3A_522 : vector<1x16xf32> to vector<16xf32>
        %parallel_loop3A_524 = arith.mulf %parallel_loop3A_523, %parallel_loop3A_519 : vector<16xf32>
        %parallel_loop3A_525 = arith.index_cast %parallel_loop3A_436 : i32 to index
        %parallel_loop3A_526 = arith.constant 80 : index
        %parallel_loop3A_527 = tpu.vector_load %arg17[%parallel_loop3A_525, %parallel_loop3A_526] {strides = array<i32>} : memref<128x128xf32, #tpu.memory_space<vmem>>, vector<1x16xf32>,
        %parallel_loop3A_528 = vector.shape_cast %parallel_loop3A_527 : vector<1x16xf32> to vector<16xf32>
        %parallel_loop3A_529 = vector.shape_cast %parallel_loop3A_524 : vector<16xf32> to vector<1x16xf32>
        tpu.vector_store %arg17[%parallel_loop3A_525, %parallel_loop3A_526], %parallel_loop3A_529 {strides = array<i32>} : memref<128x128xf32, #tpu.memory_space<vmem>>, vector<1x16xf32>,
        %parallel_loop3A_530 = arith.constant 6 : i32
        %parallel_loop3A_531 = vector.broadcast %parallel_loop3A_530 : i32 to vector<16x1xi32>
        %parallel_loop3A_532 = vector.shape_cast %parallel_loop3A_531 : vector<16x1xi32> to vector<16xi32>
        %parallel_loop3A_533 = tpu.dynamic_gather %parallel_loop3A_445[%parallel_loop3A_532] in [0] : vector<16xf32>, vector<16xi32> -> vector<16xf32>
        %parallel_loop3A_534 = arith.index_cast %parallel_loop3A_436 : i32 to index
        %parallel_loop3A_535 = arith.constant 96 : index
        %parallel_loop3A_536 = tpu.vector_load %arg17[%parallel_loop3A_534, %parallel_loop3A_535] {strides = array<i32>} : memref<128x128xf32, #tpu.memory_space<vmem>>, vector<1x16xf32>,
        %parallel_loop3A_537 = vector.shape_cast %parallel_loop3A_536 : vector<1x16xf32> to vector<16xf32>
        %parallel_loop3A_538 = arith.mulf %parallel_loop3A_537, %parallel_loop3A_533 : vector<16xf32>
        %parallel_loop3A_539 = arith.index_cast %parallel_loop3A_436 : i32 to index
        %parallel_loop3A_540 = arith.constant 96 : index
        %parallel_loop3A_541 = tpu.vector_load %arg17[%parallel_loop3A_539, %parallel_loop3A_540] {strides = array<i32>} : memref<128x128xf32, #tpu.memory_space<vmem>>, vector<1x16xf32>,
        %parallel_loop3A_542 = vector.shape_cast %parallel_loop3A_541 : vector<1x16xf32> to vector<16xf32>
        %parallel_loop3A_543 = vector.shape_cast %parallel_loop3A_538 : vector<16xf32> to vector<1x16xf32>
        tpu.vector_store %arg17[%parallel_loop3A_539, %parallel_loop3A_540], %parallel_loop3A_543 {strides = array<i32>} : memref<128x128xf32, #tpu.memory_space<vmem>>, vector<1x16xf32>,
        %parallel_loop3A_544 = arith.constant 7 : i32
        %parallel_loop3A_545 = vector.broadcast %parallel_loop3A_544 : i32 to vector<16x1xi32>
        %parallel_loop3A_546 = vector.shape_cast %parallel_loop3A_545 : vector<16x1xi32> to vector<16xi32>
        %parallel_loop3A_547 = tpu.dynamic_gather %parallel_loop3A_445[%parallel_loop3A_546] in [0] : vector<16xf32>, vector<16xi32> -> vector<16xf32>
        %parallel_loop3A_548 = arith.index_cast %parallel_loop3A_436 : i32 to index
        %parallel_loop3A_549 = arith.constant 112 : index
        %parallel_loop3A_550 = tpu.vector_load %arg17[%parallel_loop3A_548, %parallel_loop3A_549] {strides = array<i32>} : memref<128x128xf32, #tpu.memory_space<vmem>>, vector<1x16xf32>,
        %parallel_loop3A_551 = vector.shape_cast %parallel_loop3A_550 : vector<1x16xf32> to vector<16xf32>
        %parallel_loop3A_552 = arith.mulf %parallel_loop3A_551, %parallel_loop3A_547 : vector<16xf32>
        %parallel_loop3A_553 = arith.index_cast %parallel_loop3A_436 : i32 to index
        %parallel_loop3A_554 = arith.constant 112 : index
        %parallel_loop3A_555 = tpu.vector_load %arg17[%parallel_loop3A_553, %parallel_loop3A_554] {strides = array<i32>} : memref<128x128xf32, #tpu.memory_space<vmem>>, vector<1x16xf32>,
        %parallel_loop3A_556 = vector.shape_cast %parallel_loop3A_555 : vector<1x16xf32> to vector<16xf32>
        %parallel_loop3A_557 = vector.shape_cast %parallel_loop3A_552 : vector<16xf32> to vector<1x16xf32>
        tpu.vector_store %arg17[%parallel_loop3A_553, %parallel_loop3A_554], %parallel_loop3A_557 {strides = array<i32>} : memref<128x128xf32, #tpu.memory_space<vmem>>, vector<1x16xf32>,
      } {sc.loop_unroll_factor = 4 : i64, sc.parallel_access}
      %run_scoped3A_435 = arith.constant 0 : i32
      "tpu.region"() ({
        %run_scoped3A_436 = tpu.sem_alloc : memref<!tpu.dma_semaphore, #tpu.memory_space<semaphore_mem>>
        %dma_start3A_437 = arith.constant 0 : i32
        %dma_start3A_438 = tpu.memref_slice %arg12[%run_scoped3A_435, %dma_start3A_437] : memref<1x128xi32, #tpu.memory_space<vmem>> -> memref<1x128xi32, #tpu.memory_space<vmem>>
        %dma_start3A_439 = tpu.memref_squeeze %dma_start3A_438 : memref<1x128xi32, #tpu.memory_space<vmem>> -> memref<128xi32, #tpu.memory_space<vmem>>
        %dma_start3A_440 = arith.constant 0 : i32
        %dma_start3A_441 = arith.constant 0 : i32
        %dma_start3A_442 = tpu.memref_slice %arg18[%dma_start3A_440, %dma_start3A_441] : memref<10112x128xf32, #tpu.memory_space<vmem_shared>> -> memref<10112x128xf32, #tpu.memory_space<vmem_shared>>
        tpu.enqueue_indirect_dma source(%arg17 : memref<128x128xf32, #tpu.memory_space<vmem>>) target(%dma_start3A_442 : memref<10112x128xf32, #tpu.memory_space<vmem_shared>>) offsets(%dma_start3A_439 : memref<128xi32, #tpu.memory_space<vmem>>) semaphore(%run_scoped3A_436 : memref<!tpu.dma_semaphore, #tpu.memory_space<semaphore_mem>>) {add = true}
        %dma_wait3A_443 = arith.constant 0 : i32
        %dma_wait3A_444 = tpu.memref_slice %arg12[%run_scoped3A_435, %dma_wait3A_443] : memref<1x128xi32, #tpu.memory_space<vmem>> -> memref<1x128xi32, #tpu.memory_space<vmem>>
        %dma_wait3A_445 = tpu.memref_squeeze %dma_wait3A_444 : memref<1x128xi32, #tpu.memory_space<vmem>> -> memref<128xi32, #tpu.memory_space<vmem>>
        %dma_wait3A_446 = arith.constant 0 : i32
        %dma_wait3A_447 = arith.constant 0 : i32
        %dma_wait3A_448 = tpu.memref_slice %arg18[%dma_wait3A_446, %dma_wait3A_447] : memref<10112x128xf32, #tpu.memory_space<vmem_shared>> -> memref<10112x128xf32, #tpu.memory_space<vmem_shared>>
        tpu.wait_indirect_dma semaphore(%run_scoped3A_436 : memref<!tpu.dma_semaphore, #tpu.memory_space<semaphore_mem>>) src(%arg17 : memref<128x128xf32, #tpu.memory_space<vmem>>) dst(%dma_wait3A_448 : memref<10112x128xf32, #tpu.memory_space<vmem_shared>>)
        tpu.yield
      }) : () -> ()
    }
    %scan3A_200 = arith.constant 41 : i32
    %barrier3A_201 = arith.constant 0 : index
    tpu.barrier barrier_id(%barrier3A_201)
    "tpu.region"() ({
      %run_scoped3A = tpu.sem_alloc : memref<!tpu.dma_semaphore, #tpu.memory_space<semaphore_mem>>
      %dma_start3A_202 = arith.constant 0 : i32
      %dma_start3A_203 = tpu.memref_slice %arg7[%arg0, %mul3A_2, %dma_start3A_202] : memref<2x10112x128xf32, #tpu.memory_space<hbm>> -> memref<1x632x128xf32, #tpu.memory_space<hbm>>
      %dma_start3A_204 = tpu.memref_squeeze %dma_start3A_203 : memref<1x632x128xf32, #tpu.memory_space<hbm>> -> memref<632x128xf32, #tpu.memory_space<hbm>>
      %dma_start3A_205 = arith.constant 0 : i32
      %dma_start3A_206 = tpu.memref_slice %arg18[%mul3A_2, %dma_start3A_205] : memref<10112x128xf32, #tpu.memory_space<vmem_shared>> -> memref<632x128xf32, #tpu.memory_space<vmem_shared>>
      tpu.enqueue_dma source(%dma_start3A_206 : memref<632x128xf32, #tpu.memory_space<vmem_shared>>) target(%dma_start3A_204 : memref<632x128xf32, #tpu.memory_space<hbm>>) target_semaphore(%run_scoped3A : memref<!tpu.dma_semaphore, #tpu.memory_space<semaphore_mem>>)
      %dma_wait3A = arith.constant 0 : i32
      %dma_wait3A_207 = tpu.memref_slice %arg7[%arg0, %mul3A_2, %dma_wait3A] : memref<2x10112x128xf32, #tpu.memory_space<hbm>> -> memref<1x632x128xf32, #tpu.memory_space<hbm>>
      %dma_wait3A_208 = tpu.memref_squeeze %dma_wait3A_207 : memref<1x632x128xf32, #tpu.memory_space<hbm>> -> memref<632x128xf32, #tpu.memory_space<hbm>>
      %dma_wait3A_209 = arith.constant 0 : i32
      %dma_wait3A_210 = tpu.memref_slice %arg18[%mul3A_2, %dma_wait3A_209] : memref<10112x128xf32, #tpu.memory_space<vmem_shared>> -> memref<632x128xf32, #tpu.memory_space<vmem_shared>>
      tpu.wait_dma2 semaphore(%run_scoped3A : memref<!tpu.dma_semaphore, #tpu.memory_space<semaphore_mem>>) src(%dma_wait3A_210 : memref<632x128xf32, #tpu.memory_space<vmem_shared>>) dst(%dma_wait3A_208 : memref<632x128xf32, #tpu.memory_space<hbm>>)
      tpu.yield
    }) : () -> ()
    return
  }
}

#map = affine_map<(d0, d1) -> (0, 0, 0)>
#map1 = affine_map<(d0, d1) -> (0, 0)>
#map2 = affine_map<(d0, d1) -> (0, 0, 0, 0)>
module attributes {stable_mosaic.version = 14 : i64} {
  func.func @_sc_pass1(%arg0: i32, %arg1: i32, %arg2: memref<32x82x128xi32, #tpu.memory_space<hbm>>, %arg3: memref<32x82x128xi32, #tpu.memory_space<hbm>>, %arg4: memref<10112x16xf32, #tpu.memory_space<hbm>>, %arg5: memref<10112x16xf32, #tpu.memory_space<hbm>>, %arg6: memref<10112x16xf32, #tpu.memory_space<hbm>>, %arg7: memref<32x82x128x16xf32, #tpu.memory_space<hbm>>, %arg8: memref<2x10112x16xf32, #tpu.memory_space<hbm>>, %arg9: memref<82x128xi32, #tpu.memory_space<vmem>>, %arg10: memref<82x128xi32, #tpu.memory_space<vmem>>, %arg11: memref<128x16xf32, #tpu.memory_space<vmem>>, %arg12: memref<128x16xf32, #tpu.memory_space<vmem>>, %arg13: memref<128x16xf32, #tpu.memory_space<vmem>>, %arg14: memref<128x16xf32, #tpu.memory_space<vmem>>, %arg15: memref<128x16xf32, #tpu.memory_space<vmem>>, %arg16: memref<10112x16xf32, #tpu.memory_space<vmem_shared>>, %arg17: memref<!tpu.dma_semaphore, #tpu.memory_space<semaphore_mem>>, %arg18: memref<!tpu.dma_semaphore, #tpu.memory_space<semaphore_mem>>, %arg19: memref<!tpu.dma_semaphore, #tpu.memory_space<semaphore_mem>>, %arg20: memref<!tpu.dma_semaphore, #tpu.memory_space<semaphore_mem>>) attributes {dimension_semantics = [#tpu.dimension_semantics<core_parallel>, #tpu.dimension_semantics<subcore_parallel>], iteration_bounds = array<i64: 2, 16>, scalar_prefetch = 0 : i64, scratch_operands = 12 : i64, tpu.core_type = #tpu.core_type<sc_vector_subcore>, window_params = [{transform_indices = #map}, {transform_indices = #map}, {transform_indices = #map1}, {transform_indices = #map1}, {transform_indices = #map1}, {transform_indices = #map2}, {transform_indices = #map}]} {
    %mul3A = arith.constant 16 : i32
    %mul3A_0 = arith.muli %arg0, %mul3A : i32
    %add3A = arith.addi %mul3A_0, %arg1 : i32
    %mul3A_1 = arith.constant 632 : i32
    %mul3A_2 = arith.muli %arg1, %mul3A_1 : i32
    "tpu.region"() ({
      %run_scoped3A = tpu.sem_alloc : memref<!tpu.dma_semaphore, #tpu.memory_space<semaphore_mem>>
      %dma_start3A_22 = arith.constant 0 : i32
      %dma_start3A_23 = tpu.memref_slice %arg16[%mul3A_2, %dma_start3A_22] : memref<10112x16xf32, #tpu.memory_space<vmem_shared>> -> memref<632x16xf32, #tpu.memory_space<vmem_shared>>
      %dma_start3A_24 = arith.constant 0 : i32
      %dma_start3A_25 = tpu.memref_slice %arg6[%mul3A_2, %dma_start3A_24] : memref<10112x16xf32, #tpu.memory_space<hbm>> -> memref<632x16xf32, #tpu.memory_space<hbm>>
      tpu.enqueue_dma source(%dma_start3A_25 : memref<632x16xf32, #tpu.memory_space<hbm>>) target(%dma_start3A_23 : memref<632x16xf32, #tpu.memory_space<vmem_shared>>) target_semaphore(%run_scoped3A : memref<!tpu.dma_semaphore, #tpu.memory_space<semaphore_mem>>)
      %dma_wait3A = arith.constant 0 : i32
      %dma_wait3A_26 = tpu.memref_slice %arg16[%mul3A_2, %dma_wait3A] : memref<10112x16xf32, #tpu.memory_space<vmem_shared>> -> memref<632x16xf32, #tpu.memory_space<vmem_shared>>
      %dma_wait3A_27 = arith.constant 0 : i32
      %dma_wait3A_28 = tpu.memref_slice %arg6[%mul3A_2, %dma_wait3A_27] : memref<10112x16xf32, #tpu.memory_space<hbm>> -> memref<632x16xf32, #tpu.memory_space<hbm>>
      tpu.wait_dma2 semaphore(%run_scoped3A : memref<!tpu.dma_semaphore, #tpu.memory_space<semaphore_mem>>) src(%dma_wait3A_28 : memref<632x16xf32, #tpu.memory_space<hbm>>) dst(%dma_wait3A_26 : memref<632x16xf32, #tpu.memory_space<vmem_shared>>)
      tpu.yield
    }) : () -> ()
    %barrier3A = arith.constant 0 : index
    tpu.barrier barrier_id(%barrier3A)
    "tpu.region"() ({
      %run_scoped3A = tpu.sem_alloc : memref<!tpu.dma_semaphore, #tpu.memory_space<semaphore_mem>>
      %dma_start3A_22 = arith.constant 0 : i32
      %dma_start3A_23 = arith.constant 0 : i32
      %dma_start3A_24 = tpu.memref_slice %arg2[%add3A, %dma_start3A_22, %dma_start3A_23] : memref<32x82x128xi32, #tpu.memory_space<hbm>> -> memref<1x82x128xi32, #tpu.memory_space<hbm>>
      %dma_start3A_25 = tpu.memref_squeeze %dma_start3A_24 : memref<1x82x128xi32, #tpu.memory_space<hbm>> -> memref<82x128xi32, #tpu.memory_space<hbm>>
      %dma_start3A_26 = arith.constant 0 : i32
      %dma_start3A_27 = arith.constant 0 : i32
      %dma_start3A_28 = tpu.memref_slice %arg2[%add3A, %dma_start3A_26, %dma_start3A_27] : memref<32x82x128xi32, #tpu.memory_space<hbm>> -> memref<1x82x128xi32, #tpu.memory_space<hbm>>
      %dma_start3A_29 = tpu.memref_squeeze %dma_start3A_28 : memref<1x82x128xi32, #tpu.memory_space<hbm>> -> memref<82x128xi32, #tpu.memory_space<hbm>>
      tpu.enqueue_dma source(%dma_start3A_29 : memref<82x128xi32, #tpu.memory_space<hbm>>) target(%arg9 : memref<82x128xi32, #tpu.memory_space<vmem>>) target_semaphore(%run_scoped3A : memref<!tpu.dma_semaphore, #tpu.memory_space<semaphore_mem>>)
      %dma_wait3A = arith.constant 0 : i32
      %dma_wait3A_30 = arith.constant 0 : i32
      %dma_wait3A_31 = tpu.memref_slice %arg2[%add3A, %dma_wait3A, %dma_wait3A_30] : memref<32x82x128xi32, #tpu.memory_space<hbm>> -> memref<1x82x128xi32, #tpu.memory_space<hbm>>
      %dma_wait3A_32 = tpu.memref_squeeze %dma_wait3A_31 : memref<1x82x128xi32, #tpu.memory_space<hbm>> -> memref<82x128xi32, #tpu.memory_space<hbm>>
      %dma_wait3A_33 = arith.constant 0 : i32
      %dma_wait3A_34 = arith.constant 0 : i32
      %dma_wait3A_35 = tpu.memref_slice %arg2[%add3A, %dma_wait3A_33, %dma_wait3A_34] : memref<32x82x128xi32, #tpu.memory_space<hbm>> -> memref<1x82x128xi32, #tpu.memory_space<hbm>>
      %dma_wait3A_36 = tpu.memref_squeeze %dma_wait3A_35 : memref<1x82x128xi32, #tpu.memory_space<hbm>> -> memref<82x128xi32, #tpu.memory_space<hbm>>
      tpu.wait_dma2 semaphore(%run_scoped3A : memref<!tpu.dma_semaphore, #tpu.memory_space<semaphore_mem>>) src(%dma_wait3A_36 : memref<82x128xi32, #tpu.memory_space<hbm>>) dst(%arg9 : memref<82x128xi32, #tpu.memory_space<vmem>>)
      tpu.yield
    }) : () -> ()
    "tpu.region"() ({
      %run_scoped3A = tpu.sem_alloc : memref<!tpu.dma_semaphore, #tpu.memory_space<semaphore_mem>>
      %dma_start3A_22 = arith.constant 0 : i32
      %dma_start3A_23 = arith.constant 0 : i32
      %dma_start3A_24 = tpu.memref_slice %arg3[%add3A, %dma_start3A_22, %dma_start3A_23] : memref<32x82x128xi32, #tpu.memory_space<hbm>> -> memref<1x82x128xi32, #tpu.memory_space<hbm>>
      %dma_start3A_25 = tpu.memref_squeeze %dma_start3A_24 : memref<1x82x128xi32, #tpu.memory_space<hbm>> -> memref<82x128xi32, #tpu.memory_space<hbm>>
      %dma_start3A_26 = arith.constant 0 : i32
      %dma_start3A_27 = arith.constant 0 : i32
      %dma_start3A_28 = tpu.memref_slice %arg3[%add3A, %dma_start3A_26, %dma_start3A_27] : memref<32x82x128xi32, #tpu.memory_space<hbm>> -> memref<1x82x128xi32, #tpu.memory_space<hbm>>
      %dma_start3A_29 = tpu.memref_squeeze %dma_start3A_28 : memref<1x82x128xi32, #tpu.memory_space<hbm>> -> memref<82x128xi32, #tpu.memory_space<hbm>>
      tpu.enqueue_dma source(%dma_start3A_29 : memref<82x128xi32, #tpu.memory_space<hbm>>) target(%arg10 : memref<82x128xi32, #tpu.memory_space<vmem>>) target_semaphore(%run_scoped3A : memref<!tpu.dma_semaphore, #tpu.memory_space<semaphore_mem>>)
      %dma_wait3A = arith.constant 0 : i32
      %dma_wait3A_30 = arith.constant 0 : i32
      %dma_wait3A_31 = tpu.memref_slice %arg3[%add3A, %dma_wait3A, %dma_wait3A_30] : memref<32x82x128xi32, #tpu.memory_space<hbm>> -> memref<1x82x128xi32, #tpu.memory_space<hbm>>
      %dma_wait3A_32 = tpu.memref_squeeze %dma_wait3A_31 : memref<1x82x128xi32, #tpu.memory_space<hbm>> -> memref<82x128xi32, #tpu.memory_space<hbm>>
      %dma_wait3A_33 = arith.constant 0 : i32
      %dma_wait3A_34 = arith.constant 0 : i32
      %dma_wait3A_35 = tpu.memref_slice %arg3[%add3A, %dma_wait3A_33, %dma_wait3A_34] : memref<32x82x128xi32, #tpu.memory_space<hbm>> -> memref<1x82x128xi32, #tpu.memory_space<hbm>>
      %dma_wait3A_36 = tpu.memref_squeeze %dma_wait3A_35 : memref<1x82x128xi32, #tpu.memory_space<hbm>> -> memref<82x128xi32, #tpu.memory_space<hbm>>
      tpu.wait_dma2 semaphore(%run_scoped3A : memref<!tpu.dma_semaphore, #tpu.memory_space<semaphore_mem>>) src(%dma_wait3A_36 : memref<82x128xi32, #tpu.memory_space<hbm>>) dst(%arg10 : memref<82x128xi32, #tpu.memory_space<vmem>>)
      tpu.yield
    }) : () -> ()
    %dma_start3A = arith.constant 0 : i32
    %dma_start3A_3 = arith.constant 0 : i32
    %dma_start3A_4 = tpu.memref_slice %arg9[%dma_start3A, %dma_start3A_3] : memref<82x128xi32, #tpu.memory_space<vmem>> -> memref<1x128xi32, #tpu.memory_space<vmem>>
    %dma_start3A_5 = tpu.memref_squeeze %dma_start3A_4 : memref<1x128xi32, #tpu.memory_space<vmem>> -> memref<128xi32, #tpu.memory_space<vmem>>
    %dma_start3A_6 = arith.constant 0 : i32
    %dma_start3A_7 = arith.constant 0 : i32
    %dma_start3A_8 = tpu.memref_slice %arg4[%dma_start3A_6, %dma_start3A_7] : memref<10112x16xf32, #tpu.memory_space<hbm>> -> memref<10112x16xf32, #tpu.memory_space<hbm>>
    tpu.enqueue_indirect_dma source(%dma_start3A_8 : memref<10112x16xf32, #tpu.memory_space<hbm>>) target(%arg11 : memref<128x16xf32, #tpu.memory_space<vmem>>) offsets(%dma_start3A_5 : memref<128xi32, #tpu.memory_space<vmem>>) semaphore(%arg17 : memref<!tpu.dma_semaphore, #tpu.memory_space<semaphore_mem>>)
    %dma_start3A_9 = arith.constant 0 : i32
    %dma_start3A_10 = arith.constant 0 : i32
    %dma_start3A_11 = tpu.memref_slice %arg10[%dma_start3A_9, %dma_start3A_10] : memref<82x128xi32, #tpu.memory_space<vmem>> -> memref<1x128xi32, #tpu.memory_space<vmem>>
    %dma_start3A_12 = tpu.memref_squeeze %dma_start3A_11 : memref<1x128xi32, #tpu.memory_space<vmem>> -> memref<128xi32, #tpu.memory_space<vmem>>
    %dma_start3A_13 = arith.constant 0 : i32
    %dma_start3A_14 = arith.constant 0 : i32
    %dma_start3A_15 = tpu.memref_slice %arg5[%dma_start3A_13, %dma_start3A_14] : memref<10112x16xf32, #tpu.memory_space<hbm>> -> memref<10112x16xf32, #tpu.memory_space<hbm>>
    tpu.enqueue_indirect_dma source(%dma_start3A_15 : memref<10112x16xf32, #tpu.memory_space<hbm>>) target(%arg12 : memref<128x16xf32, #tpu.memory_space<vmem>>) offsets(%dma_start3A_12 : memref<128xi32, #tpu.memory_space<vmem>>) semaphore(%arg18 : memref<!tpu.dma_semaphore, #tpu.memory_space<semaphore_mem>>)
    %scan3A = arith.constant 0 : i32
    %scan3A_16 = arith.constant 0 : i32
    %scan3A_17 = arith.constant 41 : i32
    %scan3A_18 = arith.addi %scan3A_16, %scan3A_17 : i32
    %scan3A_19 = arith.constant 1 : i32
    scf.for %scan3A_22 = %scan3A_16 to %scan3A_18 step %scan3A_19  : i32 {
      %mul3A_23 = arith.constant 2 : i32
      %mul3A_24 = arith.muli %mul3A_23, %scan3A_22 : i32
      %add3A_25 = arith.constant 1 : i32
      %add3A_26 = arith.addi %mul3A_24, %add3A_25 : i32
      %dma_start3A_27 = arith.constant 0 : i32
      %dma_start3A_28 = tpu.memref_slice %arg9[%add3A_26, %dma_start3A_27] : memref<82x128xi32, #tpu.memory_space<vmem>> -> memref<1x128xi32, #tpu.memory_space<vmem>>
      %dma_start3A_29 = tpu.memref_squeeze %dma_start3A_28 : memref<1x128xi32, #tpu.memory_space<vmem>> -> memref<128xi32, #tpu.memory_space<vmem>>
      %dma_start3A_30 = arith.constant 0 : i32
      %dma_start3A_31 = arith.constant 0 : i32
      %dma_start3A_32 = tpu.memref_slice %arg4[%dma_start3A_30, %dma_start3A_31] : memref<10112x16xf32, #tpu.memory_space<hbm>> -> memref<10112x16xf32, #tpu.memory_space<hbm>>
      tpu.enqueue_indirect_dma source(%dma_start3A_32 : memref<10112x16xf32, #tpu.memory_space<hbm>>) target(%arg13 : memref<128x16xf32, #tpu.memory_space<vmem>>) offsets(%dma_start3A_29 : memref<128xi32, #tpu.memory_space<vmem>>) semaphore(%arg19 : memref<!tpu.dma_semaphore, #tpu.memory_space<semaphore_mem>>)
      %dma_start3A_33 = arith.constant 0 : i32
      %dma_start3A_34 = tpu.memref_slice %arg10[%add3A_26, %dma_start3A_33] : memref<82x128xi32, #tpu.memory_space<vmem>> -> memref<1x128xi32, #tpu.memory_space<vmem>>
      %dma_start3A_35 = tpu.memref_squeeze %dma_start3A_34 : memref<1x128xi32, #tpu.memory_space<vmem>> -> memref<128xi32, #tpu.memory_space<vmem>>
      %dma_start3A_36 = arith.constant 0 : i32
      %dma_start3A_37 = arith.constant 0 : i32
      %dma_start3A_38 = tpu.memref_slice %arg5[%dma_start3A_36, %dma_start3A_37] : memref<10112x16xf32, #tpu.memory_space<hbm>> -> memref<10112x16xf32, #tpu.memory_space<hbm>>
      tpu.enqueue_indirect_dma source(%dma_start3A_38 : memref<10112x16xf32, #tpu.memory_space<hbm>>) target(%arg14 : memref<128x16xf32, #tpu.memory_space<vmem>>) offsets(%dma_start3A_35 : memref<128xi32, #tpu.memory_space<vmem>>) semaphore(%arg20 : memref<!tpu.dma_semaphore, #tpu.memory_space<semaphore_mem>>)
      %dma_wait3A = arith.constant 0 : i32
      %dma_wait3A_39 = tpu.memref_slice %arg9[%mul3A_24, %dma_wait3A] : memref<82x128xi32, #tpu.memory_space<vmem>> -> memref<1x128xi32, #tpu.memory_space<vmem>>
      %dma_wait3A_40 = tpu.memref_squeeze %dma_wait3A_39 : memref<1x128xi32, #tpu.memory_space<vmem>> -> memref<128xi32, #tpu.memory_space<vmem>>
      %dma_wait3A_41 = arith.constant 0 : i32
      %dma_wait3A_42 = arith.constant 0 : i32
      %dma_wait3A_43 = tpu.memref_slice %arg4[%dma_wait3A_41, %dma_wait3A_42] : memref<10112x16xf32, #tpu.memory_space<hbm>> -> memref<10112x16xf32, #tpu.memory_space<hbm>>
      tpu.wait_indirect_dma semaphore(%arg17 : memref<!tpu.dma_semaphore, #tpu.memory_space<semaphore_mem>>) src(%dma_wait3A_43 : memref<10112x16xf32, #tpu.memory_space<hbm>>) dst(%arg11 : memref<128x16xf32, #tpu.memory_space<vmem>>)
      %dma_wait3A_44 = arith.constant 0 : i32
      %dma_wait3A_45 = tpu.memref_slice %arg10[%mul3A_24, %dma_wait3A_44] : memref<82x128xi32, #tpu.memory_space<vmem>> -> memref<1x128xi32, #tpu.memory_space<vmem>>
      %dma_wait3A_46 = tpu.memref_squeeze %dma_wait3A_45 : memref<1x128xi32, #tpu.memory_space<vmem>> -> memref<128xi32, #tpu.memory_space<vmem>>
      %dma_wait3A_47 = arith.constant 0 : i32
      %dma_wait3A_48 = arith.constant 0 : i32
      %dma_wait3A_49 = tpu.memref_slice %arg5[%dma_wait3A_47, %dma_wait3A_48] : memref<10112x16xf32, #tpu.memory_space<hbm>> -> memref<10112x16xf32, #tpu.memory_space<hbm>>
      tpu.wait_indirect_dma semaphore(%arg18 : memref<!tpu.dma_semaphore, #tpu.memory_space<semaphore_mem>>) src(%dma_wait3A_49 : memref<10112x16xf32, #tpu.memory_space<hbm>>) dst(%arg12 : memref<128x16xf32, #tpu.memory_space<vmem>>)
      %parallel_loop3A = arith.constant 0 : i32
      %parallel_loop3A_50 = arith.constant 128 : i32
      %parallel_loop3A_51 = arith.constant 1 : i32
      scf.for %parallel_loop3A_73 = %parallel_loop3A to %parallel_loop3A_50 step %parallel_loop3A_51  : i32 {
        %parallel_loop3A_74 = arith.index_cast %parallel_loop3A_73 : i32 to index
        %parallel_loop3A_75 = arith.constant 0 : index
        %parallel_loop3A_76 = tpu.vector_load %arg11[%parallel_loop3A_74, %parallel_loop3A_75] {strides = array<i32>} : memref<128x16xf32, #tpu.memory_space<vmem>>, vector<1x16xf32>,
        %parallel_loop3A_77 = vector.shape_cast %parallel_loop3A_76 : vector<1x16xf32> to vector<16xf32>
        %parallel_loop3A_78 = arith.index_cast %parallel_loop3A_73 : i32 to index
        %parallel_loop3A_79 = arith.constant 0 : index
        %parallel_loop3A_80 = tpu.vector_load %arg12[%parallel_loop3A_78, %parallel_loop3A_79] {strides = array<i32>} : memref<128x16xf32, #tpu.memory_space<vmem>>, vector<1x16xf32>,
        %parallel_loop3A_81 = vector.shape_cast %parallel_loop3A_80 : vector<1x16xf32> to vector<16xf32>
        %parallel_loop3A_82 = arith.addf %parallel_loop3A_77, %parallel_loop3A_81 : vector<16xf32>
        %parallel_loop3A_83 = arith.constant 2.000000e-01 : f32
        %parallel_loop3A_84 = vector.broadcast %parallel_loop3A_83 : f32 to vector<16xf32>
        %parallel_loop3A_85 = arith.mulf %parallel_loop3A_84, %parallel_loop3A_82 : vector<16xf32>
        %parallel_loop3A_86 = arith.maximumf %parallel_loop3A_82, %parallel_loop3A_85 : vector<16xf32>
        %parallel_loop3A_87 = math.exp %parallel_loop3A_86 : vector<16xf32>
        %parallel_loop3A_88 = arith.index_cast %parallel_loop3A_73 : i32 to index
        %parallel_loop3A_89 = arith.constant 0 : index
        %parallel_loop3A_90 = tpu.vector_load %arg15[%parallel_loop3A_88, %parallel_loop3A_89] {strides = array<i32>} : memref<128x16xf32, #tpu.memory_space<vmem>>, vector<1x16xf32>,
        %parallel_loop3A_91 = vector.shape_cast %parallel_loop3A_90 : vector<1x16xf32> to vector<16xf32>
        %parallel_loop3A_92 = vector.shape_cast %parallel_loop3A_87 : vector<16xf32> to vector<1x16xf32>
        tpu.vector_store %arg15[%parallel_loop3A_88, %parallel_loop3A_89], %parallel_loop3A_92 {strides = array<i32>} : memref<128x16xf32, #tpu.memory_space<vmem>>, vector<1x16xf32>,
      } {sc.loop_unroll_factor = 4 : i64, sc.parallel_access}
      "tpu.region"() ({
        %run_scoped3A = tpu.sem_alloc : memref<!tpu.dma_semaphore, #tpu.memory_space<semaphore_mem>>
        %dma_start3A_73 = arith.constant 0 : i32
        %dma_start3A_74 = arith.constant 0 : i32
        %dma_start3A_75 = tpu.memref_slice %arg7[%add3A, %mul3A_24, %dma_start3A_73, %dma_start3A_74] : memref<32x82x128x16xf32, #tpu.memory_space<hbm>> -> memref<1x1x128x16xf32, #tpu.memory_space<hbm>>
        %dma_start3A_76 = tpu.memref_squeeze %dma_start3A_75 : memref<1x1x128x16xf32, #tpu.memory_space<hbm>> -> memref<128x16xf32, #tpu.memory_space<hbm>>
        %dma_start3A_77 = arith.constant 0 : i32
        %dma_start3A_78 = arith.constant 0 : i32
        %dma_start3A_79 = tpu.memref_slice %arg7[%add3A, %mul3A_24, %dma_start3A_77, %dma_start3A_78] : memref<32x82x128x16xf32, #tpu.memory_space<hbm>> -> memref<1x1x128x16xf32, #tpu.memory_space<hbm>>
        %dma_start3A_80 = tpu.memref_squeeze %dma_start3A_79 : memref<1x1x128x16xf32, #tpu.memory_space<hbm>> -> memref<128x16xf32, #tpu.memory_space<hbm>>
        tpu.enqueue_dma source(%arg15 : memref<128x16xf32, #tpu.memory_space<vmem>>) target(%dma_start3A_80 : memref<128x16xf32, #tpu.memory_space<hbm>>) target_semaphore(%run_scoped3A : memref<!tpu.dma_semaphore, #tpu.memory_space<semaphore_mem>>)
        %dma_wait3A_81 = arith.constant 0 : i32
        %dma_wait3A_82 = arith.constant 0 : i32
        %dma_wait3A_83 = tpu.memref_slice %arg7[%add3A, %mul3A_24, %dma_wait3A_81, %dma_wait3A_82] : memref<32x82x128x16xf32, #tpu.memory_space<hbm>> -> memref<1x1x128x16xf32, #tpu.memory_space<hbm>>
        %dma_wait3A_84 = tpu.memref_squeeze %dma_wait3A_83 : memref<1x1x128x16xf32, #tpu.memory_space<hbm>> -> memref<128x16xf32, #tpu.memory_space<hbm>>
        %dma_wait3A_85 = arith.constant 0 : i32
        %dma_wait3A_86 = arith.constant 0 : i32
        %dma_wait3A_87 = tpu.memref_slice %arg7[%add3A, %mul3A_24, %dma_wait3A_85, %dma_wait3A_86] : memref<32x82x128x16xf32, #tpu.memory_space<hbm>> -> memref<1x1x128x16xf32, #tpu.memory_space<hbm>>
        %dma_wait3A_88 = tpu.memref_squeeze %dma_wait3A_87 : memref<1x1x128x16xf32, #tpu.memory_space<hbm>> -> memref<128x16xf32, #tpu.memory_space<hbm>>
        tpu.wait_dma2 semaphore(%run_scoped3A : memref<!tpu.dma_semaphore, #tpu.memory_space<semaphore_mem>>) src(%arg15 : memref<128x16xf32, #tpu.memory_space<vmem>>) dst(%dma_wait3A_88 : memref<128x16xf32, #tpu.memory_space<hbm>>)
        tpu.yield
      }) : () -> ()
      "tpu.region"() ({
        %run_scoped3A = tpu.sem_alloc : memref<!tpu.dma_semaphore, #tpu.memory_space<semaphore_mem>>
        %dma_start3A_73 = arith.constant 0 : i32
        %dma_start3A_74 = tpu.memref_slice %arg10[%mul3A_24, %dma_start3A_73] : memref<82x128xi32, #tpu.memory_space<vmem>> -> memref<1x128xi32, #tpu.memory_space<vmem>>
        %dma_start3A_75 = tpu.memref_squeeze %dma_start3A_74 : memref<1x128xi32, #tpu.memory_space<vmem>> -> memref<128xi32, #tpu.memory_space<vmem>>
        %dma_start3A_76 = arith.constant 0 : i32
        %dma_start3A_77 = arith.constant 0 : i32
        %dma_start3A_78 = tpu.memref_slice %arg16[%dma_start3A_76, %dma_start3A_77] : memref<10112x16xf32, #tpu.memory_space<vmem_shared>> -> memref<10112x16xf32, #tpu.memory_space<vmem_shared>>
        tpu.enqueue_indirect_dma source(%arg15 : memref<128x16xf32, #tpu.memory_space<vmem>>) target(%dma_start3A_78 : memref<10112x16xf32, #tpu.memory_space<vmem_shared>>) offsets(%dma_start3A_75 : memref<128xi32, #tpu.memory_space<vmem>>) semaphore(%run_scoped3A : memref<!tpu.dma_semaphore, #tpu.memory_space<semaphore_mem>>) {add = true}
        %dma_wait3A_79 = arith.constant 0 : i32
        %dma_wait3A_80 = tpu.memref_slice %arg10[%mul3A_24, %dma_wait3A_79] : memref<82x128xi32, #tpu.memory_space<vmem>> -> memref<1x128xi32, #tpu.memory_space<vmem>>
        %dma_wait3A_81 = tpu.memref_squeeze %dma_wait3A_80 : memref<1x128xi32, #tpu.memory_space<vmem>> -> memref<128xi32, #tpu.memory_space<vmem>>
        %dma_wait3A_82 = arith.constant 0 : i32
        %dma_wait3A_83 = arith.constant 0 : i32
        %dma_wait3A_84 = tpu.memref_slice %arg16[%dma_wait3A_82, %dma_wait3A_83] : memref<10112x16xf32, #tpu.memory_space<vmem_shared>> -> memref<10112x16xf32, #tpu.memory_space<vmem_shared>>
        tpu.wait_indirect_dma semaphore(%run_scoped3A : memref<!tpu.dma_semaphore, #tpu.memory_space<semaphore_mem>>) src(%arg15 : memref<128x16xf32, #tpu.memory_space<vmem>>) dst(%dma_wait3A_84 : memref<10112x16xf32, #tpu.memory_space<vmem_shared>>)
        tpu.yield
      }) : () -> ()
      %add3A_52 = arith.constant 2 : i32
      %add3A_53 = arith.addi %mul3A_24, %add3A_52 : i32
      %lt3A = arith.constant 82 : i32
      %lt3A_54 = arith.cmpi slt, %add3A_53, %lt3A : i32
      %convert_element_type3A = arith.extui %lt3A_54 : i1 to i32
      %cond3A = arith.constant 0 : i32
      %cond3A_55 = arith.cmpi ne, %convert_element_type3A, %cond3A : i32
      scf.if %cond3A_55 {
        %add3A_73 = arith.constant 2 : i32
        %add3A_74 = arith.addi %mul3A_24, %add3A_73 : i32
        %dma_start3A_75 = arith.constant 0 : i32
        %dma_start3A_76 = tpu.memref_slice %arg9[%add3A_74, %dma_start3A_75] : memref<82x128xi32, #tpu.memory_space<vmem>> -> memref<1x128xi32, #tpu.memory_space<vmem>>
        %dma_start3A_77 = tpu.memref_squeeze %dma_start3A_76 : memref<1x128xi32, #tpu.memory_space<vmem>> -> memref<128xi32, #tpu.memory_space<vmem>>
        %dma_start3A_78 = arith.constant 0 : i32
        %dma_start3A_79 = arith.constant 0 : i32
        %dma_start3A_80 = tpu.memref_slice %arg4[%dma_start3A_78, %dma_start3A_79] : memref<10112x16xf32, #tpu.memory_space<hbm>> -> memref<10112x16xf32, #tpu.memory_space<hbm>>
        tpu.enqueue_indirect_dma source(%dma_start3A_80 : memref<10112x16xf32, #tpu.memory_space<hbm>>) target(%arg11 : memref<128x16xf32, #tpu.memory_space<vmem>>) offsets(%dma_start3A_77 : memref<128xi32, #tpu.memory_space<vmem>>) semaphore(%arg17 : memref<!tpu.dma_semaphore, #tpu.memory_space<semaphore_mem>>)
        %dma_start3A_81 = arith.constant 0 : i32
        %dma_start3A_82 = tpu.memref_slice %arg10[%add3A_74, %dma_start3A_81] : memref<82x128xi32, #tpu.memory_space<vmem>> -> memref<1x128xi32, #tpu.memory_space<vmem>>
        %dma_start3A_83 = tpu.memref_squeeze %dma_start3A_82 : memref<1x128xi32, #tpu.memory_space<vmem>> -> memref<128xi32, #tpu.memory_space<vmem>>
        %dma_start3A_84 = arith.constant 0 : i32
        %dma_start3A_85 = arith.constant 0 : i32
        %dma_start3A_86 = tpu.memref_slice %arg5[%dma_start3A_84, %dma_start3A_85] : memref<10112x16xf32, #tpu.memory_space<hbm>> -> memref<10112x16xf32, #tpu.memory_space<hbm>>
        tpu.enqueue_indirect_dma source(%dma_start3A_86 : memref<10112x16xf32, #tpu.memory_space<hbm>>) target(%arg12 : memref<128x16xf32, #tpu.memory_space<vmem>>) offsets(%dma_start3A_83 : memref<128xi32, #tpu.memory_space<vmem>>) semaphore(%arg18 : memref<!tpu.dma_semaphore, #tpu.memory_space<semaphore_mem>>)
      } else {
      }
      %add3A_56 = arith.constant 1 : i32
      %add3A_57 = arith.addi %mul3A_24, %add3A_56 : i32
      %dma_wait3A_58 = arith.constant 0 : i32
      %dma_wait3A_59 = tpu.memref_slice %arg9[%add3A_57, %dma_wait3A_58] : memref<82x128xi32, #tpu.memory_space<vmem>> -> memref<1x128xi32, #tpu.memory_space<vmem>>
      %dma_wait3A_60 = tpu.memref_squeeze %dma_wait3A_59 : memref<1x128xi32, #tpu.memory_space<vmem>> -> memref<128xi32, #tpu.memory_space<vmem>>
      %dma_wait3A_61 = arith.constant 0 : i32
      %dma_wait3A_62 = arith.constant 0 : i32
      %dma_wait3A_63 = tpu.memref_slice %arg4[%dma_wait3A_61, %dma_wait3A_62] : memref<10112x16xf32, #tpu.memory_space<hbm>> -> memref<10112x16xf32, #tpu.memory_space<hbm>>
      tpu.wait_indirect_dma semaphore(%arg19 : memref<!tpu.dma_semaphore, #tpu.memory_space<semaphore_mem>>) src(%dma_wait3A_63 : memref<10112x16xf32, #tpu.memory_space<hbm>>) dst(%arg13 : memref<128x16xf32, #tpu.memory_space<vmem>>)
      %dma_wait3A_64 = arith.constant 0 : i32
      %dma_wait3A_65 = tpu.memref_slice %arg10[%add3A_57, %dma_wait3A_64] : memref<82x128xi32, #tpu.memory_space<vmem>> -> memref<1x128xi32, #tpu.memory_space<vmem>>
      %dma_wait3A_66 = tpu.memref_squeeze %dma_wait3A_65 : memref<1x128xi32, #tpu.memory_space<vmem>> -> memref<128xi32, #tpu.memory_space<vmem>>
      %dma_wait3A_67 = arith.constant 0 : i32
      %dma_wait3A_68 = arith.constant 0 : i32
      %dma_wait3A_69 = tpu.memref_slice %arg5[%dma_wait3A_67, %dma_wait3A_68] : memref<10112x16xf32, #tpu.memory_space<hbm>> -> memref<10112x16xf32, #tpu.memory_space<hbm>>
      tpu.wait_indirect_dma semaphore(%arg20 : memref<!tpu.dma_semaphore, #tpu.memory_space<semaphore_mem>>) src(%dma_wait3A_69 : memref<10112x16xf32, #tpu.memory_space<hbm>>) dst(%arg14 : memref<128x16xf32, #tpu.memory_space<vmem>>)
      %parallel_loop3A_70 = arith.constant 0 : i32
      %parallel_loop3A_71 = arith.constant 128 : i32
      %parallel_loop3A_72 = arith.constant 1 : i32
      scf.for %parallel_loop3A_73 = %parallel_loop3A_70 to %parallel_loop3A_71 step %parallel_loop3A_72  : i32 {
        %parallel_loop3A_74 = arith.index_cast %parallel_loop3A_73 : i32 to index
        %parallel_loop3A_75 = arith.constant 0 : index
        %parallel_loop3A_76 = tpu.vector_load %arg13[%parallel_loop3A_74, %parallel_loop3A_75] {strides = array<i32>} : memref<128x16xf32, #tpu.memory_space<vmem>>, vector<1x16xf32>,
        %parallel_loop3A_77 = vector.shape_cast %parallel_loop3A_76 : vector<1x16xf32> to vector<16xf32>
        %parallel_loop3A_78 = arith.index_cast %parallel_loop3A_73 : i32 to index
        %parallel_loop3A_79 = arith.constant 0 : index
        %parallel_loop3A_80 = tpu.vector_load %arg14[%parallel_loop3A_78, %parallel_loop3A_79] {strides = array<i32>} : memref<128x16xf32, #tpu.memory_space<vmem>>, vector<1x16xf32>,
        %parallel_loop3A_81 = vector.shape_cast %parallel_loop3A_80 : vector<1x16xf32> to vector<16xf32>
        %parallel_loop3A_82 = arith.addf %parallel_loop3A_77, %parallel_loop3A_81 : vector<16xf32>
        %parallel_loop3A_83 = arith.constant 2.000000e-01 : f32
        %parallel_loop3A_84 = vector.broadcast %parallel_loop3A_83 : f32 to vector<16xf32>
        %parallel_loop3A_85 = arith.mulf %parallel_loop3A_84, %parallel_loop3A_82 : vector<16xf32>
        %parallel_loop3A_86 = arith.maximumf %parallel_loop3A_82, %parallel_loop3A_85 : vector<16xf32>
        %parallel_loop3A_87 = math.exp %parallel_loop3A_86 : vector<16xf32>
        %parallel_loop3A_88 = arith.index_cast %parallel_loop3A_73 : i32 to index
        %parallel_loop3A_89 = arith.constant 0 : index
        %parallel_loop3A_90 = tpu.vector_load %arg15[%parallel_loop3A_88, %parallel_loop3A_89] {strides = array<i32>} : memref<128x16xf32, #tpu.memory_space<vmem>>, vector<1x16xf32>,
        %parallel_loop3A_91 = vector.shape_cast %parallel_loop3A_90 : vector<1x16xf32> to vector<16xf32>
        %parallel_loop3A_92 = vector.shape_cast %parallel_loop3A_87 : vector<16xf32> to vector<1x16xf32>
        tpu.vector_store %arg15[%parallel_loop3A_88, %parallel_loop3A_89], %parallel_loop3A_92 {strides = array<i32>} : memref<128x16xf32, #tpu.memory_space<vmem>>, vector<1x16xf32>,
      } {sc.loop_unroll_factor = 4 : i64, sc.parallel_access}
      "tpu.region"() ({
        %run_scoped3A = tpu.sem_alloc : memref<!tpu.dma_semaphore, #tpu.memory_space<semaphore_mem>>
        %dma_start3A_73 = arith.constant 0 : i32
        %dma_start3A_74 = arith.constant 0 : i32
        %dma_start3A_75 = tpu.memref_slice %arg7[%add3A, %add3A_57, %dma_start3A_73, %dma_start3A_74] : memref<32x82x128x16xf32, #tpu.memory_space<hbm>> -> memref<1x1x128x16xf32, #tpu.memory_space<hbm>>
        %dma_start3A_76 = tpu.memref_squeeze %dma_start3A_75 : memref<1x1x128x16xf32, #tpu.memory_space<hbm>> -> memref<128x16xf32, #tpu.memory_space<hbm>>
        %dma_start3A_77 = arith.constant 0 : i32
        %dma_start3A_78 = arith.constant 0 : i32
        %dma_start3A_79 = tpu.memref_slice %arg7[%add3A, %add3A_57, %dma_start3A_77, %dma_start3A_78] : memref<32x82x128x16xf32, #tpu.memory_space<hbm>> -> memref<1x1x128x16xf32, #tpu.memory_space<hbm>>
        %dma_start3A_80 = tpu.memref_squeeze %dma_start3A_79 : memref<1x1x128x16xf32, #tpu.memory_space<hbm>> -> memref<128x16xf32, #tpu.memory_space<hbm>>
        tpu.enqueue_dma source(%arg15 : memref<128x16xf32, #tpu.memory_space<vmem>>) target(%dma_start3A_80 : memref<128x16xf32, #tpu.memory_space<hbm>>) target_semaphore(%run_scoped3A : memref<!tpu.dma_semaphore, #tpu.memory_space<semaphore_mem>>)
        %dma_wait3A_81 = arith.constant 0 : i32
        %dma_wait3A_82 = arith.constant 0 : i32
        %dma_wait3A_83 = tpu.memref_slice %arg7[%add3A, %add3A_57, %dma_wait3A_81, %dma_wait3A_82] : memref<32x82x128x16xf32, #tpu.memory_space<hbm>> -> memref<1x1x128x16xf32, #tpu.memory_space<hbm>>
        %dma_wait3A_84 = tpu.memref_squeeze %dma_wait3A_83 : memref<1x1x128x16xf32, #tpu.memory_space<hbm>> -> memref<128x16xf32, #tpu.memory_space<hbm>>
        %dma_wait3A_85 = arith.constant 0 : i32
        %dma_wait3A_86 = arith.constant 0 : i32
        %dma_wait3A_87 = tpu.memref_slice %arg7[%add3A, %add3A_57, %dma_wait3A_85, %dma_wait3A_86] : memref<32x82x128x16xf32, #tpu.memory_space<hbm>> -> memref<1x1x128x16xf32, #tpu.memory_space<hbm>>
        %dma_wait3A_88 = tpu.memref_squeeze %dma_wait3A_87 : memref<1x1x128x16xf32, #tpu.memory_space<hbm>> -> memref<128x16xf32, #tpu.memory_space<hbm>>
        tpu.wait_dma2 semaphore(%run_scoped3A : memref<!tpu.dma_semaphore, #tpu.memory_space<semaphore_mem>>) src(%arg15 : memref<128x16xf32, #tpu.memory_space<vmem>>) dst(%dma_wait3A_88 : memref<128x16xf32, #tpu.memory_space<hbm>>)
        tpu.yield
      }) : () -> ()
      "tpu.region"() ({
        %run_scoped3A = tpu.sem_alloc : memref<!tpu.dma_semaphore, #tpu.memory_space<semaphore_mem>>
        %dma_start3A_73 = arith.constant 0 : i32
        %dma_start3A_74 = tpu.memref_slice %arg10[%add3A_57, %dma_start3A_73] : memref<82x128xi32, #tpu.memory_space<vmem>> -> memref<1x128xi32, #tpu.memory_space<vmem>>
        %dma_start3A_75 = tpu.memref_squeeze %dma_start3A_74 : memref<1x128xi32, #tpu.memory_space<vmem>> -> memref<128xi32, #tpu.memory_space<vmem>>
        %dma_start3A_76 = arith.constant 0 : i32
        %dma_start3A_77 = arith.constant 0 : i32
        %dma_start3A_78 = tpu.memref_slice %arg16[%dma_start3A_76, %dma_start3A_77] : memref<10112x16xf32, #tpu.memory_space<vmem_shared>> -> memref<10112x16xf32, #tpu.memory_space<vmem_shared>>
        tpu.enqueue_indirect_dma source(%arg15 : memref<128x16xf32, #tpu.memory_space<vmem>>) target(%dma_start3A_78 : memref<10112x16xf32, #tpu.memory_space<vmem_shared>>) offsets(%dma_start3A_75 : memref<128xi32, #tpu.memory_space<vmem>>) semaphore(%run_scoped3A : memref<!tpu.dma_semaphore, #tpu.memory_space<semaphore_mem>>) {add = true}
        %dma_wait3A_79 = arith.constant 0 : i32
        %dma_wait3A_80 = tpu.memref_slice %arg10[%add3A_57, %dma_wait3A_79] : memref<82x128xi32, #tpu.memory_space<vmem>> -> memref<1x128xi32, #tpu.memory_space<vmem>>
        %dma_wait3A_81 = tpu.memref_squeeze %dma_wait3A_80 : memref<1x128xi32, #tpu.memory_space<vmem>> -> memref<128xi32, #tpu.memory_space<vmem>>
        %dma_wait3A_82 = arith.constant 0 : i32
        %dma_wait3A_83 = arith.constant 0 : i32
        %dma_wait3A_84 = tpu.memref_slice %arg16[%dma_wait3A_82, %dma_wait3A_83] : memref<10112x16xf32, #tpu.memory_space<vmem_shared>> -> memref<10112x16xf32, #tpu.memory_space<vmem_shared>>
        tpu.wait_indirect_dma semaphore(%run_scoped3A : memref<!tpu.dma_semaphore, #tpu.memory_space<semaphore_mem>>) src(%arg15 : memref<128x16xf32, #tpu.memory_space<vmem>>) dst(%dma_wait3A_84 : memref<10112x16xf32, #tpu.memory_space<vmem_shared>>)
        tpu.yield
      }) : () -> ()
    }
    %scan3A_20 = arith.constant 41 : i32
    %barrier3A_21 = arith.constant 0 : index
    tpu.barrier barrier_id(%barrier3A_21)
    "tpu.region"() ({
      %run_scoped3A = tpu.sem_alloc : memref<!tpu.dma_semaphore, #tpu.memory_space<semaphore_mem>>
      %dma_start3A_22 = arith.constant 0 : i32
      %dma_start3A_23 = tpu.memref_slice %arg8[%arg0, %mul3A_2, %dma_start3A_22] : memref<2x10112x16xf32, #tpu.memory_space<hbm>> -> memref<1x632x16xf32, #tpu.memory_space<hbm>>
      %dma_start3A_24 = tpu.memref_squeeze %dma_start3A_23 : memref<1x632x16xf32, #tpu.memory_space<hbm>> -> memref<632x16xf32, #tpu.memory_space<hbm>>
      %dma_start3A_25 = arith.constant 0 : i32
      %dma_start3A_26 = tpu.memref_slice %arg16[%mul3A_2, %dma_start3A_25] : memref<10112x16xf32, #tpu.memory_space<vmem_shared>> -> memref<632x16xf32, #tpu.memory_space<vmem_shared>>
      tpu.enqueue_dma source(%dma_start3A_26 : memref<632x16xf32, #tpu.memory_space<vmem_shared>>) target(%dma_start3A_24 : memref<632x16xf32, #tpu.memory_space<hbm>>) target_semaphore(%run_scoped3A : memref<!tpu.dma_semaphore, #tpu.memory_space<semaphore_mem>>)
      %dma_wait3A = arith.constant 0 : i32
      %dma_wait3A_27 = tpu.memref_slice %arg8[%arg0, %mul3A_2, %dma_wait3A] : memref<2x10112x16xf32, #tpu.memory_space<hbm>> -> memref<1x632x16xf32, #tpu.memory_space<hbm>>
      %dma_wait3A_28 = tpu.memref_squeeze %dma_wait3A_27 : memref<1x632x16xf32, #tpu.memory_space<hbm>> -> memref<632x16xf32, #tpu.memory_space<hbm>>
      %dma_wait3A_29 = arith.constant 0 : i32
      %dma_wait3A_30 = tpu.memref_slice %arg16[%mul3A_2, %dma_wait3A_29] : memref<10112x16xf32, #tpu.memory_space<vmem_shared>> -> memref<632x16xf32, #tpu.memory_space<vmem_shared>>
      tpu.wait_dma2 semaphore(%run_scoped3A : memref<!tpu.dma_semaphore, #tpu.memory_space<semaphore_mem>>) src(%dma_wait3A_30 : memref<632x16xf32, #tpu.memory_space<vmem_shared>>) dst(%dma_wait3A_28 : memref<632x16xf32, #tpu.memory_space<hbm>>)
      tpu.yield
    }) : () -> ()
    return
  }
}

#map = affine_map<(d0, d1) -> (0, 0, 0)>
#map1 = affine_map<(d0, d1) -> (0, 0)>
#map2 = affine_map<(d0, d1) -> (0, 0, 0, 0)>
module attributes {stable_mosaic.version = 14 : i64} {
  func.func @_sc_pass2(%arg0: i32, %arg1: i32, %arg2: memref<32x82x128xi32, #tpu.memory_space<hbm>>, %arg3: memref<10112x128xf32, #tpu.memory_space<hbm>>, %arg4: memref<32x82x128x16xf32, #tpu.memory_space<hbm>>, %arg5: memref<10112x16xf32, #tpu.memory_space<hbm>>, %arg6: memref<10112x128xf32, #tpu.memory_space<hbm>>, %arg7: memref<2x10112x128xf32, #tpu.memory_space<hbm>>, %arg8: memref<82x128xi32, #tpu.memory_space<vmem>>, %arg9: memref<1x128xi32, #tpu.memory_space<vmem>>, %arg10: memref<1x128xi32, #tpu.memory_space<vmem>>, %arg11: memref<1x128xi32, #tpu.memory_space<vmem>>, %arg12: memref<1x128xi32, #tpu.memory_space<vmem>>, %arg13: memref<128x16xf32, #tpu.memory_space<vmem>>, %arg14: memref<128x16xf32, #tpu.memory_space<vmem>>, %arg15: memref<128x128xf32, #tpu.memory_space<vmem>>, %arg16: memref<128x16xf32, #tpu.memory_space<vmem>>, %arg17: memref<128x128xf32, #tpu.memory_space<vmem>>, %arg18: memref<10112x128xf32, #tpu.memory_space<vmem_shared>>, %arg19: memref<!tpu.dma_semaphore, #tpu.memory_space<semaphore_mem>>, %arg20: memref<!tpu.dma_semaphore, #tpu.memory_space<semaphore_mem>>, %arg21: memref<!tpu.dma_semaphore, #tpu.memory_space<semaphore_mem>>, %arg22: memref<!tpu.dma_semaphore, #tpu.memory_space<semaphore_mem>>, %arg23: memref<!tpu.dma_semaphore, #tpu.memory_space<semaphore_mem>>, %arg24: memref<!tpu.dma_semaphore, #tpu.memory_space<semaphore_mem>>) attributes {dimension_semantics = [#tpu.dimension_semantics<core_parallel>, #tpu.dimension_semantics<subcore_parallel>], iteration_bounds = array<i64: 2, 16>, scalar_prefetch = 0 : i64, scratch_operands = 17 : i64, tpu.core_type = #tpu.core_type<sc_vector_subcore>, window_params = [{transform_indices = #map}, {transform_indices = #map1}, {transform_indices = #map2}, {transform_indices = #map1}, {transform_indices = #map1}, {transform_indices = #map}]} {
    %mul3A = arith.constant 16 : i32
    %mul3A_0 = arith.muli %arg0, %mul3A : i32
    %add3A = arith.addi %mul3A_0, %arg1 : i32
    %mul3A_1 = arith.constant 632 : i32
    %mul3A_2 = arith.muli %arg1, %mul3A_1 : i32
    "tpu.region"() ({
      %run_scoped3A = tpu.sem_alloc : memref<!tpu.dma_semaphore, #tpu.memory_space<semaphore_mem>>
      %dma_start3A_202 = arith.constant 0 : i32
      %dma_start3A_203 = tpu.memref_slice %arg18[%mul3A_2, %dma_start3A_202] : memref<10112x128xf32, #tpu.memory_space<vmem_shared>> -> memref<632x128xf32, #tpu.memory_space<vmem_shared>>
      %dma_start3A_204 = arith.constant 0 : i32
      %dma_start3A_205 = tpu.memref_slice %arg6[%mul3A_2, %dma_start3A_204] : memref<10112x128xf32, #tpu.memory_space<hbm>> -> memref<632x128xf32, #tpu.memory_space<hbm>>
      tpu.enqueue_dma source(%dma_start3A_205 : memref<632x128xf32, #tpu.memory_space<hbm>>) target(%dma_start3A_203 : memref<632x128xf32, #tpu.memory_space<vmem_shared>>) target_semaphore(%run_scoped3A : memref<!tpu.dma_semaphore, #tpu.memory_space<semaphore_mem>>)
      %dma_wait3A = arith.constant 0 : i32
      %dma_wait3A_206 = tpu.memref_slice %arg18[%mul3A_2, %dma_wait3A] : memref<10112x128xf32, #tpu.memory_space<vmem_shared>> -> memref<632x128xf32, #tpu.memory_space<vmem_shared>>
      %dma_wait3A_207 = arith.constant 0 : i32
      %dma_wait3A_208 = tpu.memref_slice %arg6[%mul3A_2, %dma_wait3A_207] : memref<10112x128xf32, #tpu.memory_space<hbm>> -> memref<632x128xf32, #tpu.memory_space<hbm>>
      tpu.wait_dma2 semaphore(%run_scoped3A : memref<!tpu.dma_semaphore, #tpu.memory_space<semaphore_mem>>) src(%dma_wait3A_208 : memref<632x128xf32, #tpu.memory_space<hbm>>) dst(%dma_wait3A_206 : memref<632x128xf32, #tpu.memory_space<vmem_shared>>)
      tpu.yield
    }) : () -> ()
    %barrier3A = arith.constant 0 : index
    tpu.barrier barrier_id(%barrier3A)
    "tpu.region"() ({
      %run_scoped3A = tpu.sem_alloc : memref<!tpu.dma_semaphore, #tpu.memory_space<semaphore_mem>>
      %dma_start3A_202 = arith.constant 0 : i32
      %dma_start3A_203 = arith.constant 0 : i32
      %dma_start3A_204 = tpu.memref_slice %arg2[%add3A, %dma_start3A_202, %dma_start3A_203] : memref<32x82x128xi32, #tpu.memory_space<hbm>> -> memref<1x82x128xi32, #tpu.memory_space<hbm>>
      %dma_start3A_205 = tpu.memref_squeeze %dma_start3A_204 : memref<1x82x128xi32, #tpu.memory_space<hbm>> -> memref<82x128xi32, #tpu.memory_space<hbm>>
      %dma_start3A_206 = arith.constant 0 : i32
      %dma_start3A_207 = arith.constant 0 : i32
      %dma_start3A_208 = tpu.memref_slice %arg2[%add3A, %dma_start3A_206, %dma_start3A_207] : memref<32x82x128xi32, #tpu.memory_space<hbm>> -> memref<1x82x128xi32, #tpu.memory_space<hbm>>
      %dma_start3A_209 = tpu.memref_squeeze %dma_start3A_208 : memref<1x82x128xi32, #tpu.memory_space<hbm>> -> memref<82x128xi32, #tpu.memory_space<hbm>>
      tpu.enqueue_dma source(%dma_start3A_209 : memref<82x128xi32, #tpu.memory_space<hbm>>) target(%arg8 : memref<82x128xi32, #tpu.memory_space<vmem>>) target_semaphore(%run_scoped3A : memref<!tpu.dma_semaphore, #tpu.memory_space<semaphore_mem>>)
      %dma_wait3A = arith.constant 0 : i32
      %dma_wait3A_210 = arith.constant 0 : i32
      %dma_wait3A_211 = tpu.memref_slice %arg2[%add3A, %dma_wait3A, %dma_wait3A_210] : memref<32x82x128xi32, #tpu.memory_space<hbm>> -> memref<1x82x128xi32, #tpu.memory_space<hbm>>
      %dma_wait3A_212 = tpu.memref_squeeze %dma_wait3A_211 : memref<1x82x128xi32, #tpu.memory_space<hbm>> -> memref<82x128xi32, #tpu.memory_space<hbm>>
      %dma_wait3A_213 = arith.constant 0 : i32
      %dma_wait3A_214 = arith.constant 0 : i32
      %dma_wait3A_215 = tpu.memref_slice %arg2[%add3A, %dma_wait3A_213, %dma_wait3A_214] : memref<32x82x128xi32, #tpu.memory_space<hbm>> -> memref<1x82x128xi32, #tpu.memory_space<hbm>>
      %dma_wait3A_216 = tpu.memref_squeeze %dma_wait3A_215 : memref<1x82x128xi32, #tpu.memory_space<hbm>> -> memref<82x128xi32, #tpu.memory_space<hbm>>
      tpu.wait_dma2 semaphore(%run_scoped3A : memref<!tpu.dma_semaphore, #tpu.memory_space<semaphore_mem>>) src(%dma_wait3A_216 : memref<82x128xi32, #tpu.memory_space<hbm>>) dst(%arg8 : memref<82x128xi32, #tpu.memory_space<vmem>>)
      tpu.yield
    }) : () -> ()
    %get3A = arith.constant 0 : i32
    %get3A_3 = arith.index_cast %get3A : i32 to index
    %get3A_4 = arith.constant 0 : index
    %get3A_5 = tpu.vector_load %arg8[%get3A_3, %get3A_4] {strides = array<i32>} : memref<82x128xi32, #tpu.memory_space<vmem>>, vector<1x16xi32>,
    %get3A_6 = vector.shape_cast %get3A_5 : vector<1x16xi32> to vector<16xi32>
    %and3A = arith.constant 16383 : i32
    %and3A_7 = vector.broadcast %and3A : i32 to vector<16xi32>
    %and3A_8 = arith.andi %get3A_6, %and3A_7 : vector<16xi32>
    %swap3A = arith.constant 0 : i32
    %swap3A_9 = arith.index_cast %swap3A : i32 to index
    %swap3A_10 = arith.constant 0 : index
    %swap3A_11 = tpu.vector_load %arg9[%swap3A_9, %swap3A_10] {strides = array<i32>} : memref<1x128xi32, #tpu.memory_space<vmem>>, vector<1x16xi32>,
    %swap3A_12 = vector.shape_cast %swap3A_11 : vector<1x16xi32> to vector<16xi32>
    %swap3A_13 = vector.shape_cast %and3A_8 : vector<16xi32> to vector<1x16xi32>
    tpu.vector_store %arg9[%swap3A_9, %swap3A_10], %swap3A_13 {strides = array<i32>} : memref<1x128xi32, #tpu.memory_space<vmem>>, vector<1x16xi32>,
    %shift_right_logical3A = arith.constant 14 : i32
    %shift_right_logical3A_14 = vector.broadcast %shift_right_logical3A : i32 to vector<16xi32>
    %shift_right_logical3A_15 = arith.shrui %get3A_6, %shift_right_logical3A_14 : vector<16xi32>
    %swap3A_16 = arith.constant 0 : i32
    %swap3A_17 = arith.index_cast %swap3A_16 : i32 to index
    %swap3A_18 = arith.constant 0 : index
    %swap3A_19 = tpu.vector_load %arg10[%swap3A_17, %swap3A_18] {strides = array<i32>} : memref<1x128xi32, #tpu.memory_space<vmem>>, vector<1x16xi32>,
    %swap3A_20 = vector.shape_cast %swap3A_19 : vector<1x16xi32> to vector<16xi32>
    %swap3A_21 = vector.shape_cast %shift_right_logical3A_15 : vector<16xi32> to vector<1x16xi32>
    tpu.vector_store %arg10[%swap3A_17, %swap3A_18], %swap3A_21 {strides = array<i32>} : memref<1x128xi32, #tpu.memory_space<vmem>>, vector<1x16xi32>,
    %get3A_22 = arith.constant 0 : i32
    %get3A_23 = arith.index_cast %get3A_22 : i32 to index
    %get3A_24 = arith.constant 16 : index
    %get3A_25 = tpu.vector_load %arg8[%get3A_23, %get3A_24] {strides = array<i32>} : memref<82x128xi32, #tpu.memory_space<vmem>>, vector<1x16xi32>,
    %get3A_26 = vector.shape_cast %get3A_25 : vector<1x16xi32> to vector<16xi32>
    %and3A_27 = arith.constant 16383 : i32
    %and3A_28 = vector.broadcast %and3A_27 : i32 to vector<16xi32>
    %and3A_29 = arith.andi %get3A_26, %and3A_28 : vector<16xi32>
    %swap3A_30 = arith.constant 0 : i32
    %swap3A_31 = arith.index_cast %swap3A_30 : i32 to index
    %swap3A_32 = arith.constant 16 : index
    %swap3A_33 = tpu.vector_load %arg9[%swap3A_31, %swap3A_32] {strides = array<i32>} : memref<1x128xi32, #tpu.memory_space<vmem>>, vector<1x16xi32>,
    %swap3A_34 = vector.shape_cast %swap3A_33 : vector<1x16xi32> to vector<16xi32>
    %swap3A_35 = vector.shape_cast %and3A_29 : vector<16xi32> to vector<1x16xi32>
    tpu.vector_store %arg9[%swap3A_31, %swap3A_32], %swap3A_35 {strides = array<i32>} : memref<1x128xi32, #tpu.memory_space<vmem>>, vector<1x16xi32>,
    %shift_right_logical3A_36 = arith.constant 14 : i32
    %shift_right_logical3A_37 = vector.broadcast %shift_right_logical3A_36 : i32 to vector<16xi32>
    %shift_right_logical3A_38 = arith.shrui %get3A_26, %shift_right_logical3A_37 : vector<16xi32>
    %swap3A_39 = arith.constant 0 : i32
    %swap3A_40 = arith.index_cast %swap3A_39 : i32 to index
    %swap3A_41 = arith.constant 16 : index
    %swap3A_42 = tpu.vector_load %arg10[%swap3A_40, %swap3A_41] {strides = array<i32>} : memref<1x128xi32, #tpu.memory_space<vmem>>, vector<1x16xi32>,
    %swap3A_43 = vector.shape_cast %swap3A_42 : vector<1x16xi32> to vector<16xi32>
    %swap3A_44 = vector.shape_cast %shift_right_logical3A_38 : vector<16xi32> to vector<1x16xi32>
    tpu.vector_store %arg10[%swap3A_40, %swap3A_41], %swap3A_44 {strides = array<i32>} : memref<1x128xi32, #tpu.memory_space<vmem>>, vector<1x16xi32>,
    %get3A_45 = arith.constant 0 : i32
    %get3A_46 = arith.index_cast %get3A_45 : i32 to index
    %get3A_47 = arith.constant 32 : index
    %get3A_48 = tpu.vector_load %arg8[%get3A_46, %get3A_47] {strides = array<i32>} : memref<82x128xi32, #tpu.memory_space<vmem>>, vector<1x16xi32>,
    %get3A_49 = vector.shape_cast %get3A_48 : vector<1x16xi32> to vector<16xi32>
    %and3A_50 = arith.constant 16383 : i32
    %and3A_51 = vector.broadcast %and3A_50 : i32 to vector<16xi32>
    %and3A_52 = arith.andi %get3A_49, %and3A_51 : vector<16xi32>
    %swap3A_53 = arith.constant 0 : i32
    %swap3A_54 = arith.index_cast %swap3A_53 : i32 to index
    %swap3A_55 = arith.constant 32 : index
    %swap3A_56 = tpu.vector_load %arg9[%swap3A_54, %swap3A_55] {strides = array<i32>} : memref<1x128xi32, #tpu.memory_space<vmem>>, vector<1x16xi32>,
    %swap3A_57 = vector.shape_cast %swap3A_56 : vector<1x16xi32> to vector<16xi32>
    %swap3A_58 = vector.shape_cast %and3A_52 : vector<16xi32> to vector<1x16xi32>
    tpu.vector_store %arg9[%swap3A_54, %swap3A_55], %swap3A_58 {strides = array<i32>} : memref<1x128xi32, #tpu.memory_space<vmem>>, vector<1x16xi32>,
    %shift_right_logical3A_59 = arith.constant 14 : i32
    %shift_right_logical3A_60 = vector.broadcast %shift_right_logical3A_59 : i32 to vector<16xi32>
    %shift_right_logical3A_61 = arith.shrui %get3A_49, %shift_right_logical3A_60 : vector<16xi32>
    %swap3A_62 = arith.constant 0 : i32
    %swap3A_63 = arith.index_cast %swap3A_62 : i32 to index
    %swap3A_64 = arith.constant 32 : index
    %swap3A_65 = tpu.vector_load %arg10[%swap3A_63, %swap3A_64] {strides = array<i32>} : memref<1x128xi32, #tpu.memory_space<vmem>>, vector<1x16xi32>,
    %swap3A_66 = vector.shape_cast %swap3A_65 : vector<1x16xi32> to vector<16xi32>
    %swap3A_67 = vector.shape_cast %shift_right_logical3A_61 : vector<16xi32> to vector<1x16xi32>
    tpu.vector_store %arg10[%swap3A_63, %swap3A_64], %swap3A_67 {strides = array<i32>} : memref<1x128xi32, #tpu.memory_space<vmem>>, vector<1x16xi32>,
    %get3A_68 = arith.constant 0 : i32
    %get3A_69 = arith.index_cast %get3A_68 : i32 to index
    %get3A_70 = arith.constant 48 : index
    %get3A_71 = tpu.vector_load %arg8[%get3A_69, %get3A_70] {strides = array<i32>} : memref<82x128xi32, #tpu.memory_space<vmem>>, vector<1x16xi32>,
    %get3A_72 = vector.shape_cast %get3A_71 : vector<1x16xi32> to vector<16xi32>
    %and3A_73 = arith.constant 16383 : i32
    %and3A_74 = vector.broadcast %and3A_73 : i32 to vector<16xi32>
    %and3A_75 = arith.andi %get3A_72, %and3A_74 : vector<16xi32>
    %swap3A_76 = arith.constant 0 : i32
    %swap3A_77 = arith.index_cast %swap3A_76 : i32 to index
    %swap3A_78 = arith.constant 48 : index
    %swap3A_79 = tpu.vector_load %arg9[%swap3A_77, %swap3A_78] {strides = array<i32>} : memref<1x128xi32, #tpu.memory_space<vmem>>, vector<1x16xi32>,
    %swap3A_80 = vector.shape_cast %swap3A_79 : vector<1x16xi32> to vector<16xi32>
    %swap3A_81 = vector.shape_cast %and3A_75 : vector<16xi32> to vector<1x16xi32>
    tpu.vector_store %arg9[%swap3A_77, %swap3A_78], %swap3A_81 {strides = array<i32>} : memref<1x128xi32, #tpu.memory_space<vmem>>, vector<1x16xi32>,
    %shift_right_logical3A_82 = arith.constant 14 : i32
    %shift_right_logical3A_83 = vector.broadcast %shift_right_logical3A_82 : i32 to vector<16xi32>
    %shift_right_logical3A_84 = arith.shrui %get3A_72, %shift_right_logical3A_83 : vector<16xi32>
    %swap3A_85 = arith.constant 0 : i32
    %swap3A_86 = arith.index_cast %swap3A_85 : i32 to index
    %swap3A_87 = arith.constant 48 : index
    %swap3A_88 = tpu.vector_load %arg10[%swap3A_86, %swap3A_87] {strides = array<i32>} : memref<1x128xi32, #tpu.memory_space<vmem>>, vector<1x16xi32>,
    %swap3A_89 = vector.shape_cast %swap3A_88 : vector<1x16xi32> to vector<16xi32>
    %swap3A_90 = vector.shape_cast %shift_right_logical3A_84 : vector<16xi32> to vector<1x16xi32>
    tpu.vector_store %arg10[%swap3A_86, %swap3A_87], %swap3A_90 {strides = array<i32>} : memref<1x128xi32, #tpu.memory_space<vmem>>, vector<1x16xi32>,
    %get3A_91 = arith.constant 0 : i32
    %get3A_92 = arith.index_cast %get3A_91 : i32 to index
    %get3A_93 = arith.constant 64 : index
    %get3A_94 = tpu.vector_load %arg8[%get3A_92, %get3A_93] {strides = array<i32>} : memref<82x128xi32, #tpu.memory_space<vmem>>, vector<1x16xi32>,
    %get3A_95 = vector.shape_cast %get3A_94 : vector<1x16xi32> to vector<16xi32>
    %and3A_96 = arith.constant 16383 : i32
    %and3A_97 = vector.broadcast %and3A_96 : i32 to vector<16xi32>
    %and3A_98 = arith.andi %get3A_95, %and3A_97 : vector<16xi32>
    %swap3A_99 = arith.constant 0 : i32
    %swap3A_100 = arith.index_cast %swap3A_99 : i32 to index
    %swap3A_101 = arith.constant 64 : index
    %swap3A_102 = tpu.vector_load %arg9[%swap3A_100, %swap3A_101] {strides = array<i32>} : memref<1x128xi32, #tpu.memory_space<vmem>>, vector<1x16xi32>,
    %swap3A_103 = vector.shape_cast %swap3A_102 : vector<1x16xi32> to vector<16xi32>
    %swap3A_104 = vector.shape_cast %and3A_98 : vector<16xi32> to vector<1x16xi32>
    tpu.vector_store %arg9[%swap3A_100, %swap3A_101], %swap3A_104 {strides = array<i32>} : memref<1x128xi32, #tpu.memory_space<vmem>>, vector<1x16xi32>,
    %shift_right_logical3A_105 = arith.constant 14 : i32
    %shift_right_logical3A_106 = vector.broadcast %shift_right_logical3A_105 : i32 to vector<16xi32>
    %shift_right_logical3A_107 = arith.shrui %get3A_95, %shift_right_logical3A_106 : vector<16xi32>
    %swap3A_108 = arith.constant 0 : i32
    %swap3A_109 = arith.index_cast %swap3A_108 : i32 to index
    %swap3A_110 = arith.constant 64 : index
    %swap3A_111 = tpu.vector_load %arg10[%swap3A_109, %swap3A_110] {strides = array<i32>} : memref<1x128xi32, #tpu.memory_space<vmem>>, vector<1x16xi32>,
    %swap3A_112 = vector.shape_cast %swap3A_111 : vector<1x16xi32> to vector<16xi32>
    %swap3A_113 = vector.shape_cast %shift_right_logical3A_107 : vector<16xi32> to vector<1x16xi32>
    tpu.vector_store %arg10[%swap3A_109, %swap3A_110], %swap3A_113 {strides = array<i32>} : memref<1x128xi32, #tpu.memory_space<vmem>>, vector<1x16xi32>,
    %get3A_114 = arith.constant 0 : i32
    %get3A_115 = arith.index_cast %get3A_114 : i32 to index
    %get3A_116 = arith.constant 80 : index
    %get3A_117 = tpu.vector_load %arg8[%get3A_115, %get3A_116] {strides = array<i32>} : memref<82x128xi32, #tpu.memory_space<vmem>>, vector<1x16xi32>,
    %get3A_118 = vector.shape_cast %get3A_117 : vector<1x16xi32> to vector<16xi32>
    %and3A_119 = arith.constant 16383 : i32
    %and3A_120 = vector.broadcast %and3A_119 : i32 to vector<16xi32>
    %and3A_121 = arith.andi %get3A_118, %and3A_120 : vector<16xi32>
    %swap3A_122 = arith.constant 0 : i32
    %swap3A_123 = arith.index_cast %swap3A_122 : i32 to index
    %swap3A_124 = arith.constant 80 : index
    %swap3A_125 = tpu.vector_load %arg9[%swap3A_123, %swap3A_124] {strides = array<i32>} : memref<1x128xi32, #tpu.memory_space<vmem>>, vector<1x16xi32>,
    %swap3A_126 = vector.shape_cast %swap3A_125 : vector<1x16xi32> to vector<16xi32>
    %swap3A_127 = vector.shape_cast %and3A_121 : vector<16xi32> to vector<1x16xi32>
    tpu.vector_store %arg9[%swap3A_123, %swap3A_124], %swap3A_127 {strides = array<i32>} : memref<1x128xi32, #tpu.memory_space<vmem>>, vector<1x16xi32>,
    %shift_right_logical3A_128 = arith.constant 14 : i32
    %shift_right_logical3A_129 = vector.broadcast %shift_right_logical3A_128 : i32 to vector<16xi32>
    %shift_right_logical3A_130 = arith.shrui %get3A_118, %shift_right_logical3A_129 : vector<16xi32>
    %swap3A_131 = arith.constant 0 : i32
    %swap3A_132 = arith.index_cast %swap3A_131 : i32 to index
    %swap3A_133 = arith.constant 80 : index
    %swap3A_134 = tpu.vector_load %arg10[%swap3A_132, %swap3A_133] {strides = array<i32>} : memref<1x128xi32, #tpu.memory_space<vmem>>, vector<1x16xi32>,
    %swap3A_135 = vector.shape_cast %swap3A_134 : vector<1x16xi32> to vector<16xi32>
    %swap3A_136 = vector.shape_cast %shift_right_logical3A_130 : vector<16xi32> to vector<1x16xi32>
    tpu.vector_store %arg10[%swap3A_132, %swap3A_133], %swap3A_136 {strides = array<i32>} : memref<1x128xi32, #tpu.memory_space<vmem>>, vector<1x16xi32>,
    %get3A_137 = arith.constant 0 : i32
    %get3A_138 = arith.index_cast %get3A_137 : i32 to index
    %get3A_139 = arith.constant 96 : index
    %get3A_140 = tpu.vector_load %arg8[%get3A_138, %get3A_139] {strides = array<i32>} : memref<82x128xi32, #tpu.memory_space<vmem>>, vector<1x16xi32>,
    %get3A_141 = vector.shape_cast %get3A_140 : vector<1x16xi32> to vector<16xi32>
    %and3A_142 = arith.constant 16383 : i32
    %and3A_143 = vector.broadcast %and3A_142 : i32 to vector<16xi32>
    %and3A_144 = arith.andi %get3A_141, %and3A_143 : vector<16xi32>
    %swap3A_145 = arith.constant 0 : i32
    %swap3A_146 = arith.index_cast %swap3A_145 : i32 to index
    %swap3A_147 = arith.constant 96 : index
    %swap3A_148 = tpu.vector_load %arg9[%swap3A_146, %swap3A_147] {strides = array<i32>} : memref<1x128xi32, #tpu.memory_space<vmem>>, vector<1x16xi32>,
    %swap3A_149 = vector.shape_cast %swap3A_148 : vector<1x16xi32> to vector<16xi32>
    %swap3A_150 = vector.shape_cast %and3A_144 : vector<16xi32> to vector<1x16xi32>
    tpu.vector_store %arg9[%swap3A_146, %swap3A_147], %swap3A_150 {strides = array<i32>} : memref<1x128xi32, #tpu.memory_space<vmem>>, vector<1x16xi32>,
    %shift_right_logical3A_151 = arith.constant 14 : i32
    %shift_right_logical3A_152 = vector.broadcast %shift_right_logical3A_151 : i32 to vector<16xi32>
    %shift_right_logical3A_153 = arith.shrui %get3A_141, %shift_right_logical3A_152 : vector<16xi32>
    %swap3A_154 = arith.constant 0 : i32
    %swap3A_155 = arith.index_cast %swap3A_154 : i32 to index
    %swap3A_156 = arith.constant 96 : index
    %swap3A_157 = tpu.vector_load %arg10[%swap3A_155, %swap3A_156] {strides = array<i32>} : memref<1x128xi32, #tpu.memory_space<vmem>>, vector<1x16xi32>,
    %swap3A_158 = vector.shape_cast %swap3A_157 : vector<1x16xi32> to vector<16xi32>
    %swap3A_159 = vector.shape_cast %shift_right_logical3A_153 : vector<16xi32> to vector<1x16xi32>
    tpu.vector_store %arg10[%swap3A_155, %swap3A_156], %swap3A_159 {strides = array<i32>} : memref<1x128xi32, #tpu.memory_space<vmem>>, vector<1x16xi32>,
    %get3A_160 = arith.constant 0 : i32
    %get3A_161 = arith.index_cast %get3A_160 : i32 to index
    %get3A_162 = arith.constant 112 : index
    %get3A_163 = tpu.vector_load %arg8[%get3A_161, %get3A_162] {strides = array<i32>} : memref<82x128xi32, #tpu.memory_space<vmem>>, vector<1x16xi32>,
    %get3A_164 = vector.shape_cast %get3A_163 : vector<1x16xi32> to vector<16xi32>
    %and3A_165 = arith.constant 16383 : i32
    %and3A_166 = vector.broadcast %and3A_165 : i32 to vector<16xi32>
    %and3A_167 = arith.andi %get3A_164, %and3A_166 : vector<16xi32>
    %swap3A_168 = arith.constant 0 : i32
    %swap3A_169 = arith.index_cast %swap3A_168 : i32 to index
    %swap3A_170 = arith.constant 112 : index
    %swap3A_171 = tpu.vector_load %arg9[%swap3A_169, %swap3A_170] {strides = array<i32>} : memref<1x128xi32, #tpu.memory_space<vmem>>, vector<1x16xi32>,
    %swap3A_172 = vector.shape_cast %swap3A_171 : vector<1x16xi32> to vector<16xi32>
    %swap3A_173 = vector.shape_cast %and3A_167 : vector<16xi32> to vector<1x16xi32>
    tpu.vector_store %arg9[%swap3A_169, %swap3A_170], %swap3A_173 {strides = array<i32>} : memref<1x128xi32, #tpu.memory_space<vmem>>, vector<1x16xi32>,
    %shift_right_logical3A_174 = arith.constant 14 : i32
    %shift_right_logical3A_175 = vector.broadcast %shift_right_logical3A_174 : i32 to vector<16xi32>
    %shift_right_logical3A_176 = arith.shrui %get3A_164, %shift_right_logical3A_175 : vector<16xi32>
    %swap3A_177 = arith.constant 0 : i32
    %swap3A_178 = arith.index_cast %swap3A_177 : i32 to index
    %swap3A_179 = arith.constant 112 : index
    %swap3A_180 = tpu.vector_load %arg10[%swap3A_178, %swap3A_179] {strides = array<i32>} : memref<1x128xi32, #tpu.memory_space<vmem>>, vector<1x16xi32>,
    %swap3A_181 = vector.shape_cast %swap3A_180 : vector<1x16xi32> to vector<16xi32>
    %swap3A_182 = vector.shape_cast %shift_right_logical3A_176 : vector<16xi32> to vector<1x16xi32>
    tpu.vector_store %arg10[%swap3A_178, %swap3A_179], %swap3A_182 {strides = array<i32>} : memref<1x128xi32, #tpu.memory_space<vmem>>, vector<1x16xi32>,
    %dma_start3A = arith.constant 0 : i32
    %dma_start3A_183 = arith.constant 0 : i32
    %dma_start3A_184 = tpu.memref_slice %arg9[%dma_start3A, %dma_start3A_183] : memref<1x128xi32, #tpu.memory_space<vmem>> -> memref<1x128xi32, #tpu.memory_space<vmem>>
    %dma_start3A_185 = tpu.memref_squeeze %dma_start3A_184 : memref<1x128xi32, #tpu.memory_space<vmem>> -> memref<128xi32, #tpu.memory_space<vmem>>
    %dma_start3A_186 = arith.constant 0 : i32
    %dma_start3A_187 = arith.constant 0 : i32
    %dma_start3A_188 = tpu.memref_slice %arg3[%dma_start3A_186, %dma_start3A_187] : memref<10112x128xf32, #tpu.memory_space<hbm>> -> memref<10112x128xf32, #tpu.memory_space<hbm>>
    tpu.enqueue_indirect_dma source(%dma_start3A_188 : memref<10112x128xf32, #tpu.memory_space<hbm>>) target(%arg15 : memref<128x128xf32, #tpu.memory_space<vmem>>) offsets(%dma_start3A_185 : memref<128xi32, #tpu.memory_space<vmem>>) semaphore(%arg19 : memref<!tpu.dma_semaphore, #tpu.memory_space<semaphore_mem>>)
    %dma_start3A_189 = arith.constant 0 : i32
    %dma_start3A_190 = arith.constant 0 : i32
    %dma_start3A_191 = tpu.memref_slice %arg10[%dma_start3A_189, %dma_start3A_190] : memref<1x128xi32, #tpu.memory_space<vmem>> -> memref<1x128xi32, #tpu.memory_space<vmem>>
    %dma_start3A_192 = tpu.memref_squeeze %dma_start3A_191 : memref<1x128xi32, #tpu.memory_space<vmem>> -> memref<128xi32, #tpu.memory_space<vmem>>
    %dma_start3A_193 = arith.constant 0 : i32
    %dma_start3A_194 = arith.constant 0 : i32
    %dma_start3A_195 = tpu.memref_slice %arg5[%dma_start3A_193, %dma_start3A_194] : memref<10112x16xf32, #tpu.memory_space<hbm>> -> memref<10112x16xf32, #tpu.memory_space<hbm>>
    tpu.enqueue_indirect_dma source(%dma_start3A_195 : memref<10112x16xf32, #tpu.memory_space<hbm>>) target(%arg14 : memref<128x16xf32, #tpu.memory_space<vmem>>) offsets(%dma_start3A_192 : memref<128xi32, #tpu.memory_space<vmem>>) semaphore(%arg20 : memref<!tpu.dma_semaphore, #tpu.memory_space<semaphore_mem>>)
    %scan3A = arith.constant 0 : i32
    %scan3A_196 = arith.constant 0 : i32
    %scan3A_197 = arith.constant 41 : i32
    %scan3A_198 = arith.addi %scan3A_196, %scan3A_197 : i32
    %scan3A_199 = arith.constant 1 : i32
    scf.for %scan3A_202 = %scan3A_196 to %scan3A_198 step %scan3A_199  : i32 {
      %mul3A_203 = arith.constant 2 : i32
      %mul3A_204 = arith.muli %mul3A_203, %scan3A_202 : i32
      %add3A_205 = arith.constant 1 : i32
      %add3A_206 = arith.addi %mul3A_204, %add3A_205 : i32
      %get3A_207 = arith.index_cast %add3A_206 : i32 to index
      %get3A_208 = arith.constant 0 : index
      %get3A_209 = tpu.vector_load %arg8[%get3A_207, %get3A_208] {strides = array<i32>} : memref<82x128xi32, #tpu.memory_space<vmem>>, vector<1x16xi32>,
      %get3A_210 = vector.shape_cast %get3A_209 : vector<1x16xi32> to vector<16xi32>
      %and3A_211 = arith.constant 16383 : i32
      %and3A_212 = vector.broadcast %and3A_211 : i32 to vector<16xi32>
      %and3A_213 = arith.andi %get3A_210, %and3A_212 : vector<16xi32>
      %swap3A_214 = arith.constant 0 : i32
      %swap3A_215 = arith.index_cast %swap3A_214 : i32 to index
      %swap3A_216 = arith.constant 0 : index
      %swap3A_217 = tpu.vector_load %arg11[%swap3A_215, %swap3A_216] {strides = array<i32>} : memref<1x128xi32, #tpu.memory_space<vmem>>, vector<1x16xi32>,
      %swap3A_218 = vector.shape_cast %swap3A_217 : vector<1x16xi32> to vector<16xi32>
      %swap3A_219 = vector.shape_cast %and3A_213 : vector<16xi32> to vector<1x16xi32>
      tpu.vector_store %arg11[%swap3A_215, %swap3A_216], %swap3A_219 {strides = array<i32>} : memref<1x128xi32, #tpu.memory_space<vmem>>, vector<1x16xi32>,
      %shift_right_logical3A_220 = arith.constant 14 : i32
      %shift_right_logical3A_221 = vector.broadcast %shift_right_logical3A_220 : i32 to vector<16xi32>
      %shift_right_logical3A_222 = arith.shrui %get3A_210, %shift_right_logical3A_221 : vector<16xi32>
      %swap3A_223 = arith.constant 0 : i32
      %swap3A_224 = arith.index_cast %swap3A_223 : i32 to index
      %swap3A_225 = arith.constant 0 : index
      %swap3A_226 = tpu.vector_load %arg12[%swap3A_224, %swap3A_225] {strides = array<i32>} : memref<1x128xi32, #tpu.memory_space<vmem>>, vector<1x16xi32>,
      %swap3A_227 = vector.shape_cast %swap3A_226 : vector<1x16xi32> to vector<16xi32>
      %swap3A_228 = vector.shape_cast %shift_right_logical3A_222 : vector<16xi32> to vector<1x16xi32>
      tpu.vector_store %arg12[%swap3A_224, %swap3A_225], %swap3A_228 {strides = array<i32>} : memref<1x128xi32, #tpu.memory_space<vmem>>, vector<1x16xi32>,
      %get3A_229 = arith.index_cast %add3A_206 : i32 to index
      %get3A_230 = arith.constant 16 : index
      %get3A_231 = tpu.vector_load %arg8[%get3A_229, %get3A_230] {strides = array<i32>} : memref<82x128xi32, #tpu.memory_space<vmem>>, vector<1x16xi32>,
      %get3A_232 = vector.shape_cast %get3A_231 : vector<1x16xi32> to vector<16xi32>
      %and3A_233 = arith.constant 16383 : i32
      %and3A_234 = vector.broadcast %and3A_233 : i32 to vector<16xi32>
      %and3A_235 = arith.andi %get3A_232, %and3A_234 : vector<16xi32>
      %swap3A_236 = arith.constant 0 : i32
      %swap3A_237 = arith.index_cast %swap3A_236 : i32 to index
      %swap3A_238 = arith.constant 16 : index
      %swap3A_239 = tpu.vector_load %arg11[%swap3A_237, %swap3A_238] {strides = array<i32>} : memref<1x128xi32, #tpu.memory_space<vmem>>, vector<1x16xi32>,
      %swap3A_240 = vector.shape_cast %swap3A_239 : vector<1x16xi32> to vector<16xi32>
      %swap3A_241 = vector.shape_cast %and3A_235 : vector<16xi32> to vector<1x16xi32>
      tpu.vector_store %arg11[%swap3A_237, %swap3A_238], %swap3A_241 {strides = array<i32>} : memref<1x128xi32, #tpu.memory_space<vmem>>, vector<1x16xi32>,
      %shift_right_logical3A_242 = arith.constant 14 : i32
      %shift_right_logical3A_243 = vector.broadcast %shift_right_logical3A_242 : i32 to vector<16xi32>
      %shift_right_logical3A_244 = arith.shrui %get3A_232, %shift_right_logical3A_243 : vector<16xi32>
      %swap3A_245 = arith.constant 0 : i32
      %swap3A_246 = arith.index_cast %swap3A_245 : i32 to index
      %swap3A_247 = arith.constant 16 : index
      %swap3A_248 = tpu.vector_load %arg12[%swap3A_246, %swap3A_247] {strides = array<i32>} : memref<1x128xi32, #tpu.memory_space<vmem>>, vector<1x16xi32>,
      %swap3A_249 = vector.shape_cast %swap3A_248 : vector<1x16xi32> to vector<16xi32>
      %swap3A_250 = vector.shape_cast %shift_right_logical3A_244 : vector<16xi32> to vector<1x16xi32>
      tpu.vector_store %arg12[%swap3A_246, %swap3A_247], %swap3A_250 {strides = array<i32>} : memref<1x128xi32, #tpu.memory_space<vmem>>, vector<1x16xi32>,
      %get3A_251 = arith.index_cast %add3A_206 : i32 to index
      %get3A_252 = arith.constant 32 : index
      %get3A_253 = tpu.vector_load %arg8[%get3A_251, %get3A_252] {strides = array<i32>} : memref<82x128xi32, #tpu.memory_space<vmem>>, vector<1x16xi32>,
      %get3A_254 = vector.shape_cast %get3A_253 : vector<1x16xi32> to vector<16xi32>
      %and3A_255 = arith.constant 16383 : i32
      %and3A_256 = vector.broadcast %and3A_255 : i32 to vector<16xi32>
      %and3A_257 = arith.andi %get3A_254, %and3A_256 : vector<16xi32>
      %swap3A_258 = arith.constant 0 : i32
      %swap3A_259 = arith.index_cast %swap3A_258 : i32 to index
      %swap3A_260 = arith.constant 32 : index
      %swap3A_261 = tpu.vector_load %arg11[%swap3A_259, %swap3A_260] {strides = array<i32>} : memref<1x128xi32, #tpu.memory_space<vmem>>, vector<1x16xi32>,
      %swap3A_262 = vector.shape_cast %swap3A_261 : vector<1x16xi32> to vector<16xi32>
      %swap3A_263 = vector.shape_cast %and3A_257 : vector<16xi32> to vector<1x16xi32>
      tpu.vector_store %arg11[%swap3A_259, %swap3A_260], %swap3A_263 {strides = array<i32>} : memref<1x128xi32, #tpu.memory_space<vmem>>, vector<1x16xi32>,
      %shift_right_logical3A_264 = arith.constant 14 : i32
      %shift_right_logical3A_265 = vector.broadcast %shift_right_logical3A_264 : i32 to vector<16xi32>
      %shift_right_logical3A_266 = arith.shrui %get3A_254, %shift_right_logical3A_265 : vector<16xi32>
      %swap3A_267 = arith.constant 0 : i32
      %swap3A_268 = arith.index_cast %swap3A_267 : i32 to index
      %swap3A_269 = arith.constant 32 : index
      %swap3A_270 = tpu.vector_load %arg12[%swap3A_268, %swap3A_269] {strides = array<i32>} : memref<1x128xi32, #tpu.memory_space<vmem>>, vector<1x16xi32>,
      %swap3A_271 = vector.shape_cast %swap3A_270 : vector<1x16xi32> to vector<16xi32>
      %swap3A_272 = vector.shape_cast %shift_right_logical3A_266 : vector<16xi32> to vector<1x16xi32>
      tpu.vector_store %arg12[%swap3A_268, %swap3A_269], %swap3A_272 {strides = array<i32>} : memref<1x128xi32, #tpu.memory_space<vmem>>, vector<1x16xi32>,
      %get3A_273 = arith.index_cast %add3A_206 : i32 to index
      %get3A_274 = arith.constant 48 : index
      %get3A_275 = tpu.vector_load %arg8[%get3A_273, %get3A_274] {strides = array<i32>} : memref<82x128xi32, #tpu.memory_space<vmem>>, vector<1x16xi32>,
      %get3A_276 = vector.shape_cast %get3A_275 : vector<1x16xi32> to vector<16xi32>
      %and3A_277 = arith.constant 16383 : i32
      %and3A_278 = vector.broadcast %and3A_277 : i32 to vector<16xi32>
      %and3A_279 = arith.andi %get3A_276, %and3A_278 : vector<16xi32>
      %swap3A_280 = arith.constant 0 : i32
      %swap3A_281 = arith.index_cast %swap3A_280 : i32 to index
      %swap3A_282 = arith.constant 48 : index
      %swap3A_283 = tpu.vector_load %arg11[%swap3A_281, %swap3A_282] {strides = array<i32>} : memref<1x128xi32, #tpu.memory_space<vmem>>, vector<1x16xi32>,
      %swap3A_284 = vector.shape_cast %swap3A_283 : vector<1x16xi32> to vector<16xi32>
      %swap3A_285 = vector.shape_cast %and3A_279 : vector<16xi32> to vector<1x16xi32>
      tpu.vector_store %arg11[%swap3A_281, %swap3A_282], %swap3A_285 {strides = array<i32>} : memref<1x128xi32, #tpu.memory_space<vmem>>, vector<1x16xi32>,
      %shift_right_logical3A_286 = arith.constant 14 : i32
      %shift_right_logical3A_287 = vector.broadcast %shift_right_logical3A_286 : i32 to vector<16xi32>
      %shift_right_logical3A_288 = arith.shrui %get3A_276, %shift_right_logical3A_287 : vector<16xi32>
      %swap3A_289 = arith.constant 0 : i32
      %swap3A_290 = arith.index_cast %swap3A_289 : i32 to index
      %swap3A_291 = arith.constant 48 : index
      %swap3A_292 = tpu.vector_load %arg12[%swap3A_290, %swap3A_291] {strides = array<i32>} : memref<1x128xi32, #tpu.memory_space<vmem>>, vector<1x16xi32>,
      %swap3A_293 = vector.shape_cast %swap3A_292 : vector<1x16xi32> to vector<16xi32>
      %swap3A_294 = vector.shape_cast %shift_right_logical3A_288 : vector<16xi32> to vector<1x16xi32>
      tpu.vector_store %arg12[%swap3A_290, %swap3A_291], %swap3A_294 {strides = array<i32>} : memref<1x128xi32, #tpu.memory_space<vmem>>, vector<1x16xi32>,
      %get3A_295 = arith.index_cast %add3A_206 : i32 to index
      %get3A_296 = arith.constant 64 : index
      %get3A_297 = tpu.vector_load %arg8[%get3A_295, %get3A_296] {strides = array<i32>} : memref<82x128xi32, #tpu.memory_space<vmem>>, vector<1x16xi32>,
      %get3A_298 = vector.shape_cast %get3A_297 : vector<1x16xi32> to vector<16xi32>
      %and3A_299 = arith.constant 16383 : i32
      %and3A_300 = vector.broadcast %and3A_299 : i32 to vector<16xi32>
      %and3A_301 = arith.andi %get3A_298, %and3A_300 : vector<16xi32>
      %swap3A_302 = arith.constant 0 : i32
      %swap3A_303 = arith.index_cast %swap3A_302 : i32 to index
      %swap3A_304 = arith.constant 64 : index
      %swap3A_305 = tpu.vector_load %arg11[%swap3A_303, %swap3A_304] {strides = array<i32>} : memref<1x128xi32, #tpu.memory_space<vmem>>, vector<1x16xi32>,
      %swap3A_306 = vector.shape_cast %swap3A_305 : vector<1x16xi32> to vector<16xi32>
      %swap3A_307 = vector.shape_cast %and3A_301 : vector<16xi32> to vector<1x16xi32>
      tpu.vector_store %arg11[%swap3A_303, %swap3A_304], %swap3A_307 {strides = array<i32>} : memref<1x128xi32, #tpu.memory_space<vmem>>, vector<1x16xi32>,
      %shift_right_logical3A_308 = arith.constant 14 : i32
      %shift_right_logical3A_309 = vector.broadcast %shift_right_logical3A_308 : i32 to vector<16xi32>
      %shift_right_logical3A_310 = arith.shrui %get3A_298, %shift_right_logical3A_309 : vector<16xi32>
      %swap3A_311 = arith.constant 0 : i32
      %swap3A_312 = arith.index_cast %swap3A_311 : i32 to index
      %swap3A_313 = arith.constant 64 : index
      %swap3A_314 = tpu.vector_load %arg12[%swap3A_312, %swap3A_313] {strides = array<i32>} : memref<1x128xi32, #tpu.memory_space<vmem>>, vector<1x16xi32>,
      %swap3A_315 = vector.shape_cast %swap3A_314 : vector<1x16xi32> to vector<16xi32>
      %swap3A_316 = vector.shape_cast %shift_right_logical3A_310 : vector<16xi32> to vector<1x16xi32>
      tpu.vector_store %arg12[%swap3A_312, %swap3A_313], %swap3A_316 {strides = array<i32>} : memref<1x128xi32, #tpu.memory_space<vmem>>, vector<1x16xi32>,
      %get3A_317 = arith.index_cast %add3A_206 : i32 to index
      %get3A_318 = arith.constant 80 : index
      %get3A_319 = tpu.vector_load %arg8[%get3A_317, %get3A_318] {strides = array<i32>} : memref<82x128xi32, #tpu.memory_space<vmem>>, vector<1x16xi32>,
      %get3A_320 = vector.shape_cast %get3A_319 : vector<1x16xi32> to vector<16xi32>
      %and3A_321 = arith.constant 16383 : i32
      %and3A_322 = vector.broadcast %and3A_321 : i32 to vector<16xi32>
      %and3A_323 = arith.andi %get3A_320, %and3A_322 : vector<16xi32>
      %swap3A_324 = arith.constant 0 : i32
      %swap3A_325 = arith.index_cast %swap3A_324 : i32 to index
      %swap3A_326 = arith.constant 80 : index
      %swap3A_327 = tpu.vector_load %arg11[%swap3A_325, %swap3A_326] {strides = array<i32>} : memref<1x128xi32, #tpu.memory_space<vmem>>, vector<1x16xi32>,
      %swap3A_328 = vector.shape_cast %swap3A_327 : vector<1x16xi32> to vector<16xi32>
      %swap3A_329 = vector.shape_cast %and3A_323 : vector<16xi32> to vector<1x16xi32>
      tpu.vector_store %arg11[%swap3A_325, %swap3A_326], %swap3A_329 {strides = array<i32>} : memref<1x128xi32, #tpu.memory_space<vmem>>, vector<1x16xi32>,
      %shift_right_logical3A_330 = arith.constant 14 : i32
      %shift_right_logical3A_331 = vector.broadcast %shift_right_logical3A_330 : i32 to vector<16xi32>
      %shift_right_logical3A_332 = arith.shrui %get3A_320, %shift_right_logical3A_331 : vector<16xi32>
      %swap3A_333 = arith.constant 0 : i32
      %swap3A_334 = arith.index_cast %swap3A_333 : i32 to index
      %swap3A_335 = arith.constant 80 : index
      %swap3A_336 = tpu.vector_load %arg12[%swap3A_334, %swap3A_335] {strides = array<i32>} : memref<1x128xi32, #tpu.memory_space<vmem>>, vector<1x16xi32>,
      %swap3A_337 = vector.shape_cast %swap3A_336 : vector<1x16xi32> to vector<16xi32>
      %swap3A_338 = vector.shape_cast %shift_right_logical3A_332 : vector<16xi32> to vector<1x16xi32>
      tpu.vector_store %arg12[%swap3A_334, %swap3A_335], %swap3A_338 {strides = array<i32>} : memref<1x128xi32, #tpu.memory_space<vmem>>, vector<1x16xi32>,
      %get3A_339 = arith.index_cast %add3A_206 : i32 to index
      %get3A_340 = arith.constant 96 : index
      %get3A_341 = tpu.vector_load %arg8[%get3A_339, %get3A_340] {strides = array<i32>} : memref<82x128xi32, #tpu.memory_space<vmem>>, vector<1x16xi32>,
      %get3A_342 = vector.shape_cast %get3A_341 : vector<1x16xi32> to vector<16xi32>
      %and3A_343 = arith.constant 16383 : i32
      %and3A_344 = vector.broadcast %and3A_343 : i32 to vector<16xi32>
      %and3A_345 = arith.andi %get3A_342, %and3A_344 : vector<16xi32>
      %swap3A_346 = arith.constant 0 : i32
      %swap3A_347 = arith.index_cast %swap3A_346 : i32 to index
      %swap3A_348 = arith.constant 96 : index
      %swap3A_349 = tpu.vector_load %arg11[%swap3A_347, %swap3A_348] {strides = array<i32>} : memref<1x128xi32, #tpu.memory_space<vmem>>, vector<1x16xi32>,
      %swap3A_350 = vector.shape_cast %swap3A_349 : vector<1x16xi32> to vector<16xi32>
      %swap3A_351 = vector.shape_cast %and3A_345 : vector<16xi32> to vector<1x16xi32>
      tpu.vector_store %arg11[%swap3A_347, %swap3A_348], %swap3A_351 {strides = array<i32>} : memref<1x128xi32, #tpu.memory_space<vmem>>, vector<1x16xi32>,
      %shift_right_logical3A_352 = arith.constant 14 : i32
      %shift_right_logical3A_353 = vector.broadcast %shift_right_logical3A_352 : i32 to vector<16xi32>
      %shift_right_logical3A_354 = arith.shrui %get3A_342, %shift_right_logical3A_353 : vector<16xi32>
      %swap3A_355 = arith.constant 0 : i32
      %swap3A_356 = arith.index_cast %swap3A_355 : i32 to index
      %swap3A_357 = arith.constant 96 : index
      %swap3A_358 = tpu.vector_load %arg12[%swap3A_356, %swap3A_357] {strides = array<i32>} : memref<1x128xi32, #tpu.memory_space<vmem>>, vector<1x16xi32>,
      %swap3A_359 = vector.shape_cast %swap3A_358 : vector<1x16xi32> to vector<16xi32>
      %swap3A_360 = vector.shape_cast %shift_right_logical3A_354 : vector<16xi32> to vector<1x16xi32>
      tpu.vector_store %arg12[%swap3A_356, %swap3A_357], %swap3A_360 {strides = array<i32>} : memref<1x128xi32, #tpu.memory_space<vmem>>, vector<1x16xi32>,
      %get3A_361 = arith.index_cast %add3A_206 : i32 to index
      %get3A_362 = arith.constant 112 : index
      %get3A_363 = tpu.vector_load %arg8[%get3A_361, %get3A_362] {strides = array<i32>} : memref<82x128xi32, #tpu.memory_space<vmem>>, vector<1x16xi32>,
      %get3A_364 = vector.shape_cast %get3A_363 : vector<1x16xi32> to vector<16xi32>
      %and3A_365 = arith.constant 16383 : i32
      %and3A_366 = vector.broadcast %and3A_365 : i32 to vector<16xi32>
      %and3A_367 = arith.andi %get3A_364, %and3A_366 : vector<16xi32>
      %swap3A_368 = arith.constant 0 : i32
      %swap3A_369 = arith.index_cast %swap3A_368 : i32 to index
      %swap3A_370 = arith.constant 112 : index
      %swap3A_371 = tpu.vector_load %arg11[%swap3A_369, %swap3A_370] {strides = array<i32>} : memref<1x128xi32, #tpu.memory_space<vmem>>, vector<1x16xi32>,
      %swap3A_372 = vector.shape_cast %swap3A_371 : vector<1x16xi32> to vector<16xi32>
      %swap3A_373 = vector.shape_cast %and3A_367 : vector<16xi32> to vector<1x16xi32>
      tpu.vector_store %arg11[%swap3A_369, %swap3A_370], %swap3A_373 {strides = array<i32>} : memref<1x128xi32, #tpu.memory_space<vmem>>, vector<1x16xi32>,
      %shift_right_logical3A_374 = arith.constant 14 : i32
      %shift_right_logical3A_375 = vector.broadcast %shift_right_logical3A_374 : i32 to vector<16xi32>
      %shift_right_logical3A_376 = arith.shrui %get3A_364, %shift_right_logical3A_375 : vector<16xi32>
      %swap3A_377 = arith.constant 0 : i32
      %swap3A_378 = arith.index_cast %swap3A_377 : i32 to index
      %swap3A_379 = arith.constant 112 : index
      %swap3A_380 = tpu.vector_load %arg12[%swap3A_378, %swap3A_379] {strides = array<i32>} : memref<1x128xi32, #tpu.memory_space<vmem>>, vector<1x16xi32>,
      %swap3A_381 = vector.shape_cast %swap3A_380 : vector<1x16xi32> to vector<16xi32>
      %swap3A_382 = vector.shape_cast %shift_right_logical3A_376 : vector<16xi32> to vector<1x16xi32>
      tpu.vector_store %arg12[%swap3A_378, %swap3A_379], %swap3A_382 {strides = array<i32>} : memref<1x128xi32, #tpu.memory_space<vmem>>, vector<1x16xi32>,
      %dma_start3A_383 = arith.constant 0 : i32
      %dma_start3A_384 = arith.constant 0 : i32
      %dma_start3A_385 = tpu.memref_slice %arg11[%dma_start3A_383, %dma_start3A_384] : memref<1x128xi32, #tpu.memory_space<vmem>> -> memref<1x128xi32, #tpu.memory_space<vmem>>
      %dma_start3A_386 = tpu.memref_squeeze %dma_start3A_385 : memref<1x128xi32, #tpu.memory_space<vmem>> -> memref<128xi32, #tpu.memory_space<vmem>>
      %dma_start3A_387 = arith.constant 0 : i32
      %dma_start3A_388 = arith.constant 0 : i32
      %dma_start3A_389 = tpu.memref_slice %arg3[%dma_start3A_387, %dma_start3A_388] : memref<10112x128xf32, #tpu.memory_space<hbm>> -> memref<10112x128xf32, #tpu.memory_space<hbm>>
      tpu.enqueue_indirect_dma source(%dma_start3A_389 : memref<10112x128xf32, #tpu.memory_space<hbm>>) target(%arg17 : memref<128x128xf32, #tpu.memory_space<vmem>>) offsets(%dma_start3A_386 : memref<128xi32, #tpu.memory_space<vmem>>) semaphore(%arg21 : memref<!tpu.dma_semaphore, #tpu.memory_space<semaphore_mem>>)
      %dma_start3A_390 = arith.constant 0 : i32
      %dma_start3A_391 = arith.constant 0 : i32
      %dma_start3A_392 = tpu.memref_slice %arg12[%dma_start3A_390, %dma_start3A_391] : memref<1x128xi32, #tpu.memory_space<vmem>> -> memref<1x128xi32, #tpu.memory_space<vmem>>
      %dma_start3A_393 = tpu.memref_squeeze %dma_start3A_392 : memref<1x128xi32, #tpu.memory_space<vmem>> -> memref<128xi32, #tpu.memory_space<vmem>>
      %dma_start3A_394 = arith.constant 0 : i32
      %dma_start3A_395 = arith.constant 0 : i32
      %dma_start3A_396 = tpu.memref_slice %arg5[%dma_start3A_394, %dma_start3A_395] : memref<10112x16xf32, #tpu.memory_space<hbm>> -> memref<10112x16xf32, #tpu.memory_space<hbm>>
      tpu.enqueue_indirect_dma source(%dma_start3A_396 : memref<10112x16xf32, #tpu.memory_space<hbm>>) target(%arg16 : memref<128x16xf32, #tpu.memory_space<vmem>>) offsets(%dma_start3A_393 : memref<128xi32, #tpu.memory_space<vmem>>) semaphore(%arg22 : memref<!tpu.dma_semaphore, #tpu.memory_space<semaphore_mem>>)
      "tpu.region"() ({
        %run_scoped3A_436 = tpu.sem_alloc : memref<!tpu.dma_semaphore, #tpu.memory_space<semaphore_mem>>
        %dma_start3A_437 = arith.constant 0 : i32
        %dma_start3A_438 = arith.constant 0 : i32
        %dma_start3A_439 = tpu.memref_slice %arg4[%add3A, %mul3A_204, %dma_start3A_437, %dma_start3A_438] : memref<32x82x128x16xf32, #tpu.memory_space<hbm>> -> memref<1x1x128x16xf32, #tpu.memory_space<hbm>>
        %dma_start3A_440 = tpu.memref_squeeze %dma_start3A_439 : memref<1x1x128x16xf32, #tpu.memory_space<hbm>> -> memref<128x16xf32, #tpu.memory_space<hbm>>
        %dma_start3A_441 = arith.constant 0 : i32
        %dma_start3A_442 = arith.constant 0 : i32
        %dma_start3A_443 = tpu.memref_slice %arg4[%add3A, %mul3A_204, %dma_start3A_441, %dma_start3A_442] : memref<32x82x128x16xf32, #tpu.memory_space<hbm>> -> memref<1x1x128x16xf32, #tpu.memory_space<hbm>>
        %dma_start3A_444 = tpu.memref_squeeze %dma_start3A_443 : memref<1x1x128x16xf32, #tpu.memory_space<hbm>> -> memref<128x16xf32, #tpu.memory_space<hbm>>
        tpu.enqueue_dma source(%dma_start3A_444 : memref<128x16xf32, #tpu.memory_space<hbm>>) target(%arg13 : memref<128x16xf32, #tpu.memory_space<vmem>>) target_semaphore(%run_scoped3A_436 : memref<!tpu.dma_semaphore, #tpu.memory_space<semaphore_mem>>)
        %dma_wait3A_445 = arith.constant 0 : i32
        %dma_wait3A_446 = arith.constant 0 : i32
        %dma_wait3A_447 = tpu.memref_slice %arg4[%add3A, %mul3A_204, %dma_wait3A_445, %dma_wait3A_446] : memref<32x82x128x16xf32, #tpu.memory_space<hbm>> -> memref<1x1x128x16xf32, #tpu.memory_space<hbm>>
        %dma_wait3A_448 = tpu.memref_squeeze %dma_wait3A_447 : memref<1x1x128x16xf32, #tpu.memory_space<hbm>> -> memref<128x16xf32, #tpu.memory_space<hbm>>
        %dma_wait3A_449 = arith.constant 0 : i32
        %dma_wait3A_450 = arith.constant 0 : i32
        %dma_wait3A_451 = tpu.memref_slice %arg4[%add3A, %mul3A_204, %dma_wait3A_449, %dma_wait3A_450] : memref<32x82x128x16xf32, #tpu.memory_space<hbm>> -> memref<1x1x128x16xf32, #tpu.memory_space<hbm>>
        %dma_wait3A_452 = tpu.memref_squeeze %dma_wait3A_451 : memref<1x1x128x16xf32, #tpu.memory_space<hbm>> -> memref<128x16xf32, #tpu.memory_space<hbm>>
        tpu.wait_dma2 semaphore(%run_scoped3A_436 : memref<!tpu.dma_semaphore, #tpu.memory_space<semaphore_mem>>) src(%dma_wait3A_452 : memref<128x16xf32, #tpu.memory_space<hbm>>) dst(%arg13 : memref<128x16xf32, #tpu.memory_space<vmem>>)
        tpu.yield
      }) : () -> ()
      %dma_wait3A = arith.constant 0 : i32
      %dma_wait3A_397 = arith.constant 0 : i32
      %dma_wait3A_398 = tpu.memref_slice %arg10[%dma_wait3A, %dma_wait3A_397] : memref<1x128xi32, #tpu.memory_space<vmem>> -> memref<1x128xi32, #tpu.memory_space<vmem>>
      %dma_wait3A_399 = tpu.memref_squeeze %dma_wait3A_398 : memref<1x128xi32, #tpu.memory_space<vmem>> -> memref<128xi32, #tpu.memory_space<vmem>>
      %dma_wait3A_400 = arith.constant 0 : i32
      %dma_wait3A_401 = arith.constant 0 : i32
      %dma_wait3A_402 = tpu.memref_slice %arg5[%dma_wait3A_400, %dma_wait3A_401] : memref<10112x16xf32, #tpu.memory_space<hbm>> -> memref<10112x16xf32, #tpu.memory_space<hbm>>
      tpu.wait_indirect_dma semaphore(%arg20 : memref<!tpu.dma_semaphore, #tpu.memory_space<semaphore_mem>>) src(%dma_wait3A_402 : memref<10112x16xf32, #tpu.memory_space<hbm>>) dst(%arg14 : memref<128x16xf32, #tpu.memory_space<vmem>>)
      %dma_wait3A_403 = arith.constant 0 : i32
      %dma_wait3A_404 = arith.constant 0 : i32
      %dma_wait3A_405 = tpu.memref_slice %arg9[%dma_wait3A_403, %dma_wait3A_404] : memref<1x128xi32, #tpu.memory_space<vmem>> -> memref<1x128xi32, #tpu.memory_space<vmem>>
      %dma_wait3A_406 = tpu.memref_squeeze %dma_wait3A_405 : memref<1x128xi32, #tpu.memory_space<vmem>> -> memref<128xi32, #tpu.memory_space<vmem>>
      %dma_wait3A_407 = arith.constant 0 : i32
      %dma_wait3A_408 = arith.constant 0 : i32
      %dma_wait3A_409 = tpu.memref_slice %arg3[%dma_wait3A_407, %dma_wait3A_408] : memref<10112x128xf32, #tpu.memory_space<hbm>> -> memref<10112x128xf32, #tpu.memory_space<hbm>>
      tpu.wait_indirect_dma semaphore(%arg19 : memref<!tpu.dma_semaphore, #tpu.memory_space<semaphore_mem>>) src(%dma_wait3A_409 : memref<10112x128xf32, #tpu.memory_space<hbm>>) dst(%arg15 : memref<128x128xf32, #tpu.memory_space<vmem>>)
      %parallel_loop3A = arith.constant 0 : i32
      %parallel_loop3A_410 = arith.constant 128 : i32
      %parallel_loop3A_411 = arith.constant 1 : i32
      scf.for %parallel_loop3A_436 = %parallel_loop3A to %parallel_loop3A_410 step %parallel_loop3A_411  : i32 {
        %parallel_loop3A_437 = arith.index_cast %parallel_loop3A_436 : i32 to index
        %parallel_loop3A_438 = arith.constant 0 : index
        %parallel_loop3A_439 = tpu.vector_load %arg13[%parallel_loop3A_437, %parallel_loop3A_438] {strides = array<i32>} : memref<128x16xf32, #tpu.memory_space<vmem>>, vector<1x16xf32>,
        %parallel_loop3A_440 = vector.shape_cast %parallel_loop3A_439 : vector<1x16xf32> to vector<16xf32>
        %parallel_loop3A_441 = arith.index_cast %parallel_loop3A_436 : i32 to index
        %parallel_loop3A_442 = arith.constant 0 : index
        %parallel_loop3A_443 = tpu.vector_load %arg14[%parallel_loop3A_441, %parallel_loop3A_442] {strides = array<i32>} : memref<128x16xf32, #tpu.memory_space<vmem>>, vector<1x16xf32>,
        %parallel_loop3A_444 = vector.shape_cast %parallel_loop3A_443 : vector<1x16xf32> to vector<16xf32>
        %parallel_loop3A_445 = arith.mulf %parallel_loop3A_440, %parallel_loop3A_444 : vector<16xf32>
        %parallel_loop3A_446 = arith.constant 0 : i32
        %parallel_loop3A_447 = vector.broadcast %parallel_loop3A_446 : i32 to vector<16x1xi32>
        %parallel_loop3A_448 = vector.shape_cast %parallel_loop3A_447 : vector<16x1xi32> to vector<16xi32>
        %parallel_loop3A_449 = tpu.dynamic_gather %parallel_loop3A_445[%parallel_loop3A_448] in [0] : vector<16xf32>, vector<16xi32> -> vector<16xf32>
        %parallel_loop3A_450 = arith.index_cast %parallel_loop3A_436 : i32 to index
        %parallel_loop3A_451 = arith.constant 0 : index
        %parallel_loop3A_452 = tpu.vector_load %arg15[%parallel_loop3A_450, %parallel_loop3A_451] {strides = array<i32>} : memref<128x128xf32, #tpu.memory_space<vmem>>, vector<1x16xf32>,
        %parallel_loop3A_453 = vector.shape_cast %parallel_loop3A_452 : vector<1x16xf32> to vector<16xf32>
        %parallel_loop3A_454 = arith.mulf %parallel_loop3A_453, %parallel_loop3A_449 : vector<16xf32>
        %parallel_loop3A_455 = arith.index_cast %parallel_loop3A_436 : i32 to index
        %parallel_loop3A_456 = arith.constant 0 : index
        %parallel_loop3A_457 = tpu.vector_load %arg15[%parallel_loop3A_455, %parallel_loop3A_456] {strides = array<i32>} : memref<128x128xf32, #tpu.memory_space<vmem>>, vector<1x16xf32>,
        %parallel_loop3A_458 = vector.shape_cast %parallel_loop3A_457 : vector<1x16xf32> to vector<16xf32>
        %parallel_loop3A_459 = vector.shape_cast %parallel_loop3A_454 : vector<16xf32> to vector<1x16xf32>
        tpu.vector_store %arg15[%parallel_loop3A_455, %parallel_loop3A_456], %parallel_loop3A_459 {strides = array<i32>} : memref<128x128xf32, #tpu.memory_space<vmem>>, vector<1x16xf32>,
        %parallel_loop3A_460 = arith.constant 1 : i32
        %parallel_loop3A_461 = vector.broadcast %parallel_loop3A_460 : i32 to vector<16x1xi32>
        %parallel_loop3A_462 = vector.shape_cast %parallel_loop3A_461 : vector<16x1xi32> to vector<16xi32>
        %parallel_loop3A_463 = tpu.dynamic_gather %parallel_loop3A_445[%parallel_loop3A_462] in [0] : vector<16xf32>, vector<16xi32> -> vector<16xf32>
        %parallel_loop3A_464 = arith.index_cast %parallel_loop3A_436 : i32 to index
        %parallel_loop3A_465 = arith.constant 16 : index
        %parallel_loop3A_466 = tpu.vector_load %arg15[%parallel_loop3A_464, %parallel_loop3A_465] {strides = array<i32>} : memref<128x128xf32, #tpu.memory_space<vmem>>, vector<1x16xf32>,
        %parallel_loop3A_467 = vector.shape_cast %parallel_loop3A_466 : vector<1x16xf32> to vector<16xf32>
        %parallel_loop3A_468 = arith.mulf %parallel_loop3A_467, %parallel_loop3A_463 : vector<16xf32>
        %parallel_loop3A_469 = arith.index_cast %parallel_loop3A_436 : i32 to index
        %parallel_loop3A_470 = arith.constant 16 : index
        %parallel_loop3A_471 = tpu.vector_load %arg15[%parallel_loop3A_469, %parallel_loop3A_470] {strides = array<i32>} : memref<128x128xf32, #tpu.memory_space<vmem>>, vector<1x16xf32>,
        %parallel_loop3A_472 = vector.shape_cast %parallel_loop3A_471 : vector<1x16xf32> to vector<16xf32>
        %parallel_loop3A_473 = vector.shape_cast %parallel_loop3A_468 : vector<16xf32> to vector<1x16xf32>
        tpu.vector_store %arg15[%parallel_loop3A_469, %parallel_loop3A_470], %parallel_loop3A_473 {strides = array<i32>} : memref<128x128xf32, #tpu.memory_space<vmem>>, vector<1x16xf32>,
        %parallel_loop3A_474 = arith.constant 2 : i32
        %parallel_loop3A_475 = vector.broadcast %parallel_loop3A_474 : i32 to vector<16x1xi32>
        %parallel_loop3A_476 = vector.shape_cast %parallel_loop3A_475 : vector<16x1xi32> to vector<16xi32>
        %parallel_loop3A_477 = tpu.dynamic_gather %parallel_loop3A_445[%parallel_loop3A_476] in [0] : vector<16xf32>, vector<16xi32> -> vector<16xf32>
        %parallel_loop3A_478 = arith.index_cast %parallel_loop3A_436 : i32 to index
        %parallel_loop3A_479 = arith.constant 32 : index
        %parallel_loop3A_480 = tpu.vector_load %arg15[%parallel_loop3A_478, %parallel_loop3A_479] {strides = array<i32>} : memref<128x128xf32, #tpu.memory_space<vmem>>, vector<1x16xf32>,
        %parallel_loop3A_481 = vector.shape_cast %parallel_loop3A_480 : vector<1x16xf32> to vector<16xf32>
        %parallel_loop3A_482 = arith.mulf %parallel_loop3A_481, %parallel_loop3A_477 : vector<16xf32>
        %parallel_loop3A_483 = arith.index_cast %parallel_loop3A_436 : i32 to index
        %parallel_loop3A_484 = arith.constant 32 : index
        %parallel_loop3A_485 = tpu.vector_load %arg15[%parallel_loop3A_483, %parallel_loop3A_484] {strides = array<i32>} : memref<128x128xf32, #tpu.memory_space<vmem>>, vector<1x16xf32>,
        %parallel_loop3A_486 = vector.shape_cast %parallel_loop3A_485 : vector<1x16xf32> to vector<16xf32>
        %parallel_loop3A_487 = vector.shape_cast %parallel_loop3A_482 : vector<16xf32> to vector<1x16xf32>
        tpu.vector_store %arg15[%parallel_loop3A_483, %parallel_loop3A_484], %parallel_loop3A_487 {strides = array<i32>} : memref<128x128xf32, #tpu.memory_space<vmem>>, vector<1x16xf32>,
        %parallel_loop3A_488 = arith.constant 3 : i32
        %parallel_loop3A_489 = vector.broadcast %parallel_loop3A_488 : i32 to vector<16x1xi32>
        %parallel_loop3A_490 = vector.shape_cast %parallel_loop3A_489 : vector<16x1xi32> to vector<16xi32>
        %parallel_loop3A_491 = tpu.dynamic_gather %parallel_loop3A_445[%parallel_loop3A_490] in [0] : vector<16xf32>, vector<16xi32> -> vector<16xf32>
        %parallel_loop3A_492 = arith.index_cast %parallel_loop3A_436 : i32 to index
        %parallel_loop3A_493 = arith.constant 48 : index
        %parallel_loop3A_494 = tpu.vector_load %arg15[%parallel_loop3A_492, %parallel_loop3A_493] {strides = array<i32>} : memref<128x128xf32, #tpu.memory_space<vmem>>, vector<1x16xf32>,
        %parallel_loop3A_495 = vector.shape_cast %parallel_loop3A_494 : vector<1x16xf32> to vector<16xf32>
        %parallel_loop3A_496 = arith.mulf %parallel_loop3A_495, %parallel_loop3A_491 : vector<16xf32>
        %parallel_loop3A_497 = arith.index_cast %parallel_loop3A_436 : i32 to index
        %parallel_loop3A_498 = arith.constant 48 : index
        %parallel_loop3A_499 = tpu.vector_load %arg15[%parallel_loop3A_497, %parallel_loop3A_498] {strides = array<i32>} : memref<128x128xf32, #tpu.memory_space<vmem>>, vector<1x16xf32>,
        %parallel_loop3A_500 = vector.shape_cast %parallel_loop3A_499 : vector<1x16xf32> to vector<16xf32>
        %parallel_loop3A_501 = vector.shape_cast %parallel_loop3A_496 : vector<16xf32> to vector<1x16xf32>
        tpu.vector_store %arg15[%parallel_loop3A_497, %parallel_loop3A_498], %parallel_loop3A_501 {strides = array<i32>} : memref<128x128xf32, #tpu.memory_space<vmem>>, vector<1x16xf32>,
        %parallel_loop3A_502 = arith.constant 4 : i32
        %parallel_loop3A_503 = vector.broadcast %parallel_loop3A_502 : i32 to vector<16x1xi32>
        %parallel_loop3A_504 = vector.shape_cast %parallel_loop3A_503 : vector<16x1xi32> to vector<16xi32>
        %parallel_loop3A_505 = tpu.dynamic_gather %parallel_loop3A_445[%parallel_loop3A_504] in [0] : vector<16xf32>, vector<16xi32> -> vector<16xf32>
        %parallel_loop3A_506 = arith.index_cast %parallel_loop3A_436 : i32 to index
        %parallel_loop3A_507 = arith.constant 64 : index
        %parallel_loop3A_508 = tpu.vector_load %arg15[%parallel_loop3A_506, %parallel_loop3A_507] {strides = array<i32>} : memref<128x128xf32, #tpu.memory_space<vmem>>, vector<1x16xf32>,
        %parallel_loop3A_509 = vector.shape_cast %parallel_loop3A_508 : vector<1x16xf32> to vector<16xf32>
        %parallel_loop3A_510 = arith.mulf %parallel_loop3A_509, %parallel_loop3A_505 : vector<16xf32>
        %parallel_loop3A_511 = arith.index_cast %parallel_loop3A_436 : i32 to index
        %parallel_loop3A_512 = arith.constant 64 : index
        %parallel_loop3A_513 = tpu.vector_load %arg15[%parallel_loop3A_511, %parallel_loop3A_512] {strides = array<i32>} : memref<128x128xf32, #tpu.memory_space<vmem>>, vector<1x16xf32>,
        %parallel_loop3A_514 = vector.shape_cast %parallel_loop3A_513 : vector<1x16xf32> to vector<16xf32>
        %parallel_loop3A_515 = vector.shape_cast %parallel_loop3A_510 : vector<16xf32> to vector<1x16xf32>
        tpu.vector_store %arg15[%parallel_loop3A_511, %parallel_loop3A_512], %parallel_loop3A_515 {strides = array<i32>} : memref<128x128xf32, #tpu.memory_space<vmem>>, vector<1x16xf32>,
        %parallel_loop3A_516 = arith.constant 5 : i32
        %parallel_loop3A_517 = vector.broadcast %parallel_loop3A_516 : i32 to vector<16x1xi32>
        %parallel_loop3A_518 = vector.shape_cast %parallel_loop3A_517 : vector<16x1xi32> to vector<16xi32>
        %parallel_loop3A_519 = tpu.dynamic_gather %parallel_loop3A_445[%parallel_loop3A_518] in [0] : vector<16xf32>, vector<16xi32> -> vector<16xf32>
        %parallel_loop3A_520 = arith.index_cast %parallel_loop3A_436 : i32 to index
        %parallel_loop3A_521 = arith.constant 80 : index
        %parallel_loop3A_522 = tpu.vector_load %arg15[%parallel_loop3A_520, %parallel_loop3A_521] {strides = array<i32>} : memref<128x128xf32, #tpu.memory_space<vmem>>, vector<1x16xf32>,
        %parallel_loop3A_523 = vector.shape_cast %parallel_loop3A_522 : vector<1x16xf32> to vector<16xf32>
        %parallel_loop3A_524 = arith.mulf %parallel_loop3A_523, %parallel_loop3A_519 : vector<16xf32>
        %parallel_loop3A_525 = arith.index_cast %parallel_loop3A_436 : i32 to index
        %parallel_loop3A_526 = arith.constant 80 : index
        %parallel_loop3A_527 = tpu.vector_load %arg15[%parallel_loop3A_525, %parallel_loop3A_526] {strides = array<i32>} : memref<128x128xf32, #tpu.memory_space<vmem>>, vector<1x16xf32>,
        %parallel_loop3A_528 = vector.shape_cast %parallel_loop3A_527 : vector<1x16xf32> to vector<16xf32>
        %parallel_loop3A_529 = vector.shape_cast %parallel_loop3A_524 : vector<16xf32> to vector<1x16xf32>
        tpu.vector_store %arg15[%parallel_loop3A_525, %parallel_loop3A_526], %parallel_loop3A_529 {strides = array<i32>} : memref<128x128xf32, #tpu.memory_space<vmem>>, vector<1x16xf32>,
        %parallel_loop3A_530 = arith.constant 6 : i32
        %parallel_loop3A_531 = vector.broadcast %parallel_loop3A_530 : i32 to vector<16x1xi32>
        %parallel_loop3A_532 = vector.shape_cast %parallel_loop3A_531 : vector<16x1xi32> to vector<16xi32>
        %parallel_loop3A_533 = tpu.dynamic_gather %parallel_loop3A_445[%parallel_loop3A_532] in [0] : vector<16xf32>, vector<16xi32> -> vector<16xf32>
        %parallel_loop3A_534 = arith.index_cast %parallel_loop3A_436 : i32 to index
        %parallel_loop3A_535 = arith.constant 96 : index
        %parallel_loop3A_536 = tpu.vector_load %arg15[%parallel_loop3A_534, %parallel_loop3A_535] {strides = array<i32>} : memref<128x128xf32, #tpu.memory_space<vmem>>, vector<1x16xf32>,
        %parallel_loop3A_537 = vector.shape_cast %parallel_loop3A_536 : vector<1x16xf32> to vector<16xf32>
        %parallel_loop3A_538 = arith.mulf %parallel_loop3A_537, %parallel_loop3A_533 : vector<16xf32>
        %parallel_loop3A_539 = arith.index_cast %parallel_loop3A_436 : i32 to index
        %parallel_loop3A_540 = arith.constant 96 : index
        %parallel_loop3A_541 = tpu.vector_load %arg15[%parallel_loop3A_539, %parallel_loop3A_540] {strides = array<i32>} : memref<128x128xf32, #tpu.memory_space<vmem>>, vector<1x16xf32>,
        %parallel_loop3A_542 = vector.shape_cast %parallel_loop3A_541 : vector<1x16xf32> to vector<16xf32>
        %parallel_loop3A_543 = vector.shape_cast %parallel_loop3A_538 : vector<16xf32> to vector<1x16xf32>
        tpu.vector_store %arg15[%parallel_loop3A_539, %parallel_loop3A_540], %parallel_loop3A_543 {strides = array<i32>} : memref<128x128xf32, #tpu.memory_space<vmem>>, vector<1x16xf32>,
        %parallel_loop3A_544 = arith.constant 7 : i32
        %parallel_loop3A_545 = vector.broadcast %parallel_loop3A_544 : i32 to vector<16x1xi32>
        %parallel_loop3A_546 = vector.shape_cast %parallel_loop3A_545 : vector<16x1xi32> to vector<16xi32>
        %parallel_loop3A_547 = tpu.dynamic_gather %parallel_loop3A_445[%parallel_loop3A_546] in [0] : vector<16xf32>, vector<16xi32> -> vector<16xf32>
        %parallel_loop3A_548 = arith.index_cast %parallel_loop3A_436 : i32 to index
        %parallel_loop3A_549 = arith.constant 112 : index
        %parallel_loop3A_550 = tpu.vector_load %arg15[%parallel_loop3A_548, %parallel_loop3A_549] {strides = array<i32>} : memref<128x128xf32, #tpu.memory_space<vmem>>, vector<1x16xf32>,
        %parallel_loop3A_551 = vector.shape_cast %parallel_loop3A_550 : vector<1x16xf32> to vector<16xf32>
        %parallel_loop3A_552 = arith.mulf %parallel_loop3A_551, %parallel_loop3A_547 : vector<16xf32>
        %parallel_loop3A_553 = arith.index_cast %parallel_loop3A_436 : i32 to index
        %parallel_loop3A_554 = arith.constant 112 : index
        %parallel_loop3A_555 = tpu.vector_load %arg15[%parallel_loop3A_553, %parallel_loop3A_554] {strides = array<i32>} : memref<128x128xf32, #tpu.memory_space<vmem>>, vector<1x16xf32>,
        %parallel_loop3A_556 = vector.shape_cast %parallel_loop3A_555 : vector<1x16xf32> to vector<16xf32>
        %parallel_loop3A_557 = vector.shape_cast %parallel_loop3A_552 : vector<16xf32> to vector<1x16xf32>
        tpu.vector_store %arg15[%parallel_loop3A_553, %parallel_loop3A_554], %parallel_loop3A_557 {strides = array<i32>} : memref<128x128xf32, #tpu.memory_space<vmem>>, vector<1x16xf32>,
      } {sc.loop_unroll_factor = 4 : i64, sc.parallel_access}
      %run_scoped3A = arith.constant 0 : i32
      "tpu.region"() ({
        %run_scoped3A_436 = tpu.sem_alloc : memref<!tpu.dma_semaphore, #tpu.memory_space<semaphore_mem>>
        %dma_start3A_437 = arith.constant 0 : i32
        %dma_start3A_438 = tpu.memref_slice %arg10[%run_scoped3A, %dma_start3A_437] : memref<1x128xi32, #tpu.memory_space<vmem>> -> memref<1x128xi32, #tpu.memory_space<vmem>>
        %dma_start3A_439 = tpu.memref_squeeze %dma_start3A_438 : memref<1x128xi32, #tpu.memory_space<vmem>> -> memref<128xi32, #tpu.memory_space<vmem>>
        %dma_start3A_440 = arith.constant 0 : i32
        %dma_start3A_441 = arith.constant 0 : i32
        %dma_start3A_442 = tpu.memref_slice %arg18[%dma_start3A_440, %dma_start3A_441] : memref<10112x128xf32, #tpu.memory_space<vmem_shared>> -> memref<10112x128xf32, #tpu.memory_space<vmem_shared>>
        tpu.enqueue_indirect_dma source(%arg15 : memref<128x128xf32, #tpu.memory_space<vmem>>) target(%dma_start3A_442 : memref<10112x128xf32, #tpu.memory_space<vmem_shared>>) offsets(%dma_start3A_439 : memref<128xi32, #tpu.memory_space<vmem>>) semaphore(%run_scoped3A_436 : memref<!tpu.dma_semaphore, #tpu.memory_space<semaphore_mem>>) {add = true}
        %dma_wait3A_443 = arith.constant 0 : i32
        %dma_wait3A_444 = tpu.memref_slice %arg10[%run_scoped3A, %dma_wait3A_443] : memref<1x128xi32, #tpu.memory_space<vmem>> -> memref<1x128xi32, #tpu.memory_space<vmem>>
        %dma_wait3A_445 = tpu.memref_squeeze %dma_wait3A_444 : memref<1x128xi32, #tpu.memory_space<vmem>> -> memref<128xi32, #tpu.memory_space<vmem>>
        %dma_wait3A_446 = arith.constant 0 : i32
        %dma_wait3A_447 = arith.constant 0 : i32
        %dma_wait3A_448 = tpu.memref_slice %arg18[%dma_wait3A_446, %dma_wait3A_447] : memref<10112x128xf32, #tpu.memory_space<vmem_shared>> -> memref<10112x128xf32, #tpu.memory_space<vmem_shared>>
        tpu.wait_indirect_dma semaphore(%run_scoped3A_436 : memref<!tpu.dma_semaphore, #tpu.memory_space<semaphore_mem>>) src(%arg15 : memref<128x128xf32, #tpu.memory_space<vmem>>) dst(%dma_wait3A_448 : memref<10112x128xf32, #tpu.memory_space<vmem_shared>>)
        tpu.yield
      }) : () -> ()
      %add3A_412 = arith.constant 2 : i32
      %add3A_413 = arith.addi %mul3A_204, %add3A_412 : i32
      %lt3A = arith.constant 82 : i32
      %lt3A_414 = arith.cmpi slt, %add3A_413, %lt3A : i32
      %convert_element_type3A = arith.extui %lt3A_414 : i1 to i32
      %cond3A = arith.constant 0 : i32
      %cond3A_415 = arith.cmpi ne, %convert_element_type3A, %cond3A : i32
      scf.if %cond3A_415 {
        %add3A_436 = arith.constant 2 : i32
        %add3A_437 = arith.addi %mul3A_204, %add3A_436 : i32
        %get3A_438 = arith.index_cast %add3A_437 : i32 to index
        %get3A_439 = arith.constant 0 : index
        %get3A_440 = tpu.vector_load %arg8[%get3A_438, %get3A_439] {strides = array<i32>} : memref<82x128xi32, #tpu.memory_space<vmem>>, vector<1x16xi32>,
        %get3A_441 = vector.shape_cast %get3A_440 : vector<1x16xi32> to vector<16xi32>
        %and3A_442 = arith.constant 16383 : i32
        %and3A_443 = vector.broadcast %and3A_442 : i32 to vector<16xi32>
        %and3A_444 = arith.andi %get3A_441, %and3A_443 : vector<16xi32>
        %swap3A_445 = arith.constant 0 : i32
        %swap3A_446 = arith.index_cast %swap3A_445 : i32 to index
        %swap3A_447 = arith.constant 0 : index
        %swap3A_448 = tpu.vector_load %arg9[%swap3A_446, %swap3A_447] {strides = array<i32>} : memref<1x128xi32, #tpu.memory_space<vmem>>, vector<1x16xi32>,
        %swap3A_449 = vector.shape_cast %swap3A_448 : vector<1x16xi32> to vector<16xi32>
        %swap3A_450 = vector.shape_cast %and3A_444 : vector<16xi32> to vector<1x16xi32>
        tpu.vector_store %arg9[%swap3A_446, %swap3A_447], %swap3A_450 {strides = array<i32>} : memref<1x128xi32, #tpu.memory_space<vmem>>, vector<1x16xi32>,
        %shift_right_logical3A_451 = arith.constant 14 : i32
        %shift_right_logical3A_452 = vector.broadcast %shift_right_logical3A_451 : i32 to vector<16xi32>
        %shift_right_logical3A_453 = arith.shrui %get3A_441, %shift_right_logical3A_452 : vector<16xi32>
        %swap3A_454 = arith.constant 0 : i32
        %swap3A_455 = arith.index_cast %swap3A_454 : i32 to index
        %swap3A_456 = arith.constant 0 : index
        %swap3A_457 = tpu.vector_load %arg10[%swap3A_455, %swap3A_456] {strides = array<i32>} : memref<1x128xi32, #tpu.memory_space<vmem>>, vector<1x16xi32>,
        %swap3A_458 = vector.shape_cast %swap3A_457 : vector<1x16xi32> to vector<16xi32>
        %swap3A_459 = vector.shape_cast %shift_right_logical3A_453 : vector<16xi32> to vector<1x16xi32>
        tpu.vector_store %arg10[%swap3A_455, %swap3A_456], %swap3A_459 {strides = array<i32>} : memref<1x128xi32, #tpu.memory_space<vmem>>, vector<1x16xi32>,
        %get3A_460 = arith.index_cast %add3A_437 : i32 to index
        %get3A_461 = arith.constant 16 : index
        %get3A_462 = tpu.vector_load %arg8[%get3A_460, %get3A_461] {strides = array<i32>} : memref<82x128xi32, #tpu.memory_space<vmem>>, vector<1x16xi32>,
        %get3A_463 = vector.shape_cast %get3A_462 : vector<1x16xi32> to vector<16xi32>
        %and3A_464 = arith.constant 16383 : i32
        %and3A_465 = vector.broadcast %and3A_464 : i32 to vector<16xi32>
        %and3A_466 = arith.andi %get3A_463, %and3A_465 : vector<16xi32>
        %swap3A_467 = arith.constant 0 : i32
        %swap3A_468 = arith.index_cast %swap3A_467 : i32 to index
        %swap3A_469 = arith.constant 16 : index
        %swap3A_470 = tpu.vector_load %arg9[%swap3A_468, %swap3A_469] {strides = array<i32>} : memref<1x128xi32, #tpu.memory_space<vmem>>, vector<1x16xi32>,
        %swap3A_471 = vector.shape_cast %swap3A_470 : vector<1x16xi32> to vector<16xi32>
        %swap3A_472 = vector.shape_cast %and3A_466 : vector<16xi32> to vector<1x16xi32>
        tpu.vector_store %arg9[%swap3A_468, %swap3A_469], %swap3A_472 {strides = array<i32>} : memref<1x128xi32, #tpu.memory_space<vmem>>, vector<1x16xi32>,
        %shift_right_logical3A_473 = arith.constant 14 : i32
        %shift_right_logical3A_474 = vector.broadcast %shift_right_logical3A_473 : i32 to vector<16xi32>
        %shift_right_logical3A_475 = arith.shrui %get3A_463, %shift_right_logical3A_474 : vector<16xi32>
        %swap3A_476 = arith.constant 0 : i32
        %swap3A_477 = arith.index_cast %swap3A_476 : i32 to index
        %swap3A_478 = arith.constant 16 : index
        %swap3A_479 = tpu.vector_load %arg10[%swap3A_477, %swap3A_478] {strides = array<i32>} : memref<1x128xi32, #tpu.memory_space<vmem>>, vector<1x16xi32>,
        %swap3A_480 = vector.shape_cast %swap3A_479 : vector<1x16xi32> to vector<16xi32>
        %swap3A_481 = vector.shape_cast %shift_right_logical3A_475 : vector<16xi32> to vector<1x16xi32>
        tpu.vector_store %arg10[%swap3A_477, %swap3A_478], %swap3A_481 {strides = array<i32>} : memref<1x128xi32, #tpu.memory_space<vmem>>, vector<1x16xi32>,
        %get3A_482 = arith.index_cast %add3A_437 : i32 to index
        %get3A_483 = arith.constant 32 : index
        %get3A_484 = tpu.vector_load %arg8[%get3A_482, %get3A_483] {strides = array<i32>} : memref<82x128xi32, #tpu.memory_space<vmem>>, vector<1x16xi32>,
        %get3A_485 = vector.shape_cast %get3A_484 : vector<1x16xi32> to vector<16xi32>
        %and3A_486 = arith.constant 16383 : i32
        %and3A_487 = vector.broadcast %and3A_486 : i32 to vector<16xi32>
        %and3A_488 = arith.andi %get3A_485, %and3A_487 : vector<16xi32>
        %swap3A_489 = arith.constant 0 : i32
        %swap3A_490 = arith.index_cast %swap3A_489 : i32 to index
        %swap3A_491 = arith.constant 32 : index
        %swap3A_492 = tpu.vector_load %arg9[%swap3A_490, %swap3A_491] {strides = array<i32>} : memref<1x128xi32, #tpu.memory_space<vmem>>, vector<1x16xi32>,
        %swap3A_493 = vector.shape_cast %swap3A_492 : vector<1x16xi32> to vector<16xi32>
        %swap3A_494 = vector.shape_cast %and3A_488 : vector<16xi32> to vector<1x16xi32>
        tpu.vector_store %arg9[%swap3A_490, %swap3A_491], %swap3A_494 {strides = array<i32>} : memref<1x128xi32, #tpu.memory_space<vmem>>, vector<1x16xi32>,
        %shift_right_logical3A_495 = arith.constant 14 : i32
        %shift_right_logical3A_496 = vector.broadcast %shift_right_logical3A_495 : i32 to vector<16xi32>
        %shift_right_logical3A_497 = arith.shrui %get3A_485, %shift_right_logical3A_496 : vector<16xi32>
        %swap3A_498 = arith.constant 0 : i32
        %swap3A_499 = arith.index_cast %swap3A_498 : i32 to index
        %swap3A_500 = arith.constant 32 : index
        %swap3A_501 = tpu.vector_load %arg10[%swap3A_499, %swap3A_500] {strides = array<i32>} : memref<1x128xi32, #tpu.memory_space<vmem>>, vector<1x16xi32>,
        %swap3A_502 = vector.shape_cast %swap3A_501 : vector<1x16xi32> to vector<16xi32>
        %swap3A_503 = vector.shape_cast %shift_right_logical3A_497 : vector<16xi32> to vector<1x16xi32>
        tpu.vector_store %arg10[%swap3A_499, %swap3A_500], %swap3A_503 {strides = array<i32>} : memref<1x128xi32, #tpu.memory_space<vmem>>, vector<1x16xi32>,
        %get3A_504 = arith.index_cast %add3A_437 : i32 to index
        %get3A_505 = arith.constant 48 : index
        %get3A_506 = tpu.vector_load %arg8[%get3A_504, %get3A_505] {strides = array<i32>} : memref<82x128xi32, #tpu.memory_space<vmem>>, vector<1x16xi32>,
        %get3A_507 = vector.shape_cast %get3A_506 : vector<1x16xi32> to vector<16xi32>
        %and3A_508 = arith.constant 16383 : i32
        %and3A_509 = vector.broadcast %and3A_508 : i32 to vector<16xi32>
        %and3A_510 = arith.andi %get3A_507, %and3A_509 : vector<16xi32>
        %swap3A_511 = arith.constant 0 : i32
        %swap3A_512 = arith.index_cast %swap3A_511 : i32 to index
        %swap3A_513 = arith.constant 48 : index
        %swap3A_514 = tpu.vector_load %arg9[%swap3A_512, %swap3A_513] {strides = array<i32>} : memref<1x128xi32, #tpu.memory_space<vmem>>, vector<1x16xi32>,
        %swap3A_515 = vector.shape_cast %swap3A_514 : vector<1x16xi32> to vector<16xi32>
        %swap3A_516 = vector.shape_cast %and3A_510 : vector<16xi32> to vector<1x16xi32>
        tpu.vector_store %arg9[%swap3A_512, %swap3A_513], %swap3A_516 {strides = array<i32>} : memref<1x128xi32, #tpu.memory_space<vmem>>, vector<1x16xi32>,
        %shift_right_logical3A_517 = arith.constant 14 : i32
        %shift_right_logical3A_518 = vector.broadcast %shift_right_logical3A_517 : i32 to vector<16xi32>
        %shift_right_logical3A_519 = arith.shrui %get3A_507, %shift_right_logical3A_518 : vector<16xi32>
        %swap3A_520 = arith.constant 0 : i32
        %swap3A_521 = arith.index_cast %swap3A_520 : i32 to index
        %swap3A_522 = arith.constant 48 : index
        %swap3A_523 = tpu.vector_load %arg10[%swap3A_521, %swap3A_522] {strides = array<i32>} : memref<1x128xi32, #tpu.memory_space<vmem>>, vector<1x16xi32>,
        %swap3A_524 = vector.shape_cast %swap3A_523 : vector<1x16xi32> to vector<16xi32>
        %swap3A_525 = vector.shape_cast %shift_right_logical3A_519 : vector<16xi32> to vector<1x16xi32>
        tpu.vector_store %arg10[%swap3A_521, %swap3A_522], %swap3A_525 {strides = array<i32>} : memref<1x128xi32, #tpu.memory_space<vmem>>, vector<1x16xi32>,
        %get3A_526 = arith.index_cast %add3A_437 : i32 to index
        %get3A_527 = arith.constant 64 : index
        %get3A_528 = tpu.vector_load %arg8[%get3A_526, %get3A_527] {strides = array<i32>} : memref<82x128xi32, #tpu.memory_space<vmem>>, vector<1x16xi32>,
        %get3A_529 = vector.shape_cast %get3A_528 : vector<1x16xi32> to vector<16xi32>
        %and3A_530 = arith.constant 16383 : i32
        %and3A_531 = vector.broadcast %and3A_530 : i32 to vector<16xi32>
        %and3A_532 = arith.andi %get3A_529, %and3A_531 : vector<16xi32>
        %swap3A_533 = arith.constant 0 : i32
        %swap3A_534 = arith.index_cast %swap3A_533 : i32 to index
        %swap3A_535 = arith.constant 64 : index
        %swap3A_536 = tpu.vector_load %arg9[%swap3A_534, %swap3A_535] {strides = array<i32>} : memref<1x128xi32, #tpu.memory_space<vmem>>, vector<1x16xi32>,
        %swap3A_537 = vector.shape_cast %swap3A_536 : vector<1x16xi32> to vector<16xi32>
        %swap3A_538 = vector.shape_cast %and3A_532 : vector<16xi32> to vector<1x16xi32>
        tpu.vector_store %arg9[%swap3A_534, %swap3A_535], %swap3A_538 {strides = array<i32>} : memref<1x128xi32, #tpu.memory_space<vmem>>, vector<1x16xi32>,
        %shift_right_logical3A_539 = arith.constant 14 : i32
        %shift_right_logical3A_540 = vector.broadcast %shift_right_logical3A_539 : i32 to vector<16xi32>
        %shift_right_logical3A_541 = arith.shrui %get3A_529, %shift_right_logical3A_540 : vector<16xi32>
        %swap3A_542 = arith.constant 0 : i32
        %swap3A_543 = arith.index_cast %swap3A_542 : i32 to index
        %swap3A_544 = arith.constant 64 : index
        %swap3A_545 = tpu.vector_load %arg10[%swap3A_543, %swap3A_544] {strides = array<i32>} : memref<1x128xi32, #tpu.memory_space<vmem>>, vector<1x16xi32>,
        %swap3A_546 = vector.shape_cast %swap3A_545 : vector<1x16xi32> to vector<16xi32>
        %swap3A_547 = vector.shape_cast %shift_right_logical3A_541 : vector<16xi32> to vector<1x16xi32>
        tpu.vector_store %arg10[%swap3A_543, %swap3A_544], %swap3A_547 {strides = array<i32>} : memref<1x128xi32, #tpu.memory_space<vmem>>, vector<1x16xi32>,
        %get3A_548 = arith.index_cast %add3A_437 : i32 to index
        %get3A_549 = arith.constant 80 : index
        %get3A_550 = tpu.vector_load %arg8[%get3A_548, %get3A_549] {strides = array<i32>} : memref<82x128xi32, #tpu.memory_space<vmem>>, vector<1x16xi32>,
        %get3A_551 = vector.shape_cast %get3A_550 : vector<1x16xi32> to vector<16xi32>
        %and3A_552 = arith.constant 16383 : i32
        %and3A_553 = vector.broadcast %and3A_552 : i32 to vector<16xi32>
        %and3A_554 = arith.andi %get3A_551, %and3A_553 : vector<16xi32>
        %swap3A_555 = arith.constant 0 : i32
        %swap3A_556 = arith.index_cast %swap3A_555 : i32 to index
        %swap3A_557 = arith.constant 80 : index
        %swap3A_558 = tpu.vector_load %arg9[%swap3A_556, %swap3A_557] {strides = array<i32>} : memref<1x128xi32, #tpu.memory_space<vmem>>, vector<1x16xi32>,
        %swap3A_559 = vector.shape_cast %swap3A_558 : vector<1x16xi32> to vector<16xi32>
        %swap3A_560 = vector.shape_cast %and3A_554 : vector<16xi32> to vector<1x16xi32>
        tpu.vector_store %arg9[%swap3A_556, %swap3A_557], %swap3A_560 {strides = array<i32>} : memref<1x128xi32, #tpu.memory_space<vmem>>, vector<1x16xi32>,
        %shift_right_logical3A_561 = arith.constant 14 : i32
        %shift_right_logical3A_562 = vector.broadcast %shift_right_logical3A_561 : i32 to vector<16xi32>
        %shift_right_logical3A_563 = arith.shrui %get3A_551, %shift_right_logical3A_562 : vector<16xi32>
        %swap3A_564 = arith.constant 0 : i32
        %swap3A_565 = arith.index_cast %swap3A_564 : i32 to index
        %swap3A_566 = arith.constant 80 : index
        %swap3A_567 = tpu.vector_load %arg10[%swap3A_565, %swap3A_566] {strides = array<i32>} : memref<1x128xi32, #tpu.memory_space<vmem>>, vector<1x16xi32>,
        %swap3A_568 = vector.shape_cast %swap3A_567 : vector<1x16xi32> to vector<16xi32>
        %swap3A_569 = vector.shape_cast %shift_right_logical3A_563 : vector<16xi32> to vector<1x16xi32>
        tpu.vector_store %arg10[%swap3A_565, %swap3A_566], %swap3A_569 {strides = array<i32>} : memref<1x128xi32, #tpu.memory_space<vmem>>, vector<1x16xi32>,
        %get3A_570 = arith.index_cast %add3A_437 : i32 to index
        %get3A_571 = arith.constant 96 : index
        %get3A_572 = tpu.vector_load %arg8[%get3A_570, %get3A_571] {strides = array<i32>} : memref<82x128xi32, #tpu.memory_space<vmem>>, vector<1x16xi32>,
        %get3A_573 = vector.shape_cast %get3A_572 : vector<1x16xi32> to vector<16xi32>
        %and3A_574 = arith.constant 16383 : i32
        %and3A_575 = vector.broadcast %and3A_574 : i32 to vector<16xi32>
        %and3A_576 = arith.andi %get3A_573, %and3A_575 : vector<16xi32>
        %swap3A_577 = arith.constant 0 : i32
        %swap3A_578 = arith.index_cast %swap3A_577 : i32 to index
        %swap3A_579 = arith.constant 96 : index
        %swap3A_580 = tpu.vector_load %arg9[%swap3A_578, %swap3A_579] {strides = array<i32>} : memref<1x128xi32, #tpu.memory_space<vmem>>, vector<1x16xi32>,
        %swap3A_581 = vector.shape_cast %swap3A_580 : vector<1x16xi32> to vector<16xi32>
        %swap3A_582 = vector.shape_cast %and3A_576 : vector<16xi32> to vector<1x16xi32>
        tpu.vector_store %arg9[%swap3A_578, %swap3A_579], %swap3A_582 {strides = array<i32>} : memref<1x128xi32, #tpu.memory_space<vmem>>, vector<1x16xi32>,
        %shift_right_logical3A_583 = arith.constant 14 : i32
        %shift_right_logical3A_584 = vector.broadcast %shift_right_logical3A_583 : i32 to vector<16xi32>
        %shift_right_logical3A_585 = arith.shrui %get3A_573, %shift_right_logical3A_584 : vector<16xi32>
        %swap3A_586 = arith.constant 0 : i32
        %swap3A_587 = arith.index_cast %swap3A_586 : i32 to index
        %swap3A_588 = arith.constant 96 : index
        %swap3A_589 = tpu.vector_load %arg10[%swap3A_587, %swap3A_588] {strides = array<i32>} : memref<1x128xi32, #tpu.memory_space<vmem>>, vector<1x16xi32>,
        %swap3A_590 = vector.shape_cast %swap3A_589 : vector<1x16xi32> to vector<16xi32>
        %swap3A_591 = vector.shape_cast %shift_right_logical3A_585 : vector<16xi32> to vector<1x16xi32>
        tpu.vector_store %arg10[%swap3A_587, %swap3A_588], %swap3A_591 {strides = array<i32>} : memref<1x128xi32, #tpu.memory_space<vmem>>, vector<1x16xi32>,
        %get3A_592 = arith.index_cast %add3A_437 : i32 to index
        %get3A_593 = arith.constant 112 : index
        %get3A_594 = tpu.vector_load %arg8[%get3A_592, %get3A_593] {strides = array<i32>} : memref<82x128xi32, #tpu.memory_space<vmem>>, vector<1x16xi32>,
        %get3A_595 = vector.shape_cast %get3A_594 : vector<1x16xi32> to vector<16xi32>
        %and3A_596 = arith.constant 16383 : i32
        %and3A_597 = vector.broadcast %and3A_596 : i32 to vector<16xi32>
        %and3A_598 = arith.andi %get3A_595, %and3A_597 : vector<16xi32>
        %swap3A_599 = arith.constant 0 : i32
        %swap3A_600 = arith.index_cast %swap3A_599 : i32 to index
        %swap3A_601 = arith.constant 112 : index
        %swap3A_602 = tpu.vector_load %arg9[%swap3A_600, %swap3A_601] {strides = array<i32>} : memref<1x128xi32, #tpu.memory_space<vmem>>, vector<1x16xi32>,
        %swap3A_603 = vector.shape_cast %swap3A_602 : vector<1x16xi32> to vector<16xi32>
        %swap3A_604 = vector.shape_cast %and3A_598 : vector<16xi32> to vector<1x16xi32>
        tpu.vector_store %arg9[%swap3A_600, %swap3A_601], %swap3A_604 {strides = array<i32>} : memref<1x128xi32, #tpu.memory_space<vmem>>, vector<1x16xi32>,
        %shift_right_logical3A_605 = arith.constant 14 : i32
        %shift_right_logical3A_606 = vector.broadcast %shift_right_logical3A_605 : i32 to vector<16xi32>
        %shift_right_logical3A_607 = arith.shrui %get3A_595, %shift_right_logical3A_606 : vector<16xi32>
        %swap3A_608 = arith.constant 0 : i32
        %swap3A_609 = arith.index_cast %swap3A_608 : i32 to index
        %swap3A_610 = arith.constant 112 : index
        %swap3A_611 = tpu.vector_load %arg10[%swap3A_609, %swap3A_610] {strides = array<i32>} : memref<1x128xi32, #tpu.memory_space<vmem>>, vector<1x16xi32>,
        %swap3A_612 = vector.shape_cast %swap3A_611 : vector<1x16xi32> to vector<16xi32>
        %swap3A_613 = vector.shape_cast %shift_right_logical3A_607 : vector<16xi32> to vector<1x16xi32>
        tpu.vector_store %arg10[%swap3A_609, %swap3A_610], %swap3A_613 {strides = array<i32>} : memref<1x128xi32, #tpu.memory_space<vmem>>, vector<1x16xi32>,
        %dma_start3A_614 = arith.constant 0 : i32
        %dma_start3A_615 = arith.constant 0 : i32
        %dma_start3A_616 = tpu.memref_slice %arg9[%dma_start3A_614, %dma_start3A_615] : memref<1x128xi32, #tpu.memory_space<vmem>> -> memref<1x128xi32, #tpu.memory_space<vmem>>
        %dma_start3A_617 = tpu.memref_squeeze %dma_start3A_616 : memref<1x128xi32, #tpu.memory_space<vmem>> -> memref<128xi32, #tpu.memory_space<vmem>>
        %dma_start3A_618 = arith.constant 0 : i32
        %dma_start3A_619 = arith.constant 0 : i32
        %dma_start3A_620 = tpu.memref_slice %arg3[%dma_start3A_618, %dma_start3A_619] : memref<10112x128xf32, #tpu.memory_space<hbm>> -> memref<10112x128xf32, #tpu.memory_space<hbm>>
        tpu.enqueue_indirect_dma source(%dma_start3A_620 : memref<10112x128xf32, #tpu.memory_space<hbm>>) target(%arg15 : memref<128x128xf32, #tpu.memory_space<vmem>>) offsets(%dma_start3A_617 : memref<128xi32, #tpu.memory_space<vmem>>) semaphore(%arg19 : memref<!tpu.dma_semaphore, #tpu.memory_space<semaphore_mem>>)
        %dma_start3A_621 = arith.constant 0 : i32
        %dma_start3A_622 = arith.constant 0 : i32
        %dma_start3A_623 = tpu.memref_slice %arg10[%dma_start3A_621, %dma_start3A_622] : memref<1x128xi32, #tpu.memory_space<vmem>> -> memref<1x128xi32, #tpu.memory_space<vmem>>
        %dma_start3A_624 = tpu.memref_squeeze %dma_start3A_623 : memref<1x128xi32, #tpu.memory_space<vmem>> -> memref<128xi32, #tpu.memory_space<vmem>>
        %dma_start3A_625 = arith.constant 0 : i32
        %dma_start3A_626 = arith.constant 0 : i32
        %dma_start3A_627 = tpu.memref_slice %arg5[%dma_start3A_625, %dma_start3A_626] : memref<10112x16xf32, #tpu.memory_space<hbm>> -> memref<10112x16xf32, #tpu.memory_space<hbm>>
        tpu.enqueue_indirect_dma source(%dma_start3A_627 : memref<10112x16xf32, #tpu.memory_space<hbm>>) target(%arg14 : memref<128x16xf32, #tpu.memory_space<vmem>>) offsets(%dma_start3A_624 : memref<128xi32, #tpu.memory_space<vmem>>) semaphore(%arg20 : memref<!tpu.dma_semaphore, #tpu.memory_space<semaphore_mem>>)
      } else {
      }
      %add3A_416 = arith.constant 1 : i32
      %add3A_417 = arith.addi %mul3A_204, %add3A_416 : i32
      "tpu.region"() ({
        %run_scoped3A_436 = tpu.sem_alloc : memref<!tpu.dma_semaphore, #tpu.memory_space<semaphore_mem>>
        %dma_start3A_437 = arith.constant 0 : i32
        %dma_start3A_438 = arith.constant 0 : i32
        %dma_start3A_439 = tpu.memref_slice %arg4[%add3A, %add3A_417, %dma_start3A_437, %dma_start3A_438] : memref<32x82x128x16xf32, #tpu.memory_space<hbm>> -> memref<1x1x128x16xf32, #tpu.memory_space<hbm>>
        %dma_start3A_440 = tpu.memref_squeeze %dma_start3A_439 : memref<1x1x128x16xf32, #tpu.memory_space<hbm>> -> memref<128x16xf32, #tpu.memory_space<hbm>>
        %dma_start3A_441 = arith.constant 0 : i32
        %dma_start3A_442 = arith.constant 0 : i32
        %dma_start3A_443 = tpu.memref_slice %arg4[%add3A, %add3A_417, %dma_start3A_441, %dma_start3A_442] : memref<32x82x128x16xf32, #tpu.memory_space<hbm>> -> memref<1x1x128x16xf32, #tpu.memory_space<hbm>>
        %dma_start3A_444 = tpu.memref_squeeze %dma_start3A_443 : memref<1x1x128x16xf32, #tpu.memory_space<hbm>> -> memref<128x16xf32, #tpu.memory_space<hbm>>
        tpu.enqueue_dma source(%dma_start3A_444 : memref<128x16xf32, #tpu.memory_space<hbm>>) target(%arg13 : memref<128x16xf32, #tpu.memory_space<vmem>>) target_semaphore(%run_scoped3A_436 : memref<!tpu.dma_semaphore, #tpu.memory_space<semaphore_mem>>)
        %dma_wait3A_445 = arith.constant 0 : i32
        %dma_wait3A_446 = arith.constant 0 : i32
        %dma_wait3A_447 = tpu.memref_slice %arg4[%add3A, %add3A_417, %dma_wait3A_445, %dma_wait3A_446] : memref<32x82x128x16xf32, #tpu.memory_space<hbm>> -> memref<1x1x128x16xf32, #tpu.memory_space<hbm>>
        %dma_wait3A_448 = tpu.memref_squeeze %dma_wait3A_447 : memref<1x1x128x16xf32, #tpu.memory_space<hbm>> -> memref<128x16xf32, #tpu.memory_space<hbm>>
        %dma_wait3A_449 = arith.constant 0 : i32
        %dma_wait3A_450 = arith.constant 0 : i32
        %dma_wait3A_451 = tpu.memref_slice %arg4[%add3A, %add3A_417, %dma_wait3A_449, %dma_wait3A_450] : memref<32x82x128x16xf32, #tpu.memory_space<hbm>> -> memref<1x1x128x16xf32, #tpu.memory_space<hbm>>
        %dma_wait3A_452 = tpu.memref_squeeze %dma_wait3A_451 : memref<1x1x128x16xf32, #tpu.memory_space<hbm>> -> memref<128x16xf32, #tpu.memory_space<hbm>>
        tpu.wait_dma2 semaphore(%run_scoped3A_436 : memref<!tpu.dma_semaphore, #tpu.memory_space<semaphore_mem>>) src(%dma_wait3A_452 : memref<128x16xf32, #tpu.memory_space<hbm>>) dst(%arg13 : memref<128x16xf32, #tpu.memory_space<vmem>>)
        tpu.yield
      }) : () -> ()
      %dma_wait3A_418 = arith.constant 0 : i32
      %dma_wait3A_419 = arith.constant 0 : i32
      %dma_wait3A_420 = tpu.memref_slice %arg12[%dma_wait3A_418, %dma_wait3A_419] : memref<1x128xi32, #tpu.memory_space<vmem>> -> memref<1x128xi32, #tpu.memory_space<vmem>>
      %dma_wait3A_421 = tpu.memref_squeeze %dma_wait3A_420 : memref<1x128xi32, #tpu.memory_space<vmem>> -> memref<128xi32, #tpu.memory_space<vmem>>
      %dma_wait3A_422 = arith.constant 0 : i32
      %dma_wait3A_423 = arith.constant 0 : i32
      %dma_wait3A_424 = tpu.memref_slice %arg5[%dma_wait3A_422, %dma_wait3A_423] : memref<10112x16xf32, #tpu.memory_space<hbm>> -> memref<10112x16xf32, #tpu.memory_space<hbm>>
      tpu.wait_indirect_dma semaphore(%arg22 : memref<!tpu.dma_semaphore, #tpu.memory_space<semaphore_mem>>) src(%dma_wait3A_424 : memref<10112x16xf32, #tpu.memory_space<hbm>>) dst(%arg16 : memref<128x16xf32, #tpu.memory_space<vmem>>)
      %dma_wait3A_425 = arith.constant 0 : i32
      %dma_wait3A_426 = arith.constant 0 : i32
      %dma_wait3A_427 = tpu.memref_slice %arg11[%dma_wait3A_425, %dma_wait3A_426] : memref<1x128xi32, #tpu.memory_space<vmem>> -> memref<1x128xi32, #tpu.memory_space<vmem>>
      %dma_wait3A_428 = tpu.memref_squeeze %dma_wait3A_427 : memref<1x128xi32, #tpu.memory_space<vmem>> -> memref<128xi32, #tpu.memory_space<vmem>>
      %dma_wait3A_429 = arith.constant 0 : i32
      %dma_wait3A_430 = arith.constant 0 : i32
      %dma_wait3A_431 = tpu.memref_slice %arg3[%dma_wait3A_429, %dma_wait3A_430] : memref<10112x128xf32, #tpu.memory_space<hbm>> -> memref<10112x128xf32, #tpu.memory_space<hbm>>
      tpu.wait_indirect_dma semaphore(%arg21 : memref<!tpu.dma_semaphore, #tpu.memory_space<semaphore_mem>>) src(%dma_wait3A_431 : memref<10112x128xf32, #tpu.memory_space<hbm>>) dst(%arg17 : memref<128x128xf32, #tpu.memory_space<vmem>>)
      %parallel_loop3A_432 = arith.constant 0 : i32
      %parallel_loop3A_433 = arith.constant 128 : i32
      %parallel_loop3A_434 = arith.constant 1 : i32
      scf.for %parallel_loop3A_436 = %parallel_loop3A_432 to %parallel_loop3A_433 step %parallel_loop3A_434  : i32 {
        %parallel_loop3A_437 = arith.index_cast %parallel_loop3A_436 : i32 to index
        %parallel_loop3A_438 = arith.constant 0 : index
        %parallel_loop3A_439 = tpu.vector_load %arg13[%parallel_loop3A_437, %parallel_loop3A_438] {strides = array<i32>} : memref<128x16xf32, #tpu.memory_space<vmem>>, vector<1x16xf32>,
        %parallel_loop3A_440 = vector.shape_cast %parallel_loop3A_439 : vector<1x16xf32> to vector<16xf32>
        %parallel_loop3A_441 = arith.index_cast %parallel_loop3A_436 : i32 to index
        %parallel_loop3A_442 = arith.constant 0 : index
        %parallel_loop3A_443 = tpu.vector_load %arg16[%parallel_loop3A_441, %parallel_loop3A_442] {strides = array<i32>} : memref<128x16xf32, #tpu.memory_space<vmem>>, vector<1x16xf32>,
        %parallel_loop3A_444 = vector.shape_cast %parallel_loop3A_443 : vector<1x16xf32> to vector<16xf32>
        %parallel_loop3A_445 = arith.mulf %parallel_loop3A_440, %parallel_loop3A_444 : vector<16xf32>
        %parallel_loop3A_446 = arith.constant 0 : i32
        %parallel_loop3A_447 = vector.broadcast %parallel_loop3A_446 : i32 to vector<16x1xi32>
        %parallel_loop3A_448 = vector.shape_cast %parallel_loop3A_447 : vector<16x1xi32> to vector<16xi32>
        %parallel_loop3A_449 = tpu.dynamic_gather %parallel_loop3A_445[%parallel_loop3A_448] in [0] : vector<16xf32>, vector<16xi32> -> vector<16xf32>
        %parallel_loop3A_450 = arith.index_cast %parallel_loop3A_436 : i32 to index
        %parallel_loop3A_451 = arith.constant 0 : index
        %parallel_loop3A_452 = tpu.vector_load %arg17[%parallel_loop3A_450, %parallel_loop3A_451] {strides = array<i32>} : memref<128x128xf32, #tpu.memory_space<vmem>>, vector<1x16xf32>,
        %parallel_loop3A_453 = vector.shape_cast %parallel_loop3A_452 : vector<1x16xf32> to vector<16xf32>
        %parallel_loop3A_454 = arith.mulf %parallel_loop3A_453, %parallel_loop3A_449 : vector<16xf32>
        %parallel_loop3A_455 = arith.index_cast %parallel_loop3A_436 : i32 to index
        %parallel_loop3A_456 = arith.constant 0 : index
        %parallel_loop3A_457 = tpu.vector_load %arg17[%parallel_loop3A_455, %parallel_loop3A_456] {strides = array<i32>} : memref<128x128xf32, #tpu.memory_space<vmem>>, vector<1x16xf32>,
        %parallel_loop3A_458 = vector.shape_cast %parallel_loop3A_457 : vector<1x16xf32> to vector<16xf32>
        %parallel_loop3A_459 = vector.shape_cast %parallel_loop3A_454 : vector<16xf32> to vector<1x16xf32>
        tpu.vector_store %arg17[%parallel_loop3A_455, %parallel_loop3A_456], %parallel_loop3A_459 {strides = array<i32>} : memref<128x128xf32, #tpu.memory_space<vmem>>, vector<1x16xf32>,
        %parallel_loop3A_460 = arith.constant 1 : i32
        %parallel_loop3A_461 = vector.broadcast %parallel_loop3A_460 : i32 to vector<16x1xi32>
        %parallel_loop3A_462 = vector.shape_cast %parallel_loop3A_461 : vector<16x1xi32> to vector<16xi32>
        %parallel_loop3A_463 = tpu.dynamic_gather %parallel_loop3A_445[%parallel_loop3A_462] in [0] : vector<16xf32>, vector<16xi32> -> vector<16xf32>
        %parallel_loop3A_464 = arith.index_cast %parallel_loop3A_436 : i32 to index
        %parallel_loop3A_465 = arith.constant 16 : index
        %parallel_loop3A_466 = tpu.vector_load %arg17[%parallel_loop3A_464, %parallel_loop3A_465] {strides = array<i32>} : memref<128x128xf32, #tpu.memory_space<vmem>>, vector<1x16xf32>,
        %parallel_loop3A_467 = vector.shape_cast %parallel_loop3A_466 : vector<1x16xf32> to vector<16xf32>
        %parallel_loop3A_468 = arith.mulf %parallel_loop3A_467, %parallel_loop3A_463 : vector<16xf32>
        %parallel_loop3A_469 = arith.index_cast %parallel_loop3A_436 : i32 to index
        %parallel_loop3A_470 = arith.constant 16 : index
        %parallel_loop3A_471 = tpu.vector_load %arg17[%parallel_loop3A_469, %parallel_loop3A_470] {strides = array<i32>} : memref<128x128xf32, #tpu.memory_space<vmem>>, vector<1x16xf32>,
        %parallel_loop3A_472 = vector.shape_cast %parallel_loop3A_471 : vector<1x16xf32> to vector<16xf32>
        %parallel_loop3A_473 = vector.shape_cast %parallel_loop3A_468 : vector<16xf32> to vector<1x16xf32>
        tpu.vector_store %arg17[%parallel_loop3A_469, %parallel_loop3A_470], %parallel_loop3A_473 {strides = array<i32>} : memref<128x128xf32, #tpu.memory_space<vmem>>, vector<1x16xf32>,
        %parallel_loop3A_474 = arith.constant 2 : i32
        %parallel_loop3A_475 = vector.broadcast %parallel_loop3A_474 : i32 to vector<16x1xi32>
        %parallel_loop3A_476 = vector.shape_cast %parallel_loop3A_475 : vector<16x1xi32> to vector<16xi32>
        %parallel_loop3A_477 = tpu.dynamic_gather %parallel_loop3A_445[%parallel_loop3A_476] in [0] : vector<16xf32>, vector<16xi32> -> vector<16xf32>
        %parallel_loop3A_478 = arith.index_cast %parallel_loop3A_436 : i32 to index
        %parallel_loop3A_479 = arith.constant 32 : index
        %parallel_loop3A_480 = tpu.vector_load %arg17[%parallel_loop3A_478, %parallel_loop3A_479] {strides = array<i32>} : memref<128x128xf32, #tpu.memory_space<vmem>>, vector<1x16xf32>,
        %parallel_loop3A_481 = vector.shape_cast %parallel_loop3A_480 : vector<1x16xf32> to vector<16xf32>
        %parallel_loop3A_482 = arith.mulf %parallel_loop3A_481, %parallel_loop3A_477 : vector<16xf32>
        %parallel_loop3A_483 = arith.index_cast %parallel_loop3A_436 : i32 to index
        %parallel_loop3A_484 = arith.constant 32 : index
        %parallel_loop3A_485 = tpu.vector_load %arg17[%parallel_loop3A_483, %parallel_loop3A_484] {strides = array<i32>} : memref<128x128xf32, #tpu.memory_space<vmem>>, vector<1x16xf32>,
        %parallel_loop3A_486 = vector.shape_cast %parallel_loop3A_485 : vector<1x16xf32> to vector<16xf32>
        %parallel_loop3A_487 = vector.shape_cast %parallel_loop3A_482 : vector<16xf32> to vector<1x16xf32>
        tpu.vector_store %arg17[%parallel_loop3A_483, %parallel_loop3A_484], %parallel_loop3A_487 {strides = array<i32>} : memref<128x128xf32, #tpu.memory_space<vmem>>, vector<1x16xf32>,
        %parallel_loop3A_488 = arith.constant 3 : i32
        %parallel_loop3A_489 = vector.broadcast %parallel_loop3A_488 : i32 to vector<16x1xi32>
        %parallel_loop3A_490 = vector.shape_cast %parallel_loop3A_489 : vector<16x1xi32> to vector<16xi32>
        %parallel_loop3A_491 = tpu.dynamic_gather %parallel_loop3A_445[%parallel_loop3A_490] in [0] : vector<16xf32>, vector<16xi32> -> vector<16xf32>
        %parallel_loop3A_492 = arith.index_cast %parallel_loop3A_436 : i32 to index
        %parallel_loop3A_493 = arith.constant 48 : index
        %parallel_loop3A_494 = tpu.vector_load %arg17[%parallel_loop3A_492, %parallel_loop3A_493] {strides = array<i32>} : memref<128x128xf32, #tpu.memory_space<vmem>>, vector<1x16xf32>,
        %parallel_loop3A_495 = vector.shape_cast %parallel_loop3A_494 : vector<1x16xf32> to vector<16xf32>
        %parallel_loop3A_496 = arith.mulf %parallel_loop3A_495, %parallel_loop3A_491 : vector<16xf32>
        %parallel_loop3A_497 = arith.index_cast %parallel_loop3A_436 : i32 to index
        %parallel_loop3A_498 = arith.constant 48 : index
        %parallel_loop3A_499 = tpu.vector_load %arg17[%parallel_loop3A_497, %parallel_loop3A_498] {strides = array<i32>} : memref<128x128xf32, #tpu.memory_space<vmem>>, vector<1x16xf32>,
        %parallel_loop3A_500 = vector.shape_cast %parallel_loop3A_499 : vector<1x16xf32> to vector<16xf32>
        %parallel_loop3A_501 = vector.shape_cast %parallel_loop3A_496 : vector<16xf32> to vector<1x16xf32>
        tpu.vector_store %arg17[%parallel_loop3A_497, %parallel_loop3A_498], %parallel_loop3A_501 {strides = array<i32>} : memref<128x128xf32, #tpu.memory_space<vmem>>, vector<1x16xf32>,
        %parallel_loop3A_502 = arith.constant 4 : i32
        %parallel_loop3A_503 = vector.broadcast %parallel_loop3A_502 : i32 to vector<16x1xi32>
        %parallel_loop3A_504 = vector.shape_cast %parallel_loop3A_503 : vector<16x1xi32> to vector<16xi32>
        %parallel_loop3A_505 = tpu.dynamic_gather %parallel_loop3A_445[%parallel_loop3A_504] in [0] : vector<16xf32>, vector<16xi32> -> vector<16xf32>
        %parallel_loop3A_506 = arith.index_cast %parallel_loop3A_436 : i32 to index
        %parallel_loop3A_507 = arith.constant 64 : index
        %parallel_loop3A_508 = tpu.vector_load %arg17[%parallel_loop3A_506, %parallel_loop3A_507] {strides = array<i32>} : memref<128x128xf32, #tpu.memory_space<vmem>>, vector<1x16xf32>,
        %parallel_loop3A_509 = vector.shape_cast %parallel_loop3A_508 : vector<1x16xf32> to vector<16xf32>
        %parallel_loop3A_510 = arith.mulf %parallel_loop3A_509, %parallel_loop3A_505 : vector<16xf32>
        %parallel_loop3A_511 = arith.index_cast %parallel_loop3A_436 : i32 to index
        %parallel_loop3A_512 = arith.constant 64 : index
        %parallel_loop3A_513 = tpu.vector_load %arg17[%parallel_loop3A_511, %parallel_loop3A_512] {strides = array<i32>} : memref<128x128xf32, #tpu.memory_space<vmem>>, vector<1x16xf32>,
        %parallel_loop3A_514 = vector.shape_cast %parallel_loop3A_513 : vector<1x16xf32> to vector<16xf32>
        %parallel_loop3A_515 = vector.shape_cast %parallel_loop3A_510 : vector<16xf32> to vector<1x16xf32>
        tpu.vector_store %arg17[%parallel_loop3A_511, %parallel_loop3A_512], %parallel_loop3A_515 {strides = array<i32>} : memref<128x128xf32, #tpu.memory_space<vmem>>, vector<1x16xf32>,
        %parallel_loop3A_516 = arith.constant 5 : i32
        %parallel_loop3A_517 = vector.broadcast %parallel_loop3A_516 : i32 to vector<16x1xi32>
        %parallel_loop3A_518 = vector.shape_cast %parallel_loop3A_517 : vector<16x1xi32> to vector<16xi32>
        %parallel_loop3A_519 = tpu.dynamic_gather %parallel_loop3A_445[%parallel_loop3A_518] in [0] : vector<16xf32>, vector<16xi32> -> vector<16xf32>
        %parallel_loop3A_520 = arith.index_cast %parallel_loop3A_436 : i32 to index
        %parallel_loop3A_521 = arith.constant 80 : index
        %parallel_loop3A_522 = tpu.vector_load %arg17[%parallel_loop3A_520, %parallel_loop3A_521] {strides = array<i32>} : memref<128x128xf32, #tpu.memory_space<vmem>>, vector<1x16xf32>,
        %parallel_loop3A_523 = vector.shape_cast %parallel_loop3A_522 : vector<1x16xf32> to vector<16xf32>
        %parallel_loop3A_524 = arith.mulf %parallel_loop3A_523, %parallel_loop3A_519 : vector<16xf32>
        %parallel_loop3A_525 = arith.index_cast %parallel_loop3A_436 : i32 to index
        %parallel_loop3A_526 = arith.constant 80 : index
        %parallel_loop3A_527 = tpu.vector_load %arg17[%parallel_loop3A_525, %parallel_loop3A_526] {strides = array<i32>} : memref<128x128xf32, #tpu.memory_space<vmem>>, vector<1x16xf32>,
        %parallel_loop3A_528 = vector.shape_cast %parallel_loop3A_527 : vector<1x16xf32> to vector<16xf32>
        %parallel_loop3A_529 = vector.shape_cast %parallel_loop3A_524 : vector<16xf32> to vector<1x16xf32>
        tpu.vector_store %arg17[%parallel_loop3A_525, %parallel_loop3A_526], %parallel_loop3A_529 {strides = array<i32>} : memref<128x128xf32, #tpu.memory_space<vmem>>, vector<1x16xf32>,
        %parallel_loop3A_530 = arith.constant 6 : i32
        %parallel_loop3A_531 = vector.broadcast %parallel_loop3A_530 : i32 to vector<16x1xi32>
        %parallel_loop3A_532 = vector.shape_cast %parallel_loop3A_531 : vector<16x1xi32> to vector<16xi32>
        %parallel_loop3A_533 = tpu.dynamic_gather %parallel_loop3A_445[%parallel_loop3A_532] in [0] : vector<16xf32>, vector<16xi32> -> vector<16xf32>
        %parallel_loop3A_534 = arith.index_cast %parallel_loop3A_436 : i32 to index
        %parallel_loop3A_535 = arith.constant 96 : index
        %parallel_loop3A_536 = tpu.vector_load %arg17[%parallel_loop3A_534, %parallel_loop3A_535] {strides = array<i32>} : memref<128x128xf32, #tpu.memory_space<vmem>>, vector<1x16xf32>,
        %parallel_loop3A_537 = vector.shape_cast %parallel_loop3A_536 : vector<1x16xf32> to vector<16xf32>
        %parallel_loop3A_538 = arith.mulf %parallel_loop3A_537, %parallel_loop3A_533 : vector<16xf32>
        %parallel_loop3A_539 = arith.index_cast %parallel_loop3A_436 : i32 to index
        %parallel_loop3A_540 = arith.constant 96 : index
        %parallel_loop3A_541 = tpu.vector_load %arg17[%parallel_loop3A_539, %parallel_loop3A_540] {strides = array<i32>} : memref<128x128xf32, #tpu.memory_space<vmem>>, vector<1x16xf32>,
        %parallel_loop3A_542 = vector.shape_cast %parallel_loop3A_541 : vector<1x16xf32> to vector<16xf32>
        %parallel_loop3A_543 = vector.shape_cast %parallel_loop3A_538 : vector<16xf32> to vector<1x16xf32>
        tpu.vector_store %arg17[%parallel_loop3A_539, %parallel_loop3A_540], %parallel_loop3A_543 {strides = array<i32>} : memref<128x128xf32, #tpu.memory_space<vmem>>, vector<1x16xf32>,
        %parallel_loop3A_544 = arith.constant 7 : i32
        %parallel_loop3A_545 = vector.broadcast %parallel_loop3A_544 : i32 to vector<16x1xi32>
        %parallel_loop3A_546 = vector.shape_cast %parallel_loop3A_545 : vector<16x1xi32> to vector<16xi32>
        %parallel_loop3A_547 = tpu.dynamic_gather %parallel_loop3A_445[%parallel_loop3A_546] in [0] : vector<16xf32>, vector<16xi32> -> vector<16xf32>
        %parallel_loop3A_548 = arith.index_cast %parallel_loop3A_436 : i32 to index
        %parallel_loop3A_549 = arith.constant 112 : index
        %parallel_loop3A_550 = tpu.vector_load %arg17[%parallel_loop3A_548, %parallel_loop3A_549] {strides = array<i32>} : memref<128x128xf32, #tpu.memory_space<vmem>>, vector<1x16xf32>,
        %parallel_loop3A_551 = vector.shape_cast %parallel_loop3A_550 : vector<1x16xf32> to vector<16xf32>
        %parallel_loop3A_552 = arith.mulf %parallel_loop3A_551, %parallel_loop3A_547 : vector<16xf32>
        %parallel_loop3A_553 = arith.index_cast %parallel_loop3A_436 : i32 to index
        %parallel_loop3A_554 = arith.constant 112 : index
        %parallel_loop3A_555 = tpu.vector_load %arg17[%parallel_loop3A_553, %parallel_loop3A_554] {strides = array<i32>} : memref<128x128xf32, #tpu.memory_space<vmem>>, vector<1x16xf32>,
        %parallel_loop3A_556 = vector.shape_cast %parallel_loop3A_555 : vector<1x16xf32> to vector<16xf32>
        %parallel_loop3A_557 = vector.shape_cast %parallel_loop3A_552 : vector<16xf32> to vector<1x16xf32>
        tpu.vector_store %arg17[%parallel_loop3A_553, %parallel_loop3A_554], %parallel_loop3A_557 {strides = array<i32>} : memref<128x128xf32, #tpu.memory_space<vmem>>, vector<1x16xf32>,
      } {sc.loop_unroll_factor = 4 : i64, sc.parallel_access}
      %run_scoped3A_435 = arith.constant 0 : i32
      "tpu.region"() ({
        %run_scoped3A_436 = tpu.sem_alloc : memref<!tpu.dma_semaphore, #tpu.memory_space<semaphore_mem>>
        %dma_start3A_437 = arith.constant 0 : i32
        %dma_start3A_438 = tpu.memref_slice %arg12[%run_scoped3A_435, %dma_start3A_437] : memref<1x128xi32, #tpu.memory_space<vmem>> -> memref<1x128xi32, #tpu.memory_space<vmem>>
        %dma_start3A_439 = tpu.memref_squeeze %dma_start3A_438 : memref<1x128xi32, #tpu.memory_space<vmem>> -> memref<128xi32, #tpu.memory_space<vmem>>
        %dma_start3A_440 = arith.constant 0 : i32
        %dma_start3A_441 = arith.constant 0 : i32
        %dma_start3A_442 = tpu.memref_slice %arg18[%dma_start3A_440, %dma_start3A_441] : memref<10112x128xf32, #tpu.memory_space<vmem_shared>> -> memref<10112x128xf32, #tpu.memory_space<vmem_shared>>
        tpu.enqueue_indirect_dma source(%arg17 : memref<128x128xf32, #tpu.memory_space<vmem>>) target(%dma_start3A_442 : memref<10112x128xf32, #tpu.memory_space<vmem_shared>>) offsets(%dma_start3A_439 : memref<128xi32, #tpu.memory_space<vmem>>) semaphore(%run_scoped3A_436 : memref<!tpu.dma_semaphore, #tpu.memory_space<semaphore_mem>>) {add = true}
        %dma_wait3A_443 = arith.constant 0 : i32
        %dma_wait3A_444 = tpu.memref_slice %arg12[%run_scoped3A_435, %dma_wait3A_443] : memref<1x128xi32, #tpu.memory_space<vmem>> -> memref<1x128xi32, #tpu.memory_space<vmem>>
        %dma_wait3A_445 = tpu.memref_squeeze %dma_wait3A_444 : memref<1x128xi32, #tpu.memory_space<vmem>> -> memref<128xi32, #tpu.memory_space<vmem>>
        %dma_wait3A_446 = arith.constant 0 : i32
        %dma_wait3A_447 = arith.constant 0 : i32
        %dma_wait3A_448 = tpu.memref_slice %arg18[%dma_wait3A_446, %dma_wait3A_447] : memref<10112x128xf32, #tpu.memory_space<vmem_shared>> -> memref<10112x128xf32, #tpu.memory_space<vmem_shared>>
        tpu.wait_indirect_dma semaphore(%run_scoped3A_436 : memref<!tpu.dma_semaphore, #tpu.memory_space<semaphore_mem>>) src(%arg17 : memref<128x128xf32, #tpu.memory_space<vmem>>) dst(%dma_wait3A_448 : memref<10112x128xf32, #tpu.memory_space<vmem_shared>>)
        tpu.yield
      }) : () -> ()
    }
    %scan3A_200 = arith.constant 41 : i32
    %barrier3A_201 = arith.constant 0 : index
    tpu.barrier barrier_id(%barrier3A_201)
    "tpu.region"() ({
      %run_scoped3A = tpu.sem_alloc : memref<!tpu.dma_semaphore, #tpu.memory_space<semaphore_mem>>
      %dma_start3A_202 = arith.constant 0 : i32
      %dma_start3A_203 = tpu.memref_slice %arg7[%arg0, %mul3A_2, %dma_start3A_202] : memref<2x10112x128xf32, #tpu.memory_space<hbm>> -> memref<1x632x128xf32, #tpu.memory_space<hbm>>
      %dma_start3A_204 = tpu.memref_squeeze %dma_start3A_203 : memref<1x632x128xf32, #tpu.memory_space<hbm>> -> memref<632x128xf32, #tpu.memory_space<hbm>>
      %dma_start3A_205 = arith.constant 0 : i32
      %dma_start3A_206 = tpu.memref_slice %arg18[%mul3A_2, %dma_start3A_205] : memref<10112x128xf32, #tpu.memory_space<vmem_shared>> -> memref<632x128xf32, #tpu.memory_space<vmem_shared>>
      tpu.enqueue_dma source(%dma_start3A_206 : memref<632x128xf32, #tpu.memory_space<vmem_shared>>) target(%dma_start3A_204 : memref<632x128xf32, #tpu.memory_space<hbm>>) target_semaphore(%run_scoped3A : memref<!tpu.dma_semaphore, #tpu.memory_space<semaphore_mem>>)
      %dma_wait3A = arith.constant 0 : i32
      %dma_wait3A_207 = tpu.memref_slice %arg7[%arg0, %mul3A_2, %dma_wait3A] : memref<2x10112x128xf32, #tpu.memory_space<hbm>> -> memref<1x632x128xf32, #tpu.memory_space<hbm>>
      %dma_wait3A_208 = tpu.memref_squeeze %dma_wait3A_207 : memref<1x632x128xf32, #tpu.memory_space<hbm>> -> memref<632x128xf32, #tpu.memory_space<hbm>>
      %dma_wait3A_209 = arith.constant 0 : i32
      %dma_wait3A_210 = tpu.memref_slice %arg18[%mul3A_2, %dma_wait3A_209] : memref<10112x128xf32, #tpu.memory_space<vmem_shared>> -> memref<632x128xf32, #tpu.memory_space<vmem_shared>>
      tpu.wait_dma2 semaphore(%run_scoped3A : memref<!tpu.dma_semaphore, #tpu.memory_space<semaphore_mem>>) src(%dma_wait3A_210 : memref<632x128xf32, #tpu.memory_space<vmem_shared>>) dst(%dma_wait3A_208 : memref<632x128xf32, #tpu.memory_space<hbm>>)
      tpu.yield
    }) : () -> ()
    return
  }
}

module attributes {stable_mosaic.version = 14 : i64} {
  func.func @_prolog_body(%arg0: i32, %arg1: memref<512x128xf32, #tpu.memory_space<vmem>>, %arg2: memref<128x128xf32, #tpu.memory_space<vmem>>, %arg3: memref<128x16xf32, #tpu.memory_space<vmem>>, %arg4: memref<512x128xf32, #tpu.memory_space<vmem>>, %arg5: memref<512x16xf32, #tpu.memory_space<vmem>>) attributes {dimension_semantics = [#tpu.dimension_semantics<arbitrary>], iteration_bounds = array<i64: 20>, scalar_prefetch = 0 : i64, scratch_operands = 0 : i64, tpu.core_type = #tpu.core_type<tc>, window_params = [{transform_indices = @transform_0, window_bounds = array<i64: 512, 128>}, {pipeline_mode = #tpu.pipeline_mode<synchronous>, transform_indices = @transform_1, window_bounds = array<i64: 128, 128>}, {pipeline_mode = #tpu.pipeline_mode<synchronous>, transform_indices = @transform_2, window_bounds = array<i64: 128, 16>}, {transform_indices = @transform_3, window_bounds = array<i64: 512, 128>}, {transform_indices = @transform_4, window_bounds = array<i64: 512, 16>}]} {
    %get3A = arith.constant 0 : index
    %get3A_0 = arith.constant 0 : index
    %get3A_1 = vector.load %arg1[%get3A, %get3A_0] : memref<512x128xf32, #tpu.memory_space<vmem>>, vector<512x128xf32>
    %get3A_2 = arith.constant 0 : index
    %get3A_3 = arith.constant 0 : index
    %get3A_4 = vector.load %arg2[%get3A_2, %get3A_3] : memref<128x128xf32, #tpu.memory_space<vmem>>, vector<128x128xf32>
    %dot_general3A = arith.constant dense<0.000000e+00> : vector<512x128xf32>
    %dot_general3A_5 = tpu.matmul %get3A_1, %get3A_4, %dot_general3A {dimension_numbers = #tpu.dot_dimension_numbers<[1], [0], [0], [1], [0, 0, 1, 1], [], []>, transpose_lhs_hint = false} : vector<512x128xf32>, vector<128x128xf32>, vector<512x128xf32> -> vector<512x128xf32>
    %swap3A = arith.constant 0 : index
    %swap3A_6 = arith.constant 0 : index
    %swap3A_7 = vector.load %arg4[%swap3A, %swap3A_6] : memref<512x128xf32, #tpu.memory_space<vmem>>, vector<512x128xf32>
    tpu.vector_store %arg4[%swap3A, %swap3A_6], %dot_general3A_5 {strides = array<i32>} : memref<512x128xf32, #tpu.memory_space<vmem>>, vector<512x128xf32>,
    %get3A_8 = arith.constant 0 : index
    %get3A_9 = arith.constant 0 : index
    %get3A_10 = vector.load %arg3[%get3A_8, %get3A_9] : memref<128x16xf32, #tpu.memory_space<vmem>>, vector<128x16xf32>
    %dot_general3A_11 = arith.constant dense<0.000000e+00> : vector<512x16xf32>
    %dot_general3A_12 = tpu.matmul %dot_general3A_5, %get3A_10, %dot_general3A_11 {dimension_numbers = #tpu.dot_dimension_numbers<[1], [0], [0], [1], [0, 0, 1, 1], [], []>, transpose_lhs_hint = false} : vector<512x128xf32>, vector<128x16xf32>, vector<512x16xf32> -> vector<512x16xf32>
    %swap3A_13 = arith.constant 0 : index
    %swap3A_14 = arith.constant 0 : index
    %swap3A_15 = vector.load %arg5[%swap3A_13, %swap3A_14] : memref<512x16xf32, #tpu.memory_space<vmem>>, vector<512x16xf32>
    tpu.vector_store %arg5[%swap3A_13, %swap3A_14], %dot_general3A_12 {strides = array<i32>} : memref<512x16xf32, #tpu.memory_space<vmem>>, vector<512x16xf32>,
    return
  }
  func.func @transform_0(%arg0: i32) -> (i32, i32) {
    %c0_i32 = arith.constant 0 : i32
    %c0_i32_0 = arith.constant 0 : i32
    return %arg0, %c0_i32 : i32, i32
  }
  func.func @transform_1(%arg0: i32) -> (i32, i32) {
    %c0_i32 = arith.constant 0 : i32
    %c0_i32_0 = arith.constant 0 : i32
    %c0_i32_1 = arith.constant 0 : i32
    return %c0_i32, %c0_i32_0 : i32, i32
  }
  func.func @transform_2(%arg0: i32) -> (i32, i32) {
    %c0_i32 = arith.constant 0 : i32
    %c0_i32_0 = arith.constant 0 : i32
    %c0_i32_1 = arith.constant 0 : i32
    return %c0_i32, %c0_i32_0 : i32, i32
  }
  func.func @transform_3(%arg0: i32) -> (i32, i32) {
    %c0_i32 = arith.constant 0 : i32
    %c0_i32_0 = arith.constant 0 : i32
    return %arg0, %c0_i32 : i32, i32
  }
  func.func @transform_4(%arg0: i32) -> (i32, i32) {
    %c0_i32 = arith.constant 0 : i32
    %c0_i32_0 = arith.constant 0 : i32
    return %arg0, %c0_i32 : i32, i32
  }
}

module attributes {stable_mosaic.version = 14 : i64} {
  func.func @_rcomb_body(%arg0: i32, %arg1: memref<2x512x16xf32, #tpu.memory_space<vmem>>, %arg2: memref<512x16xf32, #tpu.memory_space<vmem>>) attributes {dimension_semantics = [#tpu.dimension_semantics<arbitrary>], iteration_bounds = array<i64: 20>, scalar_prefetch = 0 : i64, scratch_operands = 0 : i64, tpu.core_type = #tpu.core_type<tc>, window_params = [{transform_indices = @transform_0, window_bounds = array<i64: 2, 512, 16>}, {transform_indices = @transform_1, window_bounds = array<i64: 512, 16>}]} {
    %get3A = arith.constant 0 : index
    %get3A_0 = arith.constant 0 : index
    %get3A_1 = arith.constant 0 : index
    %get3A_2 = vector.load %arg1[%get3A, %get3A_0, %get3A_1] : memref<2x512x16xf32, #tpu.memory_space<vmem>>, vector<2x512x16xf32>
    %slice3A = vector.extract_strided_slice %get3A_2 {offsets = [0, 0, 0], sizes = [1, 512, 16], strides = [1, 1, 1]} : vector<2x512x16xf32> to vector<1x512x16xf32>
    %squeeze3A = vector.shape_cast %slice3A : vector<1x512x16xf32> to vector<512x16xf32>
    %slice3A_3 = vector.extract_strided_slice %get3A_2 {offsets = [1, 0, 0], sizes = [1, 512, 16], strides = [1, 1, 1]} : vector<2x512x16xf32> to vector<1x512x16xf32>
    %squeeze3A_4 = vector.shape_cast %slice3A_3 : vector<1x512x16xf32> to vector<512x16xf32>
    %add3A = arith.addf %squeeze3A, %squeeze3A_4 : vector<512x16xf32>
    %add3A_5 = arith.constant 1.000000e-16 : f32
    %add3A_6 = vector.broadcast %add3A_5 : f32 to vector<512x16xf32>
    %add3A_7 = arith.addf %add3A, %add3A_6 : vector<512x16xf32>
    %div3A = arith.constant 1.000000e+00 : f32
    %div3A_8 = vector.broadcast %div3A : f32 to vector<512x16xf32>
    %div3A_9 = arith.divf %div3A_8, %add3A_7 : vector<512x16xf32>
    %swap3A = arith.constant 0 : index
    %swap3A_10 = arith.constant 0 : index
    %swap3A_11 = vector.load %arg2[%swap3A, %swap3A_10] : memref<512x16xf32, #tpu.memory_space<vmem>>, vector<512x16xf32>
    tpu.vector_store %arg2[%swap3A, %swap3A_10], %div3A_9 {strides = array<i32>} : memref<512x16xf32, #tpu.memory_space<vmem>>, vector<512x16xf32>,
    return
  }
  func.func @transform_0(%arg0: i32) -> (i32, i32, i32) {
    %c0_i32 = arith.constant 0 : i32
    %c0_i32_0 = arith.constant 0 : i32
    %c0_i32_1 = arith.constant 0 : i32
    return %c0_i32, %arg0, %c0_i32_0 : i32, i32, i32
  }
  func.func @transform_1(%arg0: i32) -> (i32, i32) {
    %c0_i32 = arith.constant 0 : i32
    %c0_i32_0 = arith.constant 0 : i32
    return %arg0, %c0_i32 : i32, i32
  }
}

module attributes {stable_mosaic.version = 14 : i64} {
  func.func @_prolog2_body(%arg0: i32, %arg1: memref<512x128xf32, #tpu.memory_space<vmem>>, %arg2: memref<512x128xf32, #tpu.memory_space<vmem>>, %arg3: memref<1x128xf32, #tpu.memory_space<vmem>>, %arg4: memref<128x128xf32, #tpu.memory_space<vmem>>, %arg5: memref<128x16xf32, #tpu.memory_space<vmem>>, %arg6: memref<512x128xf32, #tpu.memory_space<vmem>>, %arg7: memref<512x16xf32, #tpu.memory_space<vmem>>) attributes {dimension_semantics = [#tpu.dimension_semantics<arbitrary>], iteration_bounds = array<i64: 20>, scalar_prefetch = 0 : i64, scratch_operands = 0 : i64, tpu.core_type = #tpu.core_type<tc>, window_params = [{transform_indices = @transform_0, window_bounds = array<i64: 512, 128>}, {transform_indices = @transform_1, window_bounds = array<i64: 512, 128>}, {pipeline_mode = #tpu.pipeline_mode<synchronous>, transform_indices = @transform_2, window_bounds = array<i64: 1, 128>}, {pipeline_mode = #tpu.pipeline_mode<synchronous>, transform_indices = @transform_3, window_bounds = array<i64: 128, 128>}, {pipeline_mode = #tpu.pipeline_mode<synchronous>, transform_indices = @transform_4, window_bounds = array<i64: 128, 16>}, {transform_indices = @transform_5, window_bounds = array<i64: 512, 128>}, {transform_indices = @transform_6, window_bounds = array<i64: 512, 16>}]} {
    %get3A = arith.constant 0 : index
    %get3A_0 = arith.constant 0 : index
    %get3A_1 = vector.load %arg1[%get3A, %get3A_0] : memref<512x128xf32, #tpu.memory_space<vmem>>, vector<512x128xf32>
    %get3A_2 = arith.constant 0 : index
    %get3A_3 = arith.constant 0 : index
    %get3A_4 = vector.load %arg2[%get3A_2, %get3A_3] : memref<512x128xf32, #tpu.memory_space<vmem>>, vector<512x128xf32>
    %add3A = arith.addf %get3A_1, %get3A_4 : vector<512x128xf32>
    %get3A_5 = arith.constant 0 : index
    %get3A_6 = arith.constant 0 : index
    %get3A_7 = vector.load %arg3[%get3A_5, %get3A_6] : memref<1x128xf32, #tpu.memory_space<vmem>>, vector<1x128xf32>
    %add3A_8 = vector.broadcast %get3A_7 : vector<1x128xf32> to vector<512x128xf32>
    %add3A_9 = arith.addf %add3A, %add3A_8 : vector<512x128xf32>
    %gt3A = arith.constant 0.000000e+00 : f32
    %gt3A_10 = vector.broadcast %gt3A : f32 to vector<512x128xf32>
    %gt3A_11 = arith.cmpf ogt, %add3A_9, %gt3A_10 : vector<512x128xf32>
    %exp3A = math.exp %add3A_9 : vector<512x128xf32>
    %sub3A = arith.constant 1.000000e+00 : f32
    %sub3A_12 = vector.broadcast %sub3A : f32 to vector<512x128xf32>
    %sub3A_13 = arith.subf %exp3A, %sub3A_12 : vector<512x128xf32>
    %select_n3A = arith.select %gt3A_11, %add3A_9, %sub3A_13 : vector<512x128xi1>, vector<512x128xf32>
    %get3A_14 = arith.constant 0 : index
    %get3A_15 = arith.constant 0 : index
    %get3A_16 = vector.load %arg4[%get3A_14, %get3A_15] : memref<128x128xf32, #tpu.memory_space<vmem>>, vector<128x128xf32>
    %dot_general3A = arith.constant dense<0.000000e+00> : vector<512x128xf32>
    %dot_general3A_17 = tpu.matmul %select_n3A, %get3A_16, %dot_general3A {dimension_numbers = #tpu.dot_dimension_numbers<[1], [0], [0], [1], [0, 0, 1, 1], [], []>, transpose_lhs_hint = false} : vector<512x128xf32>, vector<128x128xf32>, vector<512x128xf32> -> vector<512x128xf32>
    %swap3A = arith.constant 0 : index
    %swap3A_18 = arith.constant 0 : index
    %swap3A_19 = vector.load %arg6[%swap3A, %swap3A_18] : memref<512x128xf32, #tpu.memory_space<vmem>>, vector<512x128xf32>
    tpu.vector_store %arg6[%swap3A, %swap3A_18], %dot_general3A_17 {strides = array<i32>} : memref<512x128xf32, #tpu.memory_space<vmem>>, vector<512x128xf32>,
    %get3A_20 = arith.constant 0 : index
    %get3A_21 = arith.constant 0 : index
    %get3A_22 = vector.load %arg5[%get3A_20, %get3A_21] : memref<128x16xf32, #tpu.memory_space<vmem>>, vector<128x16xf32>
    %dot_general3A_23 = arith.constant dense<0.000000e+00> : vector<512x16xf32>
    %dot_general3A_24 = tpu.matmul %dot_general3A_17, %get3A_22, %dot_general3A_23 {dimension_numbers = #tpu.dot_dimension_numbers<[1], [0], [0], [1], [0, 0, 1, 1], [], []>, transpose_lhs_hint = false} : vector<512x128xf32>, vector<128x16xf32>, vector<512x16xf32> -> vector<512x16xf32>
    %swap3A_25 = arith.constant 0 : index
    %swap3A_26 = arith.constant 0 : index
    %swap3A_27 = vector.load %arg7[%swap3A_25, %swap3A_26] : memref<512x16xf32, #tpu.memory_space<vmem>>, vector<512x16xf32>
    tpu.vector_store %arg7[%swap3A_25, %swap3A_26], %dot_general3A_24 {strides = array<i32>} : memref<512x16xf32, #tpu.memory_space<vmem>>, vector<512x16xf32>,
    return
  }
  func.func @transform_0(%arg0: i32) -> (i32, i32) {
    %c0_i32 = arith.constant 0 : i32
    %c0_i32_0 = arith.constant 0 : i32
    return %arg0, %c0_i32 : i32, i32
  }
  func.func @transform_1(%arg0: i32) -> (i32, i32) {
    %c0_i32 = arith.constant 0 : i32
    %c0_i32_0 = arith.constant 0 : i32
    return %arg0, %c0_i32 : i32, i32
  }
  func.func @transform_2(%arg0: i32) -> (i32, i32) {
    %c0_i32 = arith.constant 0 : i32
    %c0_i32_0 = arith.constant 0 : i32
    %c0_i32_1 = arith.constant 0 : i32
    return %c0_i32, %c0_i32_0 : i32, i32
  }
  func.func @transform_3(%arg0: i32) -> (i32, i32) {
    %c0_i32 = arith.constant 0 : i32
    %c0_i32_0 = arith.constant 0 : i32
    %c0_i32_1 = arith.constant 0 : i32
    return %c0_i32, %c0_i32_0 : i32, i32
  }
  func.func @transform_4(%arg0: i32) -> (i32, i32) {
    %c0_i32 = arith.constant 0 : i32
    %c0_i32_0 = arith.constant 0 : i32
    %c0_i32_1 = arith.constant 0 : i32
    return %c0_i32, %c0_i32_0 : i32, i32
  }
  func.func @transform_5(%arg0: i32) -> (i32, i32) {
    %c0_i32 = arith.constant 0 : i32
    %c0_i32_0 = arith.constant 0 : i32
    return %arg0, %c0_i32 : i32, i32
  }
  func.func @transform_6(%arg0: i32) -> (i32, i32) {
    %c0_i32 = arith.constant 0 : i32
    %c0_i32_0 = arith.constant 0 : i32
    return %arg0, %c0_i32 : i32, i32
  }
}

module attributes {stable_mosaic.version = 14 : i64} {
  func.func @_tail_body(%arg0: memref<10112x128xf32, #tpu.memory_space<vmem>>, %arg1: memref<10112x128xf32, #tpu.memory_space<vmem>>, %arg2: memref<1x128xf32, #tpu.memory_space<vmem>>, %arg3: memref<10112x1xi32, #tpu.memory_space<vmem>>, %arg4: memref<256x128xf32, #tpu.memory_space<vmem>>, %arg5: memref<1x128xf32, #tpu.memory_space<vmem>>, %arg6: memref<128x128xf32, #tpu.memory_space<vmem>>, %arg7: memref<1x128xf32, #tpu.memory_space<vmem>>, %arg8: memref<16x128xf32, #tpu.memory_space<vmem>>) attributes {dimension_semantics = [], scalar_prefetch = 0 : i64, scratch_operands = 0 : i64, tpu.core_type = #tpu.core_type<tc>} {
    %get3A = arith.constant 0 : index
    %get3A_0 = arith.constant 0 : index
    %get3A_1 = vector.load %arg0[%get3A, %get3A_0] : memref<10112x128xf32, #tpu.memory_space<vmem>>, vector<10112x128xf32>
    %get3A_2 = arith.constant 0 : index
    %get3A_3 = arith.constant 0 : index
    %get3A_4 = vector.load %arg1[%get3A_2, %get3A_3] : memref<10112x128xf32, #tpu.memory_space<vmem>>, vector<10112x128xf32>
    %add3A = arith.addf %get3A_1, %get3A_4 : vector<10112x128xf32>
    %get3A_5 = arith.constant 0 : index
    %get3A_6 = arith.constant 0 : index
    %get3A_7 = vector.load %arg2[%get3A_5, %get3A_6] : memref<1x128xf32, #tpu.memory_space<vmem>>, vector<1x128xf32>
    %add3A_8 = vector.broadcast %get3A_7 : vector<1x128xf32> to vector<10112x128xf32>
    %add3A_9 = arith.addf %add3A, %add3A_8 : vector<10112x128xf32>
    %gt3A = arith.constant 0.000000e+00 : f32
    %gt3A_10 = vector.broadcast %gt3A : f32 to vector<10112x128xf32>
    %gt3A_11 = arith.cmpf ogt, %add3A_9, %gt3A_10 : vector<10112x128xf32>
    %exp3A = math.exp %add3A_9 : vector<10112x128xf32>
    %sub3A = arith.constant 1.000000e+00 : f32
    %sub3A_12 = vector.broadcast %sub3A : f32 to vector<10112x128xf32>
    %sub3A_13 = arith.subf %exp3A, %sub3A_12 : vector<10112x128xf32>
    %select_n3A = arith.select %gt3A_11, %add3A_9, %sub3A_13 : vector<10112x128xi1>, vector<10112x128xf32>
    %get3A_14 = arith.constant 0 : index
    %get3A_15 = arith.constant 0 : index
    %get3A_16 = vector.load %arg3[%get3A_14, %get3A_15] : memref<10112x1xi32, #tpu.memory_space<vmem>>, vector<10112x1xi32>
    %eq3A = arith.constant 0 : i32
    %eq3A_17 = vector.broadcast %eq3A : i32 to vector<10112x1xi32>
    %eq3A_18 = arith.cmpi eq, %get3A_16, %eq3A_17 : vector<10112x1xi32>
    %jit3A = arith.constant 0.000000e+00 : f32
    %broadcast_in_dim3A = vector.shape_cast %eq3A_18 : vector<10112x1xi1> to vector<10112x1xi1>
    %broadcast_in_dim3A_19 = vector.broadcast %broadcast_in_dim3A : vector<10112x1xi1> to vector<10112x128xi1>
    %broadcast_in_dim3A_20 = vector.broadcast %jit3A : f32 to vector<10112x128xf32>
    %select_n3A_21 = arith.select %broadcast_in_dim3A_19, %select_n3A, %broadcast_in_dim3A_20 : vector<10112x128xi1>, vector<10112x128xf32>
    %reduce_sum3A = arith.constant dense<0.000000e+00> : vector<128xf32>
    %reduce_sum3A_22 = vector.multi_reduction <add>, %select_n3A_21, %reduce_sum3A [0] : vector<10112x128xf32> to vector<128xf32>
    %jit3A_23 = arith.constant 1.000000e+00 : f32
    %jit3A_24 = arith.constant 0.000000e+00 : f32
    %broadcast_in_dim3A_25 = vector.broadcast %jit3A_23 : f32 to vector<10112x1xf32>
    %broadcast_in_dim3A_26 = vector.broadcast %jit3A_24 : f32 to vector<10112x1xf32>
    %select_n3A_27 = arith.select %eq3A_18, %broadcast_in_dim3A_25, %broadcast_in_dim3A_26 : vector<10112x1xi1>, vector<10112x1xf32>
    %reduce_sum3A_28 = arith.constant dense<0.000000e+00> : vector<1xf32>
    %reduce_sum3A_29 = vector.multi_reduction <add>, %select_n3A_27, %reduce_sum3A_28 [0] : vector<10112x1xf32> to vector<1xf32>
    %jit3A_30 = arith.constant 0xFF800000 : f32
    %broadcast_in_dim3A_31 = vector.shape_cast %eq3A_18 : vector<10112x1xi1> to vector<10112x1xi1>
    %broadcast_in_dim3A_32 = vector.broadcast %broadcast_in_dim3A_31 : vector<10112x1xi1> to vector<10112x128xi1>
    %broadcast_in_dim3A_33 = vector.broadcast %jit3A_30 : f32 to vector<10112x128xf32>
    %select_n3A_34 = arith.select %broadcast_in_dim3A_32, %select_n3A, %broadcast_in_dim3A_33 : vector<10112x128xi1>, vector<10112x128xf32>
    %reduce_max3A = arith.constant dense<0xFF800000> : vector<128xf32>
    %reduce_max3A_35 = vector.multi_reduction <maximumf>, %select_n3A_34, %reduce_max3A [0] : vector<10112x128xf32> to vector<128xf32>
    %add3A_36 = arith.constant 1.000000e-16 : f32
    %add3A_37 = vector.broadcast %add3A_36 : f32 to vector<1xf32>
    %add3A_38 = arith.addf %reduce_sum3A_29, %add3A_37 : vector<1xf32>
    %div3A = vector.broadcast %add3A_38 : vector<1xf32> to vector<128xf32>
    %div3A_39 = arith.divf %reduce_sum3A_22, %div3A : vector<128xf32>
    %eq3A_40 = arith.constant 1 : i32
    %eq3A_41 = vector.broadcast %eq3A_40 : i32 to vector<10112x1xi32>
    %eq3A_42 = arith.cmpi eq, %get3A_16, %eq3A_41 : vector<10112x1xi32>
    %jit3A_43 = arith.constant 0.000000e+00 : f32
    %broadcast_in_dim3A_44 = vector.shape_cast %eq3A_42 : vector<10112x1xi1> to vector<10112x1xi1>
    %broadcast_in_dim3A_45 = vector.broadcast %broadcast_in_dim3A_44 : vector<10112x1xi1> to vector<10112x128xi1>
    %broadcast_in_dim3A_46 = vector.broadcast %jit3A_43 : f32 to vector<10112x128xf32>
    %select_n3A_47 = arith.select %broadcast_in_dim3A_45, %select_n3A, %broadcast_in_dim3A_46 : vector<10112x128xi1>, vector<10112x128xf32>
    %reduce_sum3A_48 = arith.constant dense<0.000000e+00> : vector<128xf32>
    %reduce_sum3A_49 = vector.multi_reduction <add>, %select_n3A_47, %reduce_sum3A_48 [0] : vector<10112x128xf32> to vector<128xf32>
    %jit3A_50 = arith.constant 1.000000e+00 : f32
    %jit3A_51 = arith.constant 0.000000e+00 : f32
    %broadcast_in_dim3A_52 = vector.broadcast %jit3A_50 : f32 to vector<10112x1xf32>
    %broadcast_in_dim3A_53 = vector.broadcast %jit3A_51 : f32 to vector<10112x1xf32>
    %select_n3A_54 = arith.select %eq3A_42, %broadcast_in_dim3A_52, %broadcast_in_dim3A_53 : vector<10112x1xi1>, vector<10112x1xf32>
    %reduce_sum3A_55 = arith.constant dense<0.000000e+00> : vector<1xf32>
    %reduce_sum3A_56 = vector.multi_reduction <add>, %select_n3A_54, %reduce_sum3A_55 [0] : vector<10112x1xf32> to vector<1xf32>
    %jit3A_57 = arith.constant 0xFF800000 : f32
    %broadcast_in_dim3A_58 = vector.shape_cast %eq3A_42 : vector<10112x1xi1> to vector<10112x1xi1>
    %broadcast_in_dim3A_59 = vector.broadcast %broadcast_in_dim3A_58 : vector<10112x1xi1> to vector<10112x128xi1>
    %broadcast_in_dim3A_60 = vector.broadcast %jit3A_57 : f32 to vector<10112x128xf32>
    %select_n3A_61 = arith.select %broadcast_in_dim3A_59, %select_n3A, %broadcast_in_dim3A_60 : vector<10112x128xi1>, vector<10112x128xf32>
    %reduce_max3A_62 = arith.constant dense<0xFF800000> : vector<128xf32>
    %reduce_max3A_63 = vector.multi_reduction <maximumf>, %select_n3A_61, %reduce_max3A_62 [0] : vector<10112x128xf32> to vector<128xf32>
    %add3A_64 = arith.constant 1.000000e-16 : f32
    %add3A_65 = vector.broadcast %add3A_64 : f32 to vector<1xf32>
    %add3A_66 = arith.addf %reduce_sum3A_56, %add3A_65 : vector<1xf32>
    %div3A_67 = vector.broadcast %add3A_66 : vector<1xf32> to vector<128xf32>
    %div3A_68 = arith.divf %reduce_sum3A_49, %div3A_67 : vector<128xf32>
    %eq3A_69 = arith.constant 2 : i32
    %eq3A_70 = vector.broadcast %eq3A_69 : i32 to vector<10112x1xi32>
    %eq3A_71 = arith.cmpi eq, %get3A_16, %eq3A_70 : vector<10112x1xi32>
    %jit3A_72 = arith.constant 0.000000e+00 : f32
    %broadcast_in_dim3A_73 = vector.shape_cast %eq3A_71 : vector<10112x1xi1> to vector<10112x1xi1>
    %broadcast_in_dim3A_74 = vector.broadcast %broadcast_in_dim3A_73 : vector<10112x1xi1> to vector<10112x128xi1>
    %broadcast_in_dim3A_75 = vector.broadcast %jit3A_72 : f32 to vector<10112x128xf32>
    %select_n3A_76 = arith.select %broadcast_in_dim3A_74, %select_n3A, %broadcast_in_dim3A_75 : vector<10112x128xi1>, vector<10112x128xf32>
    %reduce_sum3A_77 = arith.constant dense<0.000000e+00> : vector<128xf32>
    %reduce_sum3A_78 = vector.multi_reduction <add>, %select_n3A_76, %reduce_sum3A_77 [0] : vector<10112x128xf32> to vector<128xf32>
    %jit3A_79 = arith.constant 1.000000e+00 : f32
    %jit3A_80 = arith.constant 0.000000e+00 : f32
    %broadcast_in_dim3A_81 = vector.broadcast %jit3A_79 : f32 to vector<10112x1xf32>
    %broadcast_in_dim3A_82 = vector.broadcast %jit3A_80 : f32 to vector<10112x1xf32>
    %select_n3A_83 = arith.select %eq3A_71, %broadcast_in_dim3A_81, %broadcast_in_dim3A_82 : vector<10112x1xi1>, vector<10112x1xf32>
    %reduce_sum3A_84 = arith.constant dense<0.000000e+00> : vector<1xf32>
    %reduce_sum3A_85 = vector.multi_reduction <add>, %select_n3A_83, %reduce_sum3A_84 [0] : vector<10112x1xf32> to vector<1xf32>
    %jit3A_86 = arith.constant 0xFF800000 : f32
    %broadcast_in_dim3A_87 = vector.shape_cast %eq3A_71 : vector<10112x1xi1> to vector<10112x1xi1>
    %broadcast_in_dim3A_88 = vector.broadcast %broadcast_in_dim3A_87 : vector<10112x1xi1> to vector<10112x128xi1>
    %broadcast_in_dim3A_89 = vector.broadcast %jit3A_86 : f32 to vector<10112x128xf32>
    %select_n3A_90 = arith.select %broadcast_in_dim3A_88, %select_n3A, %broadcast_in_dim3A_89 : vector<10112x128xi1>, vector<10112x128xf32>
    %reduce_max3A_91 = arith.constant dense<0xFF800000> : vector<128xf32>
    %reduce_max3A_92 = vector.multi_reduction <maximumf>, %select_n3A_90, %reduce_max3A_91 [0] : vector<10112x128xf32> to vector<128xf32>
    %add3A_93 = arith.constant 1.000000e-16 : f32
    %add3A_94 = vector.broadcast %add3A_93 : f32 to vector<1xf32>
    %add3A_95 = arith.addf %reduce_sum3A_85, %add3A_94 : vector<1xf32>
    %div3A_96 = vector.broadcast %add3A_95 : vector<1xf32> to vector<128xf32>
    %div3A_97 = arith.divf %reduce_sum3A_78, %div3A_96 : vector<128xf32>
    %eq3A_98 = arith.constant 3 : i32
    %eq3A_99 = vector.broadcast %eq3A_98 : i32 to vector<10112x1xi32>
    %eq3A_100 = arith.cmpi eq, %get3A_16, %eq3A_99 : vector<10112x1xi32>
    %jit3A_101 = arith.constant 0.000000e+00 : f32
    %broadcast_in_dim3A_102 = vector.shape_cast %eq3A_100 : vector<10112x1xi1> to vector<10112x1xi1>
    %broadcast_in_dim3A_103 = vector.broadcast %broadcast_in_dim3A_102 : vector<10112x1xi1> to vector<10112x128xi1>
    %broadcast_in_dim3A_104 = vector.broadcast %jit3A_101 : f32 to vector<10112x128xf32>
    %select_n3A_105 = arith.select %broadcast_in_dim3A_103, %select_n3A, %broadcast_in_dim3A_104 : vector<10112x128xi1>, vector<10112x128xf32>
    %reduce_sum3A_106 = arith.constant dense<0.000000e+00> : vector<128xf32>
    %reduce_sum3A_107 = vector.multi_reduction <add>, %select_n3A_105, %reduce_sum3A_106 [0] : vector<10112x128xf32> to vector<128xf32>
    %jit3A_108 = arith.constant 1.000000e+00 : f32
    %jit3A_109 = arith.constant 0.000000e+00 : f32
    %broadcast_in_dim3A_110 = vector.broadcast %jit3A_108 : f32 to vector<10112x1xf32>
    %broadcast_in_dim3A_111 = vector.broadcast %jit3A_109 : f32 to vector<10112x1xf32>
    %select_n3A_112 = arith.select %eq3A_100, %broadcast_in_dim3A_110, %broadcast_in_dim3A_111 : vector<10112x1xi1>, vector<10112x1xf32>
    %reduce_sum3A_113 = arith.constant dense<0.000000e+00> : vector<1xf32>
    %reduce_sum3A_114 = vector.multi_reduction <add>, %select_n3A_112, %reduce_sum3A_113 [0] : vector<10112x1xf32> to vector<1xf32>
    %jit3A_115 = arith.constant 0xFF800000 : f32
    %broadcast_in_dim3A_116 = vector.shape_cast %eq3A_100 : vector<10112x1xi1> to vector<10112x1xi1>
    %broadcast_in_dim3A_117 = vector.broadcast %broadcast_in_dim3A_116 : vector<10112x1xi1> to vector<10112x128xi1>
    %broadcast_in_dim3A_118 = vector.broadcast %jit3A_115 : f32 to vector<10112x128xf32>
    %select_n3A_119 = arith.select %broadcast_in_dim3A_117, %select_n3A, %broadcast_in_dim3A_118 : vector<10112x128xi1>, vector<10112x128xf32>
    %reduce_max3A_120 = arith.constant dense<0xFF800000> : vector<128xf32>
    %reduce_max3A_121 = vector.multi_reduction <maximumf>, %select_n3A_119, %reduce_max3A_120 [0] : vector<10112x128xf32> to vector<128xf32>
    %add3A_122 = arith.constant 1.000000e-16 : f32
    %add3A_123 = vector.broadcast %add3A_122 : f32 to vector<1xf32>
    %add3A_124 = arith.addf %reduce_sum3A_114, %add3A_123 : vector<1xf32>
    %div3A_125 = vector.broadcast %add3A_124 : vector<1xf32> to vector<128xf32>
    %div3A_126 = arith.divf %reduce_sum3A_107, %div3A_125 : vector<128xf32>
    %eq3A_127 = arith.constant 4 : i32
    %eq3A_128 = vector.broadcast %eq3A_127 : i32 to vector<10112x1xi32>
    %eq3A_129 = arith.cmpi eq, %get3A_16, %eq3A_128 : vector<10112x1xi32>
    %jit3A_130 = arith.constant 0.000000e+00 : f32
    %broadcast_in_dim3A_131 = vector.shape_cast %eq3A_129 : vector<10112x1xi1> to vector<10112x1xi1>
    %broadcast_in_dim3A_132 = vector.broadcast %broadcast_in_dim3A_131 : vector<10112x1xi1> to vector<10112x128xi1>
    %broadcast_in_dim3A_133 = vector.broadcast %jit3A_130 : f32 to vector<10112x128xf32>
    %select_n3A_134 = arith.select %broadcast_in_dim3A_132, %select_n3A, %broadcast_in_dim3A_133 : vector<10112x128xi1>, vector<10112x128xf32>
    %reduce_sum3A_135 = arith.constant dense<0.000000e+00> : vector<128xf32>
    %reduce_sum3A_136 = vector.multi_reduction <add>, %select_n3A_134, %reduce_sum3A_135 [0] : vector<10112x128xf32> to vector<128xf32>
    %jit3A_137 = arith.constant 1.000000e+00 : f32
    %jit3A_138 = arith.constant 0.000000e+00 : f32
    %broadcast_in_dim3A_139 = vector.broadcast %jit3A_137 : f32 to vector<10112x1xf32>
    %broadcast_in_dim3A_140 = vector.broadcast %jit3A_138 : f32 to vector<10112x1xf32>
    %select_n3A_141 = arith.select %eq3A_129, %broadcast_in_dim3A_139, %broadcast_in_dim3A_140 : vector<10112x1xi1>, vector<10112x1xf32>
    %reduce_sum3A_142 = arith.constant dense<0.000000e+00> : vector<1xf32>
    %reduce_sum3A_143 = vector.multi_reduction <add>, %select_n3A_141, %reduce_sum3A_142 [0] : vector<10112x1xf32> to vector<1xf32>
    %jit3A_144 = arith.constant 0xFF800000 : f32
    %broadcast_in_dim3A_145 = vector.shape_cast %eq3A_129 : vector<10112x1xi1> to vector<10112x1xi1>
    %broadcast_in_dim3A_146 = vector.broadcast %broadcast_in_dim3A_145 : vector<10112x1xi1> to vector<10112x128xi1>
    %broadcast_in_dim3A_147 = vector.broadcast %jit3A_144 : f32 to vector<10112x128xf32>
    %select_n3A_148 = arith.select %broadcast_in_dim3A_146, %select_n3A, %broadcast_in_dim3A_147 : vector<10112x128xi1>, vector<10112x128xf32>
    %reduce_max3A_149 = arith.constant dense<0xFF800000> : vector<128xf32>
    %reduce_max3A_150 = vector.multi_reduction <maximumf>, %select_n3A_148, %reduce_max3A_149 [0] : vector<10112x128xf32> to vector<128xf32>
    %add3A_151 = arith.constant 1.000000e-16 : f32
    %add3A_152 = vector.broadcast %add3A_151 : f32 to vector<1xf32>
    %add3A_153 = arith.addf %reduce_sum3A_143, %add3A_152 : vector<1xf32>
    %div3A_154 = vector.broadcast %add3A_153 : vector<1xf32> to vector<128xf32>
    %div3A_155 = arith.divf %reduce_sum3A_136, %div3A_154 : vector<128xf32>
    %eq3A_156 = arith.constant 5 : i32
    %eq3A_157 = vector.broadcast %eq3A_156 : i32 to vector<10112x1xi32>
    %eq3A_158 = arith.cmpi eq, %get3A_16, %eq3A_157 : vector<10112x1xi32>
    %jit3A_159 = arith.constant 0.000000e+00 : f32
    %broadcast_in_dim3A_160 = vector.shape_cast %eq3A_158 : vector<10112x1xi1> to vector<10112x1xi1>
    %broadcast_in_dim3A_161 = vector.broadcast %broadcast_in_dim3A_160 : vector<10112x1xi1> to vector<10112x128xi1>
    %broadcast_in_dim3A_162 = vector.broadcast %jit3A_159 : f32 to vector<10112x128xf32>
    %select_n3A_163 = arith.select %broadcast_in_dim3A_161, %select_n3A, %broadcast_in_dim3A_162 : vector<10112x128xi1>, vector<10112x128xf32>
    %reduce_sum3A_164 = arith.constant dense<0.000000e+00> : vector<128xf32>
    %reduce_sum3A_165 = vector.multi_reduction <add>, %select_n3A_163, %reduce_sum3A_164 [0] : vector<10112x128xf32> to vector<128xf32>
    %jit3A_166 = arith.constant 1.000000e+00 : f32
    %jit3A_167 = arith.constant 0.000000e+00 : f32
    %broadcast_in_dim3A_168 = vector.broadcast %jit3A_166 : f32 to vector<10112x1xf32>
    %broadcast_in_dim3A_169 = vector.broadcast %jit3A_167 : f32 to vector<10112x1xf32>
    %select_n3A_170 = arith.select %eq3A_158, %broadcast_in_dim3A_168, %broadcast_in_dim3A_169 : vector<10112x1xi1>, vector<10112x1xf32>
    %reduce_sum3A_171 = arith.constant dense<0.000000e+00> : vector<1xf32>
    %reduce_sum3A_172 = vector.multi_reduction <add>, %select_n3A_170, %reduce_sum3A_171 [0] : vector<10112x1xf32> to vector<1xf32>
    %jit3A_173 = arith.constant 0xFF800000 : f32
    %broadcast_in_dim3A_174 = vector.shape_cast %eq3A_158 : vector<10112x1xi1> to vector<10112x1xi1>
    %broadcast_in_dim3A_175 = vector.broadcast %broadcast_in_dim3A_174 : vector<10112x1xi1> to vector<10112x128xi1>
    %broadcast_in_dim3A_176 = vector.broadcast %jit3A_173 : f32 to vector<10112x128xf32>
    %select_n3A_177 = arith.select %broadcast_in_dim3A_175, %select_n3A, %broadcast_in_dim3A_176 : vector<10112x128xi1>, vector<10112x128xf32>
    %reduce_max3A_178 = arith.constant dense<0xFF800000> : vector<128xf32>
    %reduce_max3A_179 = vector.multi_reduction <maximumf>, %select_n3A_177, %reduce_max3A_178 [0] : vector<10112x128xf32> to vector<128xf32>
    %add3A_180 = arith.constant 1.000000e-16 : f32
    %add3A_181 = vector.broadcast %add3A_180 : f32 to vector<1xf32>
    %add3A_182 = arith.addf %reduce_sum3A_172, %add3A_181 : vector<1xf32>
    %div3A_183 = vector.broadcast %add3A_182 : vector<1xf32> to vector<128xf32>
    %div3A_184 = arith.divf %reduce_sum3A_165, %div3A_183 : vector<128xf32>
    %eq3A_185 = arith.constant 6 : i32
    %eq3A_186 = vector.broadcast %eq3A_185 : i32 to vector<10112x1xi32>
    %eq3A_187 = arith.cmpi eq, %get3A_16, %eq3A_186 : vector<10112x1xi32>
    %jit3A_188 = arith.constant 0.000000e+00 : f32
    %broadcast_in_dim3A_189 = vector.shape_cast %eq3A_187 : vector<10112x1xi1> to vector<10112x1xi1>
    %broadcast_in_dim3A_190 = vector.broadcast %broadcast_in_dim3A_189 : vector<10112x1xi1> to vector<10112x128xi1>
    %broadcast_in_dim3A_191 = vector.broadcast %jit3A_188 : f32 to vector<10112x128xf32>
    %select_n3A_192 = arith.select %broadcast_in_dim3A_190, %select_n3A, %broadcast_in_dim3A_191 : vector<10112x128xi1>, vector<10112x128xf32>
    %reduce_sum3A_193 = arith.constant dense<0.000000e+00> : vector<128xf32>
    %reduce_sum3A_194 = vector.multi_reduction <add>, %select_n3A_192, %reduce_sum3A_193 [0] : vector<10112x128xf32> to vector<128xf32>
    %jit3A_195 = arith.constant 1.000000e+00 : f32
    %jit3A_196 = arith.constant 0.000000e+00 : f32
    %broadcast_in_dim3A_197 = vector.broadcast %jit3A_195 : f32 to vector<10112x1xf32>
    %broadcast_in_dim3A_198 = vector.broadcast %jit3A_196 : f32 to vector<10112x1xf32>
    %select_n3A_199 = arith.select %eq3A_187, %broadcast_in_dim3A_197, %broadcast_in_dim3A_198 : vector<10112x1xi1>, vector<10112x1xf32>
    %reduce_sum3A_200 = arith.constant dense<0.000000e+00> : vector<1xf32>
    %reduce_sum3A_201 = vector.multi_reduction <add>, %select_n3A_199, %reduce_sum3A_200 [0] : vector<10112x1xf32> to vector<1xf32>
    %jit3A_202 = arith.constant 0xFF800000 : f32
    %broadcast_in_dim3A_203 = vector.shape_cast %eq3A_187 : vector<10112x1xi1> to vector<10112x1xi1>
    %broadcast_in_dim3A_204 = vector.broadcast %broadcast_in_dim3A_203 : vector<10112x1xi1> to vector<10112x128xi1>
    %broadcast_in_dim3A_205 = vector.broadcast %jit3A_202 : f32 to vector<10112x128xf32>
    %select_n3A_206 = arith.select %broadcast_in_dim3A_204, %select_n3A, %broadcast_in_dim3A_205 : vector<10112x128xi1>, vector<10112x128xf32>
    %reduce_max3A_207 = arith.constant dense<0xFF800000> : vector<128xf32>
    %reduce_max3A_208 = vector.multi_reduction <maximumf>, %select_n3A_206, %reduce_max3A_207 [0] : vector<10112x128xf32> to vector<128xf32>
    %add3A_209 = arith.constant 1.000000e-16 : f32
    %add3A_210 = vector.broadcast %add3A_209 : f32 to vector<1xf32>
    %add3A_211 = arith.addf %reduce_sum3A_201, %add3A_210 : vector<1xf32>
    %div3A_212 = vector.broadcast %add3A_211 : vector<1xf32> to vector<128xf32>
    %div3A_213 = arith.divf %reduce_sum3A_194, %div3A_212 : vector<128xf32>
    %eq3A_214 = arith.constant 7 : i32
    %eq3A_215 = vector.broadcast %eq3A_214 : i32 to vector<10112x1xi32>
    %eq3A_216 = arith.cmpi eq, %get3A_16, %eq3A_215 : vector<10112x1xi32>
    %jit3A_217 = arith.constant 0.000000e+00 : f32
    %broadcast_in_dim3A_218 = vector.shape_cast %eq3A_216 : vector<10112x1xi1> to vector<10112x1xi1>
    %broadcast_in_dim3A_219 = vector.broadcast %broadcast_in_dim3A_218 : vector<10112x1xi1> to vector<10112x128xi1>
    %broadcast_in_dim3A_220 = vector.broadcast %jit3A_217 : f32 to vector<10112x128xf32>
    %select_n3A_221 = arith.select %broadcast_in_dim3A_219, %select_n3A, %broadcast_in_dim3A_220 : vector<10112x128xi1>, vector<10112x128xf32>
    %reduce_sum3A_222 = arith.constant dense<0.000000e+00> : vector<128xf32>
    %reduce_sum3A_223 = vector.multi_reduction <add>, %select_n3A_221, %reduce_sum3A_222 [0] : vector<10112x128xf32> to vector<128xf32>
    %jit3A_224 = arith.constant 1.000000e+00 : f32
    %jit3A_225 = arith.constant 0.000000e+00 : f32
    %broadcast_in_dim3A_226 = vector.broadcast %jit3A_224 : f32 to vector<10112x1xf32>
    %broadcast_in_dim3A_227 = vector.broadcast %jit3A_225 : f32 to vector<10112x1xf32>
    %select_n3A_228 = arith.select %eq3A_216, %broadcast_in_dim3A_226, %broadcast_in_dim3A_227 : vector<10112x1xi1>, vector<10112x1xf32>
    %reduce_sum3A_229 = arith.constant dense<0.000000e+00> : vector<1xf32>
    %reduce_sum3A_230 = vector.multi_reduction <add>, %select_n3A_228, %reduce_sum3A_229 [0] : vector<10112x1xf32> to vector<1xf32>
    %jit3A_231 = arith.constant 0xFF800000 : f32
    %broadcast_in_dim3A_232 = vector.shape_cast %eq3A_216 : vector<10112x1xi1> to vector<10112x1xi1>
    %broadcast_in_dim3A_233 = vector.broadcast %broadcast_in_dim3A_232 : vector<10112x1xi1> to vector<10112x128xi1>
    %broadcast_in_dim3A_234 = vector.broadcast %jit3A_231 : f32 to vector<10112x128xf32>
    %select_n3A_235 = arith.select %broadcast_in_dim3A_233, %select_n3A, %broadcast_in_dim3A_234 : vector<10112x128xi1>, vector<10112x128xf32>
    %reduce_max3A_236 = arith.constant dense<0xFF800000> : vector<128xf32>
    %reduce_max3A_237 = vector.multi_reduction <maximumf>, %select_n3A_235, %reduce_max3A_236 [0] : vector<10112x128xf32> to vector<128xf32>
    %add3A_238 = arith.constant 1.000000e-16 : f32
    %add3A_239 = vector.broadcast %add3A_238 : f32 to vector<1xf32>
    %add3A_240 = arith.addf %reduce_sum3A_230, %add3A_239 : vector<1xf32>
    %div3A_241 = vector.broadcast %add3A_240 : vector<1xf32> to vector<128xf32>
    %div3A_242 = arith.divf %reduce_sum3A_223, %div3A_241 : vector<128xf32>
    %eq3A_243 = arith.constant 8 : i32
    %eq3A_244 = vector.broadcast %eq3A_243 : i32 to vector<10112x1xi32>
    %eq3A_245 = arith.cmpi eq, %get3A_16, %eq3A_244 : vector<10112x1xi32>
    %jit3A_246 = arith.constant 0.000000e+00 : f32
    %broadcast_in_dim3A_247 = vector.shape_cast %eq3A_245 : vector<10112x1xi1> to vector<10112x1xi1>
    %broadcast_in_dim3A_248 = vector.broadcast %broadcast_in_dim3A_247 : vector<10112x1xi1> to vector<10112x128xi1>
    %broadcast_in_dim3A_249 = vector.broadcast %jit3A_246 : f32 to vector<10112x128xf32>
    %select_n3A_250 = arith.select %broadcast_in_dim3A_248, %select_n3A, %broadcast_in_dim3A_249 : vector<10112x128xi1>, vector<10112x128xf32>
    %reduce_sum3A_251 = arith.constant dense<0.000000e+00> : vector<128xf32>
    %reduce_sum3A_252 = vector.multi_reduction <add>, %select_n3A_250, %reduce_sum3A_251 [0] : vector<10112x128xf32> to vector<128xf32>
    %jit3A_253 = arith.constant 1.000000e+00 : f32
    %jit3A_254 = arith.constant 0.000000e+00 : f32
    %broadcast_in_dim3A_255 = vector.broadcast %jit3A_253 : f32 to vector<10112x1xf32>
    %broadcast_in_dim3A_256 = vector.broadcast %jit3A_254 : f32 to vector<10112x1xf32>
    %select_n3A_257 = arith.select %eq3A_245, %broadcast_in_dim3A_255, %broadcast_in_dim3A_256 : vector<10112x1xi1>, vector<10112x1xf32>
    %reduce_sum3A_258 = arith.constant dense<0.000000e+00> : vector<1xf32>
    %reduce_sum3A_259 = vector.multi_reduction <add>, %select_n3A_257, %reduce_sum3A_258 [0] : vector<10112x1xf32> to vector<1xf32>
    %jit3A_260 = arith.constant 0xFF800000 : f32
    %broadcast_in_dim3A_261 = vector.shape_cast %eq3A_245 : vector<10112x1xi1> to vector<10112x1xi1>
    %broadcast_in_dim3A_262 = vector.broadcast %broadcast_in_dim3A_261 : vector<10112x1xi1> to vector<10112x128xi1>
    %broadcast_in_dim3A_263 = vector.broadcast %jit3A_260 : f32 to vector<10112x128xf32>
    %select_n3A_264 = arith.select %broadcast_in_dim3A_262, %select_n3A, %broadcast_in_dim3A_263 : vector<10112x128xi1>, vector<10112x128xf32>
    %reduce_max3A_265 = arith.constant dense<0xFF800000> : vector<128xf32>
    %reduce_max3A_266 = vector.multi_reduction <maximumf>, %select_n3A_264, %reduce_max3A_265 [0] : vector<10112x128xf32> to vector<128xf32>
    %add3A_267 = arith.constant 1.000000e-16 : f32
    %add3A_268 = vector.broadcast %add3A_267 : f32 to vector<1xf32>
    %add3A_269 = arith.addf %reduce_sum3A_259, %add3A_268 : vector<1xf32>
    %div3A_270 = vector.broadcast %add3A_269 : vector<1xf32> to vector<128xf32>
    %div3A_271 = arith.divf %reduce_sum3A_252, %div3A_270 : vector<128xf32>
    %eq3A_272 = arith.constant 9 : i32
    %eq3A_273 = vector.broadcast %eq3A_272 : i32 to vector<10112x1xi32>
    %eq3A_274 = arith.cmpi eq, %get3A_16, %eq3A_273 : vector<10112x1xi32>
    %jit3A_275 = arith.constant 0.000000e+00 : f32
    %broadcast_in_dim3A_276 = vector.shape_cast %eq3A_274 : vector<10112x1xi1> to vector<10112x1xi1>
    %broadcast_in_dim3A_277 = vector.broadcast %broadcast_in_dim3A_276 : vector<10112x1xi1> to vector<10112x128xi1>
    %broadcast_in_dim3A_278 = vector.broadcast %jit3A_275 : f32 to vector<10112x128xf32>
    %select_n3A_279 = arith.select %broadcast_in_dim3A_277, %select_n3A, %broadcast_in_dim3A_278 : vector<10112x128xi1>, vector<10112x128xf32>
    %reduce_sum3A_280 = arith.constant dense<0.000000e+00> : vector<128xf32>
    %reduce_sum3A_281 = vector.multi_reduction <add>, %select_n3A_279, %reduce_sum3A_280 [0] : vector<10112x128xf32> to vector<128xf32>
    %jit3A_282 = arith.constant 1.000000e+00 : f32
    %jit3A_283 = arith.constant 0.000000e+00 : f32
    %broadcast_in_dim3A_284 = vector.broadcast %jit3A_282 : f32 to vector<10112x1xf32>
    %broadcast_in_dim3A_285 = vector.broadcast %jit3A_283 : f32 to vector<10112x1xf32>
    %select_n3A_286 = arith.select %eq3A_274, %broadcast_in_dim3A_284, %broadcast_in_dim3A_285 : vector<10112x1xi1>, vector<10112x1xf32>
    %reduce_sum3A_287 = arith.constant dense<0.000000e+00> : vector<1xf32>
    %reduce_sum3A_288 = vector.multi_reduction <add>, %select_n3A_286, %reduce_sum3A_287 [0] : vector<10112x1xf32> to vector<1xf32>
    %jit3A_289 = arith.constant 0xFF800000 : f32
    %broadcast_in_dim3A_290 = vector.shape_cast %eq3A_274 : vector<10112x1xi1> to vector<10112x1xi1>
    %broadcast_in_dim3A_291 = vector.broadcast %broadcast_in_dim3A_290 : vector<10112x1xi1> to vector<10112x128xi1>
    %broadcast_in_dim3A_292 = vector.broadcast %jit3A_289 : f32 to vector<10112x128xf32>
    %select_n3A_293 = arith.select %broadcast_in_dim3A_291, %select_n3A, %broadcast_in_dim3A_292 : vector<10112x128xi1>, vector<10112x128xf32>
    %reduce_max3A_294 = arith.constant dense<0xFF800000> : vector<128xf32>
    %reduce_max3A_295 = vector.multi_reduction <maximumf>, %select_n3A_293, %reduce_max3A_294 [0] : vector<10112x128xf32> to vector<128xf32>
    %add3A_296 = arith.constant 1.000000e-16 : f32
    %add3A_297 = vector.broadcast %add3A_296 : f32 to vector<1xf32>
    %add3A_298 = arith.addf %reduce_sum3A_288, %add3A_297 : vector<1xf32>
    %div3A_299 = vector.broadcast %add3A_298 : vector<1xf32> to vector<128xf32>
    %div3A_300 = arith.divf %reduce_sum3A_281, %div3A_299 : vector<128xf32>
    %eq3A_301 = arith.constant 10 : i32
    %eq3A_302 = vector.broadcast %eq3A_301 : i32 to vector<10112x1xi32>
    %eq3A_303 = arith.cmpi eq, %get3A_16, %eq3A_302 : vector<10112x1xi32>
    %jit3A_304 = arith.constant 0.000000e+00 : f32
    %broadcast_in_dim3A_305 = vector.shape_cast %eq3A_303 : vector<10112x1xi1> to vector<10112x1xi1>
    %broadcast_in_dim3A_306 = vector.broadcast %broadcast_in_dim3A_305 : vector<10112x1xi1> to vector<10112x128xi1>
    %broadcast_in_dim3A_307 = vector.broadcast %jit3A_304 : f32 to vector<10112x128xf32>
    %select_n3A_308 = arith.select %broadcast_in_dim3A_306, %select_n3A, %broadcast_in_dim3A_307 : vector<10112x128xi1>, vector<10112x128xf32>
    %reduce_sum3A_309 = arith.constant dense<0.000000e+00> : vector<128xf32>
    %reduce_sum3A_310 = vector.multi_reduction <add>, %select_n3A_308, %reduce_sum3A_309 [0] : vector<10112x128xf32> to vector<128xf32>
    %jit3A_311 = arith.constant 1.000000e+00 : f32
    %jit3A_312 = arith.constant 0.000000e+00 : f32
    %broadcast_in_dim3A_313 = vector.broadcast %jit3A_311 : f32 to vector<10112x1xf32>
    %broadcast_in_dim3A_314 = vector.broadcast %jit3A_312 : f32 to vector<10112x1xf32>
    %select_n3A_315 = arith.select %eq3A_303, %broadcast_in_dim3A_313, %broadcast_in_dim3A_314 : vector<10112x1xi1>, vector<10112x1xf32>
    %reduce_sum3A_316 = arith.constant dense<0.000000e+00> : vector<1xf32>
    %reduce_sum3A_317 = vector.multi_reduction <add>, %select_n3A_315, %reduce_sum3A_316 [0] : vector<10112x1xf32> to vector<1xf32>
    %jit3A_318 = arith.constant 0xFF800000 : f32
    %broadcast_in_dim3A_319 = vector.shape_cast %eq3A_303 : vector<10112x1xi1> to vector<10112x1xi1>
    %broadcast_in_dim3A_320 = vector.broadcast %broadcast_in_dim3A_319 : vector<10112x1xi1> to vector<10112x128xi1>
    %broadcast_in_dim3A_321 = vector.broadcast %jit3A_318 : f32 to vector<10112x128xf32>
    %select_n3A_322 = arith.select %broadcast_in_dim3A_320, %select_n3A, %broadcast_in_dim3A_321 : vector<10112x128xi1>, vector<10112x128xf32>
    %reduce_max3A_323 = arith.constant dense<0xFF800000> : vector<128xf32>
    %reduce_max3A_324 = vector.multi_reduction <maximumf>, %select_n3A_322, %reduce_max3A_323 [0] : vector<10112x128xf32> to vector<128xf32>
    %add3A_325 = arith.constant 1.000000e-16 : f32
    %add3A_326 = vector.broadcast %add3A_325 : f32 to vector<1xf32>
    %add3A_327 = arith.addf %reduce_sum3A_317, %add3A_326 : vector<1xf32>
    %div3A_328 = vector.broadcast %add3A_327 : vector<1xf32> to vector<128xf32>
    %div3A_329 = arith.divf %reduce_sum3A_310, %div3A_328 : vector<128xf32>
    %eq3A_330 = arith.constant 11 : i32
    %eq3A_331 = vector.broadcast %eq3A_330 : i32 to vector<10112x1xi32>
    %eq3A_332 = arith.cmpi eq, %get3A_16, %eq3A_331 : vector<10112x1xi32>
    %jit3A_333 = arith.constant 0.000000e+00 : f32
    %broadcast_in_dim3A_334 = vector.shape_cast %eq3A_332 : vector<10112x1xi1> to vector<10112x1xi1>
    %broadcast_in_dim3A_335 = vector.broadcast %broadcast_in_dim3A_334 : vector<10112x1xi1> to vector<10112x128xi1>
    %broadcast_in_dim3A_336 = vector.broadcast %jit3A_333 : f32 to vector<10112x128xf32>
    %select_n3A_337 = arith.select %broadcast_in_dim3A_335, %select_n3A, %broadcast_in_dim3A_336 : vector<10112x128xi1>, vector<10112x128xf32>
    %reduce_sum3A_338 = arith.constant dense<0.000000e+00> : vector<128xf32>
    %reduce_sum3A_339 = vector.multi_reduction <add>, %select_n3A_337, %reduce_sum3A_338 [0] : vector<10112x128xf32> to vector<128xf32>
    %jit3A_340 = arith.constant 1.000000e+00 : f32
    %jit3A_341 = arith.constant 0.000000e+00 : f32
    %broadcast_in_dim3A_342 = vector.broadcast %jit3A_340 : f32 to vector<10112x1xf32>
    %broadcast_in_dim3A_343 = vector.broadcast %jit3A_341 : f32 to vector<10112x1xf32>
    %select_n3A_344 = arith.select %eq3A_332, %broadcast_in_dim3A_342, %broadcast_in_dim3A_343 : vector<10112x1xi1>, vector<10112x1xf32>
    %reduce_sum3A_345 = arith.constant dense<0.000000e+00> : vector<1xf32>
    %reduce_sum3A_346 = vector.multi_reduction <add>, %select_n3A_344, %reduce_sum3A_345 [0] : vector<10112x1xf32> to vector<1xf32>
    %jit3A_347 = arith.constant 0xFF800000 : f32
    %broadcast_in_dim3A_348 = vector.shape_cast %eq3A_332 : vector<10112x1xi1> to vector<10112x1xi1>
    %broadcast_in_dim3A_349 = vector.broadcast %broadcast_in_dim3A_348 : vector<10112x1xi1> to vector<10112x128xi1>
    %broadcast_in_dim3A_350 = vector.broadcast %jit3A_347 : f32 to vector<10112x128xf32>
    %select_n3A_351 = arith.select %broadcast_in_dim3A_349, %select_n3A, %broadcast_in_dim3A_350 : vector<10112x128xi1>, vector<10112x128xf32>
    %reduce_max3A_352 = arith.constant dense<0xFF800000> : vector<128xf32>
    %reduce_max3A_353 = vector.multi_reduction <maximumf>, %select_n3A_351, %reduce_max3A_352 [0] : vector<10112x128xf32> to vector<128xf32>
    %add3A_354 = arith.constant 1.000000e-16 : f32
    %add3A_355 = vector.broadcast %add3A_354 : f32 to vector<1xf32>
    %add3A_356 = arith.addf %reduce_sum3A_346, %add3A_355 : vector<1xf32>
    %div3A_357 = vector.broadcast %add3A_356 : vector<1xf32> to vector<128xf32>
    %div3A_358 = arith.divf %reduce_sum3A_339, %div3A_357 : vector<128xf32>
    %eq3A_359 = arith.constant 12 : i32
    %eq3A_360 = vector.broadcast %eq3A_359 : i32 to vector<10112x1xi32>
    %eq3A_361 = arith.cmpi eq, %get3A_16, %eq3A_360 : vector<10112x1xi32>
    %jit3A_362 = arith.constant 0.000000e+00 : f32
    %broadcast_in_dim3A_363 = vector.shape_cast %eq3A_361 : vector<10112x1xi1> to vector<10112x1xi1>
    %broadcast_in_dim3A_364 = vector.broadcast %broadcast_in_dim3A_363 : vector<10112x1xi1> to vector<10112x128xi1>
    %broadcast_in_dim3A_365 = vector.broadcast %jit3A_362 : f32 to vector<10112x128xf32>
    %select_n3A_366 = arith.select %broadcast_in_dim3A_364, %select_n3A, %broadcast_in_dim3A_365 : vector<10112x128xi1>, vector<10112x128xf32>
    %reduce_sum3A_367 = arith.constant dense<0.000000e+00> : vector<128xf32>
    %reduce_sum3A_368 = vector.multi_reduction <add>, %select_n3A_366, %reduce_sum3A_367 [0] : vector<10112x128xf32> to vector<128xf32>
    %jit3A_369 = arith.constant 1.000000e+00 : f32
    %jit3A_370 = arith.constant 0.000000e+00 : f32
    %broadcast_in_dim3A_371 = vector.broadcast %jit3A_369 : f32 to vector<10112x1xf32>
    %broadcast_in_dim3A_372 = vector.broadcast %jit3A_370 : f32 to vector<10112x1xf32>
    %select_n3A_373 = arith.select %eq3A_361, %broadcast_in_dim3A_371, %broadcast_in_dim3A_372 : vector<10112x1xi1>, vector<10112x1xf32>
    %reduce_sum3A_374 = arith.constant dense<0.000000e+00> : vector<1xf32>
    %reduce_sum3A_375 = vector.multi_reduction <add>, %select_n3A_373, %reduce_sum3A_374 [0] : vector<10112x1xf32> to vector<1xf32>
    %jit3A_376 = arith.constant 0xFF800000 : f32
    %broadcast_in_dim3A_377 = vector.shape_cast %eq3A_361 : vector<10112x1xi1> to vector<10112x1xi1>
    %broadcast_in_dim3A_378 = vector.broadcast %broadcast_in_dim3A_377 : vector<10112x1xi1> to vector<10112x128xi1>
    %broadcast_in_dim3A_379 = vector.broadcast %jit3A_376 : f32 to vector<10112x128xf32>
    %select_n3A_380 = arith.select %broadcast_in_dim3A_378, %select_n3A, %broadcast_in_dim3A_379 : vector<10112x128xi1>, vector<10112x128xf32>
    %reduce_max3A_381 = arith.constant dense<0xFF800000> : vector<128xf32>
    %reduce_max3A_382 = vector.multi_reduction <maximumf>, %select_n3A_380, %reduce_max3A_381 [0] : vector<10112x128xf32> to vector<128xf32>
    %add3A_383 = arith.constant 1.000000e-16 : f32
    %add3A_384 = vector.broadcast %add3A_383 : f32 to vector<1xf32>
    %add3A_385 = arith.addf %reduce_sum3A_375, %add3A_384 : vector<1xf32>
    %div3A_386 = vector.broadcast %add3A_385 : vector<1xf32> to vector<128xf32>
    %div3A_387 = arith.divf %reduce_sum3A_368, %div3A_386 : vector<128xf32>
    %eq3A_388 = arith.constant 13 : i32
    %eq3A_389 = vector.broadcast %eq3A_388 : i32 to vector<10112x1xi32>
    %eq3A_390 = arith.cmpi eq, %get3A_16, %eq3A_389 : vector<10112x1xi32>
    %jit3A_391 = arith.constant 0.000000e+00 : f32
    %broadcast_in_dim3A_392 = vector.shape_cast %eq3A_390 : vector<10112x1xi1> to vector<10112x1xi1>
    %broadcast_in_dim3A_393 = vector.broadcast %broadcast_in_dim3A_392 : vector<10112x1xi1> to vector<10112x128xi1>
    %broadcast_in_dim3A_394 = vector.broadcast %jit3A_391 : f32 to vector<10112x128xf32>
    %select_n3A_395 = arith.select %broadcast_in_dim3A_393, %select_n3A, %broadcast_in_dim3A_394 : vector<10112x128xi1>, vector<10112x128xf32>
    %reduce_sum3A_396 = arith.constant dense<0.000000e+00> : vector<128xf32>
    %reduce_sum3A_397 = vector.multi_reduction <add>, %select_n3A_395, %reduce_sum3A_396 [0] : vector<10112x128xf32> to vector<128xf32>
    %jit3A_398 = arith.constant 1.000000e+00 : f32
    %jit3A_399 = arith.constant 0.000000e+00 : f32
    %broadcast_in_dim3A_400 = vector.broadcast %jit3A_398 : f32 to vector<10112x1xf32>
    %broadcast_in_dim3A_401 = vector.broadcast %jit3A_399 : f32 to vector<10112x1xf32>
    %select_n3A_402 = arith.select %eq3A_390, %broadcast_in_dim3A_400, %broadcast_in_dim3A_401 : vector<10112x1xi1>, vector<10112x1xf32>
    %reduce_sum3A_403 = arith.constant dense<0.000000e+00> : vector<1xf32>
    %reduce_sum3A_404 = vector.multi_reduction <add>, %select_n3A_402, %reduce_sum3A_403 [0] : vector<10112x1xf32> to vector<1xf32>
    %jit3A_405 = arith.constant 0xFF800000 : f32
    %broadcast_in_dim3A_406 = vector.shape_cast %eq3A_390 : vector<10112x1xi1> to vector<10112x1xi1>
    %broadcast_in_dim3A_407 = vector.broadcast %broadcast_in_dim3A_406 : vector<10112x1xi1> to vector<10112x128xi1>
    %broadcast_in_dim3A_408 = vector.broadcast %jit3A_405 : f32 to vector<10112x128xf32>
    %select_n3A_409 = arith.select %broadcast_in_dim3A_407, %select_n3A, %broadcast_in_dim3A_408 : vector<10112x128xi1>, vector<10112x128xf32>
    %reduce_max3A_410 = arith.constant dense<0xFF800000> : vector<128xf32>
    %reduce_max3A_411 = vector.multi_reduction <maximumf>, %select_n3A_409, %reduce_max3A_410 [0] : vector<10112x128xf32> to vector<128xf32>
    %add3A_412 = arith.constant 1.000000e-16 : f32
    %add3A_413 = vector.broadcast %add3A_412 : f32 to vector<1xf32>
    %add3A_414 = arith.addf %reduce_sum3A_404, %add3A_413 : vector<1xf32>
    %div3A_415 = vector.broadcast %add3A_414 : vector<1xf32> to vector<128xf32>
    %div3A_416 = arith.divf %reduce_sum3A_397, %div3A_415 : vector<128xf32>
    %eq3A_417 = arith.constant 14 : i32
    %eq3A_418 = vector.broadcast %eq3A_417 : i32 to vector<10112x1xi32>
    %eq3A_419 = arith.cmpi eq, %get3A_16, %eq3A_418 : vector<10112x1xi32>
    %jit3A_420 = arith.constant 0.000000e+00 : f32
    %broadcast_in_dim3A_421 = vector.shape_cast %eq3A_419 : vector<10112x1xi1> to vector<10112x1xi1>
    %broadcast_in_dim3A_422 = vector.broadcast %broadcast_in_dim3A_421 : vector<10112x1xi1> to vector<10112x128xi1>
    %broadcast_in_dim3A_423 = vector.broadcast %jit3A_420 : f32 to vector<10112x128xf32>
    %select_n3A_424 = arith.select %broadcast_in_dim3A_422, %select_n3A, %broadcast_in_dim3A_423 : vector<10112x128xi1>, vector<10112x128xf32>
    %reduce_sum3A_425 = arith.constant dense<0.000000e+00> : vector<128xf32>
    %reduce_sum3A_426 = vector.multi_reduction <add>, %select_n3A_424, %reduce_sum3A_425 [0] : vector<10112x128xf32> to vector<128xf32>
    %jit3A_427 = arith.constant 1.000000e+00 : f32
    %jit3A_428 = arith.constant 0.000000e+00 : f32
    %broadcast_in_dim3A_429 = vector.broadcast %jit3A_427 : f32 to vector<10112x1xf32>
    %broadcast_in_dim3A_430 = vector.broadcast %jit3A_428 : f32 to vector<10112x1xf32>
    %select_n3A_431 = arith.select %eq3A_419, %broadcast_in_dim3A_429, %broadcast_in_dim3A_430 : vector<10112x1xi1>, vector<10112x1xf32>
    %reduce_sum3A_432 = arith.constant dense<0.000000e+00> : vector<1xf32>
    %reduce_sum3A_433 = vector.multi_reduction <add>, %select_n3A_431, %reduce_sum3A_432 [0] : vector<10112x1xf32> to vector<1xf32>
    %jit3A_434 = arith.constant 0xFF800000 : f32
    %broadcast_in_dim3A_435 = vector.shape_cast %eq3A_419 : vector<10112x1xi1> to vector<10112x1xi1>
    %broadcast_in_dim3A_436 = vector.broadcast %broadcast_in_dim3A_435 : vector<10112x1xi1> to vector<10112x128xi1>
    %broadcast_in_dim3A_437 = vector.broadcast %jit3A_434 : f32 to vector<10112x128xf32>
    %select_n3A_438 = arith.select %broadcast_in_dim3A_436, %select_n3A, %broadcast_in_dim3A_437 : vector<10112x128xi1>, vector<10112x128xf32>
    %reduce_max3A_439 = arith.constant dense<0xFF800000> : vector<128xf32>
    %reduce_max3A_440 = vector.multi_reduction <maximumf>, %select_n3A_438, %reduce_max3A_439 [0] : vector<10112x128xf32> to vector<128xf32>
    %add3A_441 = arith.constant 1.000000e-16 : f32
    %add3A_442 = vector.broadcast %add3A_441 : f32 to vector<1xf32>
    %add3A_443 = arith.addf %reduce_sum3A_433, %add3A_442 : vector<1xf32>
    %div3A_444 = vector.broadcast %add3A_443 : vector<1xf32> to vector<128xf32>
    %div3A_445 = arith.divf %reduce_sum3A_426, %div3A_444 : vector<128xf32>
    %eq3A_446 = arith.constant 15 : i32
    %eq3A_447 = vector.broadcast %eq3A_446 : i32 to vector<10112x1xi32>
    %eq3A_448 = arith.cmpi eq, %get3A_16, %eq3A_447 : vector<10112x1xi32>
    %jit3A_449 = arith.constant 0.000000e+00 : f32
    %broadcast_in_dim3A_450 = vector.shape_cast %eq3A_448 : vector<10112x1xi1> to vector<10112x1xi1>
    %broadcast_in_dim3A_451 = vector.broadcast %broadcast_in_dim3A_450 : vector<10112x1xi1> to vector<10112x128xi1>
    %broadcast_in_dim3A_452 = vector.broadcast %jit3A_449 : f32 to vector<10112x128xf32>
    %select_n3A_453 = arith.select %broadcast_in_dim3A_451, %select_n3A, %broadcast_in_dim3A_452 : vector<10112x128xi1>, vector<10112x128xf32>
    %reduce_sum3A_454 = arith.constant dense<0.000000e+00> : vector<128xf32>
    %reduce_sum3A_455 = vector.multi_reduction <add>, %select_n3A_453, %reduce_sum3A_454 [0] : vector<10112x128xf32> to vector<128xf32>
    %jit3A_456 = arith.constant 1.000000e+00 : f32
    %jit3A_457 = arith.constant 0.000000e+00 : f32
    %broadcast_in_dim3A_458 = vector.broadcast %jit3A_456 : f32 to vector<10112x1xf32>
    %broadcast_in_dim3A_459 = vector.broadcast %jit3A_457 : f32 to vector<10112x1xf32>
    %select_n3A_460 = arith.select %eq3A_448, %broadcast_in_dim3A_458, %broadcast_in_dim3A_459 : vector<10112x1xi1>, vector<10112x1xf32>
    %reduce_sum3A_461 = arith.constant dense<0.000000e+00> : vector<1xf32>
    %reduce_sum3A_462 = vector.multi_reduction <add>, %select_n3A_460, %reduce_sum3A_461 [0] : vector<10112x1xf32> to vector<1xf32>
    %jit3A_463 = arith.constant 0xFF800000 : f32
    %broadcast_in_dim3A_464 = vector.shape_cast %eq3A_448 : vector<10112x1xi1> to vector<10112x1xi1>
    %broadcast_in_dim3A_465 = vector.broadcast %broadcast_in_dim3A_464 : vector<10112x1xi1> to vector<10112x128xi1>
    %broadcast_in_dim3A_466 = vector.broadcast %jit3A_463 : f32 to vector<10112x128xf32>
    %select_n3A_467 = arith.select %broadcast_in_dim3A_465, %select_n3A, %broadcast_in_dim3A_466 : vector<10112x128xi1>, vector<10112x128xf32>
    %reduce_max3A_468 = arith.constant dense<0xFF800000> : vector<128xf32>
    %reduce_max3A_469 = vector.multi_reduction <maximumf>, %select_n3A_467, %reduce_max3A_468 [0] : vector<10112x128xf32> to vector<128xf32>
    %add3A_470 = arith.constant 1.000000e-16 : f32
    %add3A_471 = vector.broadcast %add3A_470 : f32 to vector<1xf32>
    %add3A_472 = arith.addf %reduce_sum3A_462, %add3A_471 : vector<1xf32>
    %div3A_473 = vector.broadcast %add3A_472 : vector<1xf32> to vector<128xf32>
    %div3A_474 = arith.divf %reduce_sum3A_455, %div3A_473 : vector<128xf32>
    %stack3A = vector.shape_cast %div3A_39 : vector<128xf32> to vector<1x128xf32>
    %stack3A_475 = vector.shape_cast %div3A_68 : vector<128xf32> to vector<1x128xf32>
    %stack3A_476 = vector.shape_cast %div3A_97 : vector<128xf32> to vector<1x128xf32>
    %stack3A_477 = vector.shape_cast %div3A_126 : vector<128xf32> to vector<1x128xf32>
    %stack3A_478 = vector.shape_cast %div3A_155 : vector<128xf32> to vector<1x128xf32>
    %stack3A_479 = vector.shape_cast %div3A_184 : vector<128xf32> to vector<1x128xf32>
    %stack3A_480 = vector.shape_cast %div3A_213 : vector<128xf32> to vector<1x128xf32>
    %stack3A_481 = vector.shape_cast %div3A_242 : vector<128xf32> to vector<1x128xf32>
    %stack3A_482 = vector.shape_cast %div3A_271 : vector<128xf32> to vector<1x128xf32>
    %stack3A_483 = vector.shape_cast %div3A_300 : vector<128xf32> to vector<1x128xf32>
    %stack3A_484 = vector.shape_cast %div3A_329 : vector<128xf32> to vector<1x128xf32>
    %stack3A_485 = vector.shape_cast %div3A_358 : vector<128xf32> to vector<1x128xf32>
    %stack3A_486 = vector.shape_cast %div3A_387 : vector<128xf32> to vector<1x128xf32>
    %stack3A_487 = vector.shape_cast %div3A_416 : vector<128xf32> to vector<1x128xf32>
    %stack3A_488 = vector.shape_cast %div3A_445 : vector<128xf32> to vector<1x128xf32>
    %stack3A_489 = vector.shape_cast %div3A_474 : vector<128xf32> to vector<1x128xf32>
    %stack3A_490 = tpu.concatenate %stack3A, %stack3A_475, %stack3A_476, %stack3A_477, %stack3A_478, %stack3A_479, %stack3A_480, %stack3A_481, %stack3A_482, %stack3A_483, %stack3A_484, %stack3A_485, %stack3A_486, %stack3A_487, %stack3A_488, %stack3A_489 in 0 : vector<1x128xf32>, vector<1x128xf32>, vector<1x128xf32>, vector<1x128xf32>, vector<1x128xf32>, vector<1x128xf32>, vector<1x128xf32>, vector<1x128xf32>, vector<1x128xf32>, vector<1x128xf32>, vector<1x128xf32>, vector<1x128xf32>, vector<1x128xf32>, vector<1x128xf32>, vector<1x128xf32>, vector<1x128xf32> -> vector<16x128xf32>
    %stack3A_491 = vector.shape_cast %reduce_max3A_35 : vector<128xf32> to vector<1x128xf32>
    %stack3A_492 = vector.shape_cast %reduce_max3A_63 : vector<128xf32> to vector<1x128xf32>
    %stack3A_493 = vector.shape_cast %reduce_max3A_92 : vector<128xf32> to vector<1x128xf32>
    %stack3A_494 = vector.shape_cast %reduce_max3A_121 : vector<128xf32> to vector<1x128xf32>
    %stack3A_495 = vector.shape_cast %reduce_max3A_150 : vector<128xf32> to vector<1x128xf32>
    %stack3A_496 = vector.shape_cast %reduce_max3A_179 : vector<128xf32> to vector<1x128xf32>
    %stack3A_497 = vector.shape_cast %reduce_max3A_208 : vector<128xf32> to vector<1x128xf32>
    %stack3A_498 = vector.shape_cast %reduce_max3A_237 : vector<128xf32> to vector<1x128xf32>
    %stack3A_499 = vector.shape_cast %reduce_max3A_266 : vector<128xf32> to vector<1x128xf32>
    %stack3A_500 = vector.shape_cast %reduce_max3A_295 : vector<128xf32> to vector<1x128xf32>
    %stack3A_501 = vector.shape_cast %reduce_max3A_324 : vector<128xf32> to vector<1x128xf32>
    %stack3A_502 = vector.shape_cast %reduce_max3A_353 : vector<128xf32> to vector<1x128xf32>
    %stack3A_503 = vector.shape_cast %reduce_max3A_382 : vector<128xf32> to vector<1x128xf32>
    %stack3A_504 = vector.shape_cast %reduce_max3A_411 : vector<128xf32> to vector<1x128xf32>
    %stack3A_505 = vector.shape_cast %reduce_max3A_440 : vector<128xf32> to vector<1x128xf32>
    %stack3A_506 = vector.shape_cast %reduce_max3A_469 : vector<128xf32> to vector<1x128xf32>
    %stack3A_507 = tpu.concatenate %stack3A_491, %stack3A_492, %stack3A_493, %stack3A_494, %stack3A_495, %stack3A_496, %stack3A_497, %stack3A_498, %stack3A_499, %stack3A_500, %stack3A_501, %stack3A_502, %stack3A_503, %stack3A_504, %stack3A_505, %stack3A_506 in 0 : vector<1x128xf32>, vector<1x128xf32>, vector<1x128xf32>, vector<1x128xf32>, vector<1x128xf32>, vector<1x128xf32>, vector<1x128xf32>, vector<1x128xf32>, vector<1x128xf32>, vector<1x128xf32>, vector<1x128xf32>, vector<1x128xf32>, vector<1x128xf32>, vector<1x128xf32>, vector<1x128xf32>, vector<1x128xf32> -> vector<16x128xf32>
    %concatenate3A = tpu.concatenate %stack3A_490, %stack3A_507 in 1 : vector<16x128xf32>, vector<16x128xf32> -> vector<16x256xf32>
    %get3A_508 = arith.constant 0 : index
    %get3A_509 = arith.constant 0 : index
    %get3A_510 = vector.load %arg4[%get3A_508, %get3A_509] : memref<256x128xf32, #tpu.memory_space<vmem>>, vector<256x128xf32>
    %dot_general3A = arith.constant dense<0.000000e+00> : vector<16x128xf32>
    %dot_general3A_511 = tpu.matmul %concatenate3A, %get3A_510, %dot_general3A {dimension_numbers = #tpu.dot_dimension_numbers<[1], [0], [0], [1], [0, 0, 1, 1], [], []>, transpose_lhs_hint = false} : vector<16x256xf32>, vector<256x128xf32>, vector<16x128xf32> -> vector<16x128xf32>
    %get3A_512 = arith.constant 0 : index
    %get3A_513 = arith.constant 0 : index
    %get3A_514 = vector.load %arg5[%get3A_512, %get3A_513] : memref<1x128xf32, #tpu.memory_space<vmem>>, vector<1x128xf32>
    %add3A_515 = vector.broadcast %get3A_514 : vector<1x128xf32> to vector<16x128xf32>
    %add3A_516 = arith.addf %dot_general3A_511, %add3A_515 : vector<16x128xf32>
    %max3A = arith.constant 0.000000e+00 : f32
    %max3A_517 = vector.broadcast %max3A : f32 to vector<16x128xf32>
    %max3A_518 = arith.maximumf %add3A_516, %max3A_517 : vector<16x128xf32>
    %get3A_519 = arith.constant 0 : index
    %get3A_520 = arith.constant 0 : index
    %get3A_521 = vector.load %arg6[%get3A_519, %get3A_520] : memref<128x128xf32, #tpu.memory_space<vmem>>, vector<128x128xf32>
    %dot_general3A_522 = arith.constant dense<0.000000e+00> : vector<16x128xf32>
    %dot_general3A_523 = tpu.matmul %max3A_518, %get3A_521, %dot_general3A_522 {dimension_numbers = #tpu.dot_dimension_numbers<[1], [0], [0], [1], [0, 0, 1, 1], [], []>, transpose_lhs_hint = false} : vector<16x128xf32>, vector<128x128xf32>, vector<16x128xf32> -> vector<16x128xf32>
    %get3A_524 = arith.constant 0 : index
    %get3A_525 = arith.constant 0 : index
    %get3A_526 = vector.load %arg7[%get3A_524, %get3A_525] : memref<1x128xf32, #tpu.memory_space<vmem>>, vector<1x128xf32>
    %add3A_527 = vector.broadcast %get3A_526 : vector<1x128xf32> to vector<16x128xf32>
    %add3A_528 = arith.addf %dot_general3A_523, %add3A_527 : vector<16x128xf32>
    %iota3A = tpu.iota {dimensions = array<i32: 1>} : vector<16x128xi32>
    %lt3A = arith.constant 2 : i32
    %lt3A_529 = vector.broadcast %lt3A : i32 to vector<16x128xi32>
    %lt3A_530 = arith.cmpi slt, %iota3A, %lt3A_529 : vector<16x128xi32>
    %jit3A_531 = arith.constant 0xFF800000 : f32
    %broadcast_in_dim3A_532 = vector.broadcast %jit3A_531 : f32 to vector<16x128xf32>
    %select_n3A_533 = arith.select %lt3A_530, %add3A_528, %broadcast_in_dim3A_532 : vector<16x128xi1>, vector<16x128xf32>
    %reduce_max3A_534 = arith.constant dense<0xFF800000> : vector<16xf32>
    %reduce_max3A_535 = vector.multi_reduction <maximumf>, %select_n3A_533, %reduce_max3A_534 [1] : vector<16x128xf32> to vector<16xf32>
    %broadcast_in_dim3A_536 = vector.shape_cast %reduce_max3A_535 : vector<16xf32> to vector<16x1xf32>
    %sub3A_537 = vector.broadcast %broadcast_in_dim3A_536 : vector<16x1xf32> to vector<16x128xf32>
    %sub3A_538 = arith.subf %select_n3A_533, %sub3A_537 : vector<16x128xf32>
    %exp3A_539 = math.exp %sub3A_538 : vector<16x128xf32>
    %reduce_sum3A_540 = arith.constant dense<0.000000e+00> : vector<16xf32>
    %reduce_sum3A_541 = vector.multi_reduction <add>, %exp3A_539, %reduce_sum3A_540 [1] : vector<16x128xf32> to vector<16xf32>
    %broadcast_in_dim3A_542 = vector.shape_cast %reduce_sum3A_541 : vector<16xf32> to vector<16x1xf32>
    %log3A = math.log %broadcast_in_dim3A_542 : vector<16x1xf32>
    %sub3A_543 = vector.broadcast %broadcast_in_dim3A_536 : vector<16x1xf32> to vector<16x128xf32>
    %sub3A_544 = arith.subf %select_n3A_533, %sub3A_543 : vector<16x128xf32>
    %sub3A_545 = vector.broadcast %log3A : vector<16x1xf32> to vector<16x128xf32>
    %sub3A_546 = arith.subf %sub3A_544, %sub3A_545 : vector<16x128xf32>
    %swap3A = arith.constant 0 : index
    %swap3A_547 = arith.constant 0 : index
    %swap3A_548 = vector.load %arg8[%swap3A, %swap3A_547] : memref<16x128xf32, #tpu.memory_space<vmem>>, vector<16x128xf32>
    tpu.vector_store %arg8[%swap3A, %swap3A_547], %sub3A_546 {strides = array<i32>} : memref<16x128xf32, #tpu.memory_space<vmem>>, vector<16x128xf32>,
    return
  }
}

</mosaic_0001>

<sc_bundles>
// kernel: kernel.11.cloned.1.call-start
scs
__scs_entry_jumppad:
0x0: {  	(pc) =	sbr.rel $0x88, $3  }
0x1: {  	(tag) =	ssettag $0x0;
	lr =	simm.s32 $0x1  }
0x2: {  	[smem:$0x3F92] =	sst lr;
	_ =	strace $0xD0000000  }
0x3: {  	_ = 	snop  }
0x4: {  	_ = 	snop  }
0x5: {  	_ = 	snop  }
0x6: {  	_ = 	snop  }
0x7: {  	_ = 	snop  }
__scs_overlays_trampoline_lowered:
0x8: {  	[smem:$0x3FA1] =	sst s0  }
0x9: {  	[smem:$0x3FA2] =	sst s1  }
0xa: {  	[smem:$0x3FA3] =	sst s2  }
0xb: {  	[smem:$0x3FA4] =	sst s3  }
0xc: {  	[smem:$0x3FA5] =	sst s4  }
0xd: {  	[smem:$0x3FA6] =	sst s5  }
0xe: {  	[smem:$0x3FA7] =	sst s6  }
0xf: {  	[smem:$0x3FA8] =	sst s7  }
0x10: {  	[smem:$0x3FA9] =	sst s8  }
0x11: {  	[smem:$0x3FAA] =	sst s9;
	s0 =	simm.s32 @!p0 $0x0  }
0x12: {  	s1 =	sld [smem:$0x3F90];
	s0 =	simm.s32 @p0 $0x1  }
0x13: {  	[smem:$0x3FAB] =	sst s0;
	s0 =	simm.s32 @!p1 $0x0  }
0x14: {  	s2 =	sld [smem:$0x3F8F];
	s0 =	simm.s32 @p1 $0x1  }
0x15: {  	[smem:$0x3FAC] =	sst s0;
	s0 =	simm.s32 @!p2 $0x0  }
0x16: {  	s3 =	sld [smem:$0x3FDB];
	s0 =	simm.s32 @p2 $0x1  }
0x17: {  	s4 =	simm.s32 $0x1BF5;
	[smem:$0x3FAE] =	sst s0  }
0x18: {  	s0 =	sld [smem:$0x3F91];
	_ =	swait.ge [sflag:s4], $0x0  }
0x19: {  	s7 =	sld [smem:$0x3F92]  }
0x1a: {  	s8 =	sadd.s32 $0xFFFFE003, lr  }
0x1b: {  	s9 =	sadd.s32 $0xFFFFFEF7, lr;
	s5 =	simm.s32 $0xFFFFFFFF;
	p2 =	slt.u32 s8, $0xFFFFF086  }
0x1c: {  	p1 =	slt.u32 s9, $0xF7A;
	s5 =	simm.s32 @!p2 $0x0  }
0x1d: {  	s5 =	simm.s32 @p1 $0x1;
	p0 =	seq.s32 s7, s2  }
0x1e: {  	s7 =	smul.u32 @!p0 $0xF7A, s2;
	p2 =	seq.s32 @!p0 s5, $0x0  }
0x1f: {  	s9 =	smul.u32 $0xF7A, s1;
	s8 =	simm.s32 @!p0 $0x1BF5;
	p2 =	por !p2, p0  }
0x20: {  	[sflag:s8] =	ssyncset.s32 @!p0 $0xFFFFF086;
	s6 =	sadd.s32 @!p0 s3, s7;
	s7 =	simm.s32 @!p0 $0x108  }
0x21: {  	s3 =	sadd.s32 s3, s9;
	s6 =	sadd.s32 @!p0 $0x88, s6;
	s7 =	simm.s32 @p2 $0x1082  }
0x22: {  	[simem:s7], [sflag:s8] =	dma.local @!p0 [hbm:s6], $0xF7A  }
0x23: {  	s9 =	sor.u32 $0xD0000000, s2;
	s6 =	simm.s32 $0x108;
	_ =	swait.ge @!p0 [sflag:s8], $0x0  }
0x24: {  	s3 =	sadd.s32 $0x88, s3;
	s6 =	simm.s32 @!p1 $0x1082;
	[sflag:s4] =	ssyncset.s32 $0xFFFFF086  }
0x25: {  	[simem:s6], [sflag:s4] =	dma.local [hbm:s3], $0xF7A  }
0x26: {  	[smem:$0x3F92] =	sst s1;
	(tag) =	ssettag s2;
	_ =	strace s9  }
0x27: {  	s1 =	sld [smem:$0x3FA2]  }
0x28: {  	s2 =	sld [smem:$0x3FA3]  }
0x29: {  	s4 =	sld [smem:$0x3FA5]  }
0x2a: {  	p0 =	seq.s32 s5, $0x0;
	s5 =	sld [smem:$0x3FA6]  }
0x2b: {  	s6 =	sld [smem:$0x3FA7]  }
0x2c: {  	s7 =	sld [smem:$0x3FA8]  }
0x2d: {  	s3 =	simm.s32 $0x108;
	s8 =	sld [smem:$0x3FA9]  }
0x2e: {  	s3 =	simm.s32 @!p0 $0x1082;
	s9 =	sld [smem:$0x3FAA]  }
0x2f: {  	lr =	sadd.s32 s0, s3;
	s0 =	sld [smem:$0x3FA1]  }
0x30: {  	s3 =	sld [smem:$0x3FA4]  }
0x31: {  	[smem:$0x3FAD] =	sst s10  }
0x32: {  	s10 =	sld [smem:$0x3FAB];
	_ =	sdelay $0x3  }
0x33: {  	p0 =	seq.s32 s10, $0x1;
	s10 =	sld [smem:$0x3FAD];
	_ =	sdelay $0x3  }
0x34: {  	[smem:$0x3FAD] =	sst s10  }
0x35: {  	s10 =	sld [smem:$0x3FAC];
	_ =	sdelay $0x3  }
0x36: {  	p1 =	seq.s32 s10, $0x1;
	s10 =	sld [smem:$0x3FAD];
	_ =	sdelay $0x3  }
0x37: {  	[smem:$0x3FAD] =	sst s10  }
0x38: {  	s10 =	sld [smem:$0x3FAE]  }
0x39: {  	_ = 	snop;
	(pc) =	sbr.ind lr, $3  }
0x3a: {  	_ = 	snop  }
0x3b: {  	_ = 	snop  }
0x3c: {  	p2 =	seq.s32 s10, $0x1;
	s10 =	sld [smem:$0x3FAD]  }
0x3d: {  	_ =	shalt  }
0x3e: {  	_ =	shalt  }
0x3f: {  	_ =	shalt  }
0x40: {  	_ =	shalt  }
0x41: {  	_ =	shalt  }
0x42: {  	_ =	shalt  }
0x43: {  	_ =	shalt  }
0x44: {  	_ =	shalt  }
0x45: {  	_ =	shalt  }
0x46: {  	_ =	shalt  }
0x47: {  	_ =	shalt  }
0x48: {  	_ =	shalt  }
0x49: {  	_ =	shalt  }
0x4a: {  	_ =	shalt  }
0x4b: {  	_ =	shalt  }
0x4c: {  	_ =	shalt  }
0x4d: {  	_ =	shalt  }
0x4e: {  	_ =	shalt  }
0x4f: {  	_ =	shalt  }
0x50: {  	_ =	shalt  }
0x51: {  	_ =	shalt  }
0x52: {  	_ =	shalt  }
0x53: {  	_ =	shalt  }
0x54: {  	_ =	shalt  }
0x55: {  	_ =	shalt  }
0x56: {  	_ =	shalt  }
0x57: {  	_ =	shalt  }
0x58: {  	_ =	shalt  }
0x59: {  	_ =	shalt  }
0x5a: {  	_ =	shalt  }
0x5b: {  	_ =	shalt  }
0x5c: {  	_ =	shalt  }
0x5d: {  	_ =	shalt  }
0x5e: {  	_ =	shalt  }
0x5f: {  	_ =	shalt  }
0x60: {  	_ =	shalt  }
0x61: {  	_ =	shalt  }
0x62: {  	_ =	shalt  }
0x63: {  	_ =	shalt  }
0x64: {  	_ =	shalt  }
0x65: {  	_ =	shalt  }
0x66: {  	_ =	shalt  }
0x67: {  	_ =	shalt  }
0x68: {  	_ =	shalt  }
0x69: {  	_ =	shalt  }
0x6a: {  	_ =	shalt  }
0x6b: {  	_ =	shalt  }
0x6c: {  	_ =	shalt  }
0x6d: {  	_ =	shalt  }
0x6e: {  	_ =	shalt  }
0x6f: {  	_ =	shalt  }
0x70: {  	_ =	shalt  }
0x71: {  	_ =	shalt  }
0x72: {  	_ =	shalt  }
0x73: {  	_ =	shalt  }
0x74: {  	_ =	shalt  }
0x75: {  	_ =	shalt  }
0x76: {  	_ =	shalt  }
0x77: {  	_ =	shalt  }
0x78: {  	_ =	shalt  }
0x79: {  	_ =	shalt  }
0x7a: {  	_ =	shalt  }
0x7b: {  	_ =	shalt  }
0x7c: {  	_ =	shalt  }
0x7d: {  	_ =	shalt  }
0x7e: {  	_ =	shalt  }
0x7f: {  	_ =	shalt  }
0x80: {  	_ =	shalt  }
0x81: {  	_ =	shalt  }
0x82: {  	_ =	shalt  }
0x83: {  	_ =	shalt  }
0x84: {  	_ =	shalt  }
0x85: {  	_ =	shalt  }
0x86: {  	_ =	shalt  }
0x87: {  	_ =	shalt  }
.Lfunc_end0:
.L_simem_size_0:
called_computation_lowered:
.L_overlay_start_0:
0x88: {  	s2 =	sld [smem:$0x3FD9]  }
0x89: {  	s3 =	sld [smem:$0x3FFE];
	_ =	sdelay $0x1  }
0x8a: {  	s1 =	srdreg.scid  }
0x8b: {  	s0 =	sand.u32 $0x1, s1  }
0x8c: {  	s16 =	sshll.u32 s0, $0xA;
	s2 =	sadd.s32 s3, s2  }
0x8d: {  	s2 =	sadd.s32 s2, s16  }
0x8e: {  	[smem:$0x3FB9] =	sst s2  }
0x8f: {  	_ = 	snop  }
0x90: {  	(tm) =	ssettm $0x1  }
0x91: {  	s17 =	sld [smem:$0x3FFB];
	_ =	sdelay $0x3  }
0x92: {  	_ =	strace s17  }
0x93: {  	s2 =	sld [smem:$0x3FFC];
	_ =	sdelay $0x3  }
0x94: {  	_ =	strace s2  }
0x95: {  	s2 =	sld [smem:$0x3FFD];
	_ =	sdelay $0x3  }
0x96: {  	_ =	strace s2  }
0x97: {  	_ =	strace $0x8FFFFFFF  }
0x98: {  	s18 =	sld [smem:$0x3FDB];
	_ =	sdelay $0x1  }
0x99: {  	s19 =	simm.s32 $_scs_section_size  }
0x9a: {  	s4 =	simm.s32 $_size__tile_overlayer_lowered;
	s5 =	simm.s32 $_tile_overlayer_lowered  }
0x9b: {  	s22 =	simm.s32 $0x1BFF;
	s21 =	sshll.u32 s5, $0x1;
	s2 =	sadd.s32 s19, s18  }
0x9c: {  	s6 =	simm.s32 $0x0;
	s20 =	sshll.u32 s4, $0x1;
	s4 =	sadd.s32 s21, s2  }
0x9d: {  	[timem:s6], [sflag:s22] =	dma.local [hbm:s4], s20  }
0x9e: {  	_ =	swait.ge [sflag:s22], s20  }
0x9f: {  	s3 =	ssub.s32 $0x0, s20;
	[sflag:s22] =	ssyncset.done $0x0  }
0xa0: {  	[sflag:s22] =	ssyncadd.s32 s3;
	_ =	sdelay $0x1  }
0xa1: {  	s23 =	simm.s32 $0x1B8B  }
0xa2: {  	_ =	swait.ge [sflag:s23], $0x1  }
0xa3: {  	[sflag:s23] =	ssyncset.done $0x0  }
0xa4: {  	s25 =	simm.s32 $0x1B8E;
	s24 =	sld [smem:$0x3FFE];
	[sflag:s23] =	ssyncadd.s32 $0xFFFFFFFF  }
0xa5: {  	s26 =	simm.s32 $execute0_lowered;
	[smem:$0x3FD2] =	sst s25  }
0xa6: {  	s4 =	sshll.u32 s26, $0x1;
	_ =	strace $0x80000046;
	[dreg:$0x1] =	wrdreg $0xFFFFFFFF  }
0xa7: {  	s28 =	simm.s32 $_size_execute0_lowered;
	s2 =	sadd.s32 s2, s4;
	[dreg:$0x0] =	wrdreg $0x0  }
0xa8: {  	s4 =	sshll.u32 s28, $0x1;
	[dreg:$0x2] =	wrdreg s2  }
0xa9: {  	[dreg:$0x3] =	wrdreg s4  }
0xaa: {  	[dreg:$0x4] =	wrdreg $0xC0  }
0xab: {  	_ =	task [dreg:s6], $0x5FFFF  }
0xac: {  	[dreg:$0x1] =	wrdreg $0xFFFFFFFF  }
0xad: {  	[dreg:$0x0] =	wrdreg $0x60  }
0xae: {  	[dreg:$0x2] =	wrdreg s24  }
0xaf: {  	[dreg:$0x3] =	wrdreg $0x7A000  }
0xb0: {  	[dreg:$0x4] =	wrdreg $0x9  }
0xb1: {  	_ =	task.clear_ibuf [dreg:s6], $0x5FFFF;
	_ =	strace $0x90000046  }
0xb2: {  	s29 =	simm.s32 $0x9;
	_ =	strace $0x80000048  }
0xb3: {  	_ =	swait.ge [sflag:s29], $0x1  }
0xb4: {  	[sflag:s29] =	ssyncadd.s32 $0xFFFFFFFF  }
0xb5: {  	_ =	strace $0x90000048  }
0xb6: {  	_ =	sfence  }
0xb7: {  	s30 =	sld [smem:$0x0];
	_ =	sdelay $0x2  }
0xb8: {  	s31 =	sshll.u32 s1, $0xD;
	s1 =	sshrl.u32 s1, $0x2  }
0xb9: {  	s3 =	sand.u32 $0x4000, s31;
	s1 =	sadd.s32 s1, s30  }
0xba: {  	s0 =	sor.u32 s3, s0;
	s1 =	sshll.u32 s1, $0x11  }
0xbb: {  	s0 =	sor.u32 s1, s0  }
0xbc: {  	s0 =	sadd.s32 $0x8F2B, s0  }
0xbd: {  	[sflag:s0] =	ssyncadd.remote.s32 $0x1  }
0xbe: {  	_ =	sfence.sel $0xFFFF  }
0xbf: {  	[dreg:$0x0] =	wrdreg $0xFFFFFFFF;
	(pc) =	sbr.abs _section_cstart, $3  }
0xc0: {  	[dreg:$0x1] =	wrdreg $0xFFFFFFFF  }
0xc1: {  	_ =	task.clear_ibuf [dreg:s6], $0x2FFFF;
	_ =	strace $0x9FFFFFFF  }
0xc2: {  	(tm) =	ssettm $0x7FFFFFFF  }
0xc3: {  	_ =	shalt  }
tec
execute0_lowered:
.L_overlay_start_1:
0x0: {  	(tag) =	ssettag $0x1  }
0x1: {  	s0 =	srdreg.scid;
	s7 =	rddreg [dreg:$0x0]  }
0x2: {  	s13 =	stileid.u32;
	s2 =	rddreg [dreg:$0x1]  }
0x3: {  	s3 =	simm.s32 $0x0;
	s15 =	simm.s32 $0x5;
	s16 =	simm.s32 $0x2900  }
0x4: {  	s17 =	simm.s32 $0x80;
	s20 =	simm.s32 $0x6200;
	s21 =	simm.s32 $0x6A00  }
0x5: {  	s22 =	simm.s32 $0x1;
	s23 =	simm.s32 $0x2;
	s24 =	simm.s32 $0x7200  }
0x6: {  	s25 =	simm.s32 $0x3;
	s26 =	simm.s32 $0x4;
	s28 =	simm.s32 $0x0  }
0x7: {  	s0 =	sand.u32 $0x1, s0;
	s8 =	smul.u32 $0x2780, s13;
	[smem:$0x7FF] =	sst s3  }
0x8: {  	s5 =	sadd.s32 $0x43800, s7;
	s31 =	sshll.u32 s13, $0x6;
	s1 =	sshll.u32 s0, $0x4  }
0x9: {  	s6 =	smul.u32 $0x27800, s0;
	_ =	strace $0x80000047;
	s0 =	ssub.s32 $0x2, s0  }
0xa: {  	s1 =	sor.u32 s13, s1;
	s9 =	sshrl.u32 s8, $0x3;
	s30 =	sshrl.u32 s0, $0x1  }
0xb: {  	s14 =	sadd.s32 s8, s2;
	s4 =	smul.u32 $0x520, s1;
	s6 =	sadd.s32 s8, s6  }
0xc: {  	s9 =	sadd.s32 s9, s7;
	s0 =	ssub.s32 s0, s30;
	s8 =	sor.u32 $0x1C05, s31  }
0xd: {  	s14 =	sshrl.u32 s14, $0x3;
	s11 =	sshrl.u32 s6, $0x3;
	s6 =	sadd.s32 $0x57600, s7  }
0xe: {  	s13 =	smax.u32 s0, $0x1;
	s10 =	sadd.s32 s4, s7;
	s4 =	sadd.s32 $0x3E800, s7  }
0xf: {  	s12 =	sadd.s32 s11, s7;
	s7 =	sadd.s32 $0x48800, s9;
	s11 =	smul.u32 $0x29000, s1  }
0x10: {  	s9 =	sadd.s32 $0x2800, s10;
	s10 =	sadd.s32 $0xCC00, s10;
	s12 =	sadd.s32 $0x4D800, s12  }
.LBB2_1:
0x11: {  	[spmem:s14], [sflag:s8] =	dma.local [hbm:s7], $0x4F0  }
0x12: {  	_ =	swait.ge [sflag:s15], $0x4F0  }
0x13: {  	[sflag:s15] =	ssyncset.done $0x0  }
0x14: {  	[sflag:s15] =	ssyncadd.s32 $0xFFFFFB10  }
0x15: {  	[bflag:$0x0] =	sbarrier.arrive $0xFFFF  }
0x16: {  	[tilespmem:s3], [sflag:$0x5] =	stream.linear.gather [hbm4b:s9+s3], $0x2900, $0x38;
	[tilespmem:$0xA180] =	vst v63  }
0x17: {  	_ =	swait.ge [sflag:s15], $0x2900  }
0x18: {  	[sflag:s15] =	ssyncset.done $0x0  }
0x19: {  	[sflag:s15] =	ssyncadd.s32 $0xFFFFD700  }
0x1a: {  	[tilespmem:s16], [sflag:$0x5] =	stream.linear.gather [hbm4b:s10+s3], $0x2900, $0x38;
	[tilespmem:$0xA180] =	vst v63  }
0x1b: {  	_ =	swait.ge [sflag:s15], $0x2900  }
0x1c: {  	[sflag:s15] =	ssyncset.done $0x0  }
0x1d: {  	s0 =	simm.s32 $0x5200;
	[sflag:s15] =	ssyncadd.s32 $0xFFFFD700  }
0x1e: {  	[tilespmem:s0], [sflag:$0x1] =	stream.indirect.gather [hbm4b:s4+s17], $0x10, s3, s17, $0xb8;
	[tilespmem:$0xA180] =	vst v63  }
0x1f: {  	s31 =	simm.s32 $0x5A00;
	s29 =	simm.s32 $0x0  }
0x20: {  	[tilespmem:s31], [sflag:$0x2] =	stream.indirect.gather [hbm4b:s5+s17], $0x10, s16, s17, $0xb8;
	[tilespmem:$0xA180] =	vst v63  }
.LBB2_2:
0x21: {  	s31 =	sshllo.u32 s29, $0x1  }
0x22: {  	s0 =	sshll.u32 s31, $0x7  }
0x23: {  	[tilespmem:s20], [sflag:$0x3] =	stream.indirect.gather [hbm4b:s4+s17], $0x10, s0, s17, $0xb8;
	[tilespmem:$0xA180] =	vst v63  }
0x24: {  	s30 =	sadd.s32 $0x2900, s0  }
0x25: {  	[tilespmem:s21], [sflag:$0x4] =	stream.indirect.gather [hbm4b:s5+s17], $0x10, s30, s17, $0xb8;
	[tilespmem:$0xA180] =	vst v63  }
0x26: {  	_ =	swait.ge [sflag:s22], $0x800  }
0x27: {  	[sflag:s22] =	ssyncset.done $0x0  }
0x28: {  	[sflag:s22] =	ssyncadd.s32 $0xFFFFF800  }
0x29: {  	_ =	swait.ge [sflag:s23], $0x800  }
0x2a: {  	[sflag:s23] =	ssyncset.done $0x0  }
0x2b: {  	s19 =	simm.s32 $0x5220;
	[sflag:s23] =	ssyncadd.s32 $0xFFFFF800  }
0x2c: {  	s1 =	simm.s32 $0x5A20;
	v0 =	vld [tilespmem:s19+$0x10]  }
0x2d: {  	v1 =	vld [tilespmem:s1+$0x10]  }
0x2e: {  	v2 =	vld [tilespmem:s1+$0xFFFFFFE0]  }
0x2f: {  	v3 =	vld [tilespmem:s19+$0xFFFFFFF0]  }
0x30: {  	v4 =	vld [tilespmem:s1+$0xFFFFFFF0]  }
0x31: {  	v5 =	vld [tilespmem:s19+$0x0]  }
0x32: {  	s18 =	simm.s32 $0x5260;
	v6 =	vld [tilespmem:s1+$0x0];
	v0 =	vadd.f32 v1, v0  }
0x33: {  	v7 =	vld [tilespmem:s18+$0x10]  }
0x34: {  	v1 =	vld [tilespmem:s19+$0xFFFFFFE0];
	v8 =	vmul.f32 $2.000000030e-01, v0  }
0x35: {  	s19 =	simm.s32 $0x5A60;
	v3 =	vadd.f32 v4, v3;
	v4 =	vld [tilespmem:s18+$0xFFFFFFF0]  }
0x36: {  	v9 =	vld [tilespmem:s19+$0x10];
	v0 =	vmax.f32 v0, v8  }
0x37: {  	v5 =	vadd.f32 v6, v5;
	v6 =	vld [tilespmem:s19+$0xFFFFFFF0];
	v0 =	vmul.f32 $1.442695020e+00, v0  }
0x38: {  	v11 =	vld [tilespmem:s19+$0x0]  }
0x39: {  	v8 =	vmul.f32 $2.000000030e-01, v3;
	v1 =	vadd.f32 v2, v1;
	v2 =	vld [tilespmem:s18+$0x0];
	(erf) = vpow2.f32 v0  }
0x3a: {  	v10 =	vld [tilespmem:s19+$0xFFFFFFE0];
	v0 =	vmul.f32 $2.000000030e-01, v5  }
0x3b: {  	s19 =	simm.s32 $0x52A0;
	v3 =	vmax.f32 v3, v8;
	v7 =	vadd.f32 v9, v7;
	v9 =	vld [tilespmem:s18+$0xFFFFFFE0];
	v8 =	vmul.f32 $2.000000030e-01, v1  }
0x3c: {  	s0 =	simm.s32 $0x5AA0;
	v12 =	vld [tilespmem:s19+$0x10];
	v4 =	vadd.f32 v6, v4;
	v3 =	vmul.f32 $1.442695020e+00, v3;
	v0 =	vmax.f32 v5, v0  }
0x3d: {  	v5 =	vmul.f32 $2.000000030e-01, v7;
	v1 =	vmax.f32 v1, v8;
	v8 =	vld [tilespmem:s0+$0x10];
	v0 =	vmul.f32 $1.442695020e+00, v0  }
0x3e: {  	(erf) = vpow2.f32 v3;
	v6 =	vmul.f32 $1.442695020e+00, v1;
	v1 =	vld [tilespmem:s0+$0xFFFFFFE0];
	v11 =	vadd.f32 v11, v2  }
0x3f: {  	v3 =	vmax.f32 v7, v5;
	v7 =	vmul.f32 $2.000000030e-01, v4;
	(erf) = vpow2.f32 v0;
	v0 =	vld [tilespmem:s19+$0xFFFFFFF0]  }
0x40: {  	v5 =	vadd.f32 v10, v9;
	v13 =	vmul.f32 $1.442695020e+00, v3;
	v3 =	vld [tilespmem:s0+$0xFFFFFFF0]  }
0x41: {  	v2 =	vld [tilespmem:s19+$0x0];
	v10 =	vmul.f32 $2.000000030e-01, v11;
	(erf) = vpow2.f32 v6;
	v6 =	vmax.f32 v4, v7  }
0x42: {  	s1 =	simm.s32 $0x7220;
	v4 =	vld [tilespmem:s0+$0x0];
	v9 =	vmul.f32 $2.000000030e-01, v5;
	(erf) = vpow2.f32 v13;
	v7 =	vadd.f32 v8, v12;
	v63 =	vpop (erf)  }
0x43: {  	s18 =	simm.s32 $0x8;
	v8 =	vmul.f32 $1.442695020e+00, v6;
	v6 =	vld [tilespmem:s19+$0xFFFFFFE0];
	s19 =	simm.s32 $0x52E0;
	v10 =	vmax.f32 v11, v10;
	[tilespmem:s1+$0x10] =	vst v63  }
.LBB2_3:
0x44: {  	v12 =	vmul.f32 $2.000000030e-01, v7  }
0x45: {  	v11 =	vld [tilespmem:s19+$0x10];
	s0 =	sadd.s32 $0x40, s0;
	v16 =	vmax.f32 v5, v9;
	v9 =	vmul.f32 $1.442695020e+00, v10;
	v13 =	vadd.f32 v3, v0  }
0x46: {  	s18 =	sadd.s32 $0x4, s18;
	v10 =	vld [tilespmem:s0+$0x10];
	v14 =	vmul.f32 $1.442695020e+00, v16;
	(erf) = vpow2.f32 v8  }
0x47: {  	p0 =	slt.u32 s18, $0x7C;
	v15 =	vld [tilespmem:s0+$0xFFFFFFE0];
	v3 =	vmax.f32 v7, v12;
	(erf) = vpow2.f32 v9;
	v5 =	vpop (erf);
	v7 =	vmul.f32 $2.000000030e-01, v13  }
.Ltmp0:
0x48: {  	v0 =	vld [tilespmem:s19+$0xFFFFFFF0];
	v12 =	vadd.f32 v4, v2;
	v4 =	vmul.f32 $1.442695020e+00, v3;
	[tilespmem:s1+$0xFFFFFFF0] =	vst v5;
	v2 =	vpop (erf);
	(pc) =	sbr.rel @p0 .LBB2_3-.Ltmp0, $4  }
0x49: {  	v3 =	vld [tilespmem:s0+$0xFFFFFFF0];
	v5 =	vadd.f32 v1, v6;
	(erf) = vpow2.f32 v14;
	[tilespmem:s1+$0x0] =	vst v2  }
0x4a: {  	v2 =	vld [tilespmem:s19+$0x0];
	v14 =	vmax.f32 v13, v7;
	v13 =	vmul.f32 $2.000000030e-01, v12;
	(erf) = vpow2.f32 v4;
	v6 =	vpop (erf)  }
0x4b: {  	v4 =	vld [tilespmem:s0+$0x0];
	v7 =	vadd.f32 v10, v11;
	v9 =	vmul.f32 $2.000000030e-01, v5;
	v8 =	vmul.f32 $1.442695020e+00, v14;
	v1 =	vpop (erf);
	[tilespmem:s1+$0xFFFFFFE0] =	vst v6;
	s1 =	sadd.s32 $0x40, s1  }
0x4c: {  	v6 =	vld [tilespmem:s19+$0xFFFFFFE0];
	s19 =	sadd.s32 $0x40, s19;
	v10 =	vmax.f32 v12, v13;
	[tilespmem:s1+$0x10] =	vst v1;
	v1 =	vmov v15  }
0x4d: {  	_ =	sdelay $0x1  }
0x4e: {  	v11 =	vmul.f32 $2.000000030e-01, v7;
	v5 =	vmax.f32 v5, v9;
	v0 =	vadd.f32 v3, v0  }
0x4f: {  	(erf) = vpow2.f32 v8;
	v3 =	vmul.f32 $1.442695020e+00, v10;
	v2 =	vadd.f32 v4, v2  }
0x50: {  	v5 =	vmul.f32 $1.442695020e+00, v5;
	v4 =	vmul.f32 $2.000000030e-01, v0;
	v1 =	vadd.f32 v1, v6  }
0x51: {  	(erf) = vpow2.f32 v3;
	v6 =	vmax.f32 v7, v11;
	v3 =	vmul.f32 $2.000000030e-01, v2  }
0x52: {  	v6 =	vmul.f32 $1.442695020e+00, v6;
	v0 =	vmax.f32 v0, v4;
	v4 =	vmul.f32 $2.000000030e-01, v1  }
0x53: {  	(erf) = vpow2.f32 v5;
	v0 =	vmul.f32 $1.442695020e+00, v0  }
0x54: {  	v2 =	vmax.f32 v2, v3;
	(erf) = vpow2.f32 v6;
	v1 =	vmax.f32 v1, v4  }
0x55: {  	v2 =	vmul.f32 $1.442695020e+00, v2;
	v1 =	vmul.f32 $1.442695020e+00, v1  }
0x56: {  	(erf) = vpow2.f32 v0  }
0x57: {  	v0 =	vpop (erf);
	(erf) = vpow2.f32 v2  }
0x58: {  	[tilespmem:s1+$0xFFFFFFF0] =	vst v0;
	v0 =	vpop (erf);
	(erf) = vpow2.f32 v1  }
0x59: {  	[tilespmem:s1+$0x0] =	vst v0;
	v1 =	vpop (erf)  }
0x5a: {  	s0 =	sadd.s32 $0x40, s1;
	v0 =	vpop (erf);
	[tilespmem:s1+$0xFFFFFFE0] =	vst v1  }
0x5b: {  	v1 =	vpop (erf);
	[tilespmem:s0+$0x10] =	vst v0  }
0x5c: {  	[tilespmem:s0+$0xFFFFFFF0] =	vst v1;
	v0 =	vpop (erf)  }
0x5d: {  	[tilespmem:s0+$0x0] =	vst v0;
	v0 =	vpop (erf)  }
0x5e: {  	v1 =	vpop (erf);
	[tilespmem:s0+$0xFFFFFFE0] =	vst v0;
	s0 =	sadd.s32 $0x40, s0  }
0x5f: {  	s18 =	sshll.u32 s29, $0xC;
	[tilespmem:s0+$0x10] =	vst v1;
	v0 =	vpop (erf)  }
0x60: {  	s1 =	sadd.s32 s11, s18;
	[tilespmem:s0+$0xFFFFFFF0] =	vst v0;
	v0 =	vpop (erf)  }
0x61: {  	s1 =	sshrl.u32 s1, $0x3;
	[tilespmem:s0+$0x0] =	vst v0;
	v0 =	vpop (erf)  }
0x62: {  	s19 =	sadd.s32 s6, s1;
	[tilespmem:s0+$0xFFFFFFE0] =	vst v0  }
0x63: {  	[hbm4b:s19+s3] =	stream.linear.scatter [tilespmem:s24], [sflag:$0x5], $0x800, $0x38;
	[tilespmem:$0xA180] =	vst v63  }
0x64: {  	s1 =	sshll.u32 s29, $0x8;
	_ =	swait.ge [sflag:s15], $0x800  }
0x65: {  	s0 =	sand.u32 $0x3FFFFF00, s1;
	[sflag:s15] =	ssyncset.done $0x0  }
0x66: {  	s0 =	sadd.s32 $0x2900, s0;
	[sflag:s15] =	ssyncadd.s32 $0xFFFFF800  }
0x67: {  	[spmem:s2] =	stream.indirect.scatter.add.f32 [tilespmem:s24], [sflag:$0x5], $0x10, s0, s17, $0xb8;
	[tilespmem:$0xA180] =	vst v63  }
0x68: {  	p0 =	seq.s32 s29, $0x28;
	_ =	swait.ge [sflag:s15], $0x800  }
0x69: {  	s18 =	simm.s32 @!p0 $0x80;
	s0 =	sshll.u32 @!p0 s29, $0x8;
	[sflag:s15] =	ssyncset.done $0x0  }
0x6a: {  	s19 =	simm.s32 @!p0 $0x5200;
	s1 =	sadd.s32 @!p0 $0x100, s0;
	[sflag:s15] =	ssyncadd.s32 $0xFFFFF800  }
0x6b: {  	[tilespmem:s19], [sflag:$0x1] =	stream.indirect.gather @!p0 [hbm4b:s4+s18], $0x10, s1, s18, $0xb8;
	[tilespmem:$0xA180] =	vst v63  }
0x6c: {  	s0 =	sadd.s32 @!p0 $0x2A00, s0;
	s1 =	simm.s32 @!p0 $0x5A00  }
0x6d: {  	[tilespmem:s1], [sflag:$0x2] =	stream.indirect.gather @!p0 [hbm4b:s5+s18], $0x10, s0, s18, $0xb8;
	[tilespmem:$0xA180] =	vst v63  }
0x6e: {  	_ =	swait.ge [sflag:s25], $0x800  }
0x6f: {  	[sflag:s25] =	ssyncset.done $0x0  }
0x70: {  	[sflag:s25] =	ssyncadd.s32 $0xFFFFF800  }
0x71: {  	_ =	swait.ge [sflag:s26], $0x800  }
0x72: {  	[sflag:s26] =	ssyncset.done $0x0  }
0x73: {  	s18 =	simm.s32 $0x6220;
	[sflag:s26] =	ssyncadd.s32 $0xFFFFF800  }
0x74: {  	s19 =	simm.s32 $0x6A20;
	v0 =	vld [tilespmem:s18+$0x10]  }
0x75: {  	v1 =	vld [tilespmem:s19+$0x10]  }
0x76: {  	v2 =	vld [tilespmem:s19+$0xFFFFFFE0]  }
0x77: {  	v5 =	vld [tilespmem:s18+$0x0]  }
0x78: {  	v6 =	vld [tilespmem:s19+$0x0]  }
0x79: {  	v3 =	vld [tilespmem:s18+$0xFFFFFFF0]  }
0x7a: {  	v4 =	vld [tilespmem:s19+$0xFFFFFFF0];
	s19 =	simm.s32 $0x6A60;
	v0 =	vadd.f32 v1, v0  }
0x7b: {  	v9 =	vld [tilespmem:s19+$0x10]  }
0x7c: {  	v1 =	vld [tilespmem:s18+$0xFFFFFFE0];
	v8 =	vmul.f32 $2.000000030e-01, v0  }
0x7d: {  	s18 =	simm.s32 $0x6260;
	v5 =	vadd.f32 v6, v5;
	v6 =	vld [tilespmem:s19+$0xFFFFFFF0]  }
0x7e: {  	v7 =	vld [tilespmem:s18+$0x10];
	v0 =	vmax.f32 v0, v8  }
0x7f: {  	v3 =	vadd.f32 v4, v3;
	v4 =	vld [tilespmem:s18+$0xFFFFFFF0];
	v0 =	vmul.f32 $1.442695020e+00, v0  }
0x80: {  	v11 =	vld [tilespmem:s19+$0x0]  }
0x81: {  	v8 =	vmul.f32 $2.000000030e-01, v3;
	v1 =	vadd.f32 v2, v1;
	v2 =	vld [tilespmem:s18+$0x0];
	(erf) = vpow2.f32 v0  }
0x82: {  	v10 =	vld [tilespmem:s19+$0xFFFFFFE0];
	v0 =	vmul.f32 $2.000000030e-01, v5  }
0x83: {  	s19 =	simm.s32 $0x62A0;
	v3 =	vmax.f32 v3, v8;
	v7 =	vadd.f32 v9, v7;
	v9 =	vld [tilespmem:s18+$0xFFFFFFE0];
	v8 =	vmul.f32 $2.000000030e-01, v1  }
0x84: {  	s0 =	simm.s32 $0x6AA0;
	v12 =	vld [tilespmem:s19+$0x10];
	v4 =	vadd.f32 v6, v4;
	v3 =	vmul.f32 $1.442695020e+00, v3;
	v0 =	vmax.f32 v5, v0  }
0x85: {  	v5 =	vmul.f32 $2.000000030e-01, v7;
	v1 =	vmax.f32 v1, v8;
	v8 =	vld [tilespmem:s0+$0x10];
	v0 =	vmul.f32 $1.442695020e+00, v0  }
0x86: {  	(erf) = vpow2.f32 v3;
	v6 =	vmul.f32 $1.442695020e+00, v1;
	v1 =	vld [tilespmem:s0+$0xFFFFFFE0];
	v11 =	vadd.f32 v11, v2  }
0x87: {  	v3 =	vmax.f32 v7, v5;
	v7 =	vmul.f32 $2.000000030e-01, v4;
	(erf) = vpow2.f32 v0;
	v0 =	vld [tilespmem:s19+$0xFFFFFFF0]  }
0x88: {  	v5 =	vadd.f32 v10, v9;
	v13 =	vmul.f32 $1.442695020e+00, v3;
	v3 =	vld [tilespmem:s0+$0xFFFFFFF0]  }
0x89: {  	v2 =	vld [tilespmem:s19+$0x0];
	v10 =	vmul.f32 $2.000000030e-01, v11;
	(erf) = vpow2.f32 v6;
	v6 =	vmax.f32 v4, v7  }
0x8a: {  	s1 =	simm.s32 $0x7220;
	v4 =	vld [tilespmem:s0+$0x0];
	v9 =	vmul.f32 $2.000000030e-01, v5;
	(erf) = vpow2.f32 v13;
	v7 =	vadd.f32 v8, v12;
	v63 =	vpop (erf)  }
0x8b: {  	s18 =	simm.s32 $0x8;
	v8 =	vmul.f32 $1.442695020e+00, v6;
	v6 =	vld [tilespmem:s19+$0xFFFFFFE0];
	s19 =	simm.s32 $0x62E0;
	v10 =	vmax.f32 v11, v10;
	[tilespmem:s1+$0x10] =	vst v63  }
.LBB2_5:
0x8c: {  	v12 =	vmul.f32 $2.000000030e-01, v7  }
0x8d: {  	v11 =	vld [tilespmem:s19+$0x10];
	s0 =	sadd.s32 $0x40, s0;
	v16 =	vmax.f32 v5, v9;
	v9 =	vmul.f32 $1.442695020e+00, v10;
	v13 =	vadd.f32 v3, v0  }
0x8e: {  	s18 =	sadd.s32 $0x4, s18;
	v10 =	vld [tilespmem:s0+$0x10];
	v14 =	vmul.f32 $1.442695020e+00, v16;
	(erf) = vpow2.f32 v8  }
0x8f: {  	p0 =	slt.u32 s18, $0x7C;
	v15 =	vld [tilespmem:s0+$0xFFFFFFE0];
	v3 =	vmax.f32 v7, v12;
	(erf) = vpow2.f32 v9;
	v5 =	vpop (erf);
	v7 =	vmul.f32 $2.000000030e-01, v13  }
.Ltmp1:
0x90: {  	v0 =	vld [tilespmem:s19+$0xFFFFFFF0];
	v12 =	vadd.f32 v4, v2;
	v4 =	vmul.f32 $1.442695020e+00, v3;
	[tilespmem:s1+$0xFFFFFFF0] =	vst v5;
	v2 =	vpop (erf);
	(pc) =	sbr.rel @p0 .LBB2_5-.Ltmp1, $4  }
0x91: {  	v3 =	vld [tilespmem:s0+$0xFFFFFFF0];
	v5 =	vadd.f32 v1, v6;
	(erf) = vpow2.f32 v14;
	[tilespmem:s1+$0x0] =	vst v2  }
0x92: {  	v2 =	vld [tilespmem:s19+$0x0];
	v14 =	vmax.f32 v13, v7;
	v13 =	vmul.f32 $2.000000030e-01, v12;
	(erf) = vpow2.f32 v4;
	v6 =	vpop (erf)  }
0x93: {  	v4 =	vld [tilespmem:s0+$0x0];
	v7 =	vadd.f32 v10, v11;
	v9 =	vmul.f32 $2.000000030e-01, v5;
	v8 =	vmul.f32 $1.442695020e+00, v14;
	v1 =	vpop (erf);
	[tilespmem:s1+$0xFFFFFFE0] =	vst v6;
	s1 =	sadd.s32 $0x40, s1  }
0x94: {  	v6 =	vld [tilespmem:s19+$0xFFFFFFE0];
	s19 =	sadd.s32 $0x40, s19;
	v10 =	vmax.f32 v12, v13;
	[tilespmem:s1+$0x10] =	vst v1;
	v1 =	vmov v15  }
0x95: {  	_ =	sdelay $0x1  }
0x96: {  	v11 =	vmul.f32 $2.000000030e-01, v7;
	v5 =	vmax.f32 v5, v9;
	v0 =	vadd.f32 v3, v0  }
0x97: {  	v48 =	vmul.f32 $1.442695020e+00, v10;
	(erf) = vpow2.f32 v8;
	v2 =	vadd.f32 v4, v2  }
0x98: {  	v5 =	vmul.f32 $1.442695020e+00, v5;
	v49 =	vmul.f32 $2.000000030e-01, v0;
	v1 =	vadd.f32 v1, v6  }
0x99: {  	v50 =	vmax.f32 v7, v11;
	(erf) = vpow2.f32 v48;
	v51 =	vmul.f32 $2.000000030e-01, v2  }
0x9a: {  	v6 =	vmul.f32 $1.442695020e+00, v50;
	v0 =	vmax.f32 v0, v49;
	v52 =	vmul.f32 $2.000000030e-01, v1  }
0x9b: {  	(erf) = vpow2.f32 v5;
	v0 =	vmul.f32 $1.442695020e+00, v0;
	v2 =	vmax.f32 v2, v51  }
0x9c: {  	(erf) = vpow2.f32 v6;
	v1 =	vmax.f32 v1, v52;
	v2 =	vmul.f32 $1.442695020e+00, v2  }
0x9d: {  	(erf) = vpow2.f32 v0;
	v1 =	vmul.f32 $1.442695020e+00, v1  }
0x9e: {  	v53 =	vpop (erf);
	(erf) = vpow2.f32 v2  }
0x9f: {  	[tilespmem:s1+$0xFFFFFFF0] =	vst v53;
	v54 =	vpop (erf);
	(erf) = vpow2.f32 v1  }
0xa0: {  	[tilespmem:s1+$0x0] =	vst v54;
	v55 =	vpop (erf)  }
0xa1: {  	s0 =	sadd.s32 $0x40, s1;
	v56 =	vpop (erf);
	[tilespmem:s1+$0xFFFFFFE0] =	vst v55  }
0xa2: {  	[tilespmem:s0+$0x10] =	vst v56;
	v57 =	vpop (erf)  }
0xa3: {  	[tilespmem:s0+$0xFFFFFFF0] =	vst v57;
	v58 =	vpop (erf)  }
0xa4: {  	[tilespmem:s0+$0x0] =	vst v58;
	v59 =	vpop (erf)  }
0xa5: {  	[tilespmem:s0+$0xFFFFFFE0] =	vst v59;
	s0 =	sadd.s32 $0x40, s0;
	v60 =	vpop (erf)  }
0xa6: {  	s19 =	sshll.u32 s31, $0xB;
	[tilespmem:s0+$0x10] =	vst v60;
	v61 =	vpop (erf)  }
0xa7: {  	s1 =	sadd.s32 s11, s19;
	[tilespmem:s0+$0xFFFFFFF0] =	vst v61;
	v62 =	vpop (erf)  }
0xa8: {  	s1 =	sshrl.u32 s1, $0x3;
	[tilespmem:s0+$0x0] =	vst v62;
	v63 =	vpop (erf)  }
0xa9: {  	s31 =	sadd.s32 s6, s1;
	[tilespmem:s0+$0xFFFFFFE0] =	vst v63  }
0xaa: {  	[hbm4b:s31+s3] =	stream.linear.scatter [tilespmem:s24], [sflag:$0x5], $0x800, $0x38;
	[tilespmem:$0xA180] =	vst v63  }
0xab: {  	s29 =	sadd.s32 $0x1, s29;
	_ =	swait.ge [sflag:s15], $0x800  }
0xac: {  	p0 =	sne.s32 s29, $0x29;
	[sflag:s15] =	ssyncset.done $0x0  }
.Ltmp2:
0xad: {  	[sflag:s15] =	ssyncadd.s32 $0xFFFFF800;
	(pc) =	sbr.rel @p0 .LBB2_2-.Ltmp2, $4  }
0xae: {  	[spmem:s2] =	stream.indirect.scatter.add.f32 [tilespmem:s24], [sflag:$0x5], $0x10, s30, s17, $0xb8;
	[tilespmem:$0xA180] =	vst v63  }
0xaf: {  	_ =	swait.ge [sflag:s15], $0x800  }
0xb0: {  	[sflag:s15] =	ssyncset.done $0x0  }
0xb1: {  	[sflag:s15] =	ssyncadd.s32 $0xFFFFF800  }
0xb2: {  	s28 =	sadd.s32 $0x1, s28  }
0xb3: {  	p0 =	sne.s32 s28, s13  }
.Ltmp3:
0xb4: {  	[bflag:$0x0] =	sbarrier.arrive $0xFFFF;
	(pc) =	sbr.rel @p0 .LBB2_1-.Ltmp3, $4  }
0xb5: {  	[hbm:s12], [sflag:s8] =	dma.local [spmem:s14], $0x4F0  }
0xb6: {  	_ =	swait.ge [sflag:s15], $0x4F0  }
0xb7: {  	[sflag:s15] =	ssyncset.done $0x0  }
0xb8: {  	[sflag:s15] =	ssyncadd.s32 $0xFFFFFB10  }
0xb9: {  	_ =	sfence.sel $0x180000  }
0xba: {  	[bflag:$0x0] =	sbarrier.arrive $0xFFFF  }
0xbb: {  	_ =	strace $0x90000047  }
0xbc: {  	s0 =	stileid.u32;
	[bflag:$0x2] =	sbarrier.arrive $0xFFFF  }
0xbd: {  	p0 =	sne.s32 s0, $0x0;
	s0 =	rddreg [dreg:$0x2]  }
0xbe: {  	s0 =	sadd.s32 @!p0 $0x100000, s0  }
0xbf: {  	[sflag:s0] =	ssyncadd.tile.s32 @!p0 $0x1;
	_ =	shalt  }
.Lfunc_end2:
_tile_overlayer_lowered:
.L_overlay_start_2:
0xc0: {  	(tag) =	ssettag $0x2  }
0xc1: {  	s0 =	rddreg [dreg:$0x0];
	s2 =	stileid.u32  }
0xc2: {  	s1 =	rddreg [dreg:$0x1];
	p0 =	sne.s32 s2, $0x0  }
0xc3: {  	s3 =	rddreg [dreg:$0x2];
	[bflag:$0x3] =	sbarrier.arrive $0xFFFF;
	s2 =	simm.s32 @!p0 $0x1C05  }
0xc4: {  	[timem:s3], [sflag:s2] =	dma.local @!p0 [hbm:s0], s1  }
0xc5: {  	s0 =	simm.s32 @!p0 $0x5  }
0xc6: {  	_ =	swait.ge @!p0 [sflag:s0], s1  }
0xc7: {  	s1 =	ssub.s32 @!p0 $0x0, s1;
	[sflag:s0] =	ssyncset.done @!p0 $0x0  }
0xc8: {  	[sflag:s0] =	ssyncadd.s32 @!p0 s1  }
0xc9: {  	[bflag:$0x3] =	sbarrier.arrive $0xFFFF  }
0xca: {  	_ =	shalt  }

// kernel: kernel.14.cloned.1.call-start
scs
__scs_entry_jumppad:
0x0: {  	(pc) =	sbr.rel $0x88, $3  }
0x1: {  	(tag) =	ssettag $0x0;
	lr =	simm.s32 $0x1  }
0x2: {  	[smem:$0x3F92] =	sst lr;
	_ =	strace $0xD0000000  }
0x3: {  	_ = 	snop  }
0x4: {  	_ = 	snop  }
0x5: {  	_ = 	snop  }
0x6: {  	_ = 	snop  }
0x7: {  	_ = 	snop  }
__scs_overlays_trampoline_lowered:
0x8: {  	[smem:$0x3FA1] =	sst s0  }
0x9: {  	[smem:$0x3FA2] =	sst s1  }
0xa: {  	[smem:$0x3FA3] =	sst s2  }
0xb: {  	[smem:$0x3FA4] =	sst s3  }
0xc: {  	[smem:$0x3FA5] =	sst s4  }
0xd: {  	[smem:$0x3FA6] =	sst s5  }
0xe: {  	[smem:$0x3FA7] =	sst s6  }
0xf: {  	[smem:$0x3FA8] =	sst s7  }
0x10: {  	[smem:$0x3FA9] =	sst s8  }
0x11: {  	[smem:$0x3FAA] =	sst s9;
	s0 =	simm.s32 @!p0 $0x0  }
0x12: {  	s1 =	sld [smem:$0x3F90];
	s0 =	simm.s32 @p0 $0x1  }
0x13: {  	[smem:$0x3FAB] =	sst s0;
	s0 =	simm.s32 @!p1 $0x0  }
0x14: {  	s2 =	sld [smem:$0x3F8F];
	s0 =	simm.s32 @p1 $0x1  }
0x15: {  	[smem:$0x3FAC] =	sst s0;
	s0 =	simm.s32 @!p2 $0x0  }
0x16: {  	s3 =	sld [smem:$0x3FDB];
	s0 =	simm.s32 @p2 $0x1  }
0x17: {  	s4 =	simm.s32 $0x1BF5;
	[smem:$0x3FAE] =	sst s0  }
0x18: {  	s0 =	sld [smem:$0x3F91];
	_ =	swait.ge [sflag:s4], $0x0  }
0x19: {  	s7 =	sld [smem:$0x3F92]  }
0x1a: {  	s8 =	sadd.s32 $0xFFFFE003, lr  }
0x1b: {  	s9 =	sadd.s32 $0xFFFFFEF7, lr;
	s5 =	simm.s32 $0xFFFFFFFF;
	p2 =	slt.u32 s8, $0xFFFFF086  }
0x1c: {  	p1 =	slt.u32 s9, $0xF7A;
	s5 =	simm.s32 @!p2 $0x0  }
0x1d: {  	s5 =	simm.s32 @p1 $0x1;
	p0 =	seq.s32 s7, s2  }
0x1e: {  	s7 =	smul.u32 @!p0 $0xF7A, s2;
	p2 =	seq.s32 @!p0 s5, $0x0  }
0x1f: {  	s9 =	smul.u32 $0xF7A, s1;
	s8 =	simm.s32 @!p0 $0x1BF5;
	p2 =	por !p2, p0  }
0x20: {  	[sflag:s8] =	ssyncset.s32 @!p0 $0xFFFFF086;
	s6 =	sadd.s32 @!p0 s3, s7;
	s7 =	simm.s32 @!p0 $0x108  }
0x21: {  	s3 =	sadd.s32 s3, s9;
	s6 =	sadd.s32 @!p0 $0x88, s6;
	s7 =	simm.s32 @p2 $0x1082  }
0x22: {  	[simem:s7], [sflag:s8] =	dma.local @!p0 [hbm:s6], $0xF7A  }
0x23: {  	s9 =	sor.u32 $0xD0000000, s2;
	s6 =	simm.s32 $0x108;
	_ =	swait.ge @!p0 [sflag:s8], $0x0  }
0x24: {  	s3 =	sadd.s32 $0x88, s3;
	s6 =	simm.s32 @!p1 $0x1082;
	[sflag:s4] =	ssyncset.s32 $0xFFFFF086  }
0x25: {  	[simem:s6], [sflag:s4] =	dma.local [hbm:s3], $0xF7A  }
0x26: {  	[smem:$0x3F92] =	sst s1;
	(tag) =	ssettag s2;
	_ =	strace s9  }
0x27: {  	s1 =	sld [smem:$0x3FA2]  }
0x28: {  	s2 =	sld [smem:$0x3FA3]  }
0x29: {  	s4 =	sld [smem:$0x3FA5]  }
0x2a: {  	p0 =	seq.s32 s5, $0x0;
	s5 =	sld [smem:$0x3FA6]  }
0x2b: {  	s6 =	sld [smem:$0x3FA7]  }
0x2c: {  	s7 =	sld [smem:$0x3FA8]  }
0x2d: {  	s3 =	simm.s32 $0x108;
	s8 =	sld [smem:$0x3FA9]  }
0x2e: {  	s3 =	simm.s32 @!p0 $0x1082;
	s9 =	sld [smem:$0x3FAA]  }
0x2f: {  	lr =	sadd.s32 s0, s3;
	s0 =	sld [smem:$0x3FA1]  }
0x30: {  	s3 =	sld [smem:$0x3FA4]  }
0x31: {  	[smem:$0x3FAD] =	sst s10  }
0x32: {  	s10 =	sld [smem:$0x3FAB];
	_ =	sdelay $0x3  }
0x33: {  	p0 =	seq.s32 s10, $0x1;
	s10 =	sld [smem:$0x3FAD];
	_ =	sdelay $0x3  }
0x34: {  	[smem:$0x3FAD] =	sst s10  }
0x35: {  	s10 =	sld [smem:$0x3FAC];
	_ =	sdelay $0x3  }
0x36: {  	p1 =	seq.s32 s10, $0x1;
	s10 =	sld [smem:$0x3FAD];
	_ =	sdelay $0x3  }
0x37: {  	[smem:$0x3FAD] =	sst s10  }
0x38: {  	s10 =	sld [smem:$0x3FAE]  }
0x39: {  	_ = 	snop;
	(pc) =	sbr.ind lr, $3  }
0x3a: {  	_ = 	snop  }
0x3b: {  	_ = 	snop  }
0x3c: {  	p2 =	seq.s32 s10, $0x1;
	s10 =	sld [smem:$0x3FAD]  }
0x3d: {  	_ =	shalt  }
0x3e: {  	_ =	shalt  }
0x3f: {  	_ =	shalt  }
0x40: {  	_ =	shalt  }
0x41: {  	_ =	shalt  }
0x42: {  	_ =	shalt  }
0x43: {  	_ =	shalt  }
0x44: {  	_ =	shalt  }
0x45: {  	_ =	shalt  }
0x46: {  	_ =	shalt  }
0x47: {  	_ =	shalt  }
0x48: {  	_ =	shalt  }
0x49: {  	_ =	shalt  }
0x4a: {  	_ =	shalt  }
0x4b: {  	_ =	shalt  }
0x4c: {  	_ =	shalt  }
0x4d: {  	_ =	shalt  }
0x4e: {  	_ =	shalt  }
0x4f: {  	_ =	shalt  }
0x50: {  	_ =	shalt  }
0x51: {  	_ =	shalt  }
0x52: {  	_ =	shalt  }
0x53: {  	_ =	shalt  }
0x54: {  	_ =	shalt  }
0x55: {  	_ =	shalt  }
0x56: {  	_ =	shalt  }
0x57: {  	_ =	shalt  }
0x58: {  	_ =	shalt  }
0x59: {  	_ =	shalt  }
0x5a: {  	_ =	shalt  }
0x5b: {  	_ =	shalt  }
0x5c: {  	_ =	shalt  }
0x5d: {  	_ =	shalt  }
0x5e: {  	_ =	shalt  }
0x5f: {  	_ =	shalt  }
0x60: {  	_ =	shalt  }
0x61: {  	_ =	shalt  }
0x62: {  	_ =	shalt  }
0x63: {  	_ =	shalt  }
0x64: {  	_ =	shalt  }
0x65: {  	_ =	shalt  }
0x66: {  	_ =	shalt  }
0x67: {  	_ =	shalt  }
0x68: {  	_ =	shalt  }
0x69: {  	_ =	shalt  }
0x6a: {  	_ =	shalt  }
0x6b: {  	_ =	shalt  }
0x6c: {  	_ =	shalt  }
0x6d: {  	_ =	shalt  }
0x6e: {  	_ =	shalt  }
0x6f: {  	_ =	shalt  }
0x70: {  	_ =	shalt  }
0x71: {  	_ =	shalt  }
0x72: {  	_ =	shalt  }
0x73: {  	_ =	shalt  }
0x74: {  	_ =	shalt  }
0x75: {  	_ =	shalt  }
0x76: {  	_ =	shalt  }
0x77: {  	_ =	shalt  }
0x78: {  	_ =	shalt  }
0x79: {  	_ =	shalt  }
0x7a: {  	_ =	shalt  }
0x7b: {  	_ =	shalt  }
0x7c: {  	_ =	shalt  }
0x7d: {  	_ =	shalt  }
0x7e: {  	_ =	shalt  }
0x7f: {  	_ =	shalt  }
0x80: {  	_ =	shalt  }
0x81: {  	_ =	shalt  }
0x82: {  	_ =	shalt  }
0x83: {  	_ =	shalt  }
0x84: {  	_ =	shalt  }
0x85: {  	_ =	shalt  }
0x86: {  	_ =	shalt  }
0x87: {  	_ =	shalt  }
.Lfunc_end0:
.L_simem_size_0:
called_computation.1_lowered:
.L_overlay_start_0:
0x88: {  	s2 =	sld [smem:$0x3FD9]  }
0x89: {  	s3 =	sld [smem:$0x3FFE];
	_ =	sdelay $0x1  }
0x8a: {  	s1 =	srdreg.scid  }
0x8b: {  	s0 =	sand.u32 $0x1, s1  }
0x8c: {  	s16 =	sshll.u32 s0, $0xA;
	s2 =	sadd.s32 s3, s2  }
0x8d: {  	s2 =	sadd.s32 s2, s16  }
0x8e: {  	[smem:$0x3FB9] =	sst s2  }
0x8f: {  	_ = 	snop  }
0x90: {  	(tm) =	ssettm $0x1  }
0x91: {  	s17 =	sld [smem:$0x3FFB];
	_ =	sdelay $0x3  }
0x92: {  	_ =	strace s17  }
0x93: {  	s2 =	sld [smem:$0x3FFC];
	_ =	sdelay $0x3  }
0x94: {  	_ =	strace s2  }
0x95: {  	s2 =	sld [smem:$0x3FFD];
	_ =	sdelay $0x3  }
0x96: {  	_ =	strace s2  }
0x97: {  	_ =	strace $0x8FFFFFFF  }
0x98: {  	s18 =	sld [smem:$0x3FDB];
	_ =	sdelay $0x1  }
0x99: {  	s19 =	simm.s32 $_scs_section_size  }
0x9a: {  	s4 =	simm.s32 $_size__tile_overlayer_lowered;
	s5 =	simm.s32 $_tile_overlayer_lowered  }
0x9b: {  	s22 =	simm.s32 $0x1BFF;
	s21 =	sshll.u32 s5, $0x1;
	s2 =	sadd.s32 s19, s18  }
0x9c: {  	s6 =	simm.s32 $0x0;
	s20 =	sshll.u32 s4, $0x1;
	s4 =	sadd.s32 s21, s2  }
0x9d: {  	[timem:s6], [sflag:s22] =	dma.local [hbm:s4], s20  }
0x9e: {  	_ =	swait.ge [sflag:s22], s20  }
0x9f: {  	s3 =	ssub.s32 $0x0, s20;
	[sflag:s22] =	ssyncset.done $0x0  }
0xa0: {  	[sflag:s22] =	ssyncadd.s32 s3;
	_ =	sdelay $0x1  }
0xa1: {  	s23 =	simm.s32 $0x1B8B  }
0xa2: {  	_ =	swait.ge [sflag:s23], $0x1  }
0xa3: {  	[sflag:s23] =	ssyncset.done $0x0  }
0xa4: {  	s25 =	simm.s32 $0x1B8E;
	s24 =	sld [smem:$0x3FFE];
	[sflag:s23] =	ssyncadd.s32 $0xFFFFFFFF  }
0xa5: {  	s26 =	simm.s32 $execute0_lowered;
	[smem:$0x3FD2] =	sst s25  }
0xa6: {  	s4 =	sshll.u32 s26, $0x1;
	_ =	strace $0x80000049;
	[dreg:$0x1] =	wrdreg $0xFFFFFFFF  }
0xa7: {  	s28 =	simm.s32 $_size_execute0_lowered;
	s2 =	sadd.s32 s2, s4;
	[dreg:$0x0] =	wrdreg $0x0  }
0xa8: {  	s4 =	sshll.u32 s28, $0x1;
	[dreg:$0x2] =	wrdreg s2  }
0xa9: {  	[dreg:$0x3] =	wrdreg s4  }
0xaa: {  	[dreg:$0x4] =	wrdreg $0xC0  }
0xab: {  	_ =	task [dreg:s6], $0x5FFFF  }
0xac: {  	[dreg:$0x1] =	wrdreg $0xFFFFFFFF  }
0xad: {  	[dreg:$0x0] =	wrdreg $0x60  }
0xae: {  	[dreg:$0x2] =	wrdreg s24  }
0xaf: {  	[dreg:$0x3] =	wrdreg $0xC3000  }
0xb0: {  	[dreg:$0x4] =	wrdreg $0x9  }
0xb1: {  	_ =	task.clear_ibuf [dreg:s6], $0x5FFFF;
	_ =	strace $0x90000049  }
0xb2: {  	s29 =	simm.s32 $0x9;
	_ =	strace $0x8000004B  }
0xb3: {  	_ =	swait.ge [sflag:s29], $0x1  }
0xb4: {  	[sflag:s29] =	ssyncadd.s32 $0xFFFFFFFF  }
0xb5: {  	_ =	strace $0x9000004B  }
0xb6: {  	_ =	sfence  }
0xb7: {  	s30 =	sld [smem:$0x0];
	_ =	sdelay $0x2  }
0xb8: {  	s31 =	sshll.u32 s1, $0xD;
	s1 =	sshrl.u32 s1, $0x2  }
0xb9: {  	s3 =	sand.u32 $0x4000, s31;
	s1 =	sadd.s32 s1, s30  }
0xba: {  	s0 =	sor.u32 s3, s0;
	s1 =	sshll.u32 s1, $0x11  }
0xbb: {  	s0 =	sor.u32 s1, s0  }
0xbc: {  	s0 =	sadd.s32 $0x8F2B, s0  }
0xbd: {  	[sflag:s0] =	ssyncadd.remote.s32 $0x1  }
0xbe: {  	_ =	sfence.sel $0xFFFF  }
0xbf: {  	[dreg:$0x0] =	wrdreg $0xFFFFFFFF;
	(pc) =	sbr.abs _section_cstart, $3  }
0xc0: {  	[dreg:$0x1] =	wrdreg $0xFFFFFFFF  }
0xc1: {  	_ =	task.clear_ibuf [dreg:s6], $0x2FFFF;
	_ =	strace $0x9FFFFFFF  }
0xc2: {  	(tm) =	ssettm $0x7FFFFFFF  }
0xc3: {  	_ =	shalt  }
tec
execute0_lowered:
.L_overlay_start_1:
0x0: {  	(tag) =	ssettag $0x1  }
0x1: {  	s0 =	srdreg.scid;
	s1 =	rddreg [dreg:$0x0]  }
0x2: {  	s13 =	stileid.u32;
	s2 =	rddreg [dreg:$0x1];
	s14 =	simm.s32 $0x5  }
0x3: {  	s15 =	simm.s32 $0x80;
	s17 =	simm.s32 $0x3B00;
	s18 =	simm.s32 $0x2980  }
0x4: {  	s20 =	simm.s32 $0x2A00;
	s21 =	simm.s32 $0x8300;
	s22 =	simm.s32 $0x2A80  }
0x5: {  	s23 =	simm.s32 $0x7B00;
	s24 =	simm.s32 $0x2B00;
	s28 =	simm.s32 $0x4  }
0x6: {  	s29 =	simm.s32 $0x3;
	s30 =	simm.s32 $0x0;
	s0 =	sand.u32 $0x1, s0  }
0x7: {  	s8 =	smul.u32 $0x13C00, s13;
	s5 =	sadd.s32 $0x57600, s1;
	s6 =	sadd.s32 $0x4D800, s1  }
0x8: {  	s25 =	sshll.u32 s13, $0x6;
	s3 =	sshll.u32 s0, $0x4;
	s10 =	smul.u32 $0x13C000, s0  }
0x9: {  	s0 =	ssub.s32 $0x2, s0;
	s7 =	sor.u32 s13, s3;
	s3 =	simm.s32 $0x0  }
0xa: {  	s11 =	sshrl.u32 s8, $0x3;
	s12 =	sshrl.u32 s0, $0x1;
	s26 =	sadd.s32 s8, s2  }
0xb: {  	s4 =	smul.u32 $0x520, s7;
	[smem:$0x7FF] =	sst s3;
	s10 =	sadd.s32 s8, s10  }
0xc: {  	s11 =	sadd.s32 s11, s1;
	s0 =	ssub.s32 s0, s12;
	s8 =	sor.u32 $0x1C05, s25  }
0xd: {  	s13 =	sshrl.u32 s26, $0x3;
	s25 =	simm.s32 $0x2;
	s26 =	simm.s32 $0x1  }
0xe: {  	_ =	strace $0x8000004A;
	s10 =	sshrl.u32 s10, $0x3;
	s31 =	sadd.s32 $0x105A00, s11  }
0xf: {  	v0 =	vimm.s32 $0x0;
	v1 =	vimm.s32 $0x1;
	s12 =	smax.u32 s0, $0x1;
	s9 =	sadd.s32 s4, s1;
	s4 =	sadd.s32 $0x17000, s1  }
0x10: {  	v2 =	vimm.s32 $0x2;
	v3 =	vimm.s32 $0x3;
	v4 =	vimm.s32 $0x4;
	s1 =	sadd.s32 s10, s1;
	[dreg:$0x3] =	wrdreg s31;
	s9 =	sadd.s32 $0xFB600, s9  }
0x11: {  	v5 =	vimm.s32 $0x5;
	v6 =	vimm.s32 $0x6;
	v7 =	vimm.s32 $0x7;
	s10 =	smul.u32 $0x29000, s7;
	s11 =	sadd.s32 $0x12D200, s1;
	[dreg:$0x4] =	wrdreg s9  }
.LBB2_1:
0x12: {  	s0 =	rddreg [dreg:$0x3]  }
0x13: {  	[spmem:s13], [sflag:s8] =	dma.local [hbm:s0], $0x2780  }
0x14: {  	_ =	swait.ge [sflag:s14], $0x2780  }
0x15: {  	[sflag:s14] =	ssyncset.done $0x0  }
0x16: {  	[sflag:s14] =	ssyncadd.s32 $0xFFFFD880  }
0x17: {  	[bflag:$0x0] =	sbarrier.arrive $0xFFFF  }
0x18: {  	s9 =	rddreg [dreg:$0x4]  }
0x19: {  	[tilespmem:s3], [sflag:$0x5] =	stream.linear.gather [hbm4b:s9+s3], $0x2900, $0x38;
	[tilespmem:$0x1FF00] =	vst v63  }
0x1a: {  	_ =	swait.ge [sflag:s14], $0x2900  }
0x1b: {  	[sflag:s14] =	ssyncset.done $0x0  }
0x1c: {  	[sflag:s14] =	ssyncadd.s32 $0xFFFFD700  }
0x1d: {  	v8 =	vld [tilespmem:$0x0];
	_ =	sdelay $0x1  }
0x1e: {  	v9 =	vld [tilespmem:$0x10];
	_ =	sdelay $0x1  }
0x1f: {  	v10 =	vld [tilespmem:$0x20]  }
0x20: {  	v11 =	vand.u32 $0x3FFF, v8  }
0x21: {  	v59 =	vld [tilespmem:$0x30];
	v8 =	vshrl.u32 v8, $0xE;
	[tilespmem:$0x2900] =	vst v11  }
0x22: {  	[tilespmem:$0x2980] =	vst v8;
	v8 =	vand.u32 $0x3FFF, v9  }
0x23: {  	v60 =	vld [tilespmem:$0x40];
	[tilespmem:$0x2910] =	vst v8;
	v8 =	vshrl.u32 v9, $0xE  }
0x24: {  	[tilespmem:$0x2990] =	vst v8;
	v8 =	vand.u32 $0x3FFF, v10  }
0x25: {  	v61 =	vld [tilespmem:$0x50];
	[tilespmem:$0x2920] =	vst v8;
	v8 =	vshrl.u32 v10, $0xE  }
0x26: {  	[tilespmem:$0x29A0] =	vst v8;
	v8 =	vand.u32 $0x3FFF, v59  }
0x27: {  	v62 =	vld [tilespmem:$0x60];
	[tilespmem:$0x2930] =	vst v8;
	v8 =	vshrl.u32 v59, $0xE  }
0x28: {  	[tilespmem:$0x29B0] =	vst v8;
	v8 =	vand.u32 $0x3FFF, v60  }
0x29: {  	v63 =	vld [tilespmem:$0x70];
	[tilespmem:$0x2940] =	vst v8;
	v8 =	vshrl.u32 v60, $0xE  }
0x2a: {  	[tilespmem:$0x29C0] =	vst v8;
	v8 =	vand.u32 $0x3FFF, v61  }
0x2b: {  	[tilespmem:$0x2950] =	vst v8;
	v8 =	vshrl.u32 v61, $0xE  }
0x2c: {  	[tilespmem:$0x29D0] =	vst v8;
	v8 =	vand.u32 $0x3FFF, v62  }
0x2d: {  	[tilespmem:$0x2960] =	vst v8;
	v8 =	vshrl.u32 v62, $0xE  }
0x2e: {  	[tilespmem:$0x29E0] =	vst v8;
	v8 =	vand.u32 $0x3FFF, v63  }
0x2f: {  	[tilespmem:$0x2970] =	vst v8;
	v8 =	vshrl.u32 v63, $0xE  }
0x30: {  	s16 =	simm.s32 $0x2900;
	[tilespmem:$0x29F0] =	vst v8  }
0x31: {  	[tilespmem:s17], [sflag:$0x1] =	stream.indirect.gather [hbm4b:s4+s15], $0x80, s16, s15, $0xb8;
	[tilespmem:$0x1FF00] =	vst v63  }
0x32: {  	s19 =	simm.s32 $0x3300;
	s31 =	simm.s32 $0x0  }
0x33: {  	[tilespmem:s19], [sflag:$0x2] =	stream.indirect.gather [hbm4b:s6+s15], $0x10, s18, s15, $0xb8;
	[tilespmem:$0x1FF00] =	vst v63  }
.LBB2_2:
0x34: {  	s1 =	sshllo.u32 s31, $0x1  }
0x35: {  	s0 =	sshll.u32 s1, $0x7  }
0x36: {  	s0 =	sand.u32 $0x3FFFFF80, s0  }
0x37: {  	v8 =	vld [tilespmem:s0+$0x0];
	_ =	sdelay $0x4  }
0x38: {  	v9 =	vand.u32 $0x3FFF, v8  }
0x39: {  	v8 =	vshrl.u32 v8, $0xE;
	[tilespmem:$0x2A00] =	vst v9  }
0x3a: {  	[tilespmem:$0x2A80] =	vst v8  }
0x3b: {  	v8 =	vld [tilespmem:s0+$0x10];
	_ =	sdelay $0x4  }
0x3c: {  	v9 =	vand.u32 $0x3FFF, v8  }
0x3d: {  	v8 =	vshrl.u32 v8, $0xE;
	[tilespmem:$0x2A10] =	vst v9  }
0x3e: {  	[tilespmem:$0x2A90] =	vst v8  }
0x3f: {  	v8 =	vld [tilespmem:s0+$0x20];
	_ =	sdelay $0x4  }
0x40: {  	v9 =	vand.u32 $0x3FFF, v8  }
0x41: {  	v8 =	vshrl.u32 v8, $0xE;
	[tilespmem:$0x2A20] =	vst v9  }
0x42: {  	[tilespmem:$0x2AA0] =	vst v8  }
0x43: {  	v8 =	vld [tilespmem:s0+$0x30];
	_ =	sdelay $0x4  }
0x44: {  	v9 =	vand.u32 $0x3FFF, v8  }
0x45: {  	v8 =	vshrl.u32 v8, $0xE;
	[tilespmem:$0x2A30] =	vst v9  }
0x46: {  	[tilespmem:$0x2AB0] =	vst v8  }
0x47: {  	v8 =	vld [tilespmem:s0+$0x40];
	_ =	sdelay $0x4  }
0x48: {  	v9 =	vand.u32 $0x3FFF, v8  }
0x49: {  	v8 =	vshrl.u32 v8, $0xE;
	[tilespmem:$0x2A40] =	vst v9  }
0x4a: {  	[tilespmem:$0x2AC0] =	vst v8  }
0x4b: {  	v8 =	vld [tilespmem:s0+$0x50];
	_ =	sdelay $0x4  }
0x4c: {  	v9 =	vand.u32 $0x3FFF, v8  }
0x4d: {  	v8 =	vshrl.u32 v8, $0xE;
	[tilespmem:$0x2A50] =	vst v9  }
0x4e: {  	[tilespmem:$0x2AD0] =	vst v8  }
0x4f: {  	v8 =	vld [tilespmem:s0+$0x60];
	_ =	sdelay $0x4  }
0x50: {  	v9 =	vand.u32 $0x3FFF, v8  }
0x51: {  	v8 =	vshrl.u32 v8, $0xE;
	[tilespmem:$0x2A60] =	vst v9  }
0x52: {  	[tilespmem:$0x2AE0] =	vst v8  }
0x53: {  	v8 =	vld [tilespmem:s0+$0x70];
	_ =	sdelay $0x4  }
0x54: {  	v9 =	vand.u32 $0x3FFF, v8  }
0x55: {  	s19 =	sshll.u32 s31, $0xC;
	v8 =	vshrl.u32 v8, $0xE;
	[tilespmem:$0x2A70] =	vst v9  }
0x56: {  	s0 =	sadd.s32 s10, s19;
	[tilespmem:$0x2AF0] =	vst v8  }
0x57: {  	[tilespmem:s21], [sflag:$0x3] =	stream.indirect.gather [hbm4b:s4+s15], $0x80, s20, s15, $0xb8;
	[tilespmem:$0x1FF00] =	vst v63  }
0x58: {  	s0 =	sshrl.u32 s0, $0x3  }
0x59: {  	[tilespmem:s23], [sflag:$0x4] =	stream.indirect.gather [hbm4b:s6+s15], $0x10, s22, s15, $0xb8;
	[tilespmem:$0x1FF00] =	vst v63  }
0x5a: {  	s0 =	sadd.s32 s5, s0  }
0x5b: {  	[tilespmem:s24], [sflag:$0x5] =	stream.linear.gather [hbm4b:s0+s3], $0x800, $0x38;
	[tilespmem:$0x1FF00] =	vst v63  }
0x5c: {  	_ =	swait.ge [sflag:s14], $0x800  }
0x5d: {  	[sflag:s14] =	ssyncset.done $0x0  }
0x5e: {  	[sflag:s14] =	ssyncadd.s32 $0xFFFFF800  }
0x5f: {  	_ =	swait.ge [sflag:s25], $0x800  }
0x60: {  	[sflag:s25] =	ssyncset.done $0x0  }
0x61: {  	[sflag:s25] =	ssyncadd.s32 $0xFFFFF800  }
0x62: {  	_ =	swait.ge [sflag:s26], $0x4000  }
0x63: {  	[sflag:s26] =	ssyncset.done $0x0  }
0x64: {  	s7 =	simm.s32 $0x2B20;
	[sflag:s26] =	ssyncadd.s32 $0xFFFFC000  }
0x65: {  	s0 =	simm.s32 $0x3320;
	v8 =	vld [tilespmem:s7+$0x10]  }
0x66: {  	v9 =	vld [tilespmem:s0+$0x10]  }
0x67: {  	v10 =	vld [tilespmem:s0+$0xFFFFFFE0]  }
0x68: {  	v11 =	vld [tilespmem:s7+$0xFFFFFFF0]  }
0x69: {  	v12 =	vld [tilespmem:s0+$0xFFFFFFF0]  }
0x6a: {  	v14 =	vld [tilespmem:s7+$0x0]  }
0x6b: {  	v15 =	vld [tilespmem:s0+$0x0]  }
0x6c: {  	v16 =	vld [tilespmem:s7+$0xFFFFFFE0];
	_ =	sdelay $0x1  }
0x6d: {  	s16 =	simm.s32 $0x3C00  }
0x6e: {  	v13 =	vld [tilespmem:s16+$0xF0];
	v9 =	vmul.f32 v9, v8  }
0x6f: {  	v18 =	vld [tilespmem:s16+$0xFFFFFF00];
	v11 =	vmul.f32 v12, v11;
	v12 =	vmul.f32 v15, v14  }
0x70: {  	v19 =	vld [tilespmem:s16+$0xFFFFFF10];
	v10 =	vmul.f32 v10, v16;
	v32 =	vperm.xlane v9, v0  }
0x71: {  	v22 =	vld [tilespmem:s16+$0xFFFFFF30];
	v17 =	vperm.xlane v9, v7;
	v33 =	vperm.xlane v9, v1  }
0x72: {  	v26 =	vld [tilespmem:s16+$0xFFFFFF60];
	v8 =	vperm.xlane v9, v2;
	v20 =	vperm.xlane v11, v0  }
0x73: {  	v29 =	vld [tilespmem:s16+$0xFFFFFF70];
	v21 =	vperm.xlane v11, v1;
	v23 =	vperm.xlane v11, v2  }
0x74: {  	v34 =	vld [tilespmem:s16+$0xFFFFFF80];
	v15 =	vperm.xlane v11, v3;
	v24 =	vperm.xlane v11, v4  }
0x75: {  	v37 =	vld [tilespmem:s16+$0xFFFFFF90];
	v25 =	vperm.xlane v11, v5;
	v27 =	vperm.xlane v10, v0  }
0x76: {  	v40 =	vld [tilespmem:s16+$0xFFFFFFA0];
	v28 =	vperm.xlane v10, v1;
	v30 =	vperm.xlane v10, v2  }
0x77: {  	v43 =	vld [tilespmem:s16+$0xFFFFFFB0];
	v31 =	vperm.xlane v10, v3;
	v35 =	vperm.xlane v10, v4  }
0x78: {  	v46 =	vld [tilespmem:s16+$0xFFFFFFC0];
	v36 =	vperm.xlane v10, v5;
	v38 =	vperm.xlane v10, v6  }
0x79: {  	v49 =	vld [tilespmem:s16+$0xFFFFFFD0];
	v39 =	vperm.xlane v10, v7;
	v41 =	vperm.xlane v11, v6  }
0x7a: {  	v52 =	vld [tilespmem:s16+$0xFFFFFFE0];
	v42 =	vperm.xlane v11, v7;
	v44 =	vperm.xlane v12, v0  }
0x7b: {  	v55 =	vld [tilespmem:s16+$0xFFFFFFF0];
	v45 =	vperm.xlane v12, v1;
	v47 =	vperm.xlane v12, v2  }
0x7c: {  	v56 =	vld [tilespmem:s16+$0x0];
	v48 =	vperm.xlane v12, v3;
	v50 =	vperm.xlane v12, v4  }
0x7d: {  	v57 =	vld [tilespmem:s16+$0x10];
	v51 =	vperm.xlane v12, v5;
	v53 =	vperm.xlane v12, v6  }
0x7e: {  	v14 =	vld [tilespmem:s16+$0xFFFFFF40];
	v54 =	vperm.xlane v12, v7;
	v12 =	vperm.xlane v9, v3  }
0x7f: {  	v16 =	vld [tilespmem:s16+$0xFFFFFF50];
	v11 =	vperm.xlane v9, v4;
	v13 =	vmul.f32 v13, v17  }
0x80: {  	v61 =	vld [tilespmem:s16+$0x60];
	v10 =	vperm.xlane v9, v5;
	v18 =	vmul.f32 v18, v27  }
0x81: {  	v9 =	vperm.xlane v9, v6;
	v17 =	vld [tilespmem:s16+$0xFFFFFF20];
	v26 =	vmul.f32 v26, v38;
	[tilespmem:s16+$0xF0] =	vst v13  }
0x82: {  	v63 =	vld [tilespmem:s16+$0x90];
	v22 =	vmul.f32 v22, v31;
	v29 =	vmul.f32 v29, v39;
	[tilespmem:s16+$0xFFFFFF00] =	vst v18  }
0x83: {  	v14 =	vmul.f32 v14, v35;
	v13 =	vmul.f32 v19, v28;
	v19 =	vld [tilespmem:s16+$0x20];
	[tilespmem:s16+$0xFFFFFF60] =	vst v26  }
0x84: {  	v31 =	vmul.f32 v37, v21;
	v16 =	vmul.f32 v16, v36;
	v18 =	vld [tilespmem:s16+$0x30];
	[tilespmem:s16+$0xFFFFFF70] =	vst v29  }
0x85: {  	v62 =	vmul.f32 v40, v23;
	v15 =	vmul.f32 v43, v15;
	[tilespmem:s16+$0xFFFFFF40] =	vst v14;
	v14 =	vld [tilespmem:s16+$0x70]  }
0x86: {  	v25 =	vmul.f32 v49, v25;
	[tilespmem:s16+$0xFFFFFF50] =	vst v16;
	v16 =	vld [tilespmem:s16+$0x80];
	v17 =	vmul.f32 v17, v30  }
0x87: {  	v27 =	vmul.f32 v52, v41;
	v23 =	vmul.f32 v55, v42;
	[tilespmem:s16+$0xFFFFFF10] =	vst v13;
	v13 =	vld [tilespmem:s16+$0x40]  }
0x88: {  	v28 =	vmul.f32 v46, v24;
	v30 =	vmul.f32 v34, v20;
	[tilespmem:s16+$0xFFFFFF20] =	vst v17;
	v17 =	vld [tilespmem:s16+$0x50]  }
0x89: {  	v26 =	vmul.f32 v56, v44;
	v29 =	vld [tilespmem:s16+$0xA0];
	[tilespmem:s16+$0xFFFFFFB0] =	vst v15;
	v15 =	vmul.f32 v63, v33  }
0x8a: {  	v20 =	vmul.f32 v57, v45;
	v24 =	vmul.f32 v19, v47;
	[tilespmem:s16+$0xFFFFFF80] =	vst v30;
	v30 =	vld [tilespmem:s16+$0xB0]  }
0x8b: {  	[tilespmem:s16+$0xFFFFFF90] =	vst v31;
	v31 =	vld [tilespmem:s16+$0xC0];
	v21 =	vmul.f32 v18, v48;
	v19 =	vmul.f32 v61, v53  }
0x8c: {  	[tilespmem:s16+$0xFFFFFF30] =	vst v22;
	v16 =	vmul.f32 v16, v32;
	v22 =	vmul.f32 v13, v50;
	v13 =	vld [tilespmem:s16+$0xD0]  }
0x8d: {  	s9 =	simm.s32 $0x2B60;
	s19 =	simm.s32 $0x3C00;
	s7 =	simm.s32 $0x0;
	[tilespmem:s16+$0xFFFFFFA0] =	vst v62;
	v18 =	vmul.f32 v17, v51;
	v17 =	vmul.f32 v14, v54;
	v14 =	vld [tilespmem:s16+$0xE0]  }
.LBB2_3:
0x8e: {  	v32 =	vld [tilespmem:s9+$0x10];
	[tilespmem:s16+$0xFFFFFFC0] =	vst v28;
	v28 =	vmul.f32 v29, v8;
	s0 =	sadd.s32 $0x40, s0  }
0x8f: {  	s7 =	sadd.s32 $0x4, s7;
	v8 =	vld [tilespmem:s0+$0x10];
	[tilespmem:s16+$0xFFFFFFD0] =	vst v25;
	v12 =	vmul.f32 v30, v12  }
0x90: {  	p0 =	slt.u32 s7, $0x7C;
	v25 =	vld [tilespmem:s0+$0xFFFFFFE0];
	[tilespmem:s16+$0xFFFFFFE0] =	vst v27;
	v11 =	vmul.f32 v31, v11  }
0x91: {  	v27 =	vld [tilespmem:s9+$0xFFFFFFF0];
	[tilespmem:s16+$0xFFFFFFF0] =	vst v23;
	v10 =	vmul.f32 v13, v10  }
0x92: {  	s16 =	sadd.s32 $0x200, s16;
	v23 =	vld [tilespmem:s0+$0xFFFFFFF0];
	[tilespmem:s19+$0x0] =	vst v26;
	v9 =	vmul.f32 v14, v9  }
0x93: {  	v26 =	vld [tilespmem:s16+$0xF0];
	[tilespmem:s19+$0x10] =	vst v20  }
0x94: {  	v20 =	vld [tilespmem:s9+$0x0];
	v29 =	vmul.f32 v8, v32;
	[tilespmem:s19+$0x20] =	vst v24  }
0x95: {  	v24 =	vld [tilespmem:s0+$0x0];
	[tilespmem:s19+$0x30] =	vst v21  }
0x96: {  	v21 =	vld [tilespmem:s9+$0xFFFFFFE0];
	v13 =	vperm.xlane v29, v0;
	v30 =	vperm.xlane v29, v7;
	[tilespmem:s19+$0x40] =	vst v22  }
0x97: {  	v14 =	vperm.xlane v29, v1;
	v22 =	vld [tilespmem:s16+$0xFFFFFF00];
	v23 =	vmul.f32 v23, v27;
	[tilespmem:s19+$0x50] =	vst v18  }
0x98: {  	v8 =	vperm.xlane v29, v2;
	v18 =	vld [tilespmem:s16+$0xFFFFFF10];
	v26 =	vmul.f32 v26, v30;
	[tilespmem:s19+$0x60] =	vst v19  }
0x99: {  	v19 =	vld [tilespmem:s16+$0xFFFFFF20];
	v27 =	vperm.xlane v23, v0;
	v30 =	vperm.xlane v23, v1;
	[tilespmem:s19+$0x70] =	vst v17  }
0x9a: {  	v31 =	vperm.xlane v23, v2;
	v17 =	vld [tilespmem:s16+$0xFFFFFF30];
	v20 =	vmul.f32 v24, v20;
	[tilespmem:s16+$0xF0] =	vst v26  }
0x9b: {  	v21 =	vmul.f32 v25, v21;
	v24 =	vld [tilespmem:s16+$0xFFFFFF40];
	v25 =	vperm.xlane v23, v3;
	[tilespmem:s19+$0x80] =	vst v16  }
0x9c: {  	v32 =	vperm.xlane v23, v5;
	v26 =	vperm.xlane v23, v4;
	v16 =	vld [tilespmem:s16+$0xFFFFFF50];
	[tilespmem:s19+$0x90] =	vst v15  }
0x9d: {  	v15 =	vperm.xlane v21, v0;
	v33 =	vperm.xlane v21, v1;
	v34 =	vld [tilespmem:s16+$0xFFFFFF60];
	[tilespmem:s19+$0xA0] =	vst v28  }
0x9e: {  	v28 =	vperm.xlane v21, v2;
	v35 =	vperm.xlane v21, v3;
	v36 =	vld [tilespmem:s16+$0xFFFFFF70];
	[tilespmem:s19+$0xB0] =	vst v12  }
0x9f: {  	v37 =	vperm.xlane v21, v4;
	v38 =	vperm.xlane v21, v5;
	v39 =	vld [tilespmem:s16+$0xFFFFFF80];
	[tilespmem:s19+$0xC0] =	vst v11  }
0xa0: {  	v40 =	vperm.xlane v21, v6;
	v21 =	vperm.xlane v21, v7;
	v41 =	vld [tilespmem:s16+$0xFFFFFF90];
	[tilespmem:s19+$0xD0] =	vst v10  }
0xa1: {  	v43 =	vperm.xlane v23, v6;
	v23 =	vperm.xlane v23, v7;
	v42 =	vld [tilespmem:s16+$0xFFFFFFA0];
	[tilespmem:s19+$0xE0] =	vst v9;
	s19 =	smov.u32 s16  }
0xa2: {  	v45 =	vperm.xlane v20, v0;
	v46 =	vperm.xlane v20, v1;
	v44 =	vld [tilespmem:s16+$0xFFFFFFB0]  }
0xa3: {  	v48 =	vperm.xlane v20, v2;
	v49 =	vperm.xlane v20, v3;
	v47 =	vld [tilespmem:s16+$0xFFFFFFC0]  }
0xa4: {  	v51 =	vperm.xlane v20, v4;
	v52 =	vperm.xlane v20, v5;
	v50 =	vld [tilespmem:s16+$0xFFFFFFD0]  }
0xa5: {  	v54 =	vperm.xlane v20, v6;
	v55 =	vperm.xlane v20, v7;
	v53 =	vld [tilespmem:s16+$0xFFFFFFE0]  }
0xa6: {  	v12 =	vperm.xlane v29, v3;
	v11 =	vperm.xlane v29, v4;
	v20 =	vld [tilespmem:s16+$0xFFFFFFF0]  }
0xa7: {  	v10 =	vperm.xlane v29, v5;
	v9 =	vperm.xlane v29, v6;
	v56 =	vld [tilespmem:s16+$0x0]  }
0xa8: {  	v15 =	vmul.f32 v22, v15;
	v18 =	vmul.f32 v18, v33;
	v22 =	vld [tilespmem:s16+$0x10]  }
0xa9: {  	v19 =	vmul.f32 v19, v28;
	v17 =	vmul.f32 v17, v35;
	v29 =	vld [tilespmem:s16+$0x20]  }
0xaa: {  	v16 =	vmul.f32 v16, v38;
	[tilespmem:s16+$0xFFFFFF00] =	vst v15;
	v15 =	vmul.f32 v24, v37;
	v33 =	vld [tilespmem:s16+$0x30]  }
0xab: {  	v21 =	vmul.f32 v36, v21;
	[tilespmem:s16+$0xFFFFFF10] =	vst v18;
	v18 =	vmul.f32 v34, v40;
	v34 =	vld [tilespmem:s16+$0x40]  }
0xac: {  	v35 =	vmul.f32 v41, v30;
	[tilespmem:s16+$0xFFFFFF20] =	vst v19;
	v19 =	vmul.f32 v39, v27;
	v30 =	vld [tilespmem:s16+$0x50]  }
0xad: {  	v36 =	vmul.f32 v42, v31;
	v37 =	vmul.f32 v44, v25;
	[tilespmem:s16+$0xFFFFFF30] =	vst v17;
	v17 =	vld [tilespmem:s16+$0x60]  }
0xae: {  	v28 =	vmul.f32 v47, v26;
	v25 =	vmul.f32 v50, v32;
	[tilespmem:s16+$0xFFFFFF40] =	vst v15;
	v15 =	vld [tilespmem:s16+$0x70]  }
0xaf: {  	v23 =	vmul.f32 v20, v23;
	v27 =	vmul.f32 v53, v43;
	[tilespmem:s16+$0xFFFFFF50] =	vst v16;
	v16 =	vld [tilespmem:s16+$0x80]  }
0xb0: {  	v26 =	vmul.f32 v56, v45;
	v20 =	vmul.f32 v22, v46;
	[tilespmem:s16+$0xFFFFFF60] =	vst v18;
	v32 =	vld [tilespmem:s16+$0x90]  }
.Ltmp0:
0xb1: {  	v24 =	vmul.f32 v29, v48;
	[tilespmem:s16+$0xFFFFFF70] =	vst v21;
	v21 =	vmul.f32 v33, v49;
	v29 =	vld [tilespmem:s16+$0xA0];
	(pc) =	sbr.rel @p0 .LBB2_3-.Ltmp0, $4  }
0xb2: {  	v22 =	vmul.f32 v34, v51;
	v18 =	vmul.f32 v30, v52;
	[tilespmem:s16+$0xFFFFFF80] =	vst v19;
	v30 =	vld [tilespmem:s16+$0xB0]  }
0xb3: {  	v19 =	vmul.f32 v17, v54;
	[tilespmem:s16+$0xFFFFFF90] =	vst v35;
	v17 =	vmul.f32 v15, v55;
	v31 =	vld [tilespmem:s16+$0xC0]  }
0xb4: {  	[tilespmem:s16+$0xFFFFFFA0] =	vst v36;
	v16 =	vmul.f32 v16, v13;
	v13 =	vld [tilespmem:s16+$0xD0]  }
0xb5: {  	s9 =	sadd.s32 $0x40, s9;
	[tilespmem:s16+$0xFFFFFFB0] =	vst v37;
	v15 =	vmul.f32 v32, v14;
	v14 =	vld [tilespmem:s16+$0xE0]  }
0xb6: {  	[tilespmem:s16+$0xFFFFFFC0] =	vst v28  }
0xb7: {  	[tilespmem:s16+$0xFFFFFFD0] =	vst v25  }
0xb8: {  	[tilespmem:s16+$0xFFFFFFE0] =	vst v27  }
0xb9: {  	[tilespmem:s16+$0xFFFFFFF0] =	vst v23  }
0xba: {  	[tilespmem:s19+$0x0] =	vst v26  }
0xbb: {  	[tilespmem:s19+$0x10] =	vst v20  }
0xbc: {  	[tilespmem:s19+$0x20] =	vst v24  }
0xbd: {  	[tilespmem:s19+$0x30] =	vst v21  }
0xbe: {  	[tilespmem:s19+$0x40] =	vst v22  }
0xbf: {  	[tilespmem:s19+$0x50] =	vst v18  }
0xc0: {  	[tilespmem:s19+$0x60] =	vst v19  }
0xc1: {  	[tilespmem:s19+$0x70] =	vst v17  }
0xc2: {  	v8 =	vmul.f32 v29, v8;
	[tilespmem:s19+$0x80] =	vst v16  }
0xc3: {  	v12 =	vmul.f32 v30, v12;
	[tilespmem:s19+$0x90] =	vst v15  }
0xc4: {  	v11 =	vmul.f32 v31, v11;
	[tilespmem:s19+$0xA0] =	vst v8  }
0xc5: {  	v8 =	vmul.f32 v13, v10;
	[tilespmem:s19+$0xB0] =	vst v12  }
0xc6: {  	v9 =	vmul.f32 v14, v9;
	[tilespmem:s19+$0xC0] =	vst v11  }
0xc7: {  	[tilespmem:s19+$0xD0] =	vst v8  }
0xc8: {  	[tilespmem:s19+$0xE0] =	vst v9  }
0xc9: {  	[spmem:s2] =	stream.indirect.scatter.add.f32 [tilespmem:s17], [sflag:$0x5], $0x80, s18, s15, $0xb8;
	[tilespmem:$0x1FF00] =	vst v63  }
0xca: {  	p0 =	seq.s32 s31, $0x28;
	_ =	swait.ge [sflag:s14], $0x4000  }
0xcb: {  	s0 =	sshll.u32 @!p0 s31, $0x8;
	[sflag:s14] =	ssyncset.done $0x0  }
0xcc: {  	s0 =	sand.u32 @!p0 $0x3FFFFF00, s0;
	[sflag:s14] =	ssyncadd.s32 $0xFFFFC000  }
0xcd: {  	v8 =	vld @!p0 [tilespmem:s0+$0x100];
	_ =	sdelay $0x4  }
0xce: {  	v9 =	vand.u32 @!p0 $0x3FFF, v8  }
0xcf: {  	v8 =	vshrl.u32 @!p0 v8, $0xE;
	[tilespmem:$0x2900] =	vst @!p0 v9  }
0xd0: {  	[tilespmem:$0x2980] =	vst @!p0 v8  }
0xd1: {  	v8 =	vld @!p0 [tilespmem:s0+$0x110];
	_ =	sdelay $0x4  }
0xd2: {  	v9 =	vand.u32 @!p0 $0x3FFF, v8  }
0xd3: {  	v8 =	vshrl.u32 @!p0 v8, $0xE;
	[tilespmem:$0x2910] =	vst @!p0 v9  }
0xd4: {  	[tilespmem:$0x2990] =	vst @!p0 v8  }
0xd5: {  	v8 =	vld @!p0 [tilespmem:s0+$0x120];
	_ =	sdelay $0x4  }
0xd6: {  	v9 =	vand.u32 @!p0 $0x3FFF, v8  }
0xd7: {  	v8 =	vshrl.u32 @!p0 v8, $0xE;
	[tilespmem:$0x2920] =	vst @!p0 v9  }
0xd8: {  	[tilespmem:$0x29A0] =	vst @!p0 v8  }
0xd9: {  	v8 =	vld @!p0 [tilespmem:s0+$0x130];
	_ =	sdelay $0x4  }
0xda: {  	v9 =	vand.u32 @!p0 $0x3FFF, v8  }
0xdb: {  	v8 =	vshrl.u32 @!p0 v8, $0xE;
	[tilespmem:$0x2930] =	vst @!p0 v9  }
0xdc: {  	[tilespmem:$0x29B0] =	vst @!p0 v8  }
0xdd: {  	v8 =	vld @!p0 [tilespmem:s0+$0x140];
	_ =	sdelay $0x4  }
0xde: {  	v9 =	vand.u32 @!p0 $0x3FFF, v8  }
0xdf: {  	v8 =	vshrl.u32 @!p0 v8, $0xE;
	[tilespmem:$0x2940] =	vst @!p0 v9  }
0xe0: {  	[tilespmem:$0x29C0] =	vst @!p0 v8  }
0xe1: {  	v8 =	vld @!p0 [tilespmem:s0+$0x150];
	_ =	sdelay $0x4  }
0xe2: {  	v9 =	vand.u32 @!p0 $0x3FFF, v8  }
0xe3: {  	v8 =	vshrl.u32 @!p0 v8, $0xE;
	[tilespmem:$0x2950] =	vst @!p0 v9  }
0xe4: {  	[tilespmem:$0x29D0] =	vst @!p0 v8  }
0xe5: {  	v8 =	vld @!p0 [tilespmem:s0+$0x160];
	_ =	sdelay $0x4  }
0xe6: {  	v9 =	vand.u32 @!p0 $0x3FFF, v8  }
0xe7: {  	v8 =	vshrl.u32 @!p0 v8, $0xE;
	[tilespmem:$0x2960] =	vst @!p0 v9  }
0xe8: {  	[tilespmem:$0x29E0] =	vst @!p0 v8  }
0xe9: {  	v8 =	vld @!p0 [tilespmem:s0+$0x170];
	_ =	sdelay $0x4  }
0xea: {  	v9 =	vand.u32 @!p0 $0x3FFF, v8  }
0xeb: {  	v8 =	vshrl.u32 @!p0 v8, $0xE;
	[tilespmem:$0x2970] =	vst @!p0 v9  }
0xec: {  	s7 =	simm.s32 @!p0 $0x2900;
	s9 =	simm.s32 @!p0 $0x3B00;
	s0 =	simm.s32 @!p0 $0x80;
	[tilespmem:$0x29F0] =	vst @!p0 v8  }
0xed: {  	[tilespmem:s9], [sflag:$0x1] =	stream.indirect.gather @!p0 [hbm4b:s4+s0], $0x80, s7, s0, $0xb8;
	[tilespmem:$0x1FF00] =	vst v63  }
0xee: {  	s16 =	sshll.u32 s1, $0xB;
	s7 =	simm.s32 @!p0 $0x2980;
	s9 =	simm.s32 @!p0 $0x3300  }
0xef: {  	[tilespmem:s9], [sflag:$0x2] =	stream.indirect.gather @!p0 [hbm4b:s6+s0], $0x10, s7, s0, $0xb8;
	[tilespmem:$0x1FF00] =	vst v63  }
0xf0: {  	s0 =	sadd.s32 s10, s16  }
0xf1: {  	s0 =	sshrl.u32 s0, $0x3  }
0xf2: {  	s0 =	sadd.s32 s5, s0  }
0xf3: {  	[tilespmem:s24], [sflag:$0x5] =	stream.linear.gather [hbm4b:s0+s3], $0x800, $0x38;
	[tilespmem:$0x1FF00] =	vst v63  }
0xf4: {  	_ =	swait.ge [sflag:s14], $0x800  }
0xf5: {  	[sflag:s14] =	ssyncset.done $0x0  }
0xf6: {  	[sflag:s14] =	ssyncadd.s32 $0xFFFFF800  }
0xf7: {  	_ =	swait.ge [sflag:s28], $0x800  }
0xf8: {  	[sflag:s28] =	ssyncset.done $0x0  }
0xf9: {  	[sflag:s28] =	ssyncadd.s32 $0xFFFFF800  }
0xfa: {  	_ =	swait.ge [sflag:s29], $0x4000  }
0xfb: {  	[sflag:s29] =	ssyncset.done $0x0  }
0xfc: {  	s19 =	simm.s32 $0x2B20;
	[sflag:s29] =	ssyncadd.s32 $0xFFFFC000  }
0xfd: {  	s0 =	simm.s32 $0x7B20;
	v8 =	vld [tilespmem:s19+$0x10]  }
0xfe: {  	v9 =	vld [tilespmem:s0+$0x10]  }
0xff: {  	v10 =	vld [tilespmem:s0+$0xFFFFFFE0]  }
0x100: {  	v11 =	vld [tilespmem:s19+$0xFFFFFFF0]  }
0x101: {  	v12 =	vld [tilespmem:s0+$0xFFFFFFF0]  }
0x102: {  	v14 =	vld [tilespmem:s19+$0x0]  }
0x103: {  	v15 =	vld [tilespmem:s0+$0x0]  }
0x104: {  	v16 =	vld [tilespmem:s19+$0xFFFFFFE0];
	_ =	sdelay $0x1  }
0x105: {  	s1 =	simm.s32 $0x8400  }
0x106: {  	v13 =	vld [tilespmem:s1+$0xF0];
	v9 =	vmul.f32 v9, v8  }
0x107: {  	v18 =	vld [tilespmem:s1+$0xFFFFFF00];
	v11 =	vmul.f32 v12, v11;
	v12 =	vmul.f32 v15, v14  }
0x108: {  	v19 =	vld [tilespmem:s1+$0xFFFFFF10];
	v10 =	vmul.f32 v10, v16;
	v32 =	vperm.xlane v9, v0  }
0x109: {  	v22 =	vld [tilespmem:s1+$0xFFFFFF30];
	v17 =	vperm.xlane v9, v7;
	v33 =	vperm.xlane v9, v1  }
0x10a: {  	v26 =	vld [tilespmem:s1+$0xFFFFFF60];
	v8 =	vperm.xlane v9, v2;
	v20 =	vperm.xlane v11, v0  }
0x10b: {  	v29 =	vld [tilespmem:s1+$0xFFFFFF70];
	v21 =	vperm.xlane v11, v1;
	v23 =	vperm.xlane v11, v2  }
0x10c: {  	v34 =	vld [tilespmem:s1+$0xFFFFFF80];
	v15 =	vperm.xlane v11, v3;
	v24 =	vperm.xlane v11, v4  }
0x10d: {  	v37 =	vld [tilespmem:s1+$0xFFFFFF90];
	v25 =	vperm.xlane v11, v5;
	v27 =	vperm.xlane v10, v0  }
0x10e: {  	v40 =	vld [tilespmem:s1+$0xFFFFFFA0];
	v28 =	vperm.xlane v10, v1;
	v30 =	vperm.xlane v10, v2  }
0x10f: {  	v43 =	vld [tilespmem:s1+$0xFFFFFFB0];
	v31 =	vperm.xlane v10, v3;
	v35 =	vperm.xlane v10, v4  }
0x110: {  	v46 =	vld [tilespmem:s1+$0xFFFFFFC0];
	v36 =	vperm.xlane v10, v5;
	v38 =	vperm.xlane v10, v6  }
0x111: {  	v49 =	vld [tilespmem:s1+$0xFFFFFFD0];
	v39 =	vperm.xlane v10, v7;
	v41 =	vperm.xlane v11, v6  }
0x112: {  	v52 =	vld [tilespmem:s1+$0xFFFFFFE0];
	v42 =	vperm.xlane v11, v7;
	v44 =	vperm.xlane v12, v0  }
0x113: {  	v55 =	vld [tilespmem:s1+$0xFFFFFFF0];
	v45 =	vperm.xlane v12, v1;
	v47 =	vperm.xlane v12, v2  }
0x114: {  	v56 =	vld [tilespmem:s1+$0x0];
	v48 =	vperm.xlane v12, v3;
	v50 =	vperm.xlane v12, v4  }
0x115: {  	v57 =	vld [tilespmem:s1+$0x10];
	v51 =	vperm.xlane v12, v5;
	v53 =	vperm.xlane v12, v6  }
0x116: {  	v14 =	vld [tilespmem:s1+$0xFFFFFF40];
	v54 =	vperm.xlane v12, v7;
	v12 =	vperm.xlane v9, v3  }
0x117: {  	v16 =	vld [tilespmem:s1+$0xFFFFFF50];
	v11 =	vperm.xlane v9, v4;
	v13 =	vmul.f32 v13, v17  }
0x118: {  	v61 =	vld [tilespmem:s1+$0x60];
	v10 =	vperm.xlane v9, v5;
	v18 =	vmul.f32 v18, v27  }
0x119: {  	v9 =	vperm.xlane v9, v6;
	v17 =	vld [tilespmem:s1+$0xFFFFFF20];
	v26 =	vmul.f32 v26, v38;
	[tilespmem:s1+$0xF0] =	vst v13  }
0x11a: {  	v63 =	vld [tilespmem:s1+$0x90];
	v22 =	vmul.f32 v22, v31;
	v29 =	vmul.f32 v29, v39;
	[tilespmem:s1+$0xFFFFFF00] =	vst v18  }
0x11b: {  	v14 =	vmul.f32 v14, v35;
	v13 =	vmul.f32 v19, v28;
	v19 =	vld [tilespmem:s1+$0x20];
	[tilespmem:s1+$0xFFFFFF60] =	vst v26  }
0x11c: {  	v31 =	vmul.f32 v37, v21;
	v16 =	vmul.f32 v16, v36;
	v18 =	vld [tilespmem:s1+$0x30];
	[tilespmem:s1+$0xFFFFFF70] =	vst v29  }
0x11d: {  	v62 =	vmul.f32 v40, v23;
	v15 =	vmul.f32 v43, v15;
	[tilespmem:s1+$0xFFFFFF40] =	vst v14;
	v14 =	vld [tilespmem:s1+$0x70]  }
0x11e: {  	v25 =	vmul.f32 v49, v25;
	[tilespmem:s1+$0xFFFFFF50] =	vst v16;
	v16 =	vld [tilespmem:s1+$0x80];
	v17 =	vmul.f32 v17, v30  }
0x11f: {  	v27 =	vmul.f32 v52, v41;
	v23 =	vmul.f32 v55, v42;
	[tilespmem:s1+$0xFFFFFF10] =	vst v13;
	v13 =	vld [tilespmem:s1+$0x40]  }
0x120: {  	v28 =	vmul.f32 v46, v24;
	v30 =	vmul.f32 v34, v20;
	[tilespmem:s1+$0xFFFFFF20] =	vst v17;
	v17 =	vld [tilespmem:s1+$0x50]  }
0x121: {  	v26 =	vmul.f32 v56, v44;
	v29 =	vld [tilespmem:s1+$0xA0];
	[tilespmem:s1+$0xFFFFFFB0] =	vst v15;
	v15 =	vmul.f32 v63, v33  }
0x122: {  	v20 =	vmul.f32 v57, v45;
	v24 =	vmul.f32 v19, v47;
	[tilespmem:s1+$0xFFFFFF80] =	vst v30;
	v30 =	vld [tilespmem:s1+$0xB0]  }
0x123: {  	[tilespmem:s1+$0xFFFFFF90] =	vst v31;
	v31 =	vld [tilespmem:s1+$0xC0];
	v21 =	vmul.f32 v18, v48;
	v19 =	vmul.f32 v61, v53  }
0x124: {  	[tilespmem:s1+$0xFFFFFF30] =	vst v22;
	v16 =	vmul.f32 v16, v32;
	v22 =	vmul.f32 v13, v50;
	v13 =	vld [tilespmem:s1+$0xD0]  }
0x125: {  	s7 =	simm.s32 $0x0;
	s9 =	simm.s32 $0x2B60;
	s16 =	simm.s32 $0x8400;
	[tilespmem:s1+$0xFFFFFFA0] =	vst v62;
	v18 =	vmul.f32 v17, v51;
	v17 =	vmul.f32 v14, v54;
	v14 =	vld [tilespmem:s1+$0xE0]  }
.LBB2_5:
0x126: {  	v32 =	vld [tilespmem:s9+$0x10];
	[tilespmem:s1+$0xFFFFFFC0] =	vst v28;
	v28 =	vmul.f32 v29, v8;
	s0 =	sadd.s32 $0x40, s0  }
0x127: {  	s7 =	sadd.s32 $0x4, s7;
	v8 =	vld [tilespmem:s0+$0x10];
	[tilespmem:s1+$0xFFFFFFD0] =	vst v25;
	v12 =	vmul.f32 v30, v12  }
0x128: {  	p0 =	slt.u32 s7, $0x7C;
	v25 =	vld [tilespmem:s0+$0xFFFFFFE0];
	[tilespmem:s1+$0xFFFFFFE0] =	vst v27;
	v11 =	vmul.f32 v31, v11  }
0x129: {  	v27 =	vld [tilespmem:s9+$0xFFFFFFF0];
	[tilespmem:s1+$0xFFFFFFF0] =	vst v23;
	v10 =	vmul.f32 v13, v10  }
0x12a: {  	s1 =	sadd.s32 $0x200, s1;
	v23 =	vld [tilespmem:s0+$0xFFFFFFF0];
	[tilespmem:s16+$0x0] =	vst v26;
	v9 =	vmul.f32 v14, v9  }
0x12b: {  	v26 =	vld [tilespmem:s1+$0xF0];
	[tilespmem:s16+$0x10] =	vst v20  }
0x12c: {  	v20 =	vld [tilespmem:s9+$0x0];
	v29 =	vmul.f32 v8, v32;
	[tilespmem:s16+$0x20] =	vst v24  }
0x12d: {  	v24 =	vld [tilespmem:s0+$0x0];
	[tilespmem:s16+$0x30] =	vst v21  }
0x12e: {  	v21 =	vld [tilespmem:s9+$0xFFFFFFE0];
	v13 =	vperm.xlane v29, v0;
	v30 =	vperm.xlane v29, v7;
	[tilespmem:s16+$0x40] =	vst v22  }
0x12f: {  	v14 =	vperm.xlane v29, v1;
	v22 =	vld [tilespmem:s1+$0xFFFFFF00];
	v23 =	vmul.f32 v23, v27;
	[tilespmem:s16+$0x50] =	vst v18  }
0x130: {  	v8 =	vperm.xlane v29, v2;
	v18 =	vld [tilespmem:s1+$0xFFFFFF10];
	v26 =	vmul.f32 v26, v30;
	[tilespmem:s16+$0x60] =	vst v19  }
0x131: {  	v19 =	vld [tilespmem:s1+$0xFFFFFF20];
	v27 =	vperm.xlane v23, v0;
	v30 =	vperm.xlane v23, v1;
	[tilespmem:s16+$0x70] =	vst v17  }
0x132: {  	v31 =	vperm.xlane v23, v2;
	v17 =	vld [tilespmem:s1+$0xFFFFFF30];
	v20 =	vmul.f32 v24, v20;
	[tilespmem:s1+$0xF0] =	vst v26  }
0x133: {  	v21 =	vmul.f32 v25, v21;
	v24 =	vld [tilespmem:s1+$0xFFFFFF40];
	v25 =	vperm.xlane v23, v3;
	[tilespmem:s16+$0x80] =	vst v16  }
0x134: {  	v32 =	vperm.xlane v23, v5;
	v26 =	vperm.xlane v23, v4;
	v16 =	vld [tilespmem:s1+$0xFFFFFF50];
	[tilespmem:s16+$0x90] =	vst v15  }
0x135: {  	v15 =	vperm.xlane v21, v0;
	v33 =	vperm.xlane v21, v1;
	v34 =	vld [tilespmem:s1+$0xFFFFFF60];
	[tilespmem:s16+$0xA0] =	vst v28  }
0x136: {  	v28 =	vperm.xlane v21, v2;
	v35 =	vperm.xlane v21, v3;
	v36 =	vld [tilespmem:s1+$0xFFFFFF70];
	[tilespmem:s16+$0xB0] =	vst v12  }
0x137: {  	v37 =	vperm.xlane v21, v4;
	v38 =	vperm.xlane v21, v5;
	v39 =	vld [tilespmem:s1+$0xFFFFFF80];
	[tilespmem:s16+$0xC0] =	vst v11  }
0x138: {  	v40 =	vperm.xlane v21, v6;
	v21 =	vperm.xlane v21, v7;
	v41 =	vld [tilespmem:s1+$0xFFFFFF90];
	[tilespmem:s16+$0xD0] =	vst v10  }
0x139: {  	v43 =	vperm.xlane v23, v6;
	v23 =	vperm.xlane v23, v7;
	v42 =	vld [tilespmem:s1+$0xFFFFFFA0];
	[tilespmem:s16+$0xE0] =	vst v9;
	s16 =	smov.u32 s1  }
0x13a: {  	v45 =	vperm.xlane v20, v0;
	v46 =	vperm.xlane v20, v1;
	v44 =	vld [tilespmem:s1+$0xFFFFFFB0]  }
0x13b: {  	v48 =	vperm.xlane v20, v2;
	v49 =	vperm.xlane v20, v3;
	v47 =	vld [tilespmem:s1+$0xFFFFFFC0]  }
0x13c: {  	v51 =	vperm.xlane v20, v4;
	v52 =	vperm.xlane v20, v5;
	v50 =	vld [tilespmem:s1+$0xFFFFFFD0]  }
0x13d: {  	v54 =	vperm.xlane v20, v6;
	v55 =	vperm.xlane v20, v7;
	v53 =	vld [tilespmem:s1+$0xFFFFFFE0]  }
0x13e: {  	v12 =	vperm.xlane v29, v3;
	v11 =	vperm.xlane v29, v4;
	v20 =	vld [tilespmem:s1+$0xFFFFFFF0]  }
0x13f: {  	v10 =	vperm.xlane v29, v5;
	v9 =	vperm.xlane v29, v6;
	v56 =	vld [tilespmem:s1+$0x0]  }
0x140: {  	v15 =	vmul.f32 v22, v15;
	v18 =	vmul.f32 v18, v33;
	v22 =	vld [tilespmem:s1+$0x10]  }
0x141: {  	v19 =	vmul.f32 v19, v28;
	v17 =	vmul.f32 v17, v35;
	v29 =	vld [tilespmem:s1+$0x20]  }
0x142: {  	v16 =	vmul.f32 v16, v38;
	[tilespmem:s1+$0xFFFFFF00] =	vst v15;
	v15 =	vmul.f32 v24, v37;
	v33 =	vld [tilespmem:s1+$0x30]  }
0x143: {  	v21 =	vmul.f32 v36, v21;
	[tilespmem:s1+$0xFFFFFF10] =	vst v18;
	v18 =	vmul.f32 v34, v40;
	v34 =	vld [tilespmem:s1+$0x40]  }
0x144: {  	v35 =	vmul.f32 v41, v30;
	[tilespmem:s1+$0xFFFFFF20] =	vst v19;
	v19 =	vmul.f32 v39, v27;
	v30 =	vld [tilespmem:s1+$0x50]  }
0x145: {  	v36 =	vmul.f32 v42, v31;
	v37 =	vmul.f32 v44, v25;
	[tilespmem:s1+$0xFFFFFF30] =	vst v17;
	v17 =	vld [tilespmem:s1+$0x60]  }
0x146: {  	v28 =	vmul.f32 v47, v26;
	v25 =	vmul.f32 v50, v32;
	[tilespmem:s1+$0xFFFFFF40] =	vst v15;
	v15 =	vld [tilespmem:s1+$0x70]  }
0x147: {  	v23 =	vmul.f32 v20, v23;
	v27 =	vmul.f32 v53, v43;
	[tilespmem:s1+$0xFFFFFF50] =	vst v16;
	v16 =	vld [tilespmem:s1+$0x80]  }
0x148: {  	v26 =	vmul.f32 v56, v45;
	v20 =	vmul.f32 v22, v46;
	[tilespmem:s1+$0xFFFFFF60] =	vst v18;
	v32 =	vld [tilespmem:s1+$0x90]  }
.Ltmp1:
0x149: {  	v24 =	vmul.f32 v29, v48;
	[tilespmem:s1+$0xFFFFFF70] =	vst v21;
	v21 =	vmul.f32 v33, v49;
	v29 =	vld [tilespmem:s1+$0xA0];
	(pc) =	sbr.rel @p0 .LBB2_5-.Ltmp1, $4  }
0x14a: {  	v22 =	vmul.f32 v34, v51;
	v18 =	vmul.f32 v30, v52;
	[tilespmem:s1+$0xFFFFFF80] =	vst v19;
	v30 =	vld [tilespmem:s1+$0xB0]  }
0x14b: {  	v19 =	vmul.f32 v17, v54;
	[tilespmem:s1+$0xFFFFFF90] =	vst v35;
	v17 =	vmul.f32 v15, v55;
	v31 =	vld [tilespmem:s1+$0xC0]  }
0x14c: {  	[tilespmem:s1+$0xFFFFFFA0] =	vst v36;
	v16 =	vmul.f32 v16, v13;
	v13 =	vld [tilespmem:s1+$0xD0]  }
0x14d: {  	s9 =	sadd.s32 $0x40, s9;
	[tilespmem:s1+$0xFFFFFFB0] =	vst v37;
	v15 =	vmul.f32 v32, v14;
	v14 =	vld [tilespmem:s1+$0xE0]  }
0x14e: {  	[tilespmem:s1+$0xFFFFFFC0] =	vst v28  }
0x14f: {  	[tilespmem:s1+$0xFFFFFFD0] =	vst v25  }
0x150: {  	[tilespmem:s1+$0xFFFFFFE0] =	vst v27  }
0x151: {  	[tilespmem:s1+$0xFFFFFFF0] =	vst v23  }
0x152: {  	[tilespmem:s16+$0x0] =	vst v26  }
0x153: {  	[tilespmem:s16+$0x10] =	vst v20  }
0x154: {  	[tilespmem:s16+$0x20] =	vst v24  }
0x155: {  	[tilespmem:s16+$0x30] =	vst v21  }
0x156: {  	[tilespmem:s16+$0x40] =	vst v22  }
0x157: {  	[tilespmem:s16+$0x50] =	vst v18  }
0x158: {  	[tilespmem:s16+$0x60] =	vst v19  }
0x159: {  	[tilespmem:s16+$0x70] =	vst v17  }
0x15a: {  	v8 =	vmul.f32 v29, v8;
	[tilespmem:s16+$0x80] =	vst v16  }
0x15b: {  	v12 =	vmul.f32 v30, v12;
	[tilespmem:s16+$0x90] =	vst v15  }
0x15c: {  	v11 =	vmul.f32 v31, v11;
	[tilespmem:s16+$0xA0] =	vst v8  }
0x15d: {  	v8 =	vmul.f32 v13, v10;
	[tilespmem:s16+$0xB0] =	vst v12  }
0x15e: {  	s31 =	sadd.s32 $0x1, s31;
	v9 =	vmul.f32 v14, v9;
	[tilespmem:s16+$0xC0] =	vst v11  }
0x15f: {  	p0 =	sne.s32 s31, $0x29;
	[tilespmem:s16+$0xD0] =	vst v8  }
.Ltmp2:
0x160: {  	[tilespmem:s16+$0xE0] =	vst v9;
	(pc) =	sbr.rel @p0 .LBB2_2-.Ltmp2, $4  }
0x161: {  	[spmem:s2] =	stream.indirect.scatter.add.f32 [tilespmem:s21], [sflag:$0x5], $0x80, s22, s15, $0xb8;
	[tilespmem:$0x1FF00] =	vst v63  }
0x162: {  	_ =	swait.ge [sflag:s14], $0x4000  }
0x163: {  	[sflag:s14] =	ssyncset.done $0x0  }
0x164: {  	[sflag:s14] =	ssyncadd.s32 $0xFFFFC000  }
0x165: {  	s30 =	sadd.s32 $0x1, s30  }
0x166: {  	p0 =	sne.s32 s30, s12  }
.Ltmp3:
0x167: {  	[bflag:$0x0] =	sbarrier.arrive $0xFFFF;
	(pc) =	sbr.rel @p0 .LBB2_1-.Ltmp3, $4  }
0x168: {  	[hbm:s11], [sflag:s8] =	dma.local [spmem:s13], $0x2780  }
0x169: {  	_ =	swait.ge [sflag:s14], $0x2780  }
0x16a: {  	[sflag:s14] =	ssyncset.done $0x0  }
0x16b: {  	[sflag:s14] =	ssyncadd.s32 $0xFFFFD880  }
0x16c: {  	_ =	sfence.sel $0x180000  }
0x16d: {  	[bflag:$0x0] =	sbarrier.arrive $0xFFFF  }
0x16e: {  	_ =	strace $0x9000004A  }
0x16f: {  	s0 =	stileid.u32;
	[bflag:$0x2] =	sbarrier.arrive $0xFFFF  }
0x170: {  	p0 =	sne.s32 s0, $0x0;
	s0 =	rddreg [dreg:$0x2]  }
0x171: {  	s0 =	sadd.s32 @!p0 $0x100000, s0  }
0x172: {  	[sflag:s0] =	ssyncadd.tile.s32 @!p0 $0x1;
	_ =	shalt  }
.Lfunc_end2:
_tile_overlayer_lowered:
.L_overlay_start_2:
0x173: {  	(tag) =	ssettag $0x2  }
0x174: {  	s0 =	rddreg [dreg:$0x0];
	s2 =	stileid.u32  }
0x175: {  	s1 =	rddreg [dreg:$0x1];
	p0 =	sne.s32 s2, $0x0  }
0x176: {  	s3 =	rddreg [dreg:$0x2];
	[bflag:$0x3] =	sbarrier.arrive $0xFFFF;
	s2 =	simm.s32 @!p0 $0x1C05  }
0x177: {  	[timem:s3], [sflag:s2] =	dma.local @!p0 [hbm:s0], s1  }
0x178: {  	s0 =	simm.s32 @!p0 $0x5  }
0x179: {  	_ =	swait.ge @!p0 [sflag:s0], s1  }
0x17a: {  	s1 =	ssub.s32 @!p0 $0x0, s1;
	[sflag:s0] =	ssyncset.done @!p0 $0x0  }
0x17b: {  	[sflag:s0] =	ssyncadd.s32 @!p0 s1  }
0x17c: {  	[bflag:$0x3] =	sbarrier.arrive $0xFFFF  }
0x17d: {  	_ =	shalt  }

// kernel: kernel.17.cloned.1.call-start
scs
__scs_entry_jumppad:
0x0: {  	(pc) =	sbr.rel $0x88, $3  }
0x1: {  	(tag) =	ssettag $0x0;
	lr =	simm.s32 $0x1  }
0x2: {  	[smem:$0x3F92] =	sst lr;
	_ =	strace $0xD0000000  }
0x3: {  	_ = 	snop  }
0x4: {  	_ = 	snop  }
0x5: {  	_ = 	snop  }
0x6: {  	_ = 	snop  }
0x7: {  	_ = 	snop  }
__scs_overlays_trampoline_lowered:
0x8: {  	[smem:$0x3FA1] =	sst s0  }
0x9: {  	[smem:$0x3FA2] =	sst s1  }
0xa: {  	[smem:$0x3FA3] =	sst s2  }
0xb: {  	[smem:$0x3FA4] =	sst s3  }
0xc: {  	[smem:$0x3FA5] =	sst s4  }
0xd: {  	[smem:$0x3FA6] =	sst s5  }
0xe: {  	[smem:$0x3FA7] =	sst s6  }
0xf: {  	[smem:$0x3FA8] =	sst s7  }
0x10: {  	[smem:$0x3FA9] =	sst s8  }
0x11: {  	[smem:$0x3FAA] =	sst s9;
	s0 =	simm.s32 @!p0 $0x0  }
0x12: {  	s1 =	sld [smem:$0x3F90];
	s0 =	simm.s32 @p0 $0x1  }
0x13: {  	[smem:$0x3FAB] =	sst s0;
	s0 =	simm.s32 @!p1 $0x0  }
0x14: {  	s2 =	sld [smem:$0x3F8F];
	s0 =	simm.s32 @p1 $0x1  }
0x15: {  	[smem:$0x3FAC] =	sst s0;
	s0 =	simm.s32 @!p2 $0x0  }
0x16: {  	s3 =	sld [smem:$0x3FDB];
	s0 =	simm.s32 @p2 $0x1  }
0x17: {  	s4 =	simm.s32 $0x1BF5;
	[smem:$0x3FAE] =	sst s0  }
0x18: {  	s0 =	sld [smem:$0x3F91];
	_ =	swait.ge [sflag:s4], $0x0  }
0x19: {  	s7 =	sld [smem:$0x3F92]  }
0x1a: {  	s8 =	sadd.s32 $0xFFFFE003, lr  }
0x1b: {  	s9 =	sadd.s32 $0xFFFFFEF7, lr;
	s5 =	simm.s32 $0xFFFFFFFF;
	p2 =	slt.u32 s8, $0xFFFFF086  }
0x1c: {  	p1 =	slt.u32 s9, $0xF7A;
	s5 =	simm.s32 @!p2 $0x0  }
0x1d: {  	s5 =	simm.s32 @p1 $0x1;
	p0 =	seq.s32 s7, s2  }
0x1e: {  	s7 =	smul.u32 @!p0 $0xF7A, s2;
	p2 =	seq.s32 @!p0 s5, $0x0  }
0x1f: {  	s9 =	smul.u32 $0xF7A, s1;
	s8 =	simm.s32 @!p0 $0x1BF5;
	p2 =	por !p2, p0  }
0x20: {  	[sflag:s8] =	ssyncset.s32 @!p0 $0xFFFFF086;
	s6 =	sadd.s32 @!p0 s3, s7;
	s7 =	simm.s32 @!p0 $0x108  }
0x21: {  	s3 =	sadd.s32 s3, s9;
	s6 =	sadd.s32 @!p0 $0x88, s6;
	s7 =	simm.s32 @p2 $0x1082  }
0x22: {  	[simem:s7], [sflag:s8] =	dma.local @!p0 [hbm:s6], $0xF7A  }
0x23: {  	s9 =	sor.u32 $0xD0000000, s2;
	s6 =	simm.s32 $0x108;
	_ =	swait.ge @!p0 [sflag:s8], $0x0  }
0x24: {  	s3 =	sadd.s32 $0x88, s3;
	s6 =	simm.s32 @!p1 $0x1082;
	[sflag:s4] =	ssyncset.s32 $0xFFFFF086  }
0x25: {  	[simem:s6], [sflag:s4] =	dma.local [hbm:s3], $0xF7A  }
0x26: {  	[smem:$0x3F92] =	sst s1;
	(tag) =	ssettag s2;
	_ =	strace s9  }
0x27: {  	s1 =	sld [smem:$0x3FA2]  }
0x28: {  	s2 =	sld [smem:$0x3FA3]  }
0x29: {  	s4 =	sld [smem:$0x3FA5]  }
0x2a: {  	p0 =	seq.s32 s5, $0x0;
	s5 =	sld [smem:$0x3FA6]  }
0x2b: {  	s6 =	sld [smem:$0x3FA7]  }
0x2c: {  	s7 =	sld [smem:$0x3FA8]  }
0x2d: {  	s3 =	simm.s32 $0x108;
	s8 =	sld [smem:$0x3FA9]  }
0x2e: {  	s3 =	simm.s32 @!p0 $0x1082;
	s9 =	sld [smem:$0x3FAA]  }
0x2f: {  	lr =	sadd.s32 s0, s3;
	s0 =	sld [smem:$0x3FA1]  }
0x30: {  	s3 =	sld [smem:$0x3FA4]  }
0x31: {  	[smem:$0x3FAD] =	sst s10  }
0x32: {  	s10 =	sld [smem:$0x3FAB];
	_ =	sdelay $0x3  }
0x33: {  	p0 =	seq.s32 s10, $0x1;
	s10 =	sld [smem:$0x3FAD];
	_ =	sdelay $0x3  }
0x34: {  	[smem:$0x3FAD] =	sst s10  }
0x35: {  	s10 =	sld [smem:$0x3FAC];
	_ =	sdelay $0x3  }
0x36: {  	p1 =	seq.s32 s10, $0x1;
	s10 =	sld [smem:$0x3FAD];
	_ =	sdelay $0x3  }
0x37: {  	[smem:$0x3FAD] =	sst s10  }
0x38: {  	s10 =	sld [smem:$0x3FAE]  }
0x39: {  	_ = 	snop;
	(pc) =	sbr.ind lr, $3  }
0x3a: {  	_ = 	snop  }
0x3b: {  	_ = 	snop  }
0x3c: {  	p2 =	seq.s32 s10, $0x1;
	s10 =	sld [smem:$0x3FAD]  }
0x3d: {  	_ =	shalt  }
0x3e: {  	_ =	shalt  }
0x3f: {  	_ =	shalt  }
0x40: {  	_ =	shalt  }
0x41: {  	_ =	shalt  }
0x42: {  	_ =	shalt  }
0x43: {  	_ =	shalt  }
0x44: {  	_ =	shalt  }
0x45: {  	_ =	shalt  }
0x46: {  	_ =	shalt  }
0x47: {  	_ =	shalt  }
0x48: {  	_ =	shalt  }
0x49: {  	_ =	shalt  }
0x4a: {  	_ =	shalt  }
0x4b: {  	_ =	shalt  }
0x4c: {  	_ =	shalt  }
0x4d: {  	_ =	shalt  }
0x4e: {  	_ =	shalt  }
0x4f: {  	_ =	shalt  }
0x50: {  	_ =	shalt  }
0x51: {  	_ =	shalt  }
0x52: {  	_ =	shalt  }
0x53: {  	_ =	shalt  }
0x54: {  	_ =	shalt  }
0x55: {  	_ =	shalt  }
0x56: {  	_ =	shalt  }
0x57: {  	_ =	shalt  }
0x58: {  	_ =	shalt  }
0x59: {  	_ =	shalt  }
0x5a: {  	_ =	shalt  }
0x5b: {  	_ =	shalt  }
0x5c: {  	_ =	shalt  }
0x5d: {  	_ =	shalt  }
0x5e: {  	_ =	shalt  }
0x5f: {  	_ =	shalt  }
0x60: {  	_ =	shalt  }
0x61: {  	_ =	shalt  }
0x62: {  	_ =	shalt  }
0x63: {  	_ =	shalt  }
0x64: {  	_ =	shalt  }
0x65: {  	_ =	shalt  }
0x66: {  	_ =	shalt  }
0x67: {  	_ =	shalt  }
0x68: {  	_ =	shalt  }
0x69: {  	_ =	shalt  }
0x6a: {  	_ =	shalt  }
0x6b: {  	_ =	shalt  }
0x6c: {  	_ =	shalt  }
0x6d: {  	_ =	shalt  }
0x6e: {  	_ =	shalt  }
0x6f: {  	_ =	shalt  }
0x70: {  	_ =	shalt  }
0x71: {  	_ =	shalt  }
0x72: {  	_ =	shalt  }
0x73: {  	_ =	shalt  }
0x74: {  	_ =	shalt  }
0x75: {  	_ =	shalt  }
0x76: {  	_ =	shalt  }
0x77: {  	_ =	shalt  }
0x78: {  	_ =	shalt  }
0x79: {  	_ =	shalt  }
0x7a: {  	_ =	shalt  }
0x7b: {  	_ =	shalt  }
0x7c: {  	_ =	shalt  }
0x7d: {  	_ =	shalt  }
0x7e: {  	_ =	shalt  }
0x7f: {  	_ =	shalt  }
0x80: {  	_ =	shalt  }
0x81: {  	_ =	shalt  }
0x82: {  	_ =	shalt  }
0x83: {  	_ =	shalt  }
0x84: {  	_ =	shalt  }
0x85: {  	_ =	shalt  }
0x86: {  	_ =	shalt  }
0x87: {  	_ =	shalt  }
.Lfunc_end0:
.L_simem_size_0:
called_computation.2_lowered:
.L_overlay_start_0:
0x88: {  	s2 =	sld [smem:$0x3FD9]  }
0x89: {  	s3 =	sld [smem:$0x3FFE];
	_ =	sdelay $0x1  }
0x8a: {  	s1 =	srdreg.scid  }
0x8b: {  	s0 =	sand.u32 $0x1, s1  }
0x8c: {  	s16 =	sshll.u32 s0, $0xA;
	s2 =	sadd.s32 s3, s2  }
0x8d: {  	s2 =	sadd.s32 s2, s16  }
0x8e: {  	[smem:$0x3FB9] =	sst s2  }
0x8f: {  	_ = 	snop  }
0x90: {  	(tm) =	ssettm $0x1  }
0x91: {  	s17 =	sld [smem:$0x3FFB];
	_ =	sdelay $0x3  }
0x92: {  	_ =	strace s17  }
0x93: {  	s2 =	sld [smem:$0x3FFC];
	_ =	sdelay $0x3  }
0x94: {  	_ =	strace s2  }
0x95: {  	s2 =	sld [smem:$0x3FFD];
	_ =	sdelay $0x3  }
0x96: {  	_ =	strace s2  }
0x97: {  	_ =	strace $0x8FFFFFFF  }
0x98: {  	s18 =	sld [smem:$0x3FDB];
	_ =	sdelay $0x1  }
0x99: {  	s19 =	simm.s32 $_scs_section_size  }
0x9a: {  	s4 =	simm.s32 $_size__tile_overlayer_lowered;
	s5 =	simm.s32 $_tile_overlayer_lowered  }
0x9b: {  	s22 =	simm.s32 $0x1BFF;
	s21 =	sshll.u32 s5, $0x1;
	s2 =	sadd.s32 s19, s18  }
0x9c: {  	s6 =	simm.s32 $0x0;
	s20 =	sshll.u32 s4, $0x1;
	s4 =	sadd.s32 s21, s2  }
0x9d: {  	[timem:s6], [sflag:s22] =	dma.local [hbm:s4], s20  }
0x9e: {  	_ =	swait.ge [sflag:s22], s20  }
0x9f: {  	s3 =	ssub.s32 $0x0, s20;
	[sflag:s22] =	ssyncset.done $0x0  }
0xa0: {  	[sflag:s22] =	ssyncadd.s32 s3;
	_ =	sdelay $0x1  }
0xa1: {  	s23 =	simm.s32 $0x1B8B  }
0xa2: {  	_ =	swait.ge [sflag:s23], $0x1  }
0xa3: {  	[sflag:s23] =	ssyncset.done $0x0  }
0xa4: {  	s25 =	simm.s32 $0x1B8E;
	s24 =	sld [smem:$0x3FFE];
	[sflag:s23] =	ssyncadd.s32 $0xFFFFFFFF  }
0xa5: {  	s26 =	simm.s32 $execute0_lowered;
	[smem:$0x3FD2] =	sst s25  }
0xa6: {  	s4 =	sshll.u32 s26, $0x1;
	_ =	strace $0x8000004C;
	[dreg:$0x1] =	wrdreg $0xFFFFFFFF  }
0xa7: {  	s28 =	simm.s32 $_size_execute0_lowered;
	s2 =	sadd.s32 s2, s4;
	[dreg:$0x0] =	wrdreg $0x0  }
0xa8: {  	s4 =	sshll.u32 s28, $0x1;
	[dreg:$0x2] =	wrdreg s2  }
0xa9: {  	[dreg:$0x3] =	wrdreg s4  }
0xaa: {  	[dreg:$0x4] =	wrdreg $0xC0  }
0xab: {  	_ =	task [dreg:s6], $0x5FFFF  }
0xac: {  	[dreg:$0x1] =	wrdreg $0xFFFFFFFF  }
0xad: {  	[dreg:$0x0] =	wrdreg $0x60  }
0xae: {  	[dreg:$0x2] =	wrdreg s24  }
0xaf: {  	[dreg:$0x3] =	wrdreg $0x7A000  }
0xb0: {  	[dreg:$0x4] =	wrdreg $0x9  }
0xb1: {  	_ =	task.clear_ibuf [dreg:s6], $0x5FFFF;
	_ =	strace $0x9000004C  }
0xb2: {  	s29 =	simm.s32 $0x9;
	_ =	strace $0x8000004E  }
0xb3: {  	_ =	swait.ge [sflag:s29], $0x1  }
0xb4: {  	[sflag:s29] =	ssyncadd.s32 $0xFFFFFFFF  }
0xb5: {  	_ =	strace $0x9000004E  }
0xb6: {  	_ =	sfence  }
0xb7: {  	s30 =	sld [smem:$0x0];
	_ =	sdelay $0x2  }
0xb8: {  	s31 =	sshll.u32 s1, $0xD;
	s1 =	sshrl.u32 s1, $0x2  }
0xb9: {  	s3 =	sand.u32 $0x4000, s31;
	s1 =	sadd.s32 s1, s30  }
0xba: {  	s0 =	sor.u32 s3, s0;
	s1 =	sshll.u32 s1, $0x11  }
0xbb: {  	s0 =	sor.u32 s1, s0  }
0xbc: {  	s0 =	sadd.s32 $0x8F2B, s0  }
0xbd: {  	[sflag:s0] =	ssyncadd.remote.s32 $0x1  }
0xbe: {  	_ =	sfence.sel $0xFFFF  }
0xbf: {  	[dreg:$0x0] =	wrdreg $0xFFFFFFFF;
	(pc) =	sbr.abs _section_cstart, $3  }
0xc0: {  	[dreg:$0x1] =	wrdreg $0xFFFFFFFF  }
0xc1: {  	_ =	task.clear_ibuf [dreg:s6], $0x2FFFF;
	_ =	strace $0x9FFFFFFF  }
0xc2: {  	(tm) =	ssettm $0x7FFFFFFF  }
0xc3: {  	_ =	shalt  }
tec
execute0_lowered:
.L_overlay_start_1:
0x0: {  	(tag) =	ssettag $0x1  }
0x1: {  	s0 =	srdreg.scid;
	s7 =	rddreg [dreg:$0x0]  }
0x2: {  	s13 =	stileid.u32;
	s2 =	rddreg [dreg:$0x1]  }
0x3: {  	s3 =	simm.s32 $0x0;
	s15 =	simm.s32 $0x5;
	s16 =	simm.s32 $0x2900  }
0x4: {  	s17 =	simm.s32 $0x80;
	s20 =	simm.s32 $0x6200;
	s21 =	simm.s32 $0x6A00  }
0x5: {  	s22 =	simm.s32 $0x1;
	s23 =	simm.s32 $0x2;
	s24 =	simm.s32 $0x7200  }
0x6: {  	s25 =	simm.s32 $0x3;
	s26 =	simm.s32 $0x4;
	s28 =	simm.s32 $0x0  }
0x7: {  	s0 =	sand.u32 $0x1, s0;
	s8 =	smul.u32 $0x2780, s13;
	[smem:$0x7FF] =	sst s3  }
0x8: {  	s5 =	sadd.s32 $0x43800, s7;
	s31 =	sshll.u32 s13, $0x6;
	s1 =	sshll.u32 s0, $0x4  }
0x9: {  	s6 =	smul.u32 $0x27800, s0;
	_ =	strace $0x8000004D;
	s0 =	ssub.s32 $0x2, s0  }
0xa: {  	s1 =	sor.u32 s13, s1;
	s9 =	sshrl.u32 s8, $0x3;
	s30 =	sshrl.u32 s0, $0x1  }
0xb: {  	s14 =	sadd.s32 s8, s2;
	s4 =	smul.u32 $0x520, s1;
	s6 =	sadd.s32 s8, s6  }
0xc: {  	s9 =	sadd.s32 s9, s7;
	s0 =	ssub.s32 s0, s30;
	s8 =	sor.u32 $0x1C05, s31  }
0xd: {  	s14 =	sshrl.u32 s14, $0x3;
	s11 =	sshrl.u32 s6, $0x3;
	s6 =	sadd.s32 $0x57600, s7  }
0xe: {  	s13 =	smax.u32 s0, $0x1;
	s10 =	sadd.s32 s4, s7;
	s4 =	sadd.s32 $0x3E800, s7  }
0xf: {  	s12 =	sadd.s32 s11, s7;
	s7 =	sadd.s32 $0x48800, s9;
	s11 =	smul.u32 $0x29000, s1  }
0x10: {  	s9 =	sadd.s32 $0x2800, s10;
	s10 =	sadd.s32 $0xCC00, s10;
	s12 =	sadd.s32 $0x4D800, s12  }
.LBB2_1:
0x11: {  	[spmem:s14], [sflag:s8] =	dma.local [hbm:s7], $0x4F0  }
0x12: {  	_ =	swait.ge [sflag:s15], $0x4F0  }
0x13: {  	[sflag:s15] =	ssyncset.done $0x0  }
0x14: {  	[sflag:s15] =	ssyncadd.s32 $0xFFFFFB10  }
0x15: {  	[bflag:$0x0] =	sbarrier.arrive $0xFFFF  }
0x16: {  	[tilespmem:s3], [sflag:$0x5] =	stream.linear.gather [hbm4b:s9+s3], $0x2900, $0x38;
	[tilespmem:$0xA180] =	vst v63  }
0x17: {  	_ =	swait.ge [sflag:s15], $0x2900  }
0x18: {  	[sflag:s15] =	ssyncset.done $0x0  }
0x19: {  	[sflag:s15] =	ssyncadd.s32 $0xFFFFD700  }
0x1a: {  	[tilespmem:s16], [sflag:$0x5] =	stream.linear.gather [hbm4b:s10+s3], $0x2900, $0x38;
	[tilespmem:$0xA180] =	vst v63  }
0x1b: {  	_ =	swait.ge [sflag:s15], $0x2900  }
0x1c: {  	[sflag:s15] =	ssyncset.done $0x0  }
0x1d: {  	s0 =	simm.s32 $0x5200;
	[sflag:s15] =	ssyncadd.s32 $0xFFFFD700  }
0x1e: {  	[tilespmem:s0], [sflag:$0x1] =	stream.indirect.gather [hbm4b:s4+s17], $0x10, s3, s17, $0xb8;
	[tilespmem:$0xA180] =	vst v63  }
0x1f: {  	s31 =	simm.s32 $0x5A00;
	s29 =	simm.s32 $0x0  }
0x20: {  	[tilespmem:s31], [sflag:$0x2] =	stream.indirect.gather [hbm4b:s5+s17], $0x10, s16, s17, $0xb8;
	[tilespmem:$0xA180] =	vst v63  }
.LBB2_2:
0x21: {  	s31 =	sshllo.u32 s29, $0x1  }
0x22: {  	s0 =	sshll.u32 s31, $0x7  }
0x23: {  	[tilespmem:s20], [sflag:$0x3] =	stream.indirect.gather [hbm4b:s4+s17], $0x10, s0, s17, $0xb8;
	[tilespmem:$0xA180] =	vst v63  }
0x24: {  	s30 =	sadd.s32 $0x2900, s0  }
0x25: {  	[tilespmem:s21], [sflag:$0x4] =	stream.indirect.gather [hbm4b:s5+s17], $0x10, s30, s17, $0xb8;
	[tilespmem:$0xA180] =	vst v63  }
0x26: {  	_ =	swait.ge [sflag:s22], $0x800  }
0x27: {  	[sflag:s22] =	ssyncset.done $0x0  }
0x28: {  	[sflag:s22] =	ssyncadd.s32 $0xFFFFF800  }
0x29: {  	_ =	swait.ge [sflag:s23], $0x800  }
0x2a: {  	[sflag:s23] =	ssyncset.done $0x0  }
0x2b: {  	s19 =	simm.s32 $0x5220;
	[sflag:s23] =	ssyncadd.s32 $0xFFFFF800  }
0x2c: {  	s1 =	simm.s32 $0x5A20;
	v0 =	vld [tilespmem:s19+$0x10]  }
0x2d: {  	v1 =	vld [tilespmem:s1+$0x10]  }
0x2e: {  	v2 =	vld [tilespmem:s1+$0xFFFFFFE0]  }
0x2f: {  	v3 =	vld [tilespmem:s19+$0xFFFFFFF0]  }
0x30: {  	v4 =	vld [tilespmem:s1+$0xFFFFFFF0]  }
0x31: {  	v5 =	vld [tilespmem:s19+$0x0]  }
0x32: {  	s18 =	simm.s32 $0x5260;
	v6 =	vld [tilespmem:s1+$0x0];
	v0 =	vadd.f32 v1, v0  }
0x33: {  	v7 =	vld [tilespmem:s18+$0x10]  }
0x34: {  	v1 =	vld [tilespmem:s19+$0xFFFFFFE0];
	v8 =	vmul.f32 $2.000000030e-01, v0  }
0x35: {  	s19 =	simm.s32 $0x5A60;
	v3 =	vadd.f32 v4, v3;
	v4 =	vld [tilespmem:s18+$0xFFFFFFF0]  }
0x36: {  	v9 =	vld [tilespmem:s19+$0x10];
	v0 =	vmax.f32 v0, v8  }
0x37: {  	v5 =	vadd.f32 v6, v5;
	v6 =	vld [tilespmem:s19+$0xFFFFFFF0];
	v0 =	vmul.f32 $1.442695020e+00, v0  }
0x38: {  	v11 =	vld [tilespmem:s19+$0x0]  }
0x39: {  	v8 =	vmul.f32 $2.000000030e-01, v3;
	v1 =	vadd.f32 v2, v1;
	v2 =	vld [tilespmem:s18+$0x0];
	(erf) = vpow2.f32 v0  }
0x3a: {  	v10 =	vld [tilespmem:s19+$0xFFFFFFE0];
	v0 =	vmul.f32 $2.000000030e-01, v5  }
0x3b: {  	s19 =	simm.s32 $0x52A0;
	v3 =	vmax.f32 v3, v8;
	v7 =	vadd.f32 v9, v7;
	v9 =	vld [tilespmem:s18+$0xFFFFFFE0];
	v8 =	vmul.f32 $2.000000030e-01, v1  }
0x3c: {  	s0 =	simm.s32 $0x5AA0;
	v12 =	vld [tilespmem:s19+$0x10];
	v4 =	vadd.f32 v6, v4;
	v3 =	vmul.f32 $1.442695020e+00, v3;
	v0 =	vmax.f32 v5, v0  }
0x3d: {  	v5 =	vmul.f32 $2.000000030e-01, v7;
	v1 =	vmax.f32 v1, v8;
	v8 =	vld [tilespmem:s0+$0x10];
	v0 =	vmul.f32 $1.442695020e+00, v0  }
0x3e: {  	(erf) = vpow2.f32 v3;
	v6 =	vmul.f32 $1.442695020e+00, v1;
	v1 =	vld [tilespmem:s0+$0xFFFFFFE0];
	v11 =	vadd.f32 v11, v2  }
0x3f: {  	v3 =	vmax.f32 v7, v5;
	v7 =	vmul.f32 $2.000000030e-01, v4;
	(erf) = vpow2.f32 v0;
	v0 =	vld [tilespmem:s19+$0xFFFFFFF0]  }
0x40: {  	v5 =	vadd.f32 v10, v9;
	v13 =	vmul.f32 $1.442695020e+00, v3;
	v3 =	vld [tilespmem:s0+$0xFFFFFFF0]  }
0x41: {  	v2 =	vld [tilespmem:s19+$0x0];
	v10 =	vmul.f32 $2.000000030e-01, v11;
	(erf) = vpow2.f32 v6;
	v6 =	vmax.f32 v4, v7  }
0x42: {  	s1 =	simm.s32 $0x7220;
	v4 =	vld [tilespmem:s0+$0x0];
	v9 =	vmul.f32 $2.000000030e-01, v5;
	(erf) = vpow2.f32 v13;
	v7 =	vadd.f32 v8, v12;
	v63 =	vpop (erf)  }
0x43: {  	s18 =	simm.s32 $0x8;
	v8 =	vmul.f32 $1.442695020e+00, v6;
	v6 =	vld [tilespmem:s19+$0xFFFFFFE0];
	s19 =	simm.s32 $0x52E0;
	v10 =	vmax.f32 v11, v10;
	[tilespmem:s1+$0x10] =	vst v63  }
.LBB2_3:
0x44: {  	v12 =	vmul.f32 $2.000000030e-01, v7  }
0x45: {  	v11 =	vld [tilespmem:s19+$0x10];
	s0 =	sadd.s32 $0x40, s0;
	v16 =	vmax.f32 v5, v9;
	v9 =	vmul.f32 $1.442695020e+00, v10;
	v13 =	vadd.f32 v3, v0  }
0x46: {  	s18 =	sadd.s32 $0x4, s18;
	v10 =	vld [tilespmem:s0+$0x10];
	v14 =	vmul.f32 $1.442695020e+00, v16;
	(erf) = vpow2.f32 v8  }
0x47: {  	p0 =	slt.u32 s18, $0x7C;
	v15 =	vld [tilespmem:s0+$0xFFFFFFE0];
	v3 =	vmax.f32 v7, v12;
	(erf) = vpow2.f32 v9;
	v5 =	vpop (erf);
	v7 =	vmul.f32 $2.000000030e-01, v13  }
.Ltmp0:
0x48: {  	v0 =	vld [tilespmem:s19+$0xFFFFFFF0];
	v12 =	vadd.f32 v4, v2;
	v4 =	vmul.f32 $1.442695020e+00, v3;
	[tilespmem:s1+$0xFFFFFFF0] =	vst v5;
	v2 =	vpop (erf);
	(pc) =	sbr.rel @p0 .LBB2_3-.Ltmp0, $4  }
0x49: {  	v3 =	vld [tilespmem:s0+$0xFFFFFFF0];
	v5 =	vadd.f32 v1, v6;
	(erf) = vpow2.f32 v14;
	[tilespmem:s1+$0x0] =	vst v2  }
0x4a: {  	v2 =	vld [tilespmem:s19+$0x0];
	v14 =	vmax.f32 v13, v7;
	v13 =	vmul.f32 $2.000000030e-01, v12;
	(erf) = vpow2.f32 v4;
	v6 =	vpop (erf)  }
0x4b: {  	v4 =	vld [tilespmem:s0+$0x0];
	v7 =	vadd.f32 v10, v11;
	v9 =	vmul.f32 $2.000000030e-01, v5;
	v8 =	vmul.f32 $1.442695020e+00, v14;
	v1 =	vpop (erf);
	[tilespmem:s1+$0xFFFFFFE0] =	vst v6;
	s1 =	sadd.s32 $0x40, s1  }
0x4c: {  	v6 =	vld [tilespmem:s19+$0xFFFFFFE0];
	s19 =	sadd.s32 $0x40, s19;
	v10 =	vmax.f32 v12, v13;
	[tilespmem:s1+$0x10] =	vst v1;
	v1 =	vmov v15  }
0x4d: {  	_ =	sdelay $0x1  }
0x4e: {  	v11 =	vmul.f32 $2.000000030e-01, v7;
	v5 =	vmax.f32 v5, v9;
	v0 =	vadd.f32 v3, v0  }
0x4f: {  	(erf) = vpow2.f32 v8;
	v3 =	vmul.f32 $1.442695020e+00, v10;
	v2 =	vadd.f32 v4, v2  }
0x50: {  	v5 =	vmul.f32 $1.442695020e+00, v5;
	v4 =	vmul.f32 $2.000000030e-01, v0;
	v1 =	vadd.f32 v1, v6  }
0x51: {  	(erf) = vpow2.f32 v3;
	v6 =	vmax.f32 v7, v11;
	v3 =	vmul.f32 $2.000000030e-01, v2  }
0x52: {  	v6 =	vmul.f32 $1.442695020e+00, v6;
	v0 =	vmax.f32 v0, v4;
	v4 =	vmul.f32 $2.000000030e-01, v1  }
0x53: {  	(erf) = vpow2.f32 v5;
	v0 =	vmul.f32 $1.442695020e+00, v0  }
0x54: {  	v2 =	vmax.f32 v2, v3;
	(erf) = vpow2.f32 v6;
	v1 =	vmax.f32 v1, v4  }
0x55: {  	v2 =	vmul.f32 $1.442695020e+00, v2;
	v1 =	vmul.f32 $1.442695020e+00, v1  }
0x56: {  	(erf) = vpow2.f32 v0  }
0x57: {  	v0 =	vpop (erf);
	(erf) = vpow2.f32 v2  }
0x58: {  	[tilespmem:s1+$0xFFFFFFF0] =	vst v0;
	v0 =	vpop (erf);
	(erf) = vpow2.f32 v1  }
0x59: {  	[tilespmem:s1+$0x0] =	vst v0;
	v1 =	vpop (erf)  }
0x5a: {  	s0 =	sadd.s32 $0x40, s1;
	v0 =	vpop (erf);
	[tilespmem:s1+$0xFFFFFFE0] =	vst v1  }
0x5b: {  	v1 =	vpop (erf);
	[tilespmem:s0+$0x10] =	vst v0  }
0x5c: {  	[tilespmem:s0+$0xFFFFFFF0] =	vst v1;
	v0 =	vpop (erf)  }
0x5d: {  	[tilespmem:s0+$0x0] =	vst v0;
	v0 =	vpop (erf)  }
0x5e: {  	v1 =	vpop (erf);
	[tilespmem:s0+$0xFFFFFFE0] =	vst v0;
	s0 =	sadd.s32 $0x40, s0  }
0x5f: {  	s18 =	sshll.u32 s29, $0xC;
	[tilespmem:s0+$0x10] =	vst v1;
	v0 =	vpop (erf)  }
0x60: {  	s1 =	sadd.s32 s11, s18;
	[tilespmem:s0+$0xFFFFFFF0] =	vst v0;
	v0 =	vpop (erf)  }
0x61: {  	s1 =	sshrl.u32 s1, $0x3;
	[tilespmem:s0+$0x0] =	vst v0;
	v0 =	vpop (erf)  }
0x62: {  	s19 =	sadd.s32 s6, s1;
	[tilespmem:s0+$0xFFFFFFE0] =	vst v0  }
0x63: {  	[hbm4b:s19+s3] =	stream.linear.scatter [tilespmem:s24], [sflag:$0x5], $0x800, $0x38;
	[tilespmem:$0xA180] =	vst v63  }
0x64: {  	s1 =	sshll.u32 s29, $0x8;
	_ =	swait.ge [sflag:s15], $0x800  }
0x65: {  	s0 =	sand.u32 $0x3FFFFF00, s1;
	[sflag:s15] =	ssyncset.done $0x0  }
0x66: {  	s0 =	sadd.s32 $0x2900, s0;
	[sflag:s15] =	ssyncadd.s32 $0xFFFFF800  }
0x67: {  	[spmem:s2] =	stream.indirect.scatter.add.f32 [tilespmem:s24], [sflag:$0x5], $0x10, s0, s17, $0xb8;
	[tilespmem:$0xA180] =	vst v63  }
0x68: {  	p0 =	seq.s32 s29, $0x28;
	_ =	swait.ge [sflag:s15], $0x800  }
0x69: {  	s18 =	simm.s32 @!p0 $0x80;
	s0 =	sshll.u32 @!p0 s29, $0x8;
	[sflag:s15] =	ssyncset.done $0x0  }
0x6a: {  	s19 =	simm.s32 @!p0 $0x5200;
	s1 =	sadd.s32 @!p0 $0x100, s0;
	[sflag:s15] =	ssyncadd.s32 $0xFFFFF800  }
0x6b: {  	[tilespmem:s19], [sflag:$0x1] =	stream.indirect.gather @!p0 [hbm4b:s4+s18], $0x10, s1, s18, $0xb8;
	[tilespmem:$0xA180] =	vst v63  }
0x6c: {  	s0 =	sadd.s32 @!p0 $0x2A00, s0;
	s1 =	simm.s32 @!p0 $0x5A00  }
0x6d: {  	[tilespmem:s1], [sflag:$0x2] =	stream.indirect.gather @!p0 [hbm4b:s5+s18], $0x10, s0, s18, $0xb8;
	[tilespmem:$0xA180] =	vst v63  }
0x6e: {  	_ =	swait.ge [sflag:s25], $0x800  }
0x6f: {  	[sflag:s25] =	ssyncset.done $0x0  }
0x70: {  	[sflag:s25] =	ssyncadd.s32 $0xFFFFF800  }
0x71: {  	_ =	swait.ge [sflag:s26], $0x800  }
0x72: {  	[sflag:s26] =	ssyncset.done $0x0  }
0x73: {  	s18 =	simm.s32 $0x6220;
	[sflag:s26] =	ssyncadd.s32 $0xFFFFF800  }
0x74: {  	s19 =	simm.s32 $0x6A20;
	v0 =	vld [tilespmem:s18+$0x10]  }
0x75: {  	v1 =	vld [tilespmem:s19+$0x10]  }
0x76: {  	v2 =	vld [tilespmem:s19+$0xFFFFFFE0]  }
0x77: {  	v5 =	vld [tilespmem:s18+$0x0]  }
0x78: {  	v6 =	vld [tilespmem:s19+$0x0]  }
0x79: {  	v3 =	vld [tilespmem:s18+$0xFFFFFFF0]  }
0x7a: {  	v4 =	vld [tilespmem:s19+$0xFFFFFFF0];
	s19 =	simm.s32 $0x6A60;
	v0 =	vadd.f32 v1, v0  }
0x7b: {  	v9 =	vld [tilespmem:s19+$0x10]  }
0x7c: {  	v1 =	vld [tilespmem:s18+$0xFFFFFFE0];
	v8 =	vmul.f32 $2.000000030e-01, v0  }
0x7d: {  	s18 =	simm.s32 $0x6260;
	v5 =	vadd.f32 v6, v5;
	v6 =	vld [tilespmem:s19+$0xFFFFFFF0]  }
0x7e: {  	v7 =	vld [tilespmem:s18+$0x10];
	v0 =	vmax.f32 v0, v8  }
0x7f: {  	v3 =	vadd.f32 v4, v3;
	v4 =	vld [tilespmem:s18+$0xFFFFFFF0];
	v0 =	vmul.f32 $1.442695020e+00, v0  }
0x80: {  	v11 =	vld [tilespmem:s19+$0x0]  }
0x81: {  	v8 =	vmul.f32 $2.000000030e-01, v3;
	v1 =	vadd.f32 v2, v1;
	v2 =	vld [tilespmem:s18+$0x0];
	(erf) = vpow2.f32 v0  }
0x82: {  	v10 =	vld [tilespmem:s19+$0xFFFFFFE0];
	v0 =	vmul.f32 $2.000000030e-01, v5  }
0x83: {  	s19 =	simm.s32 $0x62A0;
	v3 =	vmax.f32 v3, v8;
	v7 =	vadd.f32 v9, v7;
	v9 =	vld [tilespmem:s18+$0xFFFFFFE0];
	v8 =	vmul.f32 $2.000000030e-01, v1  }
0x84: {  	s0 =	simm.s32 $0x6AA0;
	v12 =	vld [tilespmem:s19+$0x10];
	v4 =	vadd.f32 v6, v4;
	v3 =	vmul.f32 $1.442695020e+00, v3;
	v0 =	vmax.f32 v5, v0  }
0x85: {  	v5 =	vmul.f32 $2.000000030e-01, v7;
	v1 =	vmax.f32 v1, v8;
	v8 =	vld [tilespmem:s0+$0x10];
	v0 =	vmul.f32 $1.442695020e+00, v0  }
0x86: {  	(erf) = vpow2.f32 v3;
	v6 =	vmul.f32 $1.442695020e+00, v1;
	v1 =	vld [tilespmem:s0+$0xFFFFFFE0];
	v11 =	vadd.f32 v11, v2  }
0x87: {  	v3 =	vmax.f32 v7, v5;
	v7 =	vmul.f32 $2.000000030e-01, v4;
	(erf) = vpow2.f32 v0;
	v0 =	vld [tilespmem:s19+$0xFFFFFFF0]  }
0x88: {  	v5 =	vadd.f32 v10, v9;
	v13 =	vmul.f32 $1.442695020e+00, v3;
	v3 =	vld [tilespmem:s0+$0xFFFFFFF0]  }
0x89: {  	v2 =	vld [tilespmem:s19+$0x0];
	v10 =	vmul.f32 $2.000000030e-01, v11;
	(erf) = vpow2.f32 v6;
	v6 =	vmax.f32 v4, v7  }
0x8a: {  	s1 =	simm.s32 $0x7220;
	v4 =	vld [tilespmem:s0+$0x0];
	v9 =	vmul.f32 $2.000000030e-01, v5;
	(erf) = vpow2.f32 v13;
	v7 =	vadd.f32 v8, v12;
	v63 =	vpop (erf)  }
0x8b: {  	s18 =	simm.s32 $0x8;
	v8 =	vmul.f32 $1.442695020e+00, v6;
	v6 =	vld [tilespmem:s19+$0xFFFFFFE0];
	s19 =	simm.s32 $0x62E0;
	v10 =	vmax.f32 v11, v10;
	[tilespmem:s1+$0x10] =	vst v63  }
.LBB2_5:
0x8c: {  	v12 =	vmul.f32 $2.000000030e-01, v7  }
0x8d: {  	v11 =	vld [tilespmem:s19+$0x10];
	s0 =	sadd.s32 $0x40, s0;
	v16 =	vmax.f32 v5, v9;
	v9 =	vmul.f32 $1.442695020e+00, v10;
	v13 =	vadd.f32 v3, v0  }
0x8e: {  	s18 =	sadd.s32 $0x4, s18;
	v10 =	vld [tilespmem:s0+$0x10];
	v14 =	vmul.f32 $1.442695020e+00, v16;
	(erf) = vpow2.f32 v8  }
0x8f: {  	p0 =	slt.u32 s18, $0x7C;
	v15 =	vld [tilespmem:s0+$0xFFFFFFE0];
	v3 =	vmax.f32 v7, v12;
	(erf) = vpow2.f32 v9;
	v5 =	vpop (erf);
	v7 =	vmul.f32 $2.000000030e-01, v13  }
.Ltmp1:
0x90: {  	v0 =	vld [tilespmem:s19+$0xFFFFFFF0];
	v12 =	vadd.f32 v4, v2;
	v4 =	vmul.f32 $1.442695020e+00, v3;
	[tilespmem:s1+$0xFFFFFFF0] =	vst v5;
	v2 =	vpop (erf);
	(pc) =	sbr.rel @p0 .LBB2_5-.Ltmp1, $4  }
0x91: {  	v3 =	vld [tilespmem:s0+$0xFFFFFFF0];
	v5 =	vadd.f32 v1, v6;
	(erf) = vpow2.f32 v14;
	[tilespmem:s1+$0x0] =	vst v2  }
0x92: {  	v2 =	vld [tilespmem:s19+$0x0];
	v14 =	vmax.f32 v13, v7;
	v13 =	vmul.f32 $2.000000030e-01, v12;
	(erf) = vpow2.f32 v4;
	v6 =	vpop (erf)  }
0x93: {  	v4 =	vld [tilespmem:s0+$0x0];
	v7 =	vadd.f32 v10, v11;
	v9 =	vmul.f32 $2.000000030e-01, v5;
	v8 =	vmul.f32 $1.442695020e+00, v14;
	v1 =	vpop (erf);
	[tilespmem:s1+$0xFFFFFFE0] =	vst v6;
	s1 =	sadd.s32 $0x40, s1  }
0x94: {  	v6 =	vld [tilespmem:s19+$0xFFFFFFE0];
	s19 =	sadd.s32 $0x40, s19;
	v10 =	vmax.f32 v12, v13;
	[tilespmem:s1+$0x10] =	vst v1;
	v1 =	vmov v15  }
0x95: {  	_ =	sdelay $0x1  }
0x96: {  	v11 =	vmul.f32 $2.000000030e-01, v7;
	v5 =	vmax.f32 v5, v9;
	v0 =	vadd.f32 v3, v0  }
0x97: {  	v48 =	vmul.f32 $1.442695020e+00, v10;
	(erf) = vpow2.f32 v8;
	v2 =	vadd.f32 v4, v2  }
0x98: {  	v5 =	vmul.f32 $1.442695020e+00, v5;
	v49 =	vmul.f32 $2.000000030e-01, v0;
	v1 =	vadd.f32 v1, v6  }
0x99: {  	v50 =	vmax.f32 v7, v11;
	(erf) = vpow2.f32 v48;
	v51 =	vmul.f32 $2.000000030e-01, v2  }
0x9a: {  	v6 =	vmul.f32 $1.442695020e+00, v50;
	v0 =	vmax.f32 v0, v49;
	v52 =	vmul.f32 $2.000000030e-01, v1  }
0x9b: {  	(erf) = vpow2.f32 v5;
	v0 =	vmul.f32 $1.442695020e+00, v0;
	v2 =	vmax.f32 v2, v51  }
0x9c: {  	(erf) = vpow2.f32 v6;
	v1 =	vmax.f32 v1, v52;
	v2 =	vmul.f32 $1.442695020e+00, v2  }
0x9d: {  	(erf) = vpow2.f32 v0;
	v1 =	vmul.f32 $1.442695020e+00, v1  }
0x9e: {  	v53 =	vpop (erf);
	(erf) = vpow2.f32 v2  }
0x9f: {  	[tilespmem:s1+$0xFFFFFFF0] =	vst v53;
	v54 =	vpop (erf);
	(erf) = vpow2.f32 v1  }
0xa0: {  	[tilespmem:s1+$0x0] =	vst v54;
	v55 =	vpop (erf)  }
0xa1: {  	s0 =	sadd.s32 $0x40, s1;
	v56 =	vpop (erf);
	[tilespmem:s1+$0xFFFFFFE0] =	vst v55  }
0xa2: {  	[tilespmem:s0+$0x10] =	vst v56;
	v57 =	vpop (erf)  }
0xa3: {  	[tilespmem:s0+$0xFFFFFFF0] =	vst v57;
	v58 =	vpop (erf)  }
0xa4: {  	[tilespmem:s0+$0x0] =	vst v58;
	v59 =	vpop (erf)  }
0xa5: {  	[tilespmem:s0+$0xFFFFFFE0] =	vst v59;
	s0 =	sadd.s32 $0x40, s0;
	v60 =	vpop (erf)  }
0xa6: {  	s19 =	sshll.u32 s31, $0xB;
	[tilespmem:s0+$0x10] =	vst v60;
	v61 =	vpop (erf)  }
0xa7: {  	s1 =	sadd.s32 s11, s19;
	[tilespmem:s0+$0xFFFFFFF0] =	vst v61;
	v62 =	vpop (erf)  }
0xa8: {  	s1 =	sshrl.u32 s1, $0x3;
	[tilespmem:s0+$0x0] =	vst v62;
	v63 =	vpop (erf)  }
0xa9: {  	s31 =	sadd.s32 s6, s1;
	[tilespmem:s0+$0xFFFFFFE0] =	vst v63  }
0xaa: {  	[hbm4b:s31+s3] =	stream.linear.scatter [tilespmem:s24], [sflag:$0x5], $0x800, $0x38;
	[tilespmem:$0xA180] =	vst v63  }
0xab: {  	s29 =	sadd.s32 $0x1, s29;
	_ =	swait.ge [sflag:s15], $0x800  }
0xac: {  	p0 =	sne.s32 s29, $0x29;
	[sflag:s15] =	ssyncset.done $0x0  }
.Ltmp2:
0xad: {  	[sflag:s15] =	ssyncadd.s32 $0xFFFFF800;
	(pc) =	sbr.rel @p0 .LBB2_2-.Ltmp2, $4  }
0xae: {  	[spmem:s2] =	stream.indirect.scatter.add.f32 [tilespmem:s24], [sflag:$0x5], $0x10, s30, s17, $0xb8;
	[tilespmem:$0xA180] =	vst v63  }
0xaf: {  	_ =	swait.ge [sflag:s15], $0x800  }
0xb0: {  	[sflag:s15] =	ssyncset.done $0x0  }
0xb1: {  	[sflag:s15] =	ssyncadd.s32 $0xFFFFF800  }
0xb2: {  	s28 =	sadd.s32 $0x1, s28  }
0xb3: {  	p0 =	sne.s32 s28, s13  }
.Ltmp3:
0xb4: {  	[bflag:$0x0] =	sbarrier.arrive $0xFFFF;
	(pc) =	sbr.rel @p0 .LBB2_1-.Ltmp3, $4  }
0xb5: {  	[hbm:s12], [sflag:s8] =	dma.local [spmem:s14], $0x4F0  }
0xb6: {  	_ =	swait.ge [sflag:s15], $0x4F0  }
0xb7: {  	[sflag:s15] =	ssyncset.done $0x0  }
0xb8: {  	[sflag:s15] =	ssyncadd.s32 $0xFFFFFB10  }
0xb9: {  	_ =	sfence.sel $0x180000  }
0xba: {  	[bflag:$0x0] =	sbarrier.arrive $0xFFFF  }
0xbb: {  	_ =	strace $0x9000004D  }
0xbc: {  	s0 =	stileid.u32;
	[bflag:$0x2] =	sbarrier.arrive $0xFFFF  }
0xbd: {  	p0 =	sne.s32 s0, $0x0;
	s0 =	rddreg [dreg:$0x2]  }
0xbe: {  	s0 =	sadd.s32 @!p0 $0x100000, s0  }
0xbf: {  	[sflag:s0] =	ssyncadd.tile.s32 @!p0 $0x1;
	_ =	shalt  }
.Lfunc_end2:
_tile_overlayer_lowered:
.L_overlay_start_2:
0xc0: {  	(tag) =	ssettag $0x2  }
0xc1: {  	s0 =	rddreg [dreg:$0x0];
	s2 =	stileid.u32  }
0xc2: {  	s1 =	rddreg [dreg:$0x1];
	p0 =	sne.s32 s2, $0x0  }
0xc3: {  	s3 =	rddreg [dreg:$0x2];
	[bflag:$0x3] =	sbarrier.arrive $0xFFFF;
	s2 =	simm.s32 @!p0 $0x1C05  }
0xc4: {  	[timem:s3], [sflag:s2] =	dma.local @!p0 [hbm:s0], s1  }
0xc5: {  	s0 =	simm.s32 @!p0 $0x5  }
0xc6: {  	_ =	swait.ge @!p0 [sflag:s0], s1  }
0xc7: {  	s1 =	ssub.s32 @!p0 $0x0, s1;
	[sflag:s0] =	ssyncset.done @!p0 $0x0  }
0xc8: {  	[sflag:s0] =	ssyncadd.s32 @!p0 s1  }
0xc9: {  	[bflag:$0x3] =	sbarrier.arrive $0xFFFF  }
0xca: {  	_ =	shalt  }

// kernel: kernel.20.cloned.1.call-start
scs
__scs_entry_jumppad:
0x0: {  	(pc) =	sbr.rel $0x88, $3  }
0x1: {  	(tag) =	ssettag $0x0;
	lr =	simm.s32 $0x1  }
0x2: {  	[smem:$0x3F92] =	sst lr;
	_ =	strace $0xD0000000  }
0x3: {  	_ = 	snop  }
0x4: {  	_ = 	snop  }
0x5: {  	_ = 	snop  }
0x6: {  	_ = 	snop  }
0x7: {  	_ = 	snop  }
__scs_overlays_trampoline_lowered:
0x8: {  	[smem:$0x3FA1] =	sst s0  }
0x9: {  	[smem:$0x3FA2] =	sst s1  }
0xa: {  	[smem:$0x3FA3] =	sst s2  }
0xb: {  	[smem:$0x3FA4] =	sst s3  }
0xc: {  	[smem:$0x3FA5] =	sst s4  }
0xd: {  	[smem:$0x3FA6] =	sst s5  }
0xe: {  	[smem:$0x3FA7] =	sst s6  }
0xf: {  	[smem:$0x3FA8] =	sst s7  }
0x10: {  	[smem:$0x3FA9] =	sst s8  }
0x11: {  	[smem:$0x3FAA] =	sst s9;
	s0 =	simm.s32 @!p0 $0x0  }
0x12: {  	s1 =	sld [smem:$0x3F90];
	s0 =	simm.s32 @p0 $0x1  }
0x13: {  	[smem:$0x3FAB] =	sst s0;
	s0 =	simm.s32 @!p1 $0x0  }
0x14: {  	s2 =	sld [smem:$0x3F8F];
	s0 =	simm.s32 @p1 $0x1  }
0x15: {  	[smem:$0x3FAC] =	sst s0;
	s0 =	simm.s32 @!p2 $0x0  }
0x16: {  	s3 =	sld [smem:$0x3FDB];
	s0 =	simm.s32 @p2 $0x1  }
0x17: {  	s4 =	simm.s32 $0x1BF5;
	[smem:$0x3FAE] =	sst s0  }
0x18: {  	s0 =	sld [smem:$0x3F91];
	_ =	swait.ge [sflag:s4], $0x0  }
0x19: {  	s7 =	sld [smem:$0x3F92]  }
0x1a: {  	s8 =	sadd.s32 $0xFFFFE003, lr  }
0x1b: {  	s9 =	sadd.s32 $0xFFFFFEF7, lr;
	s5 =	simm.s32 $0xFFFFFFFF;
	p2 =	slt.u32 s8, $0xFFFFF086  }
0x1c: {  	p1 =	slt.u32 s9, $0xF7A;
	s5 =	simm.s32 @!p2 $0x0  }
0x1d: {  	s5 =	simm.s32 @p1 $0x1;
	p0 =	seq.s32 s7, s2  }
0x1e: {  	s7 =	smul.u32 @!p0 $0xF7A, s2;
	p2 =	seq.s32 @!p0 s5, $0x0  }
0x1f: {  	s9 =	smul.u32 $0xF7A, s1;
	s8 =	simm.s32 @!p0 $0x1BF5;
	p2 =	por !p2, p0  }
0x20: {  	[sflag:s8] =	ssyncset.s32 @!p0 $0xFFFFF086;
	s6 =	sadd.s32 @!p0 s3, s7;
	s7 =	simm.s32 @!p0 $0x108  }
0x21: {  	s3 =	sadd.s32 s3, s9;
	s6 =	sadd.s32 @!p0 $0x88, s6;
	s7 =	simm.s32 @p2 $0x1082  }
0x22: {  	[simem:s7], [sflag:s8] =	dma.local @!p0 [hbm:s6], $0xF7A  }
0x23: {  	s9 =	sor.u32 $0xD0000000, s2;
	s6 =	simm.s32 $0x108;
	_ =	swait.ge @!p0 [sflag:s8], $0x0  }
0x24: {  	s3 =	sadd.s32 $0x88, s3;
	s6 =	simm.s32 @!p1 $0x1082;
	[sflag:s4] =	ssyncset.s32 $0xFFFFF086  }
0x25: {  	[simem:s6], [sflag:s4] =	dma.local [hbm:s3], $0xF7A  }
0x26: {  	[smem:$0x3F92] =	sst s1;
	(tag) =	ssettag s2;
	_ =	strace s9  }
0x27: {  	s1 =	sld [smem:$0x3FA2]  }
0x28: {  	s2 =	sld [smem:$0x3FA3]  }
0x29: {  	s4 =	sld [smem:$0x3FA5]  }
0x2a: {  	p0 =	seq.s32 s5, $0x0;
	s5 =	sld [smem:$0x3FA6]  }
0x2b: {  	s6 =	sld [smem:$0x3FA7]  }
0x2c: {  	s7 =	sld [smem:$0x3FA8]  }
0x2d: {  	s3 =	simm.s32 $0x108;
	s8 =	sld [smem:$0x3FA9]  }
0x2e: {  	s3 =	simm.s32 @!p0 $0x1082;
	s9 =	sld [smem:$0x3FAA]  }
0x2f: {  	lr =	sadd.s32 s0, s3;
	s0 =	sld [smem:$0x3FA1]  }
0x30: {  	s3 =	sld [smem:$0x3FA4]  }
0x31: {  	[smem:$0x3FAD] =	sst s10  }
0x32: {  	s10 =	sld [smem:$0x3FAB];
	_ =	sdelay $0x3  }
0x33: {  	p0 =	seq.s32 s10, $0x1;
	s10 =	sld [smem:$0x3FAD];
	_ =	sdelay $0x3  }
0x34: {  	[smem:$0x3FAD] =	sst s10  }
0x35: {  	s10 =	sld [smem:$0x3FAC];
	_ =	sdelay $0x3  }
0x36: {  	p1 =	seq.s32 s10, $0x1;
	s10 =	sld [smem:$0x3FAD];
	_ =	sdelay $0x3  }
0x37: {  	[smem:$0x3FAD] =	sst s10  }
0x38: {  	s10 =	sld [smem:$0x3FAE]  }
0x39: {  	_ = 	snop;
	(pc) =	sbr.ind lr, $3  }
0x3a: {  	_ = 	snop  }
0x3b: {  	_ = 	snop  }
0x3c: {  	p2 =	seq.s32 s10, $0x1;
	s10 =	sld [smem:$0x3FAD]  }
0x3d: {  	_ =	shalt  }
0x3e: {  	_ =	shalt  }
0x3f: {  	_ =	shalt  }
0x40: {  	_ =	shalt  }
0x41: {  	_ =	shalt  }
0x42: {  	_ =	shalt  }
0x43: {  	_ =	shalt  }
0x44: {  	_ =	shalt  }
0x45: {  	_ =	shalt  }
0x46: {  	_ =	shalt  }
0x47: {  	_ =	shalt  }
0x48: {  	_ =	shalt  }
0x49: {  	_ =	shalt  }
0x4a: {  	_ =	shalt  }
0x4b: {  	_ =	shalt  }
0x4c: {  	_ =	shalt  }
0x4d: {  	_ =	shalt  }
0x4e: {  	_ =	shalt  }
0x4f: {  	_ =	shalt  }
0x50: {  	_ =	shalt  }
0x51: {  	_ =	shalt  }
0x52: {  	_ =	shalt  }
0x53: {  	_ =	shalt  }
0x54: {  	_ =	shalt  }
0x55: {  	_ =	shalt  }
0x56: {  	_ =	shalt  }
0x57: {  	_ =	shalt  }
0x58: {  	_ =	shalt  }
0x59: {  	_ =	shalt  }
0x5a: {  	_ =	shalt  }
0x5b: {  	_ =	shalt  }
0x5c: {  	_ =	shalt  }
0x5d: {  	_ =	shalt  }
0x5e: {  	_ =	shalt  }
0x5f: {  	_ =	shalt  }
0x60: {  	_ =	shalt  }
0x61: {  	_ =	shalt  }
0x62: {  	_ =	shalt  }
0x63: {  	_ =	shalt  }
0x64: {  	_ =	shalt  }
0x65: {  	_ =	shalt  }
0x66: {  	_ =	shalt  }
0x67: {  	_ =	shalt  }
0x68: {  	_ =	shalt  }
0x69: {  	_ =	shalt  }
0x6a: {  	_ =	shalt  }
0x6b: {  	_ =	shalt  }
0x6c: {  	_ =	shalt  }
0x6d: {  	_ =	shalt  }
0x6e: {  	_ =	shalt  }
0x6f: {  	_ =	shalt  }
0x70: {  	_ =	shalt  }
0x71: {  	_ =	shalt  }
0x72: {  	_ =	shalt  }
0x73: {  	_ =	shalt  }
0x74: {  	_ =	shalt  }
0x75: {  	_ =	shalt  }
0x76: {  	_ =	shalt  }
0x77: {  	_ =	shalt  }
0x78: {  	_ =	shalt  }
0x79: {  	_ =	shalt  }
0x7a: {  	_ =	shalt  }
0x7b: {  	_ =	shalt  }
0x7c: {  	_ =	shalt  }
0x7d: {  	_ =	shalt  }
0x7e: {  	_ =	shalt  }
0x7f: {  	_ =	shalt  }
0x80: {  	_ =	shalt  }
0x81: {  	_ =	shalt  }
0x82: {  	_ =	shalt  }
0x83: {  	_ =	shalt  }
0x84: {  	_ =	shalt  }
0x85: {  	_ =	shalt  }
0x86: {  	_ =	shalt  }
0x87: {  	_ =	shalt  }
.Lfunc_end0:
.L_simem_size_0:
called_computation.3_lowered:
.L_overlay_start_0:
0x88: {  	s2 =	sld [smem:$0x3FD9]  }
0x89: {  	s3 =	sld [smem:$0x3FFE];
	_ =	sdelay $0x1  }
0x8a: {  	s1 =	srdreg.scid  }
0x8b: {  	s0 =	sand.u32 $0x1, s1  }
0x8c: {  	s16 =	sshll.u32 s0, $0xA;
	s2 =	sadd.s32 s3, s2  }
0x8d: {  	s2 =	sadd.s32 s2, s16  }
0x8e: {  	[smem:$0x3FB9] =	sst s2  }
0x8f: {  	_ = 	snop  }
0x90: {  	(tm) =	ssettm $0x1  }
0x91: {  	s17 =	sld [smem:$0x3FFB];
	_ =	sdelay $0x3  }
0x92: {  	_ =	strace s17  }
0x93: {  	s2 =	sld [smem:$0x3FFC];
	_ =	sdelay $0x3  }
0x94: {  	_ =	strace s2  }
0x95: {  	s2 =	sld [smem:$0x3FFD];
	_ =	sdelay $0x3  }
0x96: {  	_ =	strace s2  }
0x97: {  	_ =	strace $0x8FFFFFFF  }
0x98: {  	s18 =	sld [smem:$0x3FDB];
	_ =	sdelay $0x1  }
0x99: {  	s19 =	simm.s32 $_scs_section_size  }
0x9a: {  	s4 =	simm.s32 $_size__tile_overlayer_lowered;
	s5 =	simm.s32 $_tile_overlayer_lowered  }
0x9b: {  	s22 =	simm.s32 $0x1BFF;
	s21 =	sshll.u32 s5, $0x1;
	s2 =	sadd.s32 s19, s18  }
0x9c: {  	s6 =	simm.s32 $0x0;
	s20 =	sshll.u32 s4, $0x1;
	s4 =	sadd.s32 s21, s2  }
0x9d: {  	[timem:s6], [sflag:s22] =	dma.local [hbm:s4], s20  }
0x9e: {  	_ =	swait.ge [sflag:s22], s20  }
0x9f: {  	s3 =	ssub.s32 $0x0, s20;
	[sflag:s22] =	ssyncset.done $0x0  }
0xa0: {  	[sflag:s22] =	ssyncadd.s32 s3;
	_ =	sdelay $0x1  }
0xa1: {  	s23 =	simm.s32 $0x1B8B  }
0xa2: {  	_ =	swait.ge [sflag:s23], $0x1  }
0xa3: {  	[sflag:s23] =	ssyncset.done $0x0  }
0xa4: {  	s25 =	simm.s32 $0x1B8E;
	s24 =	sld [smem:$0x3FFE];
	[sflag:s23] =	ssyncadd.s32 $0xFFFFFFFF  }
0xa5: {  	s26 =	simm.s32 $execute0_lowered;
	[smem:$0x3FD2] =	sst s25  }
0xa6: {  	s4 =	sshll.u32 s26, $0x1;
	_ =	strace $0x8000004F;
	[dreg:$0x1] =	wrdreg $0xFFFFFFFF  }
0xa7: {  	s28 =	simm.s32 $_size_execute0_lowered;
	s2 =	sadd.s32 s2, s4;
	[dreg:$0x0] =	wrdreg $0x0  }
0xa8: {  	s4 =	sshll.u32 s28, $0x1;
	[dreg:$0x2] =	wrdreg s2  }
0xa9: {  	[dreg:$0x3] =	wrdreg s4  }
0xaa: {  	[dreg:$0x4] =	wrdreg $0xC0  }
0xab: {  	_ =	task [dreg:s6], $0x5FFFF  }
0xac: {  	[dreg:$0x1] =	wrdreg $0xFFFFFFFF  }
0xad: {  	[dreg:$0x0] =	wrdreg $0x60  }
0xae: {  	[dreg:$0x2] =	wrdreg s24  }
0xaf: {  	[dreg:$0x3] =	wrdreg $0xC3000  }
0xb0: {  	[dreg:$0x4] =	wrdreg $0x9  }
0xb1: {  	_ =	task.clear_ibuf [dreg:s6], $0x5FFFF;
	_ =	strace $0x9000004F  }
0xb2: {  	s29 =	simm.s32 $0x9;
	_ =	strace $0x80000051  }
0xb3: {  	_ =	swait.ge [sflag:s29], $0x1  }
0xb4: {  	[sflag:s29] =	ssyncadd.s32 $0xFFFFFFFF  }
0xb5: {  	_ =	strace $0x90000051  }
0xb6: {  	_ =	sfence  }
0xb7: {  	s30 =	sld [smem:$0x0];
	_ =	sdelay $0x2  }
0xb8: {  	s31 =	sshll.u32 s1, $0xD;
	s1 =	sshrl.u32 s1, $0x2  }
0xb9: {  	s3 =	sand.u32 $0x4000, s31;
	s1 =	sadd.s32 s1, s30  }
0xba: {  	s0 =	sor.u32 s3, s0;
	s1 =	sshll.u32 s1, $0x11  }
0xbb: {  	s0 =	sor.u32 s1, s0  }
0xbc: {  	s0 =	sadd.s32 $0x8F2B, s0  }
0xbd: {  	[sflag:s0] =	ssyncadd.remote.s32 $0x1  }
0xbe: {  	_ =	sfence.sel $0xFFFF  }
0xbf: {  	[dreg:$0x0] =	wrdreg $0xFFFFFFFF;
	(pc) =	sbr.abs _section_cstart, $3  }
0xc0: {  	[dreg:$0x1] =	wrdreg $0xFFFFFFFF  }
0xc1: {  	_ =	task.clear_ibuf [dreg:s6], $0x2FFFF;
	_ =	strace $0x9FFFFFFF  }
0xc2: {  	(tm) =	ssettm $0x7FFFFFFF  }
0xc3: {  	_ =	shalt  }
tec
execute0_lowered:
.L_overlay_start_1:
0x0: {  	(tag) =	ssettag $0x1  }
0x1: {  	s0 =	srdreg.scid;
	s1 =	rddreg [dreg:$0x0]  }
0x2: {  	s13 =	stileid.u32;
	s2 =	rddreg [dreg:$0x1];
	s14 =	simm.s32 $0x5  }
0x3: {  	s15 =	simm.s32 $0x80;
	s17 =	simm.s32 $0x3B00;
	s18 =	simm.s32 $0x2980  }
0x4: {  	s20 =	simm.s32 $0x2A00;
	s21 =	simm.s32 $0x8300;
	s22 =	simm.s32 $0x2A80  }
0x5: {  	s23 =	simm.s32 $0x7B00;
	s24 =	simm.s32 $0x2B00;
	s28 =	simm.s32 $0x4  }
0x6: {  	s29 =	simm.s32 $0x3;
	s30 =	simm.s32 $0x0;
	s0 =	sand.u32 $0x1, s0  }
0x7: {  	s8 =	smul.u32 $0x13C00, s13;
	s5 =	sadd.s32 $0x57600, s1;
	s6 =	sadd.s32 $0x2800, s1  }
0x8: {  	s25 =	sshll.u32 s13, $0x6;
	s3 =	sshll.u32 s0, $0x4;
	s10 =	smul.u32 $0x13C000, s0  }
0x9: {  	s0 =	ssub.s32 $0x2, s0;
	s7 =	sor.u32 s13, s3;
	s3 =	simm.s32 $0x0  }
0xa: {  	s11 =	sshrl.u32 s8, $0x3;
	s12 =	sshrl.u32 s0, $0x1;
	s26 =	sadd.s32 s8, s2  }
0xb: {  	s4 =	smul.u32 $0x520, s7;
	[smem:$0x7FF] =	sst s3;
	s10 =	sadd.s32 s8, s10  }
0xc: {  	s11 =	sadd.s32 s11, s1;
	s0 =	ssub.s32 s0, s12;
	s8 =	sor.u32 $0x1C05, s25  }
0xd: {  	s13 =	sshrl.u32 s26, $0x3;
	s25 =	simm.s32 $0x2;
	s26 =	simm.s32 $0x1  }
0xe: {  	_ =	strace $0x80000050;
	s10 =	sshrl.u32 s10, $0x3;
	s31 =	sadd.s32 $0x105A00, s11  }
0xf: {  	v0 =	vimm.s32 $0x0;
	v1 =	vimm.s32 $0x1;
	s12 =	smax.u32 s0, $0x1;
	s9 =	sadd.s32 s4, s1;
	s4 =	sadd.s32 $0x17000, s1  }
0x10: {  	v2 =	vimm.s32 $0x2;
	v3 =	vimm.s32 $0x3;
	v4 =	vimm.s32 $0x4;
	s1 =	sadd.s32 s10, s1;
	[dreg:$0x3] =	wrdreg s31;
	s9 =	sadd.s32 $0xFB600, s9  }
0x11: {  	v5 =	vimm.s32 $0x5;
	v6 =	vimm.s32 $0x6;
	v7 =	vimm.s32 $0x7;
	s10 =	smul.u32 $0x29000, s7;
	s11 =	sadd.s32 $0x12D200, s1;
	[dreg:$0x4] =	wrdreg s9  }
.LBB2_1:
0x12: {  	s0 =	rddreg [dreg:$0x3]  }
0x13: {  	[spmem:s13], [sflag:s8] =	dma.local [hbm:s0], $0x2780  }
0x14: {  	_ =	swait.ge [sflag:s14], $0x2780  }
0x15: {  	[sflag:s14] =	ssyncset.done $0x0  }
0x16: {  	[sflag:s14] =	ssyncadd.s32 $0xFFFFD880  }
0x17: {  	[bflag:$0x0] =	sbarrier.arrive $0xFFFF  }
0x18: {  	s9 =	rddreg [dreg:$0x4]  }
0x19: {  	[tilespmem:s3], [sflag:$0x5] =	stream.linear.gather [hbm4b:s9+s3], $0x2900, $0x38;
	[tilespmem:$0x1FF00] =	vst v63  }
0x1a: {  	_ =	swait.ge [sflag:s14], $0x2900  }
0x1b: {  	[sflag:s14] =	ssyncset.done $0x0  }
0x1c: {  	[sflag:s14] =	ssyncadd.s32 $0xFFFFD700  }
0x1d: {  	v8 =	vld [tilespmem:$0x0];
	_ =	sdelay $0x1  }
0x1e: {  	v9 =	vld [tilespmem:$0x10];
	_ =	sdelay $0x1  }
0x1f: {  	v10 =	vld [tilespmem:$0x20]  }
0x20: {  	v11 =	vand.u32 $0x3FFF, v8  }
0x21: {  	v59 =	vld [tilespmem:$0x30];
	v8 =	vshrl.u32 v8, $0xE;
	[tilespmem:$0x2900] =	vst v11  }
0x22: {  	[tilespmem:$0x2980] =	vst v8;
	v8 =	vand.u32 $0x3FFF, v9  }
0x23: {  	v60 =	vld [tilespmem:$0x40];
	[tilespmem:$0x2910] =	vst v8;
	v8 =	vshrl.u32 v9, $0xE  }
0x24: {  	[tilespmem:$0x2990] =	vst v8;
	v8 =	vand.u32 $0x3FFF, v10  }
0x25: {  	v61 =	vld [tilespmem:$0x50];
	[tilespmem:$0x2920] =	vst v8;
	v8 =	vshrl.u32 v10, $0xE  }
0x26: {  	[tilespmem:$0x29A0] =	vst v8;
	v8 =	vand.u32 $0x3FFF, v59  }
0x27: {  	v62 =	vld [tilespmem:$0x60];
	[tilespmem:$0x2930] =	vst v8;
	v8 =	vshrl.u32 v59, $0xE  }
0x28: {  	[tilespmem:$0x29B0] =	vst v8;
	v8 =	vand.u32 $0x3FFF, v60  }
0x29: {  	v63 =	vld [tilespmem:$0x70];
	[tilespmem:$0x2940] =	vst v8;
	v8 =	vshrl.u32 v60, $0xE  }
0x2a: {  	[tilespmem:$0x29C0] =	vst v8;
	v8 =	vand.u32 $0x3FFF, v61  }
0x2b: {  	[tilespmem:$0x2950] =	vst v8;
	v8 =	vshrl.u32 v61, $0xE  }
0x2c: {  	[tilespmem:$0x29D0] =	vst v8;
	v8 =	vand.u32 $0x3FFF, v62  }
0x2d: {  	[tilespmem:$0x2960] =	vst v8;
	v8 =	vshrl.u32 v62, $0xE  }
0x2e: {  	[tilespmem:$0x29E0] =	vst v8;
	v8 =	vand.u32 $0x3FFF, v63  }
0x2f: {  	[tilespmem:$0x2970] =	vst v8;
	v8 =	vshrl.u32 v63, $0xE  }
0x30: {  	s16 =	simm.s32 $0x2900;
	[tilespmem:$0x29F0] =	vst v8  }
0x31: {  	[tilespmem:s17], [sflag:$0x1] =	stream.indirect.gather [hbm4b:s4+s15], $0x80, s16, s15, $0xb8;
	[tilespmem:$0x1FF00] =	vst v63  }
0x32: {  	s19 =	simm.s32 $0x3300;
	s31 =	simm.s32 $0x0  }
0x33: {  	[tilespmem:s19], [sflag:$0x2] =	stream.indirect.gather [hbm4b:s6+s15], $0x10, s18, s15, $0xb8;
	[tilespmem:$0x1FF00] =	vst v63  }
.LBB2_2:
0x34: {  	s1 =	sshllo.u32 s31, $0x1  }
0x35: {  	s0 =	sshll.u32 s1, $0x7  }
0x36: {  	s0 =	sand.u32 $0x3FFFFF80, s0  }
0x37: {  	v8 =	vld [tilespmem:s0+$0x0];
	_ =	sdelay $0x4  }
0x38: {  	v9 =	vand.u32 $0x3FFF, v8  }
0x39: {  	v8 =	vshrl.u32 v8, $0xE;
	[tilespmem:$0x2A00] =	vst v9  }
0x3a: {  	[tilespmem:$0x2A80] =	vst v8  }
0x3b: {  	v8 =	vld [tilespmem:s0+$0x10];
	_ =	sdelay $0x4  }
0x3c: {  	v9 =	vand.u32 $0x3FFF, v8  }
0x3d: {  	v8 =	vshrl.u32 v8, $0xE;
	[tilespmem:$0x2A10] =	vst v9  }
0x3e: {  	[tilespmem:$0x2A90] =	vst v8  }
0x3f: {  	v8 =	vld [tilespmem:s0+$0x20];
	_ =	sdelay $0x4  }
0x40: {  	v9 =	vand.u32 $0x3FFF, v8  }
0x41: {  	v8 =	vshrl.u32 v8, $0xE;
	[tilespmem:$0x2A20] =	vst v9  }
0x42: {  	[tilespmem:$0x2AA0] =	vst v8  }
0x43: {  	v8 =	vld [tilespmem:s0+$0x30];
	_ =	sdelay $0x4  }
0x44: {  	v9 =	vand.u32 $0x3FFF, v8  }
0x45: {  	v8 =	vshrl.u32 v8, $0xE;
	[tilespmem:$0x2A30] =	vst v9  }
0x46: {  	[tilespmem:$0x2AB0] =	vst v8  }
0x47: {  	v8 =	vld [tilespmem:s0+$0x40];
	_ =	sdelay $0x4  }
0x48: {  	v9 =	vand.u32 $0x3FFF, v8  }
0x49: {  	v8 =	vshrl.u32 v8, $0xE;
	[tilespmem:$0x2A40] =	vst v9  }
0x4a: {  	[tilespmem:$0x2AC0] =	vst v8  }
0x4b: {  	v8 =	vld [tilespmem:s0+$0x50];
	_ =	sdelay $0x4  }
0x4c: {  	v9 =	vand.u32 $0x3FFF, v8  }
0x4d: {  	v8 =	vshrl.u32 v8, $0xE;
	[tilespmem:$0x2A50] =	vst v9  }
0x4e: {  	[tilespmem:$0x2AD0] =	vst v8  }
0x4f: {  	v8 =	vld [tilespmem:s0+$0x60];
	_ =	sdelay $0x4  }
0x50: {  	v9 =	vand.u32 $0x3FFF, v8  }
0x51: {  	v8 =	vshrl.u32 v8, $0xE;
	[tilespmem:$0x2A60] =	vst v9  }
0x52: {  	[tilespmem:$0x2AE0] =	vst v8  }
0x53: {  	v8 =	vld [tilespmem:s0+$0x70];
	_ =	sdelay $0x4  }
0x54: {  	v9 =	vand.u32 $0x3FFF, v8  }
0x55: {  	s19 =	sshll.u32 s31, $0xC;
	v8 =	vshrl.u32 v8, $0xE;
	[tilespmem:$0x2A70] =	vst v9  }
0x56: {  	s0 =	sadd.s32 s10, s19;
	[tilespmem:$0x2AF0] =	vst v8  }
0x57: {  	[tilespmem:s21], [sflag:$0x3] =	stream.indirect.gather [hbm4b:s4+s15], $0x80, s20, s15, $0xb8;
	[tilespmem:$0x1FF00] =	vst v63  }
0x58: {  	s0 =	sshrl.u32 s0, $0x3  }
0x59: {  	[tilespmem:s23], [sflag:$0x4] =	stream.indirect.gather [hbm4b:s6+s15], $0x10, s22, s15, $0xb8;
	[tilespmem:$0x1FF00] =	vst v63  }
0x5a: {  	s0 =	sadd.s32 s5, s0  }
0x5b: {  	[tilespmem:s24], [sflag:$0x5] =	stream.linear.gather [hbm4b:s0+s3], $0x800, $0x38;
	[tilespmem:$0x1FF00] =	vst v63  }
0x5c: {  	_ =	swait.ge [sflag:s14], $0x800  }
0x5d: {  	[sflag:s14] =	ssyncset.done $0x0  }
0x5e: {  	[sflag:s14] =	ssyncadd.s32 $0xFFFFF800  }
0x5f: {  	_ =	swait.ge [sflag:s25], $0x800  }
0x60: {  	[sflag:s25] =	ssyncset.done $0x0  }
0x61: {  	[sflag:s25] =	ssyncadd.s32 $0xFFFFF800  }
0x62: {  	_ =	swait.ge [sflag:s26], $0x4000  }
0x63: {  	[sflag:s26] =	ssyncset.done $0x0  }
0x64: {  	s7 =	simm.s32 $0x2B20;
	[sflag:s26] =	ssyncadd.s32 $0xFFFFC000  }
0x65: {  	s0 =	simm.s32 $0x3320;
	v8 =	vld [tilespmem:s7+$0x10]  }
0x66: {  	v9 =	vld [tilespmem:s0+$0x10]  }
0x67: {  	v10 =	vld [tilespmem:s0+$0xFFFFFFE0]  }
0x68: {  	v11 =	vld [tilespmem:s7+$0xFFFFFFF0]  }
0x69: {  	v12 =	vld [tilespmem:s0+$0xFFFFFFF0]  }
0x6a: {  	v14 =	vld [tilespmem:s7+$0x0]  }
0x6b: {  	v15 =	vld [tilespmem:s0+$0x0]  }
0x6c: {  	v16 =	vld [tilespmem:s7+$0xFFFFFFE0];
	_ =	sdelay $0x1  }
0x6d: {  	s16 =	simm.s32 $0x3C00  }
0x6e: {  	v13 =	vld [tilespmem:s16+$0xF0];
	v9 =	vmul.f32 v9, v8  }
0x6f: {  	v18 =	vld [tilespmem:s16+$0xFFFFFF00];
	v11 =	vmul.f32 v12, v11;
	v12 =	vmul.f32 v15, v14  }
0x70: {  	v19 =	vld [tilespmem:s16+$0xFFFFFF10];
	v10 =	vmul.f32 v10, v16;
	v32 =	vperm.xlane v9, v0  }
0x71: {  	v22 =	vld [tilespmem:s16+$0xFFFFFF30];
	v17 =	vperm.xlane v9, v7;
	v33 =	vperm.xlane v9, v1  }
0x72: {  	v26 =	vld [tilespmem:s16+$0xFFFFFF60];
	v8 =	vperm.xlane v9, v2;
	v20 =	vperm.xlane v11, v0  }
0x73: {  	v29 =	vld [tilespmem:s16+$0xFFFFFF70];
	v21 =	vperm.xlane v11, v1;
	v23 =	vperm.xlane v11, v2  }
0x74: {  	v34 =	vld [tilespmem:s16+$0xFFFFFF80];
	v15 =	vperm.xlane v11, v3;
	v24 =	vperm.xlane v11, v4  }
0x75: {  	v37 =	vld [tilespmem:s16+$0xFFFFFF90];
	v25 =	vperm.xlane v11, v5;
	v27 =	vperm.xlane v10, v0  }
0x76: {  	v40 =	vld [tilespmem:s16+$0xFFFFFFA0];
	v28 =	vperm.xlane v10, v1;
	v30 =	vperm.xlane v10, v2  }
0x77: {  	v43 =	vld [tilespmem:s16+$0xFFFFFFB0];
	v31 =	vperm.xlane v10, v3;
	v35 =	vperm.xlane v10, v4  }
0x78: {  	v46 =	vld [tilespmem:s16+$0xFFFFFFC0];
	v36 =	vperm.xlane v10, v5;
	v38 =	vperm.xlane v10, v6  }
0x79: {  	v49 =	vld [tilespmem:s16+$0xFFFFFFD0];
	v39 =	vperm.xlane v10, v7;
	v41 =	vperm.xlane v11, v6  }
0x7a: {  	v52 =	vld [tilespmem:s16+$0xFFFFFFE0];
	v42 =	vperm.xlane v11, v7;
	v44 =	vperm.xlane v12, v0  }
0x7b: {  	v55 =	vld [tilespmem:s16+$0xFFFFFFF0];
	v45 =	vperm.xlane v12, v1;
	v47 =	vperm.xlane v12, v2  }
0x7c: {  	v56 =	vld [tilespmem:s16+$0x0];
	v48 =	vperm.xlane v12, v3;
	v50 =	vperm.xlane v12, v4  }
0x7d: {  	v57 =	vld [tilespmem:s16+$0x10];
	v51 =	vperm.xlane v12, v5;
	v53 =	vperm.xlane v12, v6  }
0x7e: {  	v14 =	vld [tilespmem:s16+$0xFFFFFF40];
	v54 =	vperm.xlane v12, v7;
	v12 =	vperm.xlane v9, v3  }
0x7f: {  	v16 =	vld [tilespmem:s16+$0xFFFFFF50];
	v11 =	vperm.xlane v9, v4;
	v13 =	vmul.f32 v13, v17  }
0x80: {  	v61 =	vld [tilespmem:s16+$0x60];
	v10 =	vperm.xlane v9, v5;
	v18 =	vmul.f32 v18, v27  }
0x81: {  	v9 =	vperm.xlane v9, v6;
	v17 =	vld [tilespmem:s16+$0xFFFFFF20];
	v26 =	vmul.f32 v26, v38;
	[tilespmem:s16+$0xF0] =	vst v13  }
0x82: {  	v63 =	vld [tilespmem:s16+$0x90];
	v22 =	vmul.f32 v22, v31;
	v29 =	vmul.f32 v29, v39;
	[tilespmem:s16+$0xFFFFFF00] =	vst v18  }
0x83: {  	v14 =	vmul.f32 v14, v35;
	v13 =	vmul.f32 v19, v28;
	v19 =	vld [tilespmem:s16+$0x20];
	[tilespmem:s16+$0xFFFFFF60] =	vst v26  }
0x84: {  	v31 =	vmul.f32 v37, v21;
	v16 =	vmul.f32 v16, v36;
	v18 =	vld [tilespmem:s16+$0x30];
	[tilespmem:s16+$0xFFFFFF70] =	vst v29  }
0x85: {  	v62 =	vmul.f32 v40, v23;
	v15 =	vmul.f32 v43, v15;
	[tilespmem:s16+$0xFFFFFF40] =	vst v14;
	v14 =	vld [tilespmem:s16+$0x70]  }
0x86: {  	v25 =	vmul.f32 v49, v25;
	[tilespmem:s16+$0xFFFFFF50] =	vst v16;
	v16 =	vld [tilespmem:s16+$0x80];
	v17 =	vmul.f32 v17, v30  }
0x87: {  	v27 =	vmul.f32 v52, v41;
	v23 =	vmul.f32 v55, v42;
	[tilespmem:s16+$0xFFFFFF10] =	vst v13;
	v13 =	vld [tilespmem:s16+$0x40]  }
0x88: {  	v28 =	vmul.f32 v46, v24;
	v30 =	vmul.f32 v34, v20;
	[tilespmem:s16+$0xFFFFFF20] =	vst v17;
	v17 =	vld [tilespmem:s16+$0x50]  }
0x89: {  	v26 =	vmul.f32 v56, v44;
	v29 =	vld [tilespmem:s16+$0xA0];
	[tilespmem:s16+$0xFFFFFFB0] =	vst v15;
	v15 =	vmul.f32 v63, v33  }
0x8a: {  	v20 =	vmul.f32 v57, v45;
	v24 =	vmul.f32 v19, v47;
	[tilespmem:s16+$0xFFFFFF80] =	vst v30;
	v30 =	vld [tilespmem:s16+$0xB0]  }
0x8b: {  	[tilespmem:s16+$0xFFFFFF90] =	vst v31;
	v31 =	vld [tilespmem:s16+$0xC0];
	v21 =	vmul.f32 v18, v48;
	v19 =	vmul.f32 v61, v53  }
0x8c: {  	[tilespmem:s16+$0xFFFFFF30] =	vst v22;
	v16 =	vmul.f32 v16, v32;
	v22 =	vmul.f32 v13, v50;
	v13 =	vld [tilespmem:s16+$0xD0]  }
0x8d: {  	s9 =	simm.s32 $0x2B60;
	s19 =	simm.s32 $0x3C00;
	s7 =	simm.s32 $0x0;
	[tilespmem:s16+$0xFFFFFFA0] =	vst v62;
	v18 =	vmul.f32 v17, v51;
	v17 =	vmul.f32 v14, v54;
	v14 =	vld [tilespmem:s16+$0xE0]  }
.LBB2_3:
0x8e: {  	v32 =	vld [tilespmem:s9+$0x10];
	[tilespmem:s16+$0xFFFFFFC0] =	vst v28;
	v28 =	vmul.f32 v29, v8;
	s0 =	sadd.s32 $0x40, s0  }
0x8f: {  	s7 =	sadd.s32 $0x4, s7;
	v8 =	vld [tilespmem:s0+$0x10];
	[tilespmem:s16+$0xFFFFFFD0] =	vst v25;
	v12 =	vmul.f32 v30, v12  }
0x90: {  	p0 =	slt.u32 s7, $0x7C;
	v25 =	vld [tilespmem:s0+$0xFFFFFFE0];
	[tilespmem:s16+$0xFFFFFFE0] =	vst v27;
	v11 =	vmul.f32 v31, v11  }
0x91: {  	v27 =	vld [tilespmem:s9+$0xFFFFFFF0];
	[tilespmem:s16+$0xFFFFFFF0] =	vst v23;
	v10 =	vmul.f32 v13, v10  }
0x92: {  	s16 =	sadd.s32 $0x200, s16;
	v23 =	vld [tilespmem:s0+$0xFFFFFFF0];
	[tilespmem:s19+$0x0] =	vst v26;
	v9 =	vmul.f32 v14, v9  }
0x93: {  	v26 =	vld [tilespmem:s16+$0xF0];
	[tilespmem:s19+$0x10] =	vst v20  }
0x94: {  	v20 =	vld [tilespmem:s9+$0x0];
	v29 =	vmul.f32 v8, v32;
	[tilespmem:s19+$0x20] =	vst v24  }
0x95: {  	v24 =	vld [tilespmem:s0+$0x0];
	[tilespmem:s19+$0x30] =	vst v21  }
0x96: {  	v21 =	vld [tilespmem:s9+$0xFFFFFFE0];
	v13 =	vperm.xlane v29, v0;
	v30 =	vperm.xlane v29, v7;
	[tilespmem:s19+$0x40] =	vst v22  }
0x97: {  	v14 =	vperm.xlane v29, v1;
	v22 =	vld [tilespmem:s16+$0xFFFFFF00];
	v23 =	vmul.f32 v23, v27;
	[tilespmem:s19+$0x50] =	vst v18  }
0x98: {  	v8 =	vperm.xlane v29, v2;
	v18 =	vld [tilespmem:s16+$0xFFFFFF10];
	v26 =	vmul.f32 v26, v30;
	[tilespmem:s19+$0x60] =	vst v19  }
0x99: {  	v19 =	vld [tilespmem:s16+$0xFFFFFF20];
	v27 =	vperm.xlane v23, v0;
	v30 =	vperm.xlane v23, v1;
	[tilespmem:s19+$0x70] =	vst v17  }
0x9a: {  	v31 =	vperm.xlane v23, v2;
	v17 =	vld [tilespmem:s16+$0xFFFFFF30];
	v20 =	vmul.f32 v24, v20;
	[tilespmem:s16+$0xF0] =	vst v26  }
0x9b: {  	v21 =	vmul.f32 v25, v21;
	v24 =	vld [tilespmem:s16+$0xFFFFFF40];
	v25 =	vperm.xlane v23, v3;
	[tilespmem:s19+$0x80] =	vst v16  }
0x9c: {  	v32 =	vperm.xlane v23, v5;
	v26 =	vperm.xlane v23, v4;
	v16 =	vld [tilespmem:s16+$0xFFFFFF50];
	[tilespmem:s19+$0x90] =	vst v15  }
0x9d: {  	v15 =	vperm.xlane v21, v0;
	v33 =	vperm.xlane v21, v1;
	v34 =	vld [tilespmem:s16+$0xFFFFFF60];
	[tilespmem:s19+$0xA0] =	vst v28  }
0x9e: {  	v28 =	vperm.xlane v21, v2;
	v35 =	vperm.xlane v21, v3;
	v36 =	vld [tilespmem:s16+$0xFFFFFF70];
	[tilespmem:s19+$0xB0] =	vst v12  }
0x9f: {  	v37 =	vperm.xlane v21, v4;
	v38 =	vperm.xlane v21, v5;
	v39 =	vld [tilespmem:s16+$0xFFFFFF80];
	[tilespmem:s19+$0xC0] =	vst v11  }
0xa0: {  	v40 =	vperm.xlane v21, v6;
	v21 =	vperm.xlane v21, v7;
	v41 =	vld [tilespmem:s16+$0xFFFFFF90];
	[tilespmem:s19+$0xD0] =	vst v10  }
0xa1: {  	v43 =	vperm.xlane v23, v6;
	v23 =	vperm.xlane v23, v7;
	v42 =	vld [tilespmem:s16+$0xFFFFFFA0];
	[tilespmem:s19+$0xE0] =	vst v9;
	s19 =	smov.u32 s16  }
0xa2: {  	v45 =	vperm.xlane v20, v0;
	v46 =	vperm.xlane v20, v1;
	v44 =	vld [tilespmem:s16+$0xFFFFFFB0]  }
0xa3: {  	v48 =	vperm.xlane v20, v2;
	v49 =	vperm.xlane v20, v3;
	v47 =	vld [tilespmem:s16+$0xFFFFFFC0]  }
0xa4: {  	v51 =	vperm.xlane v20, v4;
	v52 =	vperm.xlane v20, v5;
	v50 =	vld [tilespmem:s16+$0xFFFFFFD0]  }
0xa5: {  	v54 =	vperm.xlane v20, v6;
	v55 =	vperm.xlane v20, v7;
	v53 =	vld [tilespmem:s16+$0xFFFFFFE0]  }
0xa6: {  	v12 =	vperm.xlane v29, v3;
	v11 =	vperm.xlane v29, v4;
	v20 =	vld [tilespmem:s16+$0xFFFFFFF0]  }
0xa7: {  	v10 =	vperm.xlane v29, v5;
	v9 =	vperm.xlane v29, v6;
	v56 =	vld [tilespmem:s16+$0x0]  }
0xa8: {  	v15 =	vmul.f32 v22, v15;
	v18 =	vmul.f32 v18, v33;
	v22 =	vld [tilespmem:s16+$0x10]  }
0xa9: {  	v19 =	vmul.f32 v19, v28;
	v17 =	vmul.f32 v17, v35;
	v29 =	vld [tilespmem:s16+$0x20]  }
0xaa: {  	v16 =	vmul.f32 v16, v38;
	[tilespmem:s16+$0xFFFFFF00] =	vst v15;
	v15 =	vmul.f32 v24, v37;
	v33 =	vld [tilespmem:s16+$0x30]  }
0xab: {  	v21 =	vmul.f32 v36, v21;
	[tilespmem:s16+$0xFFFFFF10] =	vst v18;
	v18 =	vmul.f32 v34, v40;
	v34 =	vld [tilespmem:s16+$0x40]  }
0xac: {  	v35 =	vmul.f32 v41, v30;
	[tilespmem:s16+$0xFFFFFF20] =	vst v19;
	v19 =	vmul.f32 v39, v27;
	v30 =	vld [tilespmem:s16+$0x50]  }
0xad: {  	v36 =	vmul.f32 v42, v31;
	v37 =	vmul.f32 v44, v25;
	[tilespmem:s16+$0xFFFFFF30] =	vst v17;
	v17 =	vld [tilespmem:s16+$0x60]  }
0xae: {  	v28 =	vmul.f32 v47, v26;
	v25 =	vmul.f32 v50, v32;
	[tilespmem:s16+$0xFFFFFF40] =	vst v15;
	v15 =	vld [tilespmem:s16+$0x70]  }
0xaf: {  	v23 =	vmul.f32 v20, v23;
	v27 =	vmul.f32 v53, v43;
	[tilespmem:s16+$0xFFFFFF50] =	vst v16;
	v16 =	vld [tilespmem:s16+$0x80]  }
0xb0: {  	v26 =	vmul.f32 v56, v45;
	v20 =	vmul.f32 v22, v46;
	[tilespmem:s16+$0xFFFFFF60] =	vst v18;
	v32 =	vld [tilespmem:s16+$0x90]  }
.Ltmp0:
0xb1: {  	v24 =	vmul.f32 v29, v48;
	[tilespmem:s16+$0xFFFFFF70] =	vst v21;
	v21 =	vmul.f32 v33, v49;
	v29 =	vld [tilespmem:s16+$0xA0];
	(pc) =	sbr.rel @p0 .LBB2_3-.Ltmp0, $4  }
0xb2: {  	v22 =	vmul.f32 v34, v51;
	v18 =	vmul.f32 v30, v52;
	[tilespmem:s16+$0xFFFFFF80] =	vst v19;
	v30 =	vld [tilespmem:s16+$0xB0]  }
0xb3: {  	v19 =	vmul.f32 v17, v54;
	[tilespmem:s16+$0xFFFFFF90] =	vst v35;
	v17 =	vmul.f32 v15, v55;
	v31 =	vld [tilespmem:s16+$0xC0]  }
0xb4: {  	[tilespmem:s16+$0xFFFFFFA0] =	vst v36;
	v16 =	vmul.f32 v16, v13;
	v13 =	vld [tilespmem:s16+$0xD0]  }
0xb5: {  	s9 =	sadd.s32 $0x40, s9;
	[tilespmem:s16+$0xFFFFFFB0] =	vst v37;
	v15 =	vmul.f32 v32, v14;
	v14 =	vld [tilespmem:s16+$0xE0]  }
0xb6: {  	[tilespmem:s16+$0xFFFFFFC0] =	vst v28  }
0xb7: {  	[tilespmem:s16+$0xFFFFFFD0] =	vst v25  }
0xb8: {  	[tilespmem:s16+$0xFFFFFFE0] =	vst v27  }
0xb9: {  	[tilespmem:s16+$0xFFFFFFF0] =	vst v23  }
0xba: {  	[tilespmem:s19+$0x0] =	vst v26  }
0xbb: {  	[tilespmem:s19+$0x10] =	vst v20  }
0xbc: {  	[tilespmem:s19+$0x20] =	vst v24  }
0xbd: {  	[tilespmem:s19+$0x30] =	vst v21  }
0xbe: {  	[tilespmem:s19+$0x40] =	vst v22  }
0xbf: {  	[tilespmem:s19+$0x50] =	vst v18  }
0xc0: {  	[tilespmem:s19+$0x60] =	vst v19  }
0xc1: {  	[tilespmem:s19+$0x70] =	vst v17  }
0xc2: {  	v8 =	vmul.f32 v29, v8;
	[tilespmem:s19+$0x80] =	vst v16  }
0xc3: {  	v12 =	vmul.f32 v30, v12;
	[tilespmem:s19+$0x90] =	vst v15  }
0xc4: {  	v11 =	vmul.f32 v31, v11;
	[tilespmem:s19+$0xA0] =	vst v8  }
0xc5: {  	v8 =	vmul.f32 v13, v10;
	[tilespmem:s19+$0xB0] =	vst v12  }
0xc6: {  	v9 =	vmul.f32 v14, v9;
	[tilespmem:s19+$0xC0] =	vst v11  }
0xc7: {  	[tilespmem:s19+$0xD0] =	vst v8  }
0xc8: {  	[tilespmem:s19+$0xE0] =	vst v9  }
0xc9: {  	[spmem:s2] =	stream.indirect.scatter.add.f32 [tilespmem:s17], [sflag:$0x5], $0x80, s18, s15, $0xb8;
	[tilespmem:$0x1FF00] =	vst v63  }
0xca: {  	p0 =	seq.s32 s31, $0x28;
	_ =	swait.ge [sflag:s14], $0x4000  }
0xcb: {  	s0 =	sshll.u32 @!p0 s31, $0x8;
	[sflag:s14] =	ssyncset.done $0x0  }
0xcc: {  	s0 =	sand.u32 @!p0 $0x3FFFFF00, s0;
	[sflag:s14] =	ssyncadd.s32 $0xFFFFC000  }
0xcd: {  	v8 =	vld @!p0 [tilespmem:s0+$0x100];
	_ =	sdelay $0x4  }
0xce: {  	v9 =	vand.u32 @!p0 $0x3FFF, v8  }
0xcf: {  	v8 =	vshrl.u32 @!p0 v8, $0xE;
	[tilespmem:$0x2900] =	vst @!p0 v9  }
0xd0: {  	[tilespmem:$0x2980] =	vst @!p0 v8  }
0xd1: {  	v8 =	vld @!p0 [tilespmem:s0+$0x110];
	_ =	sdelay $0x4  }
0xd2: {  	v9 =	vand.u32 @!p0 $0x3FFF, v8  }
0xd3: {  	v8 =	vshrl.u32 @!p0 v8, $0xE;
	[tilespmem:$0x2910] =	vst @!p0 v9  }
0xd4: {  	[tilespmem:$0x2990] =	vst @!p0 v8  }
0xd5: {  	v8 =	vld @!p0 [tilespmem:s0+$0x120];
	_ =	sdelay $0x4  }
0xd6: {  	v9 =	vand.u32 @!p0 $0x3FFF, v8  }
0xd7: {  	v8 =	vshrl.u32 @!p0 v8, $0xE;
	[tilespmem:$0x2920] =	vst @!p0 v9  }
0xd8: {  	[tilespmem:$0x29A0] =	vst @!p0 v8  }
0xd9: {  	v8 =	vld @!p0 [tilespmem:s0+$0x130];
	_ =	sdelay $0x4  }
0xda: {  	v9 =	vand.u32 @!p0 $0x3FFF, v8  }
0xdb: {  	v8 =	vshrl.u32 @!p0 v8, $0xE;
	[tilespmem:$0x2930] =	vst @!p0 v9  }
0xdc: {  	[tilespmem:$0x29B0] =	vst @!p0 v8  }
0xdd: {  	v8 =	vld @!p0 [tilespmem:s0+$0x140];
	_ =	sdelay $0x4  }
0xde: {  	v9 =	vand.u32 @!p0 $0x3FFF, v8  }
0xdf: {  	v8 =	vshrl.u32 @!p0 v8, $0xE;
	[tilespmem:$0x2940] =	vst @!p0 v9  }
0xe0: {  	[tilespmem:$0x29C0] =	vst @!p0 v8  }
0xe1: {  	v8 =	vld @!p0 [tilespmem:s0+$0x150];
	_ =	sdelay $0x4  }
0xe2: {  	v9 =	vand.u32 @!p0 $0x3FFF, v8  }
0xe3: {  	v8 =	vshrl.u32 @!p0 v8, $0xE;
	[tilespmem:$0x2950] =	vst @!p0 v9  }
0xe4: {  	[tilespmem:$0x29D0] =	vst @!p0 v8  }
0xe5: {  	v8 =	vld @!p0 [tilespmem:s0+$0x160];
	_ =	sdelay $0x4  }
0xe6: {  	v9 =	vand.u32 @!p0 $0x3FFF, v8  }
0xe7: {  	v8 =	vshrl.u32 @!p0 v8, $0xE;
	[tilespmem:$0x2960] =	vst @!p0 v9  }
0xe8: {  	[tilespmem:$0x29E0] =	vst @!p0 v8  }
0xe9: {  	v8 =	vld @!p0 [tilespmem:s0+$0x170];
	_ =	sdelay $0x4  }
0xea: {  	v9 =	vand.u32 @!p0 $0x3FFF, v8  }
0xeb: {  	v8 =	vshrl.u32 @!p0 v8, $0xE;
	[tilespmem:$0x2970] =	vst @!p0 v9  }
0xec: {  	s7 =	simm.s32 @!p0 $0x2900;
	s9 =	simm.s32 @!p0 $0x3B00;
	s0 =	simm.s32 @!p0 $0x80;
	[tilespmem:$0x29F0] =	vst @!p0 v8  }
0xed: {  	[tilespmem:s9], [sflag:$0x1] =	stream.indirect.gather @!p0 [hbm4b:s4+s0], $0x80, s7, s0, $0xb8;
	[tilespmem:$0x1FF00] =	vst v63  }
0xee: {  	s16 =	sshll.u32 s1, $0xB;
	s7 =	simm.s32 @!p0 $0x2980;
	s9 =	simm.s32 @!p0 $0x3300  }
0xef: {  	[tilespmem:s9], [sflag:$0x2] =	stream.indirect.gather @!p0 [hbm4b:s6+s0], $0x10, s7, s0, $0xb8;
	[tilespmem:$0x1FF00] =	vst v63  }
0xf0: {  	s0 =	sadd.s32 s10, s16  }
0xf1: {  	s0 =	sshrl.u32 s0, $0x3  }
0xf2: {  	s0 =	sadd.s32 s5, s0  }
0xf3: {  	[tilespmem:s24], [sflag:$0x5] =	stream.linear.gather [hbm4b:s0+s3], $0x800, $0x38;
	[tilespmem:$0x1FF00] =	vst v63  }
0xf4: {  	_ =	swait.ge [sflag:s14], $0x800  }
0xf5: {  	[sflag:s14] =	ssyncset.done $0x0  }
0xf6: {  	[sflag:s14] =	ssyncadd.s32 $0xFFFFF800  }
0xf7: {  	_ =	swait.ge [sflag:s28], $0x800  }
0xf8: {  	[sflag:s28] =	ssyncset.done $0x0  }
0xf9: {  	[sflag:s28] =	ssyncadd.s32 $0xFFFFF800  }
0xfa: {  	_ =	swait.ge [sflag:s29], $0x4000  }
0xfb: {  	[sflag:s29] =	ssyncset.done $0x0  }
0xfc: {  	s19 =	simm.s32 $0x2B20;
	[sflag:s29] =	ssyncadd.s32 $0xFFFFC000  }
0xfd: {  	s0 =	simm.s32 $0x7B20;
	v8 =	vld [tilespmem:s19+$0x10]  }
0xfe: {  	v9 =	vld [tilespmem:s0+$0x10]  }
0xff: {  	v10 =	vld [tilespmem:s0+$0xFFFFFFE0]  }
0x100: {  	v11 =	vld [tilespmem:s19+$0xFFFFFFF0]  }
0x101: {  	v12 =	vld [tilespmem:s0+$0xFFFFFFF0]  }
0x102: {  	v14 =	vld [tilespmem:s19+$0x0]  }
0x103: {  	v15 =	vld [tilespmem:s0+$0x0]  }
0x104: {  	v16 =	vld [tilespmem:s19+$0xFFFFFFE0];
	_ =	sdelay $0x1  }
0x105: {  	s1 =	simm.s32 $0x8400  }
0x106: {  	v13 =	vld [tilespmem:s1+$0xF0];
	v9 =	vmul.f32 v9, v8  }
0x107: {  	v18 =	vld [tilespmem:s1+$0xFFFFFF00];
	v11 =	vmul.f32 v12, v11;
	v12 =	vmul.f32 v15, v14  }
0x108: {  	v19 =	vld [tilespmem:s1+$0xFFFFFF10];
	v10 =	vmul.f32 v10, v16;
	v32 =	vperm.xlane v9, v0  }
0x109: {  	v22 =	vld [tilespmem:s1+$0xFFFFFF30];
	v17 =	vperm.xlane v9, v7;
	v33 =	vperm.xlane v9, v1  }
0x10a: {  	v26 =	vld [tilespmem:s1+$0xFFFFFF60];
	v8 =	vperm.xlane v9, v2;
	v20 =	vperm.xlane v11, v0  }
0x10b: {  	v29 =	vld [tilespmem:s1+$0xFFFFFF70];
	v21 =	vperm.xlane v11, v1;
	v23 =	vperm.xlane v11, v2  }
0x10c: {  	v34 =	vld [tilespmem:s1+$0xFFFFFF80];
	v15 =	vperm.xlane v11, v3;
	v24 =	vperm.xlane v11, v4  }
0x10d: {  	v37 =	vld [tilespmem:s1+$0xFFFFFF90];
	v25 =	vperm.xlane v11, v5;
	v27 =	vperm.xlane v10, v0  }
0x10e: {  	v40 =	vld [tilespmem:s1+$0xFFFFFFA0];
	v28 =	vperm.xlane v10, v1;
	v30 =	vperm.xlane v10, v2  }
0x10f: {  	v43 =	vld [tilespmem:s1+$0xFFFFFFB0];
	v31 =	vperm.xlane v10, v3;
	v35 =	vperm.xlane v10, v4  }
0x110: {  	v46 =	vld [tilespmem:s1+$0xFFFFFFC0];
	v36 =	vperm.xlane v10, v5;
	v38 =	vperm.xlane v10, v6  }
0x111: {  	v49 =	vld [tilespmem:s1+$0xFFFFFFD0];
	v39 =	vperm.xlane v10, v7;
	v41 =	vperm.xlane v11, v6  }
0x112: {  	v52 =	vld [tilespmem:s1+$0xFFFFFFE0];
	v42 =	vperm.xlane v11, v7;
	v44 =	vperm.xlane v12, v0  }
0x113: {  	v55 =	vld [tilespmem:s1+$0xFFFFFFF0];
	v45 =	vperm.xlane v12, v1;
	v47 =	vperm.xlane v12, v2  }
0x114: {  	v56 =	vld [tilespmem:s1+$0x0];
	v48 =	vperm.xlane v12, v3;
	v50 =	vperm.xlane v12, v4  }
0x115: {  	v57 =	vld [tilespmem:s1+$0x10];
	v51 =	vperm.xlane v12, v5;
	v53 =	vperm.xlane v12, v6  }
0x116: {  	v14 =	vld [tilespmem:s1+$0xFFFFFF40];
	v54 =	vperm.xlane v12, v7;
	v12 =	vperm.xlane v9, v3  }
0x117: {  	v16 =	vld [tilespmem:s1+$0xFFFFFF50];
	v11 =	vperm.xlane v9, v4;
	v13 =	vmul.f32 v13, v17  }
0x118: {  	v61 =	vld [tilespmem:s1+$0x60];
	v10 =	vperm.xlane v9, v5;
	v18 =	vmul.f32 v18, v27  }
0x119: {  	v9 =	vperm.xlane v9, v6;
	v17 =	vld [tilespmem:s1+$0xFFFFFF20];
	v26 =	vmul.f32 v26, v38;
	[tilespmem:s1+$0xF0] =	vst v13  }
0x11a: {  	v63 =	vld [tilespmem:s1+$0x90];
	v22 =	vmul.f32 v22, v31;
	v29 =	vmul.f32 v29, v39;
	[tilespmem:s1+$0xFFFFFF00] =	vst v18  }
0x11b: {  	v14 =	vmul.f32 v14, v35;
	v13 =	vmul.f32 v19, v28;
	v19 =	vld [tilespmem:s1+$0x20];
	[tilespmem:s1+$0xFFFFFF60] =	vst v26  }
0x11c: {  	v31 =	vmul.f32 v37, v21;
	v16 =	vmul.f32 v16, v36;
	v18 =	vld [tilespmem:s1+$0x30];
	[tilespmem:s1+$0xFFFFFF70] =	vst v29  }
0x11d: {  	v62 =	vmul.f32 v40, v23;
	v15 =	vmul.f32 v43, v15;
	[tilespmem:s1+$0xFFFFFF40] =	vst v14;
	v14 =	vld [tilespmem:s1+$0x70]  }
0x11e: {  	v25 =	vmul.f32 v49, v25;
	[tilespmem:s1+$0xFFFFFF50] =	vst v16;
	v16 =	vld [tilespmem:s1+$0x80];
	v17 =	vmul.f32 v17, v30  }
0x11f: {  	v27 =	vmul.f32 v52, v41;
	v23 =	vmul.f32 v55, v42;
	[tilespmem:s1+$0xFFFFFF10] =	vst v13;
	v13 =	vld [tilespmem:s1+$0x40]  }
0x120: {  	v28 =	vmul.f32 v46, v24;
	v30 =	vmul.f32 v34, v20;
	[tilespmem:s1+$0xFFFFFF20] =	vst v17;
	v17 =	vld [tilespmem:s1+$0x50]  }
0x121: {  	v26 =	vmul.f32 v56, v44;
	v29 =	vld [tilespmem:s1+$0xA0];
	[tilespmem:s1+$0xFFFFFFB0] =	vst v15;
	v15 =	vmul.f32 v63, v33  }
0x122: {  	v20 =	vmul.f32 v57, v45;
	v24 =	vmul.f32 v19, v47;
	[tilespmem:s1+$0xFFFFFF80] =	vst v30;
	v30 =	vld [tilespmem:s1+$0xB0]  }
0x123: {  	[tilespmem:s1+$0xFFFFFF90] =	vst v31;
	v31 =	vld [tilespmem:s1+$0xC0];
	v21 =	vmul.f32 v18, v48;
	v19 =	vmul.f32 v61, v53  }
0x124: {  	[tilespmem:s1+$0xFFFFFF30] =	vst v22;
	v16 =	vmul.f32 v16, v32;
	v22 =	vmul.f32 v13, v50;
	v13 =	vld [tilespmem:s1+$0xD0]  }
0x125: {  	s7 =	simm.s32 $0x0;
	s9 =	simm.s32 $0x2B60;
	s16 =	simm.s32 $0x8400;
	[tilespmem:s1+$0xFFFFFFA0] =	vst v62;
	v18 =	vmul.f32 v17, v51;
	v17 =	vmul.f32 v14, v54;
	v14 =	vld [tilespmem:s1+$0xE0]  }
.LBB2_5:
0x126: {  	v32 =	vld [tilespmem:s9+$0x10];
	[tilespmem:s1+$0xFFFFFFC0] =	vst v28;
	v28 =	vmul.f32 v29, v8;
	s0 =	sadd.s32 $0x40, s0  }
0x127: {  	s7 =	sadd.s32 $0x4, s7;
	v8 =	vld [tilespmem:s0+$0x10];
	[tilespmem:s1+$0xFFFFFFD0] =	vst v25;
	v12 =	vmul.f32 v30, v12  }
0x128: {  	p0 =	slt.u32 s7, $0x7C;
	v25 =	vld [tilespmem:s0+$0xFFFFFFE0];
	[tilespmem:s1+$0xFFFFFFE0] =	vst v27;
	v11 =	vmul.f32 v31, v11  }
0x129: {  	v27 =	vld [tilespmem:s9+$0xFFFFFFF0];
	[tilespmem:s1+$0xFFFFFFF0] =	vst v23;
	v10 =	vmul.f32 v13, v10  }
0x12a: {  	s1 =	sadd.s32 $0x200, s1;
	v23 =	vld [tilespmem:s0+$0xFFFFFFF0];
	[tilespmem:s16+$0x0] =	vst v26;
	v9 =	vmul.f32 v14, v9  }
0x12b: {  	v26 =	vld [tilespmem:s1+$0xF0];
	[tilespmem:s16+$0x10] =	vst v20  }
0x12c: {  	v20 =	vld [tilespmem:s9+$0x0];
	v29 =	vmul.f32 v8, v32;
	[tilespmem:s16+$0x20] =	vst v24  }
0x12d: {  	v24 =	vld [tilespmem:s0+$0x0];
	[tilespmem:s16+$0x30] =	vst v21  }
0x12e: {  	v21 =	vld [tilespmem:s9+$0xFFFFFFE0];
	v13 =	vperm.xlane v29, v0;
	v30 =	vperm.xlane v29, v7;
	[tilespmem:s16+$0x40] =	vst v22  }
0x12f: {  	v14 =	vperm.xlane v29, v1;
	v22 =	vld [tilespmem:s1+$0xFFFFFF00];
	v23 =	vmul.f32 v23, v27;
	[tilespmem:s16+$0x50] =	vst v18  }
0x130: {  	v8 =	vperm.xlane v29, v2;
	v18 =	vld [tilespmem:s1+$0xFFFFFF10];
	v26 =	vmul.f32 v26, v30;
	[tilespmem:s16+$0x60] =	vst v19  }
0x131: {  	v19 =	vld [tilespmem:s1+$0xFFFFFF20];
	v27 =	vperm.xlane v23, v0;
	v30 =	vperm.xlane v23, v1;
	[tilespmem:s16+$0x70] =	vst v17  }
0x132: {  	v31 =	vperm.xlane v23, v2;
	v17 =	vld [tilespmem:s1+$0xFFFFFF30];
	v20 =	vmul.f32 v24, v20;
	[tilespmem:s1+$0xF0] =	vst v26  }
0x133: {  	v21 =	vmul.f32 v25, v21;
	v24 =	vld [tilespmem:s1+$0xFFFFFF40];
	v25 =	vperm.xlane v23, v3;
	[tilespmem:s16+$0x80] =	vst v16  }
0x134: {  	v32 =	vperm.xlane v23, v5;
	v26 =	vperm.xlane v23, v4;
	v16 =	vld [tilespmem:s1+$0xFFFFFF50];
	[tilespmem:s16+$0x90] =	vst v15  }
0x135: {  	v15 =	vperm.xlane v21, v0;
	v33 =	vperm.xlane v21, v1;
	v34 =	vld [tilespmem:s1+$0xFFFFFF60];
	[tilespmem:s16+$0xA0] =	vst v28  }
0x136: {  	v28 =	vperm.xlane v21, v2;
	v35 =	vperm.xlane v21, v3;
	v36 =	vld [tilespmem:s1+$0xFFFFFF70];
	[tilespmem:s16+$0xB0] =	vst v12  }
0x137: {  	v37 =	vperm.xlane v21, v4;
	v38 =	vperm.xlane v21, v5;
	v39 =	vld [tilespmem:s1+$0xFFFFFF80];
	[tilespmem:s16+$0xC0] =	vst v11  }
0x138: {  	v40 =	vperm.xlane v21, v6;
	v21 =	vperm.xlane v21, v7;
	v41 =	vld [tilespmem:s1+$0xFFFFFF90];
	[tilespmem:s16+$0xD0] =	vst v10  }
0x139: {  	v43 =	vperm.xlane v23, v6;
	v23 =	vperm.xlane v23, v7;
	v42 =	vld [tilespmem:s1+$0xFFFFFFA0];
	[tilespmem:s16+$0xE0] =	vst v9;
	s16 =	smov.u32 s1  }
0x13a: {  	v45 =	vperm.xlane v20, v0;
	v46 =	vperm.xlane v20, v1;
	v44 =	vld [tilespmem:s1+$0xFFFFFFB0]  }
0x13b: {  	v48 =	vperm.xlane v20, v2;
	v49 =	vperm.xlane v20, v3;
	v47 =	vld [tilespmem:s1+$0xFFFFFFC0]  }
0x13c: {  	v51 =	vperm.xlane v20, v4;
	v52 =	vperm.xlane v20, v5;
	v50 =	vld [tilespmem:s1+$0xFFFFFFD0]  }
0x13d: {  	v54 =	vperm.xlane v20, v6;
	v55 =	vperm.xlane v20, v7;
	v53 =	vld [tilespmem:s1+$0xFFFFFFE0]  }
0x13e: {  	v12 =	vperm.xlane v29, v3;
	v11 =	vperm.xlane v29, v4;
	v20 =	vld [tilespmem:s1+$0xFFFFFFF0]  }
0x13f: {  	v10 =	vperm.xlane v29, v5;
	v9 =	vperm.xlane v29, v6;
	v56 =	vld [tilespmem:s1+$0x0]  }
0x140: {  	v15 =	vmul.f32 v22, v15;
	v18 =	vmul.f32 v18, v33;
	v22 =	vld [tilespmem:s1+$0x10]  }
0x141: {  	v19 =	vmul.f32 v19, v28;
	v17 =	vmul.f32 v17, v35;
	v29 =	vld [tilespmem:s1+$0x20]  }
0x142: {  	v16 =	vmul.f32 v16, v38;
	[tilespmem:s1+$0xFFFFFF00] =	vst v15;
	v15 =	vmul.f32 v24, v37;
	v33 =	vld [tilespmem:s1+$0x30]  }
0x143: {  	v21 =	vmul.f32 v36, v21;
	[tilespmem:s1+$0xFFFFFF10] =	vst v18;
	v18 =	vmul.f32 v34, v40;
	v34 =	vld [tilespmem:s1+$0x40]  }
0x144: {  	v35 =	vmul.f32 v41, v30;
	[tilespmem:s1+$0xFFFFFF20] =	vst v19;
	v19 =	vmul.f32 v39, v27;
	v30 =	vld [tilespmem:s1+$0x50]  }
0x145: {  	v36 =	vmul.f32 v42, v31;
	v37 =	vmul.f32 v44, v25;
	[tilespmem:s1+$0xFFFFFF30] =	vst v17;
	v17 =	vld [tilespmem:s1+$0x60]  }
0x146: {  	v28 =	vmul.f32 v47, v26;
	v25 =	vmul.f32 v50, v32;
	[tilespmem:s1+$0xFFFFFF40] =	vst v15;
	v15 =	vld [tilespmem:s1+$0x70]  }
0x147: {  	v23 =	vmul.f32 v20, v23;
	v27 =	vmul.f32 v53, v43;
	[tilespmem:s1+$0xFFFFFF50] =	vst v16;
	v16 =	vld [tilespmem:s1+$0x80]  }
0x148: {  	v26 =	vmul.f32 v56, v45;
	v20 =	vmul.f32 v22, v46;
	[tilespmem:s1+$0xFFFFFF60] =	vst v18;
	v32 =	vld [tilespmem:s1+$0x90]  }
.Ltmp1:
0x149: {  	v24 =	vmul.f32 v29, v48;
	[tilespmem:s1+$0xFFFFFF70] =	vst v21;
	v21 =	vmul.f32 v33, v49;
	v29 =	vld [tilespmem:s1+$0xA0];
	(pc) =	sbr.rel @p0 .LBB2_5-.Ltmp1, $4  }
0x14a: {  	v22 =	vmul.f32 v34, v51;
	v18 =	vmul.f32 v30, v52;
	[tilespmem:s1+$0xFFFFFF80] =	vst v19;
	v30 =	vld [tilespmem:s1+$0xB0]  }
0x14b: {  	v19 =	vmul.f32 v17, v54;
	[tilespmem:s1+$0xFFFFFF90] =	vst v35;
	v17 =	vmul.f32 v15, v55;
	v31 =	vld [tilespmem:s1+$0xC0]  }
0x14c: {  	[tilespmem:s1+$0xFFFFFFA0] =	vst v36;
	v16 =	vmul.f32 v16, v13;
	v13 =	vld [tilespmem:s1+$0xD0]  }
0x14d: {  	s9 =	sadd.s32 $0x40, s9;
	[tilespmem:s1+$0xFFFFFFB0] =	vst v37;
	v15 =	vmul.f32 v32, v14;
	v14 =	vld [tilespmem:s1+$0xE0]  }
0x14e: {  	[tilespmem:s1+$0xFFFFFFC0] =	vst v28  }
0x14f: {  	[tilespmem:s1+$0xFFFFFFD0] =	vst v25  }
0x150: {  	[tilespmem:s1+$0xFFFFFFE0] =	vst v27  }
0x151: {  	[tilespmem:s1+$0xFFFFFFF0] =	vst v23  }
0x152: {  	[tilespmem:s16+$0x0] =	vst v26  }
0x153: {  	[tilespmem:s16+$0x10] =	vst v20  }
0x154: {  	[tilespmem:s16+$0x20] =	vst v24  }
0x155: {  	[tilespmem:s16+$0x30] =	vst v21  }
0x156: {  	[tilespmem:s16+$0x40] =	vst v22  }
0x157: {  	[tilespmem:s16+$0x50] =	vst v18  }
0x158: {  	[tilespmem:s16+$0x60] =	vst v19  }
0x159: {  	[tilespmem:s16+$0x70] =	vst v17  }
0x15a: {  	v8 =	vmul.f32 v29, v8;
	[tilespmem:s16+$0x80] =	vst v16  }
0x15b: {  	v12 =	vmul.f32 v30, v12;
	[tilespmem:s16+$0x90] =	vst v15  }
0x15c: {  	v11 =	vmul.f32 v31, v11;
	[tilespmem:s16+$0xA0] =	vst v8  }
0x15d: {  	v8 =	vmul.f32 v13, v10;
	[tilespmem:s16+$0xB0] =	vst v12  }
0x15e: {  	s31 =	sadd.s32 $0x1, s31;
	v9 =	vmul.f32 v14, v9;
	[tilespmem:s16+$0xC0] =	vst v11  }
0x15f: {  	p0 =	sne.s32 s31, $0x29;
	[tilespmem:s16+$0xD0] =	vst v8  }
.Ltmp2:
0x160: {  	[tilespmem:s16+$0xE0] =	vst v9;
	(pc) =	sbr.rel @p0 .LBB2_2-.Ltmp2, $4  }
0x161: {  	[spmem:s2] =	stream.indirect.scatter.add.f32 [tilespmem:s21], [sflag:$0x5], $0x80, s22, s15, $0xb8;
	[tilespmem:$0x1FF00] =	vst v63  }
0x162: {  	_ =	swait.ge [sflag:s14], $0x4000  }
0x163: {  	[sflag:s14] =	ssyncset.done $0x0  }
0x164: {  	[sflag:s14] =	ssyncadd.s32 $0xFFFFC000  }
0x165: {  	s30 =	sadd.s32 $0x1, s30  }
0x166: {  	p0 =	sne.s32 s30, s12  }
.Ltmp3:
0x167: {  	[bflag:$0x0] =	sbarrier.arrive $0xFFFF;
	(pc) =	sbr.rel @p0 .LBB2_1-.Ltmp3, $4  }
0x168: {  	[hbm:s11], [sflag:s8] =	dma.local [spmem:s13], $0x2780  }
0x169: {  	_ =	swait.ge [sflag:s14], $0x2780  }
0x16a: {  	[sflag:s14] =	ssyncset.done $0x0  }
0x16b: {  	[sflag:s14] =	ssyncadd.s32 $0xFFFFD880  }
0x16c: {  	_ =	sfence.sel $0x180000  }
0x16d: {  	[bflag:$0x0] =	sbarrier.arrive $0xFFFF  }
0x16e: {  	_ =	strace $0x90000050  }
0x16f: {  	s0 =	stileid.u32;
	[bflag:$0x2] =	sbarrier.arrive $0xFFFF  }
0x170: {  	p0 =	sne.s32 s0, $0x0;
	s0 =	rddreg [dreg:$0x2]  }
0x171: {  	s0 =	sadd.s32 @!p0 $0x100000, s0  }
0x172: {  	[sflag:s0] =	ssyncadd.tile.s32 @!p0 $0x1;
	_ =	shalt  }
.Lfunc_end2:
_tile_overlayer_lowered:
.L_overlay_start_2:
0x173: {  	(tag) =	ssettag $0x2  }
0x174: {  	s0 =	rddreg [dreg:$0x0];
	s2 =	stileid.u32  }
0x175: {  	s1 =	rddreg [dreg:$0x1];
	p0 =	sne.s32 s2, $0x0  }
0x176: {  	s3 =	rddreg [dreg:$0x2];
	[bflag:$0x3] =	sbarrier.arrive $0xFFFF;
	s2 =	simm.s32 @!p0 $0x1C05  }
0x177: {  	[timem:s3], [sflag:s2] =	dma.local @!p0 [hbm:s0], s1  }
0x178: {  	s0 =	simm.s32 @!p0 $0x5  }
0x179: {  	_ =	swait.ge @!p0 [sflag:s0], s1  }
0x17a: {  	s1 =	ssub.s32 @!p0 $0x0, s1;
	[sflag:s0] =	ssyncset.done @!p0 $0x0  }
0x17b: {  	[sflag:s0] =	ssyncadd.s32 @!p0 s1  }
0x17c: {  	[bflag:$0x3] =	sbarrier.arrive $0xFFFF  }
0x17d: {  	_ =	shalt  }

</sc_bundles>
